<compile_context>
chip_gen: v7x
topology: tpu7x:2x2x1
jax: 0.10.2.dev20260603
libtpu: 0.0.44.dev20260713+nightly
codegen_flags: <defaults>
</compile_context>

<pallas_src>
import functools

import jax
import jax.numpy as jnp
from jax import lax
from jax.experimental import pallas as pl
from jax.experimental.pallas import tpu as pltpu
from jax.experimental.pallas import tpu_sc as plsc

B = 16384
D = 32
L = 16
NC = 2
NS = 16
NW = NC * NS
BPW = B // NW
NV = 1000000
FPT = D // NS
MAIN = (NV // 128) * 128
TAIL = NV - MAIN
TB = D * MAIN
TW = D * NV
QW = MAIN // 4
CW = 3968
NCK = QW // CW
W = 128
NWORDS = BPW * D
NDMA = NWORDS // W


@functools.partial(
    pl.kernel,
    out_type=(jax.ShapeDtypeStruct((TW,), jnp.float32),
              jax.ShapeDtypeStruct((TW,), jnp.float32)),
    mesh=plsc.VectorSubcoreMesh(core_axis_name="c", subcore_axis_name="s"),
    compiler_params=pltpu.CompilerParams(
        needs_layout_passes=False, use_tc_tiling_on_sc=True),
    scratch_types=[
        pltpu.VMEM((8, CW), jnp.float32),
        pltpu.VMEM((8, CW), jnp.float32),
        pltpu.VMEM((D, TAIL), jnp.float32),
        pltpu.VMEM((D * TAIL,), jnp.float32),
        pltpu.SemaphoreType.DMA,
        pltpu.SemaphoreType.DMA,
        pltpu.SemaphoreType.DMA,
        pltpu.SemaphoreType.DMA,
    ],
)
def _detile(uembT_hbm, iembT_hbm, uscr_hbm, iscr_hbm,
            buf0, buf1, tailbuf, tailflat, si0, si1, so0, so1):
    core = lax.axis_index("c")
    sub = lax.axis_index("s")

    def copy_rows(src, dst):
        bufs = (buf0, buf1)
        sins = (si0, si1)
        souts = (so0, so1)

        def drain_in(p):
            pltpu.make_async_copy(
                src.at[pl.ds(0, 8), pl.ds(0, CW)], bufs[p], sins[p]).wait()

        def drain_out(p):
            pltpu.make_async_copy(
                src.at[pl.ds(0, 8), pl.ds(0, CW)], bufs[p], souts[p]).wait()

        tr = sub // 4
        qq = sub % 4
        row0 = pl.multiple_of(tr * 8, 8)

        def outs(p, k):
            poff = pl.multiple_of(qq * QW + k * CW, 128)
            for s in range(8):
                pltpu.async_copy(
                    bufs[p].at[s],
                    dst.at[pl.ds((row0 + s) * MAIN + poff, CW)],
                    souts[p])

        def chunk(k, carry):
            coff = pl.multiple_of(qq * QW + k * CW, 128)
            for p in range(2):
                o = 1 - p

                @pl.when(k % 2 == p)
                def _():
                    @pl.when(k >= 2)
                    def _():
                        drain_out(p)

                    pltpu.async_copy(
                        src.at[pl.ds(row0, 8), pl.ds(coff, CW)],
                        bufs[p], sins[p])

                    @pl.when(k >= 1)
                    def _():
                        drain_in(o)
                        outs(o, k - 1)

            return carry

        lax.fori_loop(0, NCK, chunk, 0)
        lastp = (NCK - 1) % 2
        drain_in(lastp)
        outs(lastp, NCK - 1)
        drain_out(1 - lastp)
        drain_out(lastp)

        @pl.when(sub == 0)
        def _():
            pltpu.sync_copy(src.at[:, pl.ds(MAIN, TAIL)], tailbuf)

            def flat(c, carry):
                cbase = pl.multiple_of(c * L, L)
                for d in range(D):
                    tailflat[pl.ds(d * TAIL + cbase, L)] = \
                        tailbuf[d, pl.ds(cbase, L)]
                return carry

            lax.fori_loop(0, TAIL // L, flat, 0)
            pltpu.sync_copy(tailflat, dst.at[pl.ds(TB, D * TAIL)])

    @pl.when(core == 0)
    def _():
        copy_rows(uembT_hbm, uscr_hbm)

    @pl.when(core == 1)
    def _():
        copy_rows(iembT_hbm, iscr_hbm)


@functools.partial(
    pl.kernel,
    out_type=jax.ShapeDtypeStruct((B,), jnp.float32),
    mesh=plsc.VectorSubcoreMesh(core_axis_name="c", subcore_axis_name="s"),
    compiler_params=pltpu.CompilerParams(
        needs_layout_passes=False, use_tc_tiling_on_sc=False),
    scratch_types=[
        pltpu.VMEM((BPW,), jnp.int32),
        pltpu.VMEM((BPW,), jnp.int32),
        pltpu.VMEM((NWORDS,), jnp.int32),
        pltpu.VMEM((NWORDS,), jnp.int32),
        pltpu.VMEM((NWORDS,), jnp.float32),
        pltpu.VMEM((NWORDS,), jnp.float32),
        pltpu.VMEM((BPW,), jnp.float32),
        pltpu.SemaphoreType.DMA,
        pltpu.SemaphoreType.DMA,
    ],
)
def _gather_dot(user_hbm, item_hbm, uflat_hbm, iflat_hbm, out_hbm,
                uidx, iidx, uwords, iwords, uvals, ivals, outv, sem_u, sem_i):
    wid = lax.axis_index("s") * NC + lax.axis_index("c")
    base = wid * BPW
    pltpu.sync_copy(user_hbm.at[pl.ds(base, BPW)], uidx)
    pltpu.sync_copy(item_hbm.at[pl.ds(base, BPW)], iidx)

    def build(c, carry):
        cbase = pl.multiple_of(c * L, L)
        u = uidx[pl.ds(cbase, L)]
        v = iidx[pl.ds(cbase, L)]
        ut = u < MAIN
        vt = v < MAIN
        ustep = jnp.where(ut, MAIN, TAIL)
        vstep = jnp.where(vt, MAIN, TAIL)
        uoff = jnp.where(ut, u, TB + u - MAIN)
        voff = jnp.where(vt, v, TB + v - MAIN)
        for d in range(D):
            uwords[pl.ds(d * BPW + cbase, L)] = uoff
            iwords[pl.ds(d * BPW + cbase, L)] = voff
            uoff = uoff + ustep
            voff = voff + vstep
        return carry

    lax.fori_loop(0, BPW // L, build, 0)

    def fire(k, carry):
        kbase = pl.multiple_of(k * W, W)
        pltpu.async_copy(uflat_hbm.at[uwords.at[pl.ds(kbase, W)]],
                         uvals.at[pl.ds(kbase, W)], sem_u)
        pltpu.async_copy(iflat_hbm.at[iwords.at[pl.ds(kbase, W)]],
                         ivals.at[pl.ds(kbase, W)], sem_i)
        return carry

    lax.fori_loop(0, NDMA, fire, 0)
    pltpu.make_async_copy(uflat_hbm.at[pl.ds(0, NWORDS)], uvals, sem_u).wait()
    pltpu.make_async_copy(iflat_hbm.at[pl.ds(0, NWORDS)], ivals, sem_i).wait()

    def group(g, carry):
        gbase = pl.multiple_of(g * L, L)
        acc = jnp.zeros((L,), jnp.float32)
        for d in range(D):
            u = uvals[pl.ds(d * BPW + gbase, L)]
            v = ivals[pl.ds(d * BPW + gbase, L)]
            acc = acc + u * v
        outv[pl.ds(gbase, L)] = acc
        return carry

    lax.fori_loop(0, BPW // L, group, 0)
    pltpu.sync_copy(outv, out_hbm.at[pl.ds(base, BPW)])


def kernel(user, item, user_emb, item_emb):
    uflat, iflat = _detile(user_emb.T, item_emb.T)
    return _gather_dot(user, item, uflat, iflat)

# --- scband reference (transcript-rebuilt; emitter-appended) ---
"""Pipeline reference for scband-cfmodel-17781164605893 (READ-ONLY COPY).

The authoritative reference and input builder live on the scoring server;
editing this copy changes nothing except your own understanding.
"""

import jax, jax.numpy as jnp
import numpy as np

N_USERS = 1000000
N_ITEMS = 1000000
EMB_DIM = 32
BATCH = 16384


def setup_inputs(seed: int = 0) -> dict:
    key = jax.random.key(seed)
    k_user, k_item, k_ue, k_ie = jax.random.split(key, 4)
    user = jax.random.randint(k_user, (BATCH,), 0, N_USERS, dtype=jnp.int64 if jax.config.jax_enable_x64 else jnp.int32).astype(jnp.int32)
    item = jax.random.randint(k_item, (BATCH,), 0, N_ITEMS, dtype=jnp.int64 if jax.config.jax_enable_x64 else jnp.int32).astype(jnp.int32)
    # Learned parameters: embedding tables (torch.nn.Embedding default init ~ N(0,1))
    user_emb = jax.random.normal(k_ue, (N_USERS, EMB_DIM), dtype=jnp.float32)
    item_emb = jax.random.normal(k_ie, (N_ITEMS, EMB_DIM), dtype=jnp.float32)
    return {"user": user, "item": item, "user_emb": user_emb, "item_emb": item_emb}


def reference(user, item, user_emb, item_emb):
    # (self.user_emb(user) * self.item_emb(item)).sum(1)
    u = jnp.take(user_emb, user, axis=0)   # [B, emb_dim] gather
    v = jnp.take(item_emb, item, axis=0)   # [B, emb_dim] gather
    return (u * v).sum(axis=1)             # [B]

if __name__ == "__main__":
    import jax
    _d = setup_inputs()
    print(jax.jit(kernel)(*tuple(_d.values())))

</pallas_src>

<mosaic_0001>
#map = affine_map<(d0, d1) -> (0, 0)>
#map1 = affine_map<(d0, d1) -> (0)>
module attributes {stable_mosaic.version = 14 : i64} {
  func.func @_detile(%arg0: i32, %arg1: i32, %arg2: memref<32x1000000xf32, #tpu.memory_space<hbm>>, %arg3: memref<32x1000000xf32, #tpu.memory_space<hbm>>, %arg4: memref<32000000xf32, #tpu.memory_space<hbm>>, %arg5: memref<32000000xf32, #tpu.memory_space<hbm>>, %arg6: memref<8x3968xf32, #tpu.memory_space<vmem>>, %arg7: memref<8x3968xf32, #tpu.memory_space<vmem>>, %arg8: memref<32x64xf32, #tpu.memory_space<vmem>>, %arg9: memref<2048xf32, #tpu.memory_space<vmem>>, %arg10: memref<!tpu.dma_semaphore, #tpu.memory_space<semaphore_mem>>, %arg11: memref<!tpu.dma_semaphore, #tpu.memory_space<semaphore_mem>>, %arg12: memref<!tpu.dma_semaphore, #tpu.memory_space<semaphore_mem>>, %arg13: memref<!tpu.dma_semaphore, #tpu.memory_space<semaphore_mem>>) attributes {dimension_semantics = [#tpu.dimension_semantics<core_parallel>, #tpu.dimension_semantics<subcore_parallel>], iteration_bounds = array<i64: 2, 16>, scalar_prefetch = 0 : i64, scratch_operands = 8 : i64, tpu.core_type = #tpu.core_type<sc_vector_subcore>, window_params = [{transform_indices = #map}, {transform_indices = #map}, {transform_indices = #map1}, {transform_indices = #map1}]} {
    %eq3A = arith.constant 0 : i32
    %eq3A_0 = arith.cmpi eq, %arg0, %eq3A : i32
    %convert_element_type3A = arith.extui %eq3A_0 : i1 to i32
    %cond3A = arith.constant 0 : i32
    %cond3A_1 = arith.cmpi ne, %convert_element_type3A, %cond3A : i32
    scf.if %cond3A_1 {
      %jit3A = arith.constant 4 : i32
      %div3A = arith.divsi %arg1, %jit3A : i32
      %sign3A = arith.constant 0 : i32
      %sign3A_7 = arith.cmpi sgt, %arg1, %sign3A : i32
      %sign3A_8 = arith.extui %sign3A_7 : i1 to i32
      %sign3A_9 = arith.constant 0 : i32
      %sign3A_10 = arith.cmpi slt, %arg1, %sign3A_9 : i32
      %sign3A_11 = arith.extui %sign3A_10 : i1 to i32
      %sign3A_12 = arith.subi %sign3A_8, %sign3A_11 : i32
      %sign3A_13 = arith.constant 0 : i32
      %sign3A_14 = arith.cmpi sgt, %jit3A, %sign3A_13 : i32
      %sign3A_15 = arith.extui %sign3A_14 : i1 to i32
      %sign3A_16 = arith.constant 0 : i32
      %sign3A_17 = arith.cmpi slt, %jit3A, %sign3A_16 : i32
      %sign3A_18 = arith.extui %sign3A_17 : i1 to i32
      %sign3A_19 = arith.subi %sign3A_15, %sign3A_18 : i32
      %ne3A = arith.cmpi ne, %sign3A_12, %sign3A_19 : i32
      %rem3A = arith.remsi %arg1, %jit3A : i32
      %ne3A_20 = arith.constant 0 : i32
      %ne3A_21 = arith.cmpi ne, %rem3A, %ne3A_20 : i32
      %and3A = arith.andi %ne3A, %ne3A_21 : i1
      %sub3A = arith.constant 1 : i32
      %sub3A_22 = arith.subi %div3A, %sub3A : i32
      %select_n3A = arith.select %and3A, %sub3A_22, %div3A : i32
      %jit3A_23 = arith.constant 4 : i32
      %eq3A_24 = arith.constant 0 : i32
      %eq3A_25 = arith.cmpi eq, %jit3A_23, %eq3A_24 : i32
      %jit3A_26 = arith.constant 1 : i32
      %select_n3A_27 = arith.select %eq3A_25, %jit3A_26, %jit3A_23 : i32
      %rem3A_28 = arith.remsi %arg1, %select_n3A_27 : i32
      %ne3A_29 = arith.constant 0 : i32
      %ne3A_30 = arith.cmpi ne, %rem3A_28, %ne3A_29 : i32
      %lt3A = arith.constant 0 : i32
      %lt3A_31 = arith.cmpi slt, %rem3A_28, %lt3A : i32
      %lt3A_32 = arith.constant 0 : i32
      %lt3A_33 = arith.cmpi slt, %select_n3A_27, %lt3A_32 : i32
      %ne3A_34 = arith.xori %lt3A_31, %lt3A_33 : i1
      %and3A_35 = arith.andi %ne3A_34, %ne3A_30 : i1
      %add3A = arith.addi %rem3A_28, %select_n3A_27 : i32
      %select_n3A_36 = arith.select %and3A_35, %add3A, %rem3A_28 : i32
      %mul3A = arith.constant 8 : i32
      %mul3A_37 = arith.muli %select_n3A, %mul3A : i32
      %multiple_of3A = tpu.assume_multiple %mul3A_37, 8 : i32
      %scan3A = arith.constant 0 : i32
      %scan3A_38 = arith.constant 0 : i32
      %scan3A_39 = arith.constant 63 : i32
      %scan3A_40 = arith.addi %scan3A_38, %scan3A_39 : i32
      %scan3A_41 = arith.constant 1 : i32
      scf.for %scan3A_181 = %scan3A_38 to %scan3A_40 step %scan3A_41  : i32 {
        %mul3A_182 = arith.constant 249984 : i32
        %mul3A_183 = arith.muli %select_n3A_36, %mul3A_182 : i32
        %mul3A_184 = arith.constant 3968 : i32
        %mul3A_185 = arith.muli %scan3A_181, %mul3A_184 : i32
        %add3A_186 = arith.addi %mul3A_183, %mul3A_185 : i32
        %multiple_of3A_187 = tpu.assume_multiple %add3A_186, 128 : i32
        %jit3A_188 = arith.constant 2 : i32
        %eq3A_189 = arith.constant 0 : i32
        %eq3A_190 = arith.cmpi eq, %jit3A_188, %eq3A_189 : i32
        %jit3A_191 = arith.constant 1 : i32
        %select_n3A_192 = arith.select %eq3A_190, %jit3A_191, %jit3A_188 : i32
        %rem3A_193 = arith.remsi %scan3A_181, %select_n3A_192 : i32
        %ne3A_194 = arith.constant 0 : i32
        %ne3A_195 = arith.cmpi ne, %rem3A_193, %ne3A_194 : i32
        %lt3A_196 = arith.constant 0 : i32
        %lt3A_197 = arith.cmpi slt, %rem3A_193, %lt3A_196 : i32
        %lt3A_198 = arith.constant 0 : i32
        %lt3A_199 = arith.cmpi slt, %select_n3A_192, %lt3A_198 : i32
        %ne3A_200 = arith.xori %lt3A_197, %lt3A_199 : i1
        %and3A_201 = arith.andi %ne3A_200, %ne3A_195 : i1
        %add3A_202 = arith.addi %rem3A_193, %select_n3A_192 : i32
        %select_n3A_203 = arith.select %and3A_201, %add3A_202, %rem3A_193 : i32
        %eq3A_204 = arith.constant 0 : i32
        %eq3A_205 = arith.cmpi eq, %select_n3A_203, %eq3A_204 : i32
        %convert_element_type3A_206 = arith.extui %eq3A_205 : i1 to i32
        %cond3A_207 = arith.constant 0 : i32
        %cond3A_208 = arith.cmpi ne, %convert_element_type3A_206, %cond3A_207 : i32
        scf.if %cond3A_208 {
          %ge3A = arith.constant 2 : i32
          %ge3A_230 = arith.cmpi sge, %scan3A_181, %ge3A : i32
          %convert_element_type3A_231 = arith.extui %ge3A_230 : i1 to i32
          %cond3A_232 = arith.constant 0 : i32
          %cond3A_233 = arith.cmpi ne, %convert_element_type3A_231, %cond3A_232 : i32
          scf.if %cond3A_233 {
            %dma_wait3A_241 = arith.constant 0 : i32
            %dma_wait3A_242 = arith.constant 0 : i32
            %dma_wait3A_243 = tpu.memref_slice %arg2[%dma_wait3A_241, %dma_wait3A_242] : memref<32x1000000xf32, #tpu.memory_space<hbm>> -> memref<8x3968xf32, #tpu.memory_space<hbm>>
            %dma_wait3A_244 = arith.constant 0 : i32
            %dma_wait3A_245 = arith.constant 0 : i32
            %dma_wait3A_246 = tpu.memref_slice %arg2[%dma_wait3A_244, %dma_wait3A_245] : memref<32x1000000xf32, #tpu.memory_space<hbm>> -> memref<8x3968xf32, #tpu.memory_space<hbm>>
            tpu.wait_dma2 semaphore(%arg12 : memref<!tpu.dma_semaphore, #tpu.memory_space<semaphore_mem>>) src(%dma_wait3A_246 : memref<8x3968xf32, #tpu.memory_space<hbm>>) dst(%arg6 : memref<8x3968xf32, #tpu.memory_space<vmem>>)
          } else {
          }
          %dma_start3A_234 = tpu.memref_slice %arg2[%multiple_of3A, %multiple_of3A_187] : memref<32x1000000xf32, #tpu.memory_space<hbm>> -> memref<8x3968xf32, #tpu.memory_space<hbm>>
          %dma_start3A_235 = tpu.memref_slice %arg2[%multiple_of3A, %multiple_of3A_187] : memref<32x1000000xf32, #tpu.memory_space<hbm>> -> memref<8x3968xf32, #tpu.memory_space<hbm>>
          tpu.enqueue_dma source(%dma_start3A_235 : memref<8x3968xf32, #tpu.memory_space<hbm>>) target(%arg6 : memref<8x3968xf32, #tpu.memory_space<vmem>>) target_semaphore(%arg10 : memref<!tpu.dma_semaphore, #tpu.memory_space<semaphore_mem>>)
          %ge3A_236 = arith.constant 1 : i32
          %ge3A_237 = arith.cmpi sge, %scan3A_181, %ge3A_236 : i32
          %convert_element_type3A_238 = arith.extui %ge3A_237 : i1 to i32
          %cond3A_239 = arith.constant 0 : i32
          %cond3A_240 = arith.cmpi ne, %convert_element_type3A_238, %cond3A_239 : i32
          scf.if %cond3A_240 {
            %dma_wait3A_241 = arith.constant 0 : i32
            %dma_wait3A_242 = arith.constant 0 : i32
            %dma_wait3A_243 = tpu.memref_slice %arg2[%dma_wait3A_241, %dma_wait3A_242] : memref<32x1000000xf32, #tpu.memory_space<hbm>> -> memref<8x3968xf32, #tpu.memory_space<hbm>>
            %dma_wait3A_244 = arith.constant 0 : i32
            %dma_wait3A_245 = arith.constant 0 : i32
            %dma_wait3A_246 = tpu.memref_slice %arg2[%dma_wait3A_244, %dma_wait3A_245] : memref<32x1000000xf32, #tpu.memory_space<hbm>> -> memref<8x3968xf32, #tpu.memory_space<hbm>>
            tpu.wait_dma2 semaphore(%arg11 : memref<!tpu.dma_semaphore, #tpu.memory_space<semaphore_mem>>) src(%dma_wait3A_246 : memref<8x3968xf32, #tpu.memory_space<hbm>>) dst(%arg7 : memref<8x3968xf32, #tpu.memory_space<vmem>>)
            %sub3A_247 = arith.constant 1 : i32
            %sub3A_248 = arith.subi %scan3A_181, %sub3A_247 : i32
            %mul3A_249 = arith.constant 249984 : i32
            %mul3A_250 = arith.muli %select_n3A_36, %mul3A_249 : i32
            %mul3A_251 = arith.constant 3968 : i32
            %mul3A_252 = arith.muli %sub3A_248, %mul3A_251 : i32
            %add3A_253 = arith.addi %mul3A_250, %mul3A_252 : i32
            %multiple_of3A_254 = tpu.assume_multiple %add3A_253, 128 : i32
            %add3A_255 = arith.constant 0 : i32
            %add3A_256 = arith.addi %multiple_of3A, %add3A_255 : i32
            %mul3A_257 = arith.constant 999936 : i32
            %mul3A_258 = arith.muli %add3A_256, %mul3A_257 : i32
            %add3A_259 = arith.addi %mul3A_258, %multiple_of3A_254 : i32
            %dma_start3A_260 = arith.constant 0 : i32
            %dma_start3A_261 = arith.constant 0 : i32
            %dma_start3A_262 = tpu.memref_slice %arg7[%dma_start3A_260, %dma_start3A_261] : memref<8x3968xf32, #tpu.memory_space<vmem>> -> memref<1x3968xf32, #tpu.memory_space<vmem>>
            %dma_start3A_263 = tpu.memref_squeeze %dma_start3A_262 : memref<1x3968xf32, #tpu.memory_space<vmem>> -> memref<3968xf32, #tpu.memory_space<vmem>>
            %dma_start3A_264 = tpu.memref_slice %arg4[%add3A_259] : memref<32000000xf32, #tpu.memory_space<hbm>> -> memref<3968xf32, #tpu.memory_space<hbm>>
            %dma_start3A_265 = tpu.memref_slice %arg4[%add3A_259] : memref<32000000xf32, #tpu.memory_space<hbm>> -> memref<3968xf32, #tpu.memory_space<hbm>>
            %dma_start3A_266 = arith.constant 0 : i32
            %dma_start3A_267 = tpu.memref_slice %arg7[%dma_start3A_260, %dma_start3A_266] : memref<8x3968xf32, #tpu.memory_space<vmem>> -> memref<1x3968xf32, #tpu.memory_space<vmem>>
            %dma_start3A_268 = tpu.memref_squeeze %dma_start3A_267 : memref<1x3968xf32, #tpu.memory_space<vmem>> -> memref<3968xf32, #tpu.memory_space<vmem>>
            tpu.enqueue_dma source(%dma_start3A_268 : memref<3968xf32, #tpu.memory_space<vmem>>) target(%dma_start3A_265 : memref<3968xf32, #tpu.memory_space<hbm>>) target_semaphore(%arg13 : memref<!tpu.dma_semaphore, #tpu.memory_space<semaphore_mem>>)
            %add3A_269 = arith.constant 1 : i32
            %add3A_270 = arith.addi %multiple_of3A, %add3A_269 : i32
            %mul3A_271 = arith.constant 999936 : i32
            %mul3A_272 = arith.muli %add3A_270, %mul3A_271 : i32
            %add3A_273 = arith.addi %mul3A_272, %multiple_of3A_254 : i32
            %dma_start3A_274 = arith.constant 1 : i32
            %dma_start3A_275 = arith.constant 0 : i32
            %dma_start3A_276 = tpu.memref_slice %arg7[%dma_start3A_274, %dma_start3A_275] : memref<8x3968xf32, #tpu.memory_space<vmem>> -> memref<1x3968xf32, #tpu.memory_space<vmem>>
            %dma_start3A_277 = tpu.memref_squeeze %dma_start3A_276 : memref<1x3968xf32, #tpu.memory_space<vmem>> -> memref<3968xf32, #tpu.memory_space<vmem>>
            %dma_start3A_278 = tpu.memref_slice %arg4[%add3A_273] : memref<32000000xf32, #tpu.memory_space<hbm>> -> memref<3968xf32, #tpu.memory_space<hbm>>
            %dma_start3A_279 = tpu.memref_slice %arg4[%add3A_273] : memref<32000000xf32, #tpu.memory_space<hbm>> -> memref<3968xf32, #tpu.memory_space<hbm>>
            %dma_start3A_280 = arith.constant 0 : i32
            %dma_start3A_281 = tpu.memref_slice %arg7[%dma_start3A_274, %dma_start3A_280] : memref<8x3968xf32, #tpu.memory_space<vmem>> -> memref<1x3968xf32, #tpu.memory_space<vmem>>
            %dma_start3A_282 = tpu.memref_squeeze %dma_start3A_281 : memref<1x3968xf32, #tpu.memory_space<vmem>> -> memref<3968xf32, #tpu.memory_space<vmem>>
            tpu.enqueue_dma source(%dma_start3A_282 : memref<3968xf32, #tpu.memory_space<vmem>>) target(%dma_start3A_279 : memref<3968xf32, #tpu.memory_space<hbm>>) target_semaphore(%arg13 : memref<!tpu.dma_semaphore, #tpu.memory_space<semaphore_mem>>)
            %add3A_283 = arith.constant 2 : i32
            %add3A_284 = arith.addi %multiple_of3A, %add3A_283 : i32
            %mul3A_285 = arith.constant 999936 : i32
            %mul3A_286 = arith.muli %add3A_284, %mul3A_285 : i32
            %add3A_287 = arith.addi %mul3A_286, %multiple_of3A_254 : i32
            %dma_start3A_288 = arith.constant 2 : i32
            %dma_start3A_289 = arith.constant 0 : i32
            %dma_start3A_290 = tpu.memref_slice %arg7[%dma_start3A_288, %dma_start3A_289] : memref<8x3968xf32, #tpu.memory_space<vmem>> -> memref<1x3968xf32, #tpu.memory_space<vmem>>
            %dma_start3A_291 = tpu.memref_squeeze %dma_start3A_290 : memref<1x3968xf32, #tpu.memory_space<vmem>> -> memref<3968xf32, #tpu.memory_space<vmem>>
            %dma_start3A_292 = tpu.memref_slice %arg4[%add3A_287] : memref<32000000xf32, #tpu.memory_space<hbm>> -> memref<3968xf32, #tpu.memory_space<hbm>>
            %dma_start3A_293 = tpu.memref_slice %arg4[%add3A_287] : memref<32000000xf32, #tpu.memory_space<hbm>> -> memref<3968xf32, #tpu.memory_space<hbm>>
            %dma_start3A_294 = arith.constant 0 : i32
            %dma_start3A_295 = tpu.memref_slice %arg7[%dma_start3A_288, %dma_start3A_294] : memref<8x3968xf32, #tpu.memory_space<vmem>> -> memref<1x3968xf32, #tpu.memory_space<vmem>>
            %dma_start3A_296 = tpu.memref_squeeze %dma_start3A_295 : memref<1x3968xf32, #tpu.memory_space<vmem>> -> memref<3968xf32, #tpu.memory_space<vmem>>
            tpu.enqueue_dma source(%dma_start3A_296 : memref<3968xf32, #tpu.memory_space<vmem>>) target(%dma_start3A_293 : memref<3968xf32, #tpu.memory_space<hbm>>) target_semaphore(%arg13 : memref<!tpu.dma_semaphore, #tpu.memory_space<semaphore_mem>>)
            %add3A_297 = arith.constant 3 : i32
            %add3A_298 = arith.addi %multiple_of3A, %add3A_297 : i32
            %mul3A_299 = arith.constant 999936 : i32
            %mul3A_300 = arith.muli %add3A_298, %mul3A_299 : i32
            %add3A_301 = arith.addi %mul3A_300, %multiple_of3A_254 : i32
            %dma_start3A_302 = arith.constant 3 : i32
            %dma_start3A_303 = arith.constant 0 : i32
            %dma_start3A_304 = tpu.memref_slice %arg7[%dma_start3A_302, %dma_start3A_303] : memref<8x3968xf32, #tpu.memory_space<vmem>> -> memref<1x3968xf32, #tpu.memory_space<vmem>>
            %dma_start3A_305 = tpu.memref_squeeze %dma_start3A_304 : memref<1x3968xf32, #tpu.memory_space<vmem>> -> memref<3968xf32, #tpu.memory_space<vmem>>
            %dma_start3A_306 = tpu.memref_slice %arg4[%add3A_301] : memref<32000000xf32, #tpu.memory_space<hbm>> -> memref<3968xf32, #tpu.memory_space<hbm>>
            %dma_start3A_307 = tpu.memref_slice %arg4[%add3A_301] : memref<32000000xf32, #tpu.memory_space<hbm>> -> memref<3968xf32, #tpu.memory_space<hbm>>
            %dma_start3A_308 = arith.constant 0 : i32
            %dma_start3A_309 = tpu.memref_slice %arg7[%dma_start3A_302, %dma_start3A_308] : memref<8x3968xf32, #tpu.memory_space<vmem>> -> memref<1x3968xf32, #tpu.memory_space<vmem>>
            %dma_start3A_310 = tpu.memref_squeeze %dma_start3A_309 : memref<1x3968xf32, #tpu.memory_space<vmem>> -> memref<3968xf32, #tpu.memory_space<vmem>>
            tpu.enqueue_dma source(%dma_start3A_310 : memref<3968xf32, #tpu.memory_space<vmem>>) target(%dma_start3A_307 : memref<3968xf32, #tpu.memory_space<hbm>>) target_semaphore(%arg13 : memref<!tpu.dma_semaphore, #tpu.memory_space<semaphore_mem>>)
            %add3A_311 = arith.constant 4 : i32
            %add3A_312 = arith.addi %multiple_of3A, %add3A_311 : i32
            %mul3A_313 = arith.constant 999936 : i32
            %mul3A_314 = arith.muli %add3A_312, %mul3A_313 : i32
            %add3A_315 = arith.addi %mul3A_314, %multiple_of3A_254 : i32
            %dma_start3A_316 = arith.constant 4 : i32
            %dma_start3A_317 = arith.constant 0 : i32
            %dma_start3A_318 = tpu.memref_slice %arg7[%dma_start3A_316, %dma_start3A_317] : memref<8x3968xf32, #tpu.memory_space<vmem>> -> memref<1x3968xf32, #tpu.memory_space<vmem>>
            %dma_start3A_319 = tpu.memref_squeeze %dma_start3A_318 : memref<1x3968xf32, #tpu.memory_space<vmem>> -> memref<3968xf32, #tpu.memory_space<vmem>>
            %dma_start3A_320 = tpu.memref_slice %arg4[%add3A_315] : memref<32000000xf32, #tpu.memory_space<hbm>> -> memref<3968xf32, #tpu.memory_space<hbm>>
            %dma_start3A_321 = tpu.memref_slice %arg4[%add3A_315] : memref<32000000xf32, #tpu.memory_space<hbm>> -> memref<3968xf32, #tpu.memory_space<hbm>>
            %dma_start3A_322 = arith.constant 0 : i32
            %dma_start3A_323 = tpu.memref_slice %arg7[%dma_start3A_316, %dma_start3A_322] : memref<8x3968xf32, #tpu.memory_space<vmem>> -> memref<1x3968xf32, #tpu.memory_space<vmem>>
            %dma_start3A_324 = tpu.memref_squeeze %dma_start3A_323 : memref<1x3968xf32, #tpu.memory_space<vmem>> -> memref<3968xf32, #tpu.memory_space<vmem>>
            tpu.enqueue_dma source(%dma_start3A_324 : memref<3968xf32, #tpu.memory_space<vmem>>) target(%dma_start3A_321 : memref<3968xf32, #tpu.memory_space<hbm>>) target_semaphore(%arg13 : memref<!tpu.dma_semaphore, #tpu.memory_space<semaphore_mem>>)
            %add3A_325 = arith.constant 5 : i32
            %add3A_326 = arith.addi %multiple_of3A, %add3A_325 : i32
            %mul3A_327 = arith.constant 999936 : i32
            %mul3A_328 = arith.muli %add3A_326, %mul3A_327 : i32
            %add3A_329 = arith.addi %mul3A_328, %multiple_of3A_254 : i32
            %dma_start3A_330 = arith.constant 5 : i32
            %dma_start3A_331 = arith.constant 0 : i32
            %dma_start3A_332 = tpu.memref_slice %arg7[%dma_start3A_330, %dma_start3A_331] : memref<8x3968xf32, #tpu.memory_space<vmem>> -> memref<1x3968xf32, #tpu.memory_space<vmem>>
            %dma_start3A_333 = tpu.memref_squeeze %dma_start3A_332 : memref<1x3968xf32, #tpu.memory_space<vmem>> -> memref<3968xf32, #tpu.memory_space<vmem>>
            %dma_start3A_334 = tpu.memref_slice %arg4[%add3A_329] : memref<32000000xf32, #tpu.memory_space<hbm>> -> memref<3968xf32, #tpu.memory_space<hbm>>
            %dma_start3A_335 = tpu.memref_slice %arg4[%add3A_329] : memref<32000000xf32, #tpu.memory_space<hbm>> -> memref<3968xf32, #tpu.memory_space<hbm>>
            %dma_start3A_336 = arith.constant 0 : i32
            %dma_start3A_337 = tpu.memref_slice %arg7[%dma_start3A_330, %dma_start3A_336] : memref<8x3968xf32, #tpu.memory_space<vmem>> -> memref<1x3968xf32, #tpu.memory_space<vmem>>
            %dma_start3A_338 = tpu.memref_squeeze %dma_start3A_337 : memref<1x3968xf32, #tpu.memory_space<vmem>> -> memref<3968xf32, #tpu.memory_space<vmem>>
            tpu.enqueue_dma source(%dma_start3A_338 : memref<3968xf32, #tpu.memory_space<vmem>>) target(%dma_start3A_335 : memref<3968xf32, #tpu.memory_space<hbm>>) target_semaphore(%arg13 : memref<!tpu.dma_semaphore, #tpu.memory_space<semaphore_mem>>)
            %add3A_339 = arith.constant 6 : i32
            %add3A_340 = arith.addi %multiple_of3A, %add3A_339 : i32
            %mul3A_341 = arith.constant 999936 : i32
            %mul3A_342 = arith.muli %add3A_340, %mul3A_341 : i32
            %add3A_343 = arith.addi %mul3A_342, %multiple_of3A_254 : i32
            %dma_start3A_344 = arith.constant 6 : i32
            %dma_start3A_345 = arith.constant 0 : i32
            %dma_start3A_346 = tpu.memref_slice %arg7[%dma_start3A_344, %dma_start3A_345] : memref<8x3968xf32, #tpu.memory_space<vmem>> -> memref<1x3968xf32, #tpu.memory_space<vmem>>
            %dma_start3A_347 = tpu.memref_squeeze %dma_start3A_346 : memref<1x3968xf32, #tpu.memory_space<vmem>> -> memref<3968xf32, #tpu.memory_space<vmem>>
            %dma_start3A_348 = tpu.memref_slice %arg4[%add3A_343] : memref<32000000xf32, #tpu.memory_space<hbm>> -> memref<3968xf32, #tpu.memory_space<hbm>>
            %dma_start3A_349 = tpu.memref_slice %arg4[%add3A_343] : memref<32000000xf32, #tpu.memory_space<hbm>> -> memref<3968xf32, #tpu.memory_space<hbm>>
            %dma_start3A_350 = arith.constant 0 : i32
            %dma_start3A_351 = tpu.memref_slice %arg7[%dma_start3A_344, %dma_start3A_350] : memref<8x3968xf32, #tpu.memory_space<vmem>> -> memref<1x3968xf32, #tpu.memory_space<vmem>>
            %dma_start3A_352 = tpu.memref_squeeze %dma_start3A_351 : memref<1x3968xf32, #tpu.memory_space<vmem>> -> memref<3968xf32, #tpu.memory_space<vmem>>
            tpu.enqueue_dma source(%dma_start3A_352 : memref<3968xf32, #tpu.memory_space<vmem>>) target(%dma_start3A_349 : memref<3968xf32, #tpu.memory_space<hbm>>) target_semaphore(%arg13 : memref<!tpu.dma_semaphore, #tpu.memory_space<semaphore_mem>>)
            %add3A_353 = arith.constant 7 : i32
            %add3A_354 = arith.addi %multiple_of3A, %add3A_353 : i32
            %mul3A_355 = arith.constant 999936 : i32
            %mul3A_356 = arith.muli %add3A_354, %mul3A_355 : i32
            %add3A_357 = arith.addi %mul3A_356, %multiple_of3A_254 : i32
            %dma_start3A_358 = arith.constant 7 : i32
            %dma_start3A_359 = arith.constant 0 : i32
            %dma_start3A_360 = tpu.memref_slice %arg7[%dma_start3A_358, %dma_start3A_359] : memref<8x3968xf32, #tpu.memory_space<vmem>> -> memref<1x3968xf32, #tpu.memory_space<vmem>>
            %dma_start3A_361 = tpu.memref_squeeze %dma_start3A_360 : memref<1x3968xf32, #tpu.memory_space<vmem>> -> memref<3968xf32, #tpu.memory_space<vmem>>
            %dma_start3A_362 = tpu.memref_slice %arg4[%add3A_357] : memref<32000000xf32, #tpu.memory_space<hbm>> -> memref<3968xf32, #tpu.memory_space<hbm>>
            %dma_start3A_363 = tpu.memref_slice %arg4[%add3A_357] : memref<32000000xf32, #tpu.memory_space<hbm>> -> memref<3968xf32, #tpu.memory_space<hbm>>
            %dma_start3A_364 = arith.constant 0 : i32
            %dma_start3A_365 = tpu.memref_slice %arg7[%dma_start3A_358, %dma_start3A_364] : memref<8x3968xf32, #tpu.memory_space<vmem>> -> memref<1x3968xf32, #tpu.memory_space<vmem>>
            %dma_start3A_366 = tpu.memref_squeeze %dma_start3A_365 : memref<1x3968xf32, #tpu.memory_space<vmem>> -> memref<3968xf32, #tpu.memory_space<vmem>>
            tpu.enqueue_dma source(%dma_start3A_366 : memref<3968xf32, #tpu.memory_space<vmem>>) target(%dma_start3A_363 : memref<3968xf32, #tpu.memory_space<hbm>>) target_semaphore(%arg13 : memref<!tpu.dma_semaphore, #tpu.memory_space<semaphore_mem>>)
          } else {
          }
        } else {
        }
        %jit3A_209 = arith.constant 2 : i32
        %eq3A_210 = arith.constant 0 : i32
        %eq3A_211 = arith.cmpi eq, %jit3A_209, %eq3A_210 : i32
        %jit3A_212 = arith.constant 1 : i32
        %select_n3A_213 = arith.select %eq3A_211, %jit3A_212, %jit3A_209 : i32
        %rem3A_214 = arith.remsi %scan3A_181, %select_n3A_213 : i32
        %ne3A_215 = arith.constant 0 : i32
        %ne3A_216 = arith.cmpi ne, %rem3A_214, %ne3A_215 : i32
        %lt3A_217 = arith.constant 0 : i32
        %lt3A_218 = arith.cmpi slt, %rem3A_214, %lt3A_217 : i32
        %lt3A_219 = arith.constant 0 : i32
        %lt3A_220 = arith.cmpi slt, %select_n3A_213, %lt3A_219 : i32
        %ne3A_221 = arith.xori %lt3A_218, %lt3A_220 : i1
        %and3A_222 = arith.andi %ne3A_221, %ne3A_216 : i1
        %add3A_223 = arith.addi %rem3A_214, %select_n3A_213 : i32
        %select_n3A_224 = arith.select %and3A_222, %add3A_223, %rem3A_214 : i32
        %eq3A_225 = arith.constant 1 : i32
        %eq3A_226 = arith.cmpi eq, %select_n3A_224, %eq3A_225 : i32
        %convert_element_type3A_227 = arith.extui %eq3A_226 : i1 to i32
        %cond3A_228 = arith.constant 0 : i32
        %cond3A_229 = arith.cmpi ne, %convert_element_type3A_227, %cond3A_228 : i32
        scf.if %cond3A_229 {
          %ge3A = arith.constant 2 : i32
          %ge3A_230 = arith.cmpi sge, %scan3A_181, %ge3A : i32
          %convert_element_type3A_231 = arith.extui %ge3A_230 : i1 to i32
          %cond3A_232 = arith.constant 0 : i32
          %cond3A_233 = arith.cmpi ne, %convert_element_type3A_231, %cond3A_232 : i32
          scf.if %cond3A_233 {
            %dma_wait3A_241 = arith.constant 0 : i32
            %dma_wait3A_242 = arith.constant 0 : i32
            %dma_wait3A_243 = tpu.memref_slice %arg2[%dma_wait3A_241, %dma_wait3A_242] : memref<32x1000000xf32, #tpu.memory_space<hbm>> -> memref<8x3968xf32, #tpu.memory_space<hbm>>
            %dma_wait3A_244 = arith.constant 0 : i32
            %dma_wait3A_245 = arith.constant 0 : i32
            %dma_wait3A_246 = tpu.memref_slice %arg2[%dma_wait3A_244, %dma_wait3A_245] : memref<32x1000000xf32, #tpu.memory_space<hbm>> -> memref<8x3968xf32, #tpu.memory_space<hbm>>
            tpu.wait_dma2 semaphore(%arg13 : memref<!tpu.dma_semaphore, #tpu.memory_space<semaphore_mem>>) src(%dma_wait3A_246 : memref<8x3968xf32, #tpu.memory_space<hbm>>) dst(%arg7 : memref<8x3968xf32, #tpu.memory_space<vmem>>)
          } else {
          }
          %dma_start3A_234 = tpu.memref_slice %arg2[%multiple_of3A, %multiple_of3A_187] : memref<32x1000000xf32, #tpu.memory_space<hbm>> -> memref<8x3968xf32, #tpu.memory_space<hbm>>
          %dma_start3A_235 = tpu.memref_slice %arg2[%multiple_of3A, %multiple_of3A_187] : memref<32x1000000xf32, #tpu.memory_space<hbm>> -> memref<8x3968xf32, #tpu.memory_space<hbm>>
          tpu.enqueue_dma source(%dma_start3A_235 : memref<8x3968xf32, #tpu.memory_space<hbm>>) target(%arg7 : memref<8x3968xf32, #tpu.memory_space<vmem>>) target_semaphore(%arg11 : memref<!tpu.dma_semaphore, #tpu.memory_space<semaphore_mem>>)
          %ge3A_236 = arith.constant 1 : i32
          %ge3A_237 = arith.cmpi sge, %scan3A_181, %ge3A_236 : i32
          %convert_element_type3A_238 = arith.extui %ge3A_237 : i1 to i32
          %cond3A_239 = arith.constant 0 : i32
          %cond3A_240 = arith.cmpi ne, %convert_element_type3A_238, %cond3A_239 : i32
          scf.if %cond3A_240 {
            %dma_wait3A_241 = arith.constant 0 : i32
            %dma_wait3A_242 = arith.constant 0 : i32
            %dma_wait3A_243 = tpu.memref_slice %arg2[%dma_wait3A_241, %dma_wait3A_242] : memref<32x1000000xf32, #tpu.memory_space<hbm>> -> memref<8x3968xf32, #tpu.memory_space<hbm>>
            %dma_wait3A_244 = arith.constant 0 : i32
            %dma_wait3A_245 = arith.constant 0 : i32
            %dma_wait3A_246 = tpu.memref_slice %arg2[%dma_wait3A_244, %dma_wait3A_245] : memref<32x1000000xf32, #tpu.memory_space<hbm>> -> memref<8x3968xf32, #tpu.memory_space<hbm>>
            tpu.wait_dma2 semaphore(%arg10 : memref<!tpu.dma_semaphore, #tpu.memory_space<semaphore_mem>>) src(%dma_wait3A_246 : memref<8x3968xf32, #tpu.memory_space<hbm>>) dst(%arg6 : memref<8x3968xf32, #tpu.memory_space<vmem>>)
            %sub3A_247 = arith.constant 1 : i32
            %sub3A_248 = arith.subi %scan3A_181, %sub3A_247 : i32
            %mul3A_249 = arith.constant 249984 : i32
            %mul3A_250 = arith.muli %select_n3A_36, %mul3A_249 : i32
            %mul3A_251 = arith.constant 3968 : i32
            %mul3A_252 = arith.muli %sub3A_248, %mul3A_251 : i32
            %add3A_253 = arith.addi %mul3A_250, %mul3A_252 : i32
            %multiple_of3A_254 = tpu.assume_multiple %add3A_253, 128 : i32
            %add3A_255 = arith.constant 0 : i32
            %add3A_256 = arith.addi %multiple_of3A, %add3A_255 : i32
            %mul3A_257 = arith.constant 999936 : i32
            %mul3A_258 = arith.muli %add3A_256, %mul3A_257 : i32
            %add3A_259 = arith.addi %mul3A_258, %multiple_of3A_254 : i32
            %dma_start3A_260 = arith.constant 0 : i32
            %dma_start3A_261 = arith.constant 0 : i32
            %dma_start3A_262 = tpu.memref_slice %arg6[%dma_start3A_260, %dma_start3A_261] : memref<8x3968xf32, #tpu.memory_space<vmem>> -> memref<1x3968xf32, #tpu.memory_space<vmem>>
            %dma_start3A_263 = tpu.memref_squeeze %dma_start3A_262 : memref<1x3968xf32, #tpu.memory_space<vmem>> -> memref<3968xf32, #tpu.memory_space<vmem>>
            %dma_start3A_264 = tpu.memref_slice %arg4[%add3A_259] : memref<32000000xf32, #tpu.memory_space<hbm>> -> memref<3968xf32, #tpu.memory_space<hbm>>
            %dma_start3A_265 = tpu.memref_slice %arg4[%add3A_259] : memref<32000000xf32, #tpu.memory_space<hbm>> -> memref<3968xf32, #tpu.memory_space<hbm>>
            %dma_start3A_266 = arith.constant 0 : i32
            %dma_start3A_267 = tpu.memref_slice %arg6[%dma_start3A_260, %dma_start3A_266] : memref<8x3968xf32, #tpu.memory_space<vmem>> -> memref<1x3968xf32, #tpu.memory_space<vmem>>
            %dma_start3A_268 = tpu.memref_squeeze %dma_start3A_267 : memref<1x3968xf32, #tpu.memory_space<vmem>> -> memref<3968xf32, #tpu.memory_space<vmem>>
            tpu.enqueue_dma source(%dma_start3A_268 : memref<3968xf32, #tpu.memory_space<vmem>>) target(%dma_start3A_265 : memref<3968xf32, #tpu.memory_space<hbm>>) target_semaphore(%arg12 : memref<!tpu.dma_semaphore, #tpu.memory_space<semaphore_mem>>)
            %add3A_269 = arith.constant 1 : i32
            %add3A_270 = arith.addi %multiple_of3A, %add3A_269 : i32
            %mul3A_271 = arith.constant 999936 : i32
            %mul3A_272 = arith.muli %add3A_270, %mul3A_271 : i32
            %add3A_273 = arith.addi %mul3A_272, %multiple_of3A_254 : i32
            %dma_start3A_274 = arith.constant 1 : i32
            %dma_start3A_275 = arith.constant 0 : i32
            %dma_start3A_276 = tpu.memref_slice %arg6[%dma_start3A_274, %dma_start3A_275] : memref<8x3968xf32, #tpu.memory_space<vmem>> -> memref<1x3968xf32, #tpu.memory_space<vmem>>
            %dma_start3A_277 = tpu.memref_squeeze %dma_start3A_276 : memref<1x3968xf32, #tpu.memory_space<vmem>> -> memref<3968xf32, #tpu.memory_space<vmem>>
            %dma_start3A_278 = tpu.memref_slice %arg4[%add3A_273] : memref<32000000xf32, #tpu.memory_space<hbm>> -> memref<3968xf32, #tpu.memory_space<hbm>>
            %dma_start3A_279 = tpu.memref_slice %arg4[%add3A_273] : memref<32000000xf32, #tpu.memory_space<hbm>> -> memref<3968xf32, #tpu.memory_space<hbm>>
            %dma_start3A_280 = arith.constant 0 : i32
            %dma_start3A_281 = tpu.memref_slice %arg6[%dma_start3A_274, %dma_start3A_280] : memref<8x3968xf32, #tpu.memory_space<vmem>> -> memref<1x3968xf32, #tpu.memory_space<vmem>>
            %dma_start3A_282 = tpu.memref_squeeze %dma_start3A_281 : memref<1x3968xf32, #tpu.memory_space<vmem>> -> memref<3968xf32, #tpu.memory_space<vmem>>
            tpu.enqueue_dma source(%dma_start3A_282 : memref<3968xf32, #tpu.memory_space<vmem>>) target(%dma_start3A_279 : memref<3968xf32, #tpu.memory_space<hbm>>) target_semaphore(%arg12 : memref<!tpu.dma_semaphore, #tpu.memory_space<semaphore_mem>>)
            %add3A_283 = arith.constant 2 : i32
            %add3A_284 = arith.addi %multiple_of3A, %add3A_283 : i32
            %mul3A_285 = arith.constant 999936 : i32
            %mul3A_286 = arith.muli %add3A_284, %mul3A_285 : i32
            %add3A_287 = arith.addi %mul3A_286, %multiple_of3A_254 : i32
            %dma_start3A_288 = arith.constant 2 : i32
            %dma_start3A_289 = arith.constant 0 : i32
            %dma_start3A_290 = tpu.memref_slice %arg6[%dma_start3A_288, %dma_start3A_289] : memref<8x3968xf32, #tpu.memory_space<vmem>> -> memref<1x3968xf32, #tpu.memory_space<vmem>>
            %dma_start3A_291 = tpu.memref_squeeze %dma_start3A_290 : memref<1x3968xf32, #tpu.memory_space<vmem>> -> memref<3968xf32, #tpu.memory_space<vmem>>
            %dma_start3A_292 = tpu.memref_slice %arg4[%add3A_287] : memref<32000000xf32, #tpu.memory_space<hbm>> -> memref<3968xf32, #tpu.memory_space<hbm>>
            %dma_start3A_293 = tpu.memref_slice %arg4[%add3A_287] : memref<32000000xf32, #tpu.memory_space<hbm>> -> memref<3968xf32, #tpu.memory_space<hbm>>
            %dma_start3A_294 = arith.constant 0 : i32
            %dma_start3A_295 = tpu.memref_slice %arg6[%dma_start3A_288, %dma_start3A_294] : memref<8x3968xf32, #tpu.memory_space<vmem>> -> memref<1x3968xf32, #tpu.memory_space<vmem>>
            %dma_start3A_296 = tpu.memref_squeeze %dma_start3A_295 : memref<1x3968xf32, #tpu.memory_space<vmem>> -> memref<3968xf32, #tpu.memory_space<vmem>>
            tpu.enqueue_dma source(%dma_start3A_296 : memref<3968xf32, #tpu.memory_space<vmem>>) target(%dma_start3A_293 : memref<3968xf32, #tpu.memory_space<hbm>>) target_semaphore(%arg12 : memref<!tpu.dma_semaphore, #tpu.memory_space<semaphore_mem>>)
            %add3A_297 = arith.constant 3 : i32
            %add3A_298 = arith.addi %multiple_of3A, %add3A_297 : i32
            %mul3A_299 = arith.constant 999936 : i32
            %mul3A_300 = arith.muli %add3A_298, %mul3A_299 : i32
            %add3A_301 = arith.addi %mul3A_300, %multiple_of3A_254 : i32
            %dma_start3A_302 = arith.constant 3 : i32
            %dma_start3A_303 = arith.constant 0 : i32
            %dma_start3A_304 = tpu.memref_slice %arg6[%dma_start3A_302, %dma_start3A_303] : memref<8x3968xf32, #tpu.memory_space<vmem>> -> memref<1x3968xf32, #tpu.memory_space<vmem>>
            %dma_start3A_305 = tpu.memref_squeeze %dma_start3A_304 : memref<1x3968xf32, #tpu.memory_space<vmem>> -> memref<3968xf32, #tpu.memory_space<vmem>>
            %dma_start3A_306 = tpu.memref_slice %arg4[%add3A_301] : memref<32000000xf32, #tpu.memory_space<hbm>> -> memref<3968xf32, #tpu.memory_space<hbm>>
            %dma_start3A_307 = tpu.memref_slice %arg4[%add3A_301] : memref<32000000xf32, #tpu.memory_space<hbm>> -> memref<3968xf32, #tpu.memory_space<hbm>>
            %dma_start3A_308 = arith.constant 0 : i32
            %dma_start3A_309 = tpu.memref_slice %arg6[%dma_start3A_302, %dma_start3A_308] : memref<8x3968xf32, #tpu.memory_space<vmem>> -> memref<1x3968xf32, #tpu.memory_space<vmem>>
            %dma_start3A_310 = tpu.memref_squeeze %dma_start3A_309 : memref<1x3968xf32, #tpu.memory_space<vmem>> -> memref<3968xf32, #tpu.memory_space<vmem>>
            tpu.enqueue_dma source(%dma_start3A_310 : memref<3968xf32, #tpu.memory_space<vmem>>) target(%dma_start3A_307 : memref<3968xf32, #tpu.memory_space<hbm>>) target_semaphore(%arg12 : memref<!tpu.dma_semaphore, #tpu.memory_space<semaphore_mem>>)
            %add3A_311 = arith.constant 4 : i32
            %add3A_312 = arith.addi %multiple_of3A, %add3A_311 : i32
            %mul3A_313 = arith.constant 999936 : i32
            %mul3A_314 = arith.muli %add3A_312, %mul3A_313 : i32
            %add3A_315 = arith.addi %mul3A_314, %multiple_of3A_254 : i32
            %dma_start3A_316 = arith.constant 4 : i32
            %dma_start3A_317 = arith.constant 0 : i32
            %dma_start3A_318 = tpu.memref_slice %arg6[%dma_start3A_316, %dma_start3A_317] : memref<8x3968xf32, #tpu.memory_space<vmem>> -> memref<1x3968xf32, #tpu.memory_space<vmem>>
            %dma_start3A_319 = tpu.memref_squeeze %dma_start3A_318 : memref<1x3968xf32, #tpu.memory_space<vmem>> -> memref<3968xf32, #tpu.memory_space<vmem>>
            %dma_start3A_320 = tpu.memref_slice %arg4[%add3A_315] : memref<32000000xf32, #tpu.memory_space<hbm>> -> memref<3968xf32, #tpu.memory_space<hbm>>
            %dma_start3A_321 = tpu.memref_slice %arg4[%add3A_315] : memref<32000000xf32, #tpu.memory_space<hbm>> -> memref<3968xf32, #tpu.memory_space<hbm>>
            %dma_start3A_322 = arith.constant 0 : i32
            %dma_start3A_323 = tpu.memref_slice %arg6[%dma_start3A_316, %dma_start3A_322] : memref<8x3968xf32, #tpu.memory_space<vmem>> -> memref<1x3968xf32, #tpu.memory_space<vmem>>
            %dma_start3A_324 = tpu.memref_squeeze %dma_start3A_323 : memref<1x3968xf32, #tpu.memory_space<vmem>> -> memref<3968xf32, #tpu.memory_space<vmem>>
            tpu.enqueue_dma source(%dma_start3A_324 : memref<3968xf32, #tpu.memory_space<vmem>>) target(%dma_start3A_321 : memref<3968xf32, #tpu.memory_space<hbm>>) target_semaphore(%arg12 : memref<!tpu.dma_semaphore, #tpu.memory_space<semaphore_mem>>)
            %add3A_325 = arith.constant 5 : i32
            %add3A_326 = arith.addi %multiple_of3A, %add3A_325 : i32
            %mul3A_327 = arith.constant 999936 : i32
            %mul3A_328 = arith.muli %add3A_326, %mul3A_327 : i32
            %add3A_329 = arith.addi %mul3A_328, %multiple_of3A_254 : i32
            %dma_start3A_330 = arith.constant 5 : i32
            %dma_start3A_331 = arith.constant 0 : i32
            %dma_start3A_332 = tpu.memref_slice %arg6[%dma_start3A_330, %dma_start3A_331] : memref<8x3968xf32, #tpu.memory_space<vmem>> -> memref<1x3968xf32, #tpu.memory_space<vmem>>
            %dma_start3A_333 = tpu.memref_squeeze %dma_start3A_332 : memref<1x3968xf32, #tpu.memory_space<vmem>> -> memref<3968xf32, #tpu.memory_space<vmem>>
            %dma_start3A_334 = tpu.memref_slice %arg4[%add3A_329] : memref<32000000xf32, #tpu.memory_space<hbm>> -> memref<3968xf32, #tpu.memory_space<hbm>>
            %dma_start3A_335 = tpu.memref_slice %arg4[%add3A_329] : memref<32000000xf32, #tpu.memory_space<hbm>> -> memref<3968xf32, #tpu.memory_space<hbm>>
            %dma_start3A_336 = arith.constant 0 : i32
            %dma_start3A_337 = tpu.memref_slice %arg6[%dma_start3A_330, %dma_start3A_336] : memref<8x3968xf32, #tpu.memory_space<vmem>> -> memref<1x3968xf32, #tpu.memory_space<vmem>>
            %dma_start3A_338 = tpu.memref_squeeze %dma_start3A_337 : memref<1x3968xf32, #tpu.memory_space<vmem>> -> memref<3968xf32, #tpu.memory_space<vmem>>
            tpu.enqueue_dma source(%dma_start3A_338 : memref<3968xf32, #tpu.memory_space<vmem>>) target(%dma_start3A_335 : memref<3968xf32, #tpu.memory_space<hbm>>) target_semaphore(%arg12 : memref<!tpu.dma_semaphore, #tpu.memory_space<semaphore_mem>>)
            %add3A_339 = arith.constant 6 : i32
            %add3A_340 = arith.addi %multiple_of3A, %add3A_339 : i32
            %mul3A_341 = arith.constant 999936 : i32
            %mul3A_342 = arith.muli %add3A_340, %mul3A_341 : i32
            %add3A_343 = arith.addi %mul3A_342, %multiple_of3A_254 : i32
            %dma_start3A_344 = arith.constant 6 : i32
            %dma_start3A_345 = arith.constant 0 : i32
            %dma_start3A_346 = tpu.memref_slice %arg6[%dma_start3A_344, %dma_start3A_345] : memref<8x3968xf32, #tpu.memory_space<vmem>> -> memref<1x3968xf32, #tpu.memory_space<vmem>>
            %dma_start3A_347 = tpu.memref_squeeze %dma_start3A_346 : memref<1x3968xf32, #tpu.memory_space<vmem>> -> memref<3968xf32, #tpu.memory_space<vmem>>
            %dma_start3A_348 = tpu.memref_slice %arg4[%add3A_343] : memref<32000000xf32, #tpu.memory_space<hbm>> -> memref<3968xf32, #tpu.memory_space<hbm>>
            %dma_start3A_349 = tpu.memref_slice %arg4[%add3A_343] : memref<32000000xf32, #tpu.memory_space<hbm>> -> memref<3968xf32, #tpu.memory_space<hbm>>
            %dma_start3A_350 = arith.constant 0 : i32
            %dma_start3A_351 = tpu.memref_slice %arg6[%dma_start3A_344, %dma_start3A_350] : memref<8x3968xf32, #tpu.memory_space<vmem>> -> memref<1x3968xf32, #tpu.memory_space<vmem>>
            %dma_start3A_352 = tpu.memref_squeeze %dma_start3A_351 : memref<1x3968xf32, #tpu.memory_space<vmem>> -> memref<3968xf32, #tpu.memory_space<vmem>>
            tpu.enqueue_dma source(%dma_start3A_352 : memref<3968xf32, #tpu.memory_space<vmem>>) target(%dma_start3A_349 : memref<3968xf32, #tpu.memory_space<hbm>>) target_semaphore(%arg12 : memref<!tpu.dma_semaphore, #tpu.memory_space<semaphore_mem>>)
            %add3A_353 = arith.constant 7 : i32
            %add3A_354 = arith.addi %multiple_of3A, %add3A_353 : i32
            %mul3A_355 = arith.constant 999936 : i32
            %mul3A_356 = arith.muli %add3A_354, %mul3A_355 : i32
            %add3A_357 = arith.addi %mul3A_356, %multiple_of3A_254 : i32
            %dma_start3A_358 = arith.constant 7 : i32
            %dma_start3A_359 = arith.constant 0 : i32
            %dma_start3A_360 = tpu.memref_slice %arg6[%dma_start3A_358, %dma_start3A_359] : memref<8x3968xf32, #tpu.memory_space<vmem>> -> memref<1x3968xf32, #tpu.memory_space<vmem>>
            %dma_start3A_361 = tpu.memref_squeeze %dma_start3A_360 : memref<1x3968xf32, #tpu.memory_space<vmem>> -> memref<3968xf32, #tpu.memory_space<vmem>>
            %dma_start3A_362 = tpu.memref_slice %arg4[%add3A_357] : memref<32000000xf32, #tpu.memory_space<hbm>> -> memref<3968xf32, #tpu.memory_space<hbm>>
            %dma_start3A_363 = tpu.memref_slice %arg4[%add3A_357] : memref<32000000xf32, #tpu.memory_space<hbm>> -> memref<3968xf32, #tpu.memory_space<hbm>>
            %dma_start3A_364 = arith.constant 0 : i32
            %dma_start3A_365 = tpu.memref_slice %arg6[%dma_start3A_358, %dma_start3A_364] : memref<8x3968xf32, #tpu.memory_space<vmem>> -> memref<1x3968xf32, #tpu.memory_space<vmem>>
            %dma_start3A_366 = tpu.memref_squeeze %dma_start3A_365 : memref<1x3968xf32, #tpu.memory_space<vmem>> -> memref<3968xf32, #tpu.memory_space<vmem>>
            tpu.enqueue_dma source(%dma_start3A_366 : memref<3968xf32, #tpu.memory_space<vmem>>) target(%dma_start3A_363 : memref<3968xf32, #tpu.memory_space<hbm>>) target_semaphore(%arg12 : memref<!tpu.dma_semaphore, #tpu.memory_space<semaphore_mem>>)
          } else {
          }
        } else {
        }
      }
      %scan3A_42 = arith.constant 63 : i32
      %dma_wait3A = arith.constant 0 : i32
      %dma_wait3A_43 = arith.constant 0 : i32
      %dma_wait3A_44 = tpu.memref_slice %arg2[%dma_wait3A, %dma_wait3A_43] : memref<32x1000000xf32, #tpu.memory_space<hbm>> -> memref<8x3968xf32, #tpu.memory_space<hbm>>
      %dma_wait3A_45 = arith.constant 0 : i32
      %dma_wait3A_46 = arith.constant 0 : i32
      %dma_wait3A_47 = tpu.memref_slice %arg2[%dma_wait3A_45, %dma_wait3A_46] : memref<32x1000000xf32, #tpu.memory_space<hbm>> -> memref<8x3968xf32, #tpu.memory_space<hbm>>
      tpu.wait_dma2 semaphore(%arg10 : memref<!tpu.dma_semaphore, #tpu.memory_space<semaphore_mem>>) src(%dma_wait3A_47 : memref<8x3968xf32, #tpu.memory_space<hbm>>) dst(%arg6 : memref<8x3968xf32, #tpu.memory_space<vmem>>)
      %mul3A_48 = arith.constant 249984 : i32
      %mul3A_49 = arith.muli %select_n3A_36, %mul3A_48 : i32
      %add3A_50 = arith.constant 246016 : i32
      %add3A_51 = arith.addi %mul3A_49, %add3A_50 : i32
      %multiple_of3A_52 = tpu.assume_multiple %add3A_51, 128 : i32
      %add3A_53 = arith.constant 0 : i32
      %add3A_54 = arith.addi %multiple_of3A, %add3A_53 : i32
      %mul3A_55 = arith.constant 999936 : i32
      %mul3A_56 = arith.muli %add3A_54, %mul3A_55 : i32
      %add3A_57 = arith.addi %mul3A_56, %multiple_of3A_52 : i32
      %dma_start3A = arith.constant 0 : i32
      %dma_start3A_58 = arith.constant 0 : i32
      %dma_start3A_59 = tpu.memref_slice %arg6[%dma_start3A, %dma_start3A_58] : memref<8x3968xf32, #tpu.memory_space<vmem>> -> memref<1x3968xf32, #tpu.memory_space<vmem>>
      %dma_start3A_60 = tpu.memref_squeeze %dma_start3A_59 : memref<1x3968xf32, #tpu.memory_space<vmem>> -> memref<3968xf32, #tpu.memory_space<vmem>>
      %dma_start3A_61 = tpu.memref_slice %arg4[%add3A_57] : memref<32000000xf32, #tpu.memory_space<hbm>> -> memref<3968xf32, #tpu.memory_space<hbm>>
      %dma_start3A_62 = tpu.memref_slice %arg4[%add3A_57] : memref<32000000xf32, #tpu.memory_space<hbm>> -> memref<3968xf32, #tpu.memory_space<hbm>>
      %dma_start3A_63 = arith.constant 0 : i32
      %dma_start3A_64 = tpu.memref_slice %arg6[%dma_start3A, %dma_start3A_63] : memref<8x3968xf32, #tpu.memory_space<vmem>> -> memref<1x3968xf32, #tpu.memory_space<vmem>>
      %dma_start3A_65 = tpu.memref_squeeze %dma_start3A_64 : memref<1x3968xf32, #tpu.memory_space<vmem>> -> memref<3968xf32, #tpu.memory_space<vmem>>
      tpu.enqueue_dma source(%dma_start3A_65 : memref<3968xf32, #tpu.memory_space<vmem>>) target(%dma_start3A_62 : memref<3968xf32, #tpu.memory_space<hbm>>) target_semaphore(%arg12 : memref<!tpu.dma_semaphore, #tpu.memory_space<semaphore_mem>>)
      %add3A_66 = arith.constant 1 : i32
      %add3A_67 = arith.addi %multiple_of3A, %add3A_66 : i32
      %mul3A_68 = arith.constant 999936 : i32
      %mul3A_69 = arith.muli %add3A_67, %mul3A_68 : i32
      %add3A_70 = arith.addi %mul3A_69, %multiple_of3A_52 : i32
      %dma_start3A_71 = arith.constant 1 : i32
      %dma_start3A_72 = arith.constant 0 : i32
      %dma_start3A_73 = tpu.memref_slice %arg6[%dma_start3A_71, %dma_start3A_72] : memref<8x3968xf32, #tpu.memory_space<vmem>> -> memref<1x3968xf32, #tpu.memory_space<vmem>>
      %dma_start3A_74 = tpu.memref_squeeze %dma_start3A_73 : memref<1x3968xf32, #tpu.memory_space<vmem>> -> memref<3968xf32, #tpu.memory_space<vmem>>
      %dma_start3A_75 = tpu.memref_slice %arg4[%add3A_70] : memref<32000000xf32, #tpu.memory_space<hbm>> -> memref<3968xf32, #tpu.memory_space<hbm>>
      %dma_start3A_76 = tpu.memref_slice %arg4[%add3A_70] : memref<32000000xf32, #tpu.memory_space<hbm>> -> memref<3968xf32, #tpu.memory_space<hbm>>
      %dma_start3A_77 = arith.constant 0 : i32
      %dma_start3A_78 = tpu.memref_slice %arg6[%dma_start3A_71, %dma_start3A_77] : memref<8x3968xf32, #tpu.memory_space<vmem>> -> memref<1x3968xf32, #tpu.memory_space<vmem>>
      %dma_start3A_79 = tpu.memref_squeeze %dma_start3A_78 : memref<1x3968xf32, #tpu.memory_space<vmem>> -> memref<3968xf32, #tpu.memory_space<vmem>>
      tpu.enqueue_dma source(%dma_start3A_79 : memref<3968xf32, #tpu.memory_space<vmem>>) target(%dma_start3A_76 : memref<3968xf32, #tpu.memory_space<hbm>>) target_semaphore(%arg12 : memref<!tpu.dma_semaphore, #tpu.memory_space<semaphore_mem>>)
      %add3A_80 = arith.constant 2 : i32
      %add3A_81 = arith.addi %multiple_of3A, %add3A_80 : i32
      %mul3A_82 = arith.constant 999936 : i32
      %mul3A_83 = arith.muli %add3A_81, %mul3A_82 : i32
      %add3A_84 = arith.addi %mul3A_83, %multiple_of3A_52 : i32
      %dma_start3A_85 = arith.constant 2 : i32
      %dma_start3A_86 = arith.constant 0 : i32
      %dma_start3A_87 = tpu.memref_slice %arg6[%dma_start3A_85, %dma_start3A_86] : memref<8x3968xf32, #tpu.memory_space<vmem>> -> memref<1x3968xf32, #tpu.memory_space<vmem>>
      %dma_start3A_88 = tpu.memref_squeeze %dma_start3A_87 : memref<1x3968xf32, #tpu.memory_space<vmem>> -> memref<3968xf32, #tpu.memory_space<vmem>>
      %dma_start3A_89 = tpu.memref_slice %arg4[%add3A_84] : memref<32000000xf32, #tpu.memory_space<hbm>> -> memref<3968xf32, #tpu.memory_space<hbm>>
      %dma_start3A_90 = tpu.memref_slice %arg4[%add3A_84] : memref<32000000xf32, #tpu.memory_space<hbm>> -> memref<3968xf32, #tpu.memory_space<hbm>>
      %dma_start3A_91 = arith.constant 0 : i32
      %dma_start3A_92 = tpu.memref_slice %arg6[%dma_start3A_85, %dma_start3A_91] : memref<8x3968xf32, #tpu.memory_space<vmem>> -> memref<1x3968xf32, #tpu.memory_space<vmem>>
      %dma_start3A_93 = tpu.memref_squeeze %dma_start3A_92 : memref<1x3968xf32, #tpu.memory_space<vmem>> -> memref<3968xf32, #tpu.memory_space<vmem>>
      tpu.enqueue_dma source(%dma_start3A_93 : memref<3968xf32, #tpu.memory_space<vmem>>) target(%dma_start3A_90 : memref<3968xf32, #tpu.memory_space<hbm>>) target_semaphore(%arg12 : memref<!tpu.dma_semaphore, #tpu.memory_space<semaphore_mem>>)
      %add3A_94 = arith.constant 3 : i32
      %add3A_95 = arith.addi %multiple_of3A, %add3A_94 : i32
      %mul3A_96 = arith.constant 999936 : i32
      %mul3A_97 = arith.muli %add3A_95, %mul3A_96 : i32
      %add3A_98 = arith.addi %mul3A_97, %multiple_of3A_52 : i32
      %dma_start3A_99 = arith.constant 3 : i32
      %dma_start3A_100 = arith.constant 0 : i32
      %dma_start3A_101 = tpu.memref_slice %arg6[%dma_start3A_99, %dma_start3A_100] : memref<8x3968xf32, #tpu.memory_space<vmem>> -> memref<1x3968xf32, #tpu.memory_space<vmem>>
      %dma_start3A_102 = tpu.memref_squeeze %dma_start3A_101 : memref<1x3968xf32, #tpu.memory_space<vmem>> -> memref<3968xf32, #tpu.memory_space<vmem>>
      %dma_start3A_103 = tpu.memref_slice %arg4[%add3A_98] : memref<32000000xf32, #tpu.memory_space<hbm>> -> memref<3968xf32, #tpu.memory_space<hbm>>
      %dma_start3A_104 = tpu.memref_slice %arg4[%add3A_98] : memref<32000000xf32, #tpu.memory_space<hbm>> -> memref<3968xf32, #tpu.memory_space<hbm>>
      %dma_start3A_105 = arith.constant 0 : i32
      %dma_start3A_106 = tpu.memref_slice %arg6[%dma_start3A_99, %dma_start3A_105] : memref<8x3968xf32, #tpu.memory_space<vmem>> -> memref<1x3968xf32, #tpu.memory_space<vmem>>
      %dma_start3A_107 = tpu.memref_squeeze %dma_start3A_106 : memref<1x3968xf32, #tpu.memory_space<vmem>> -> memref<3968xf32, #tpu.memory_space<vmem>>
      tpu.enqueue_dma source(%dma_start3A_107 : memref<3968xf32, #tpu.memory_space<vmem>>) target(%dma_start3A_104 : memref<3968xf32, #tpu.memory_space<hbm>>) target_semaphore(%arg12 : memref<!tpu.dma_semaphore, #tpu.memory_space<semaphore_mem>>)
      %add3A_108 = arith.constant 4 : i32
      %add3A_109 = arith.addi %multiple_of3A, %add3A_108 : i32
      %mul3A_110 = arith.constant 999936 : i32
      %mul3A_111 = arith.muli %add3A_109, %mul3A_110 : i32
      %add3A_112 = arith.addi %mul3A_111, %multiple_of3A_52 : i32
      %dma_start3A_113 = arith.constant 4 : i32
      %dma_start3A_114 = arith.constant 0 : i32
      %dma_start3A_115 = tpu.memref_slice %arg6[%dma_start3A_113, %dma_start3A_114] : memref<8x3968xf32, #tpu.memory_space<vmem>> -> memref<1x3968xf32, #tpu.memory_space<vmem>>
      %dma_start3A_116 = tpu.memref_squeeze %dma_start3A_115 : memref<1x3968xf32, #tpu.memory_space<vmem>> -> memref<3968xf32, #tpu.memory_space<vmem>>
      %dma_start3A_117 = tpu.memref_slice %arg4[%add3A_112] : memref<32000000xf32, #tpu.memory_space<hbm>> -> memref<3968xf32, #tpu.memory_space<hbm>>
      %dma_start3A_118 = tpu.memref_slice %arg4[%add3A_112] : memref<32000000xf32, #tpu.memory_space<hbm>> -> memref<3968xf32, #tpu.memory_space<hbm>>
      %dma_start3A_119 = arith.constant 0 : i32
      %dma_start3A_120 = tpu.memref_slice %arg6[%dma_start3A_113, %dma_start3A_119] : memref<8x3968xf32, #tpu.memory_space<vmem>> -> memref<1x3968xf32, #tpu.memory_space<vmem>>
      %dma_start3A_121 = tpu.memref_squeeze %dma_start3A_120 : memref<1x3968xf32, #tpu.memory_space<vmem>> -> memref<3968xf32, #tpu.memory_space<vmem>>
      tpu.enqueue_dma source(%dma_start3A_121 : memref<3968xf32, #tpu.memory_space<vmem>>) target(%dma_start3A_118 : memref<3968xf32, #tpu.memory_space<hbm>>) target_semaphore(%arg12 : memref<!tpu.dma_semaphore, #tpu.memory_space<semaphore_mem>>)
      %add3A_122 = arith.constant 5 : i32
      %add3A_123 = arith.addi %multiple_of3A, %add3A_122 : i32
      %mul3A_124 = arith.constant 999936 : i32
      %mul3A_125 = arith.muli %add3A_123, %mul3A_124 : i32
      %add3A_126 = arith.addi %mul3A_125, %multiple_of3A_52 : i32
      %dma_start3A_127 = arith.constant 5 : i32
      %dma_start3A_128 = arith.constant 0 : i32
      %dma_start3A_129 = tpu.memref_slice %arg6[%dma_start3A_127, %dma_start3A_128] : memref<8x3968xf32, #tpu.memory_space<vmem>> -> memref<1x3968xf32, #tpu.memory_space<vmem>>
      %dma_start3A_130 = tpu.memref_squeeze %dma_start3A_129 : memref<1x3968xf32, #tpu.memory_space<vmem>> -> memref<3968xf32, #tpu.memory_space<vmem>>
      %dma_start3A_131 = tpu.memref_slice %arg4[%add3A_126] : memref<32000000xf32, #tpu.memory_space<hbm>> -> memref<3968xf32, #tpu.memory_space<hbm>>
      %dma_start3A_132 = tpu.memref_slice %arg4[%add3A_126] : memref<32000000xf32, #tpu.memory_space<hbm>> -> memref<3968xf32, #tpu.memory_space<hbm>>
      %dma_start3A_133 = arith.constant 0 : i32
      %dma_start3A_134 = tpu.memref_slice %arg6[%dma_start3A_127, %dma_start3A_133] : memref<8x3968xf32, #tpu.memory_space<vmem>> -> memref<1x3968xf32, #tpu.memory_space<vmem>>
      %dma_start3A_135 = tpu.memref_squeeze %dma_start3A_134 : memref<1x3968xf32, #tpu.memory_space<vmem>> -> memref<3968xf32, #tpu.memory_space<vmem>>
      tpu.enqueue_dma source(%dma_start3A_135 : memref<3968xf32, #tpu.memory_space<vmem>>) target(%dma_start3A_132 : memref<3968xf32, #tpu.memory_space<hbm>>) target_semaphore(%arg12 : memref<!tpu.dma_semaphore, #tpu.memory_space<semaphore_mem>>)
      %add3A_136 = arith.constant 6 : i32
      %add3A_137 = arith.addi %multiple_of3A, %add3A_136 : i32
      %mul3A_138 = arith.constant 999936 : i32
      %mul3A_139 = arith.muli %add3A_137, %mul3A_138 : i32
      %add3A_140 = arith.addi %mul3A_139, %multiple_of3A_52 : i32
      %dma_start3A_141 = arith.constant 6 : i32
      %dma_start3A_142 = arith.constant 0 : i32
      %dma_start3A_143 = tpu.memref_slice %arg6[%dma_start3A_141, %dma_start3A_142] : memref<8x3968xf32, #tpu.memory_space<vmem>> -> memref<1x3968xf32, #tpu.memory_space<vmem>>
      %dma_start3A_144 = tpu.memref_squeeze %dma_start3A_143 : memref<1x3968xf32, #tpu.memory_space<vmem>> -> memref<3968xf32, #tpu.memory_space<vmem>>
      %dma_start3A_145 = tpu.memref_slice %arg4[%add3A_140] : memref<32000000xf32, #tpu.memory_space<hbm>> -> memref<3968xf32, #tpu.memory_space<hbm>>
      %dma_start3A_146 = tpu.memref_slice %arg4[%add3A_140] : memref<32000000xf32, #tpu.memory_space<hbm>> -> memref<3968xf32, #tpu.memory_space<hbm>>
      %dma_start3A_147 = arith.constant 0 : i32
      %dma_start3A_148 = tpu.memref_slice %arg6[%dma_start3A_141, %dma_start3A_147] : memref<8x3968xf32, #tpu.memory_space<vmem>> -> memref<1x3968xf32, #tpu.memory_space<vmem>>
      %dma_start3A_149 = tpu.memref_squeeze %dma_start3A_148 : memref<1x3968xf32, #tpu.memory_space<vmem>> -> memref<3968xf32, #tpu.memory_space<vmem>>
      tpu.enqueue_dma source(%dma_start3A_149 : memref<3968xf32, #tpu.memory_space<vmem>>) target(%dma_start3A_146 : memref<3968xf32, #tpu.memory_space<hbm>>) target_semaphore(%arg12 : memref<!tpu.dma_semaphore, #tpu.memory_space<semaphore_mem>>)
      %add3A_150 = arith.constant 7 : i32
      %add3A_151 = arith.addi %multiple_of3A, %add3A_150 : i32
      %mul3A_152 = arith.constant 999936 : i32
      %mul3A_153 = arith.muli %add3A_151, %mul3A_152 : i32
      %add3A_154 = arith.addi %mul3A_153, %multiple_of3A_52 : i32
      %dma_start3A_155 = arith.constant 7 : i32
      %dma_start3A_156 = arith.constant 0 : i32
      %dma_start3A_157 = tpu.memref_slice %arg6[%dma_start3A_155, %dma_start3A_156] : memref<8x3968xf32, #tpu.memory_space<vmem>> -> memref<1x3968xf32, #tpu.memory_space<vmem>>
      %dma_start3A_158 = tpu.memref_squeeze %dma_start3A_157 : memref<1x3968xf32, #tpu.memory_space<vmem>> -> memref<3968xf32, #tpu.memory_space<vmem>>
      %dma_start3A_159 = tpu.memref_slice %arg4[%add3A_154] : memref<32000000xf32, #tpu.memory_space<hbm>> -> memref<3968xf32, #tpu.memory_space<hbm>>
      %dma_start3A_160 = tpu.memref_slice %arg4[%add3A_154] : memref<32000000xf32, #tpu.memory_space<hbm>> -> memref<3968xf32, #tpu.memory_space<hbm>>
      %dma_start3A_161 = arith.constant 0 : i32
      %dma_start3A_162 = tpu.memref_slice %arg6[%dma_start3A_155, %dma_start3A_161] : memref<8x3968xf32, #tpu.memory_space<vmem>> -> memref<1x3968xf32, #tpu.memory_space<vmem>>
      %dma_start3A_163 = tpu.memref_squeeze %dma_start3A_162 : memref<1x3968xf32, #tpu.memory_space<vmem>> -> memref<3968xf32, #tpu.memory_space<vmem>>
      tpu.enqueue_dma source(%dma_start3A_163 : memref<3968xf32, #tpu.memory_space<vmem>>) target(%dma_start3A_160 : memref<3968xf32, #tpu.memory_space<hbm>>) target_semaphore(%arg12 : memref<!tpu.dma_semaphore, #tpu.memory_space<semaphore_mem>>)
      %dma_wait3A_164 = arith.constant 0 : i32
      %dma_wait3A_165 = arith.constant 0 : i32
      %dma_wait3A_166 = tpu.memref_slice %arg2[%dma_wait3A_164, %dma_wait3A_165] : memref<32x1000000xf32, #tpu.memory_space<hbm>> -> memref<8x3968xf32, #tpu.memory_space<hbm>>
      %dma_wait3A_167 = arith.constant 0 : i32
      %dma_wait3A_168 = arith.constant 0 : i32
      %dma_wait3A_169 = tpu.memref_slice %arg2[%dma_wait3A_167, %dma_wait3A_168] : memref<32x1000000xf32, #tpu.memory_space<hbm>> -> memref<8x3968xf32, #tpu.memory_space<hbm>>
      tpu.wait_dma2 semaphore(%arg13 : memref<!tpu.dma_semaphore, #tpu.memory_space<semaphore_mem>>) src(%dma_wait3A_169 : memref<8x3968xf32, #tpu.memory_space<hbm>>) dst(%arg7 : memref<8x3968xf32, #tpu.memory_space<vmem>>)
      %dma_wait3A_170 = arith.constant 0 : i32
      %dma_wait3A_171 = arith.constant 0 : i32
      %dma_wait3A_172 = tpu.memref_slice %arg2[%dma_wait3A_170, %dma_wait3A_171] : memref<32x1000000xf32, #tpu.memory_space<hbm>> -> memref<8x3968xf32, #tpu.memory_space<hbm>>
      %dma_wait3A_173 = arith.constant 0 : i32
      %dma_wait3A_174 = arith.constant 0 : i32
      %dma_wait3A_175 = tpu.memref_slice %arg2[%dma_wait3A_173, %dma_wait3A_174] : memref<32x1000000xf32, #tpu.memory_space<hbm>> -> memref<8x3968xf32, #tpu.memory_space<hbm>>
      tpu.wait_dma2 semaphore(%arg12 : memref<!tpu.dma_semaphore, #tpu.memory_space<semaphore_mem>>) src(%dma_wait3A_175 : memref<8x3968xf32, #tpu.memory_space<hbm>>) dst(%arg6 : memref<8x3968xf32, #tpu.memory_space<vmem>>)
      %eq3A_176 = arith.constant 0 : i32
      %eq3A_177 = arith.cmpi eq, %arg1, %eq3A_176 : i32
      %convert_element_type3A_178 = arith.extui %eq3A_177 : i1 to i32
      %cond3A_179 = arith.constant 0 : i32
      %cond3A_180 = arith.cmpi ne, %convert_element_type3A_178, %cond3A_179 : i32
      scf.if %cond3A_180 {
        "tpu.region"() ({
          %run_scoped3A = tpu.sem_alloc : memref<!tpu.dma_semaphore, #tpu.memory_space<semaphore_mem>>
          %dma_start3A_187 = arith.constant 0 : i32
          %dma_start3A_188 = arith.constant 999936 : i32
          %dma_start3A_189 = tpu.memref_slice %arg2[%dma_start3A_187, %dma_start3A_188] : memref<32x1000000xf32, #tpu.memory_space<hbm>> -> memref<32x64xf32, #tpu.memory_space<hbm>>
          %dma_start3A_190 = arith.constant 0 : i32
          %dma_start3A_191 = arith.constant 999936 : i32
          %dma_start3A_192 = tpu.memref_slice %arg2[%dma_start3A_190, %dma_start3A_191] : memref<32x1000000xf32, #tpu.memory_space<hbm>> -> memref<32x64xf32, #tpu.memory_space<hbm>>
          tpu.enqueue_dma source(%dma_start3A_192 : memref<32x64xf32, #tpu.memory_space<hbm>>) target(%arg8 : memref<32x64xf32, #tpu.memory_space<vmem>>) target_semaphore(%run_scoped3A : memref<!tpu.dma_semaphore, #tpu.memory_space<semaphore_mem>>)
          %dma_wait3A_193 = arith.constant 0 : i32
          %dma_wait3A_194 = arith.constant 999936 : i32
          %dma_wait3A_195 = tpu.memref_slice %arg2[%dma_wait3A_193, %dma_wait3A_194] : memref<32x1000000xf32, #tpu.memory_space<hbm>> -> memref<32x64xf32, #tpu.memory_space<hbm>>
          %dma_wait3A_196 = arith.constant 0 : i32
          %dma_wait3A_197 = arith.constant 999936 : i32
          %dma_wait3A_198 = tpu.memref_slice %arg2[%dma_wait3A_196, %dma_wait3A_197] : memref<32x1000000xf32, #tpu.memory_space<hbm>> -> memref<32x64xf32, #tpu.memory_space<hbm>>
          tpu.wait_dma2 semaphore(%run_scoped3A : memref<!tpu.dma_semaphore, #tpu.memory_space<semaphore_mem>>) src(%dma_wait3A_198 : memref<32x64xf32, #tpu.memory_space<hbm>>) dst(%arg8 : memref<32x64xf32, #tpu.memory_space<vmem>>)
          tpu.yield
        }) : () -> ()
        %scan3A_181 = arith.constant 0 : i32
        %scan3A_182 = arith.constant 0 : i32
        %scan3A_183 = arith.constant 4 : i32
        %scan3A_184 = arith.addi %scan3A_182, %scan3A_183 : i32
        %scan3A_185 = arith.constant 1 : i32
        scf.for %scan3A_187 = %scan3A_182 to %scan3A_184 step %scan3A_185  : i32 {
          %mul3A_188 = arith.constant 16 : i32
          %mul3A_189 = arith.muli %scan3A_187, %mul3A_188 : i32
          %multiple_of3A_190 = tpu.assume_multiple %mul3A_189, 16 : i32
          %get3A = arith.constant 0 : i32
          %get3A_191 = arith.index_cast %get3A : i32 to index
          %get3A_192 = arith.index_cast %multiple_of3A_190 : i32 to index
          %get3A_193 = tpu.vector_load %arg8[%get3A_191, %get3A_192] {strides = array<i32>} : memref<32x64xf32, #tpu.memory_space<vmem>>, vector<16xf32>,
          %add3A_194 = arith.constant 0 : i32
          %add3A_195 = arith.addi %add3A_194, %multiple_of3A_190 : i32
          %swap3A = arith.index_cast %add3A_195 : i32 to index
          %swap3A_196 = tpu.vector_load %arg9[%swap3A] {strides = array<i32>} : memref<2048xf32, #tpu.memory_space<vmem>>, vector<16xf32>,
          tpu.vector_store %arg9[%swap3A], %get3A_193 {strides = array<i32>} : memref<2048xf32, #tpu.memory_space<vmem>>, vector<16xf32>,
          %get3A_197 = arith.constant 1 : i32
          %get3A_198 = arith.index_cast %get3A_197 : i32 to index
          %get3A_199 = arith.index_cast %multiple_of3A_190 : i32 to index
          %get3A_200 = tpu.vector_load %arg8[%get3A_198, %get3A_199] {strides = array<i32>} : memref<32x64xf32, #tpu.memory_space<vmem>>, vector<16xf32>,
          %add3A_201 = arith.constant 64 : i32
          %add3A_202 = arith.addi %add3A_201, %multiple_of3A_190 : i32
          %swap3A_203 = arith.index_cast %add3A_202 : i32 to index
          %swap3A_204 = tpu.vector_load %arg9[%swap3A_203] {strides = array<i32>} : memref<2048xf32, #tpu.memory_space<vmem>>, vector<16xf32>,
          tpu.vector_store %arg9[%swap3A_203], %get3A_200 {strides = array<i32>} : memref<2048xf32, #tpu.memory_space<vmem>>, vector<16xf32>,
          %get3A_205 = arith.constant 2 : i32
          %get3A_206 = arith.index_cast %get3A_205 : i32 to index
          %get3A_207 = arith.index_cast %multiple_of3A_190 : i32 to index
          %get3A_208 = tpu.vector_load %arg8[%get3A_206, %get3A_207] {strides = array<i32>} : memref<32x64xf32, #tpu.memory_space<vmem>>, vector<16xf32>,
          %add3A_209 = arith.constant 128 : i32
          %add3A_210 = arith.addi %add3A_209, %multiple_of3A_190 : i32
          %swap3A_211 = arith.index_cast %add3A_210 : i32 to index
          %swap3A_212 = tpu.vector_load %arg9[%swap3A_211] {strides = array<i32>} : memref<2048xf32, #tpu.memory_space<vmem>>, vector<16xf32>,
          tpu.vector_store %arg9[%swap3A_211], %get3A_208 {strides = array<i32>} : memref<2048xf32, #tpu.memory_space<vmem>>, vector<16xf32>,
          %get3A_213 = arith.constant 3 : i32
          %get3A_214 = arith.index_cast %get3A_213 : i32 to index
          %get3A_215 = arith.index_cast %multiple_of3A_190 : i32 to index
          %get3A_216 = tpu.vector_load %arg8[%get3A_214, %get3A_215] {strides = array<i32>} : memref<32x64xf32, #tpu.memory_space<vmem>>, vector<16xf32>,
          %add3A_217 = arith.constant 192 : i32
          %add3A_218 = arith.addi %add3A_217, %multiple_of3A_190 : i32
          %swap3A_219 = arith.index_cast %add3A_218 : i32 to index
          %swap3A_220 = tpu.vector_load %arg9[%swap3A_219] {strides = array<i32>} : memref<2048xf32, #tpu.memory_space<vmem>>, vector<16xf32>,
          tpu.vector_store %arg9[%swap3A_219], %get3A_216 {strides = array<i32>} : memref<2048xf32, #tpu.memory_space<vmem>>, vector<16xf32>,
          %get3A_221 = arith.constant 4 : i32
          %get3A_222 = arith.index_cast %get3A_221 : i32 to index
          %get3A_223 = arith.index_cast %multiple_of3A_190 : i32 to index
          %get3A_224 = tpu.vector_load %arg8[%get3A_222, %get3A_223] {strides = array<i32>} : memref<32x64xf32, #tpu.memory_space<vmem>>, vector<16xf32>,
          %add3A_225 = arith.constant 256 : i32
          %add3A_226 = arith.addi %add3A_225, %multiple_of3A_190 : i32
          %swap3A_227 = arith.index_cast %add3A_226 : i32 to index
          %swap3A_228 = tpu.vector_load %arg9[%swap3A_227] {strides = array<i32>} : memref<2048xf32, #tpu.memory_space<vmem>>, vector<16xf32>,
          tpu.vector_store %arg9[%swap3A_227], %get3A_224 {strides = array<i32>} : memref<2048xf32, #tpu.memory_space<vmem>>, vector<16xf32>,
          %get3A_229 = arith.constant 5 : i32
          %get3A_230 = arith.index_cast %get3A_229 : i32 to index
          %get3A_231 = arith.index_cast %multiple_of3A_190 : i32 to index
          %get3A_232 = tpu.vector_load %arg8[%get3A_230, %get3A_231] {strides = array<i32>} : memref<32x64xf32, #tpu.memory_space<vmem>>, vector<16xf32>,
          %add3A_233 = arith.constant 320 : i32
          %add3A_234 = arith.addi %add3A_233, %multiple_of3A_190 : i32
          %swap3A_235 = arith.index_cast %add3A_234 : i32 to index
          %swap3A_236 = tpu.vector_load %arg9[%swap3A_235] {strides = array<i32>} : memref<2048xf32, #tpu.memory_space<vmem>>, vector<16xf32>,
          tpu.vector_store %arg9[%swap3A_235], %get3A_232 {strides = array<i32>} : memref<2048xf32, #tpu.memory_space<vmem>>, vector<16xf32>,
          %get3A_237 = arith.constant 6 : i32
          %get3A_238 = arith.index_cast %get3A_237 : i32 to index
          %get3A_239 = arith.index_cast %multiple_of3A_190 : i32 to index
          %get3A_240 = tpu.vector_load %arg8[%get3A_238, %get3A_239] {strides = array<i32>} : memref<32x64xf32, #tpu.memory_space<vmem>>, vector<16xf32>,
          %add3A_241 = arith.constant 384 : i32
          %add3A_242 = arith.addi %add3A_241, %multiple_of3A_190 : i32
          %swap3A_243 = arith.index_cast %add3A_242 : i32 to index
          %swap3A_244 = tpu.vector_load %arg9[%swap3A_243] {strides = array<i32>} : memref<2048xf32, #tpu.memory_space<vmem>>, vector<16xf32>,
          tpu.vector_store %arg9[%swap3A_243], %get3A_240 {strides = array<i32>} : memref<2048xf32, #tpu.memory_space<vmem>>, vector<16xf32>,
          %get3A_245 = arith.constant 7 : i32
          %get3A_246 = arith.index_cast %get3A_245 : i32 to index
          %get3A_247 = arith.index_cast %multiple_of3A_190 : i32 to index
          %get3A_248 = tpu.vector_load %arg8[%get3A_246, %get3A_247] {strides = array<i32>} : memref<32x64xf32, #tpu.memory_space<vmem>>, vector<16xf32>,
          %add3A_249 = arith.constant 448 : i32
          %add3A_250 = arith.addi %add3A_249, %multiple_of3A_190 : i32
          %swap3A_251 = arith.index_cast %add3A_250 : i32 to index
          %swap3A_252 = tpu.vector_load %arg9[%swap3A_251] {strides = array<i32>} : memref<2048xf32, #tpu.memory_space<vmem>>, vector<16xf32>,
          tpu.vector_store %arg9[%swap3A_251], %get3A_248 {strides = array<i32>} : memref<2048xf32, #tpu.memory_space<vmem>>, vector<16xf32>,
          %get3A_253 = arith.constant 8 : i32
          %get3A_254 = arith.index_cast %get3A_253 : i32 to index
          %get3A_255 = arith.index_cast %multiple_of3A_190 : i32 to index
          %get3A_256 = tpu.vector_load %arg8[%get3A_254, %get3A_255] {strides = array<i32>} : memref<32x64xf32, #tpu.memory_space<vmem>>, vector<16xf32>,
          %add3A_257 = arith.constant 512 : i32
          %add3A_258 = arith.addi %add3A_257, %multiple_of3A_190 : i32
          %swap3A_259 = arith.index_cast %add3A_258 : i32 to index
          %swap3A_260 = tpu.vector_load %arg9[%swap3A_259] {strides = array<i32>} : memref<2048xf32, #tpu.memory_space<vmem>>, vector<16xf32>,
          tpu.vector_store %arg9[%swap3A_259], %get3A_256 {strides = array<i32>} : memref<2048xf32, #tpu.memory_space<vmem>>, vector<16xf32>,
          %get3A_261 = arith.constant 9 : i32
          %get3A_262 = arith.index_cast %get3A_261 : i32 to index
          %get3A_263 = arith.index_cast %multiple_of3A_190 : i32 to index
          %get3A_264 = tpu.vector_load %arg8[%get3A_262, %get3A_263] {strides = array<i32>} : memref<32x64xf32, #tpu.memory_space<vmem>>, vector<16xf32>,
          %add3A_265 = arith.constant 576 : i32
          %add3A_266 = arith.addi %add3A_265, %multiple_of3A_190 : i32
          %swap3A_267 = arith.index_cast %add3A_266 : i32 to index
          %swap3A_268 = tpu.vector_load %arg9[%swap3A_267] {strides = array<i32>} : memref<2048xf32, #tpu.memory_space<vmem>>, vector<16xf32>,
          tpu.vector_store %arg9[%swap3A_267], %get3A_264 {strides = array<i32>} : memref<2048xf32, #tpu.memory_space<vmem>>, vector<16xf32>,
          %get3A_269 = arith.constant 10 : i32
          %get3A_270 = arith.index_cast %get3A_269 : i32 to index
          %get3A_271 = arith.index_cast %multiple_of3A_190 : i32 to index
          %get3A_272 = tpu.vector_load %arg8[%get3A_270, %get3A_271] {strides = array<i32>} : memref<32x64xf32, #tpu.memory_space<vmem>>, vector<16xf32>,
          %add3A_273 = arith.constant 640 : i32
          %add3A_274 = arith.addi %add3A_273, %multiple_of3A_190 : i32
          %swap3A_275 = arith.index_cast %add3A_274 : i32 to index
          %swap3A_276 = tpu.vector_load %arg9[%swap3A_275] {strides = array<i32>} : memref<2048xf32, #tpu.memory_space<vmem>>, vector<16xf32>,
          tpu.vector_store %arg9[%swap3A_275], %get3A_272 {strides = array<i32>} : memref<2048xf32, #tpu.memory_space<vmem>>, vector<16xf32>,
          %get3A_277 = arith.constant 11 : i32
          %get3A_278 = arith.index_cast %get3A_277 : i32 to index
          %get3A_279 = arith.index_cast %multiple_of3A_190 : i32 to index
          %get3A_280 = tpu.vector_load %arg8[%get3A_278, %get3A_279] {strides = array<i32>} : memref<32x64xf32, #tpu.memory_space<vmem>>, vector<16xf32>,
          %add3A_281 = arith.constant 704 : i32
          %add3A_282 = arith.addi %add3A_281, %multiple_of3A_190 : i32
          %swap3A_283 = arith.index_cast %add3A_282 : i32 to index
          %swap3A_284 = tpu.vector_load %arg9[%swap3A_283] {strides = array<i32>} : memref<2048xf32, #tpu.memory_space<vmem>>, vector<16xf32>,
          tpu.vector_store %arg9[%swap3A_283], %get3A_280 {strides = array<i32>} : memref<2048xf32, #tpu.memory_space<vmem>>, vector<16xf32>,
          %get3A_285 = arith.constant 12 : i32
          %get3A_286 = arith.index_cast %get3A_285 : i32 to index
          %get3A_287 = arith.index_cast %multiple_of3A_190 : i32 to index
          %get3A_288 = tpu.vector_load %arg8[%get3A_286, %get3A_287] {strides = array<i32>} : memref<32x64xf32, #tpu.memory_space<vmem>>, vector<16xf32>,
          %add3A_289 = arith.constant 768 : i32
          %add3A_290 = arith.addi %add3A_289, %multiple_of3A_190 : i32
          %swap3A_291 = arith.index_cast %add3A_290 : i32 to index
          %swap3A_292 = tpu.vector_load %arg9[%swap3A_291] {strides = array<i32>} : memref<2048xf32, #tpu.memory_space<vmem>>, vector<16xf32>,
          tpu.vector_store %arg9[%swap3A_291], %get3A_288 {strides = array<i32>} : memref<2048xf32, #tpu.memory_space<vmem>>, vector<16xf32>,
          %get3A_293 = arith.constant 13 : i32
          %get3A_294 = arith.index_cast %get3A_293 : i32 to index
          %get3A_295 = arith.index_cast %multiple_of3A_190 : i32 to index
          %get3A_296 = tpu.vector_load %arg8[%get3A_294, %get3A_295] {strides = array<i32>} : memref<32x64xf32, #tpu.memory_space<vmem>>, vector<16xf32>,
          %add3A_297 = arith.constant 832 : i32
          %add3A_298 = arith.addi %add3A_297, %multiple_of3A_190 : i32
          %swap3A_299 = arith.index_cast %add3A_298 : i32 to index
          %swap3A_300 = tpu.vector_load %arg9[%swap3A_299] {strides = array<i32>} : memref<2048xf32, #tpu.memory_space<vmem>>, vector<16xf32>,
          tpu.vector_store %arg9[%swap3A_299], %get3A_296 {strides = array<i32>} : memref<2048xf32, #tpu.memory_space<vmem>>, vector<16xf32>,
          %get3A_301 = arith.constant 14 : i32
          %get3A_302 = arith.index_cast %get3A_301 : i32 to index
          %get3A_303 = arith.index_cast %multiple_of3A_190 : i32 to index
          %get3A_304 = tpu.vector_load %arg8[%get3A_302, %get3A_303] {strides = array<i32>} : memref<32x64xf32, #tpu.memory_space<vmem>>, vector<16xf32>,
          %add3A_305 = arith.constant 896 : i32
          %add3A_306 = arith.addi %add3A_305, %multiple_of3A_190 : i32
          %swap3A_307 = arith.index_cast %add3A_306 : i32 to index
          %swap3A_308 = tpu.vector_load %arg9[%swap3A_307] {strides = array<i32>} : memref<2048xf32, #tpu.memory_space<vmem>>, vector<16xf32>,
          tpu.vector_store %arg9[%swap3A_307], %get3A_304 {strides = array<i32>} : memref<2048xf32, #tpu.memory_space<vmem>>, vector<16xf32>,
          %get3A_309 = arith.constant 15 : i32
          %get3A_310 = arith.index_cast %get3A_309 : i32 to index
          %get3A_311 = arith.index_cast %multiple_of3A_190 : i32 to index
          %get3A_312 = tpu.vector_load %arg8[%get3A_310, %get3A_311] {strides = array<i32>} : memref<32x64xf32, #tpu.memory_space<vmem>>, vector<16xf32>,
          %add3A_313 = arith.constant 960 : i32
          %add3A_314 = arith.addi %add3A_313, %multiple_of3A_190 : i32
          %swap3A_315 = arith.index_cast %add3A_314 : i32 to index
          %swap3A_316 = tpu.vector_load %arg9[%swap3A_315] {strides = array<i32>} : memref<2048xf32, #tpu.memory_space<vmem>>, vector<16xf32>,
          tpu.vector_store %arg9[%swap3A_315], %get3A_312 {strides = array<i32>} : memref<2048xf32, #tpu.memory_space<vmem>>, vector<16xf32>,
          %get3A_317 = arith.constant 16 : i32
          %get3A_318 = arith.index_cast %get3A_317 : i32 to index
          %get3A_319 = arith.index_cast %multiple_of3A_190 : i32 to index
          %get3A_320 = tpu.vector_load %arg8[%get3A_318, %get3A_319] {strides = array<i32>} : memref<32x64xf32, #tpu.memory_space<vmem>>, vector<16xf32>,
          %add3A_321 = arith.constant 1024 : i32
          %add3A_322 = arith.addi %add3A_321, %multiple_of3A_190 : i32
          %swap3A_323 = arith.index_cast %add3A_322 : i32 to index
          %swap3A_324 = tpu.vector_load %arg9[%swap3A_323] {strides = array<i32>} : memref<2048xf32, #tpu.memory_space<vmem>>, vector<16xf32>,
          tpu.vector_store %arg9[%swap3A_323], %get3A_320 {strides = array<i32>} : memref<2048xf32, #tpu.memory_space<vmem>>, vector<16xf32>,
          %get3A_325 = arith.constant 17 : i32
          %get3A_326 = arith.index_cast %get3A_325 : i32 to index
          %get3A_327 = arith.index_cast %multiple_of3A_190 : i32 to index
          %get3A_328 = tpu.vector_load %arg8[%get3A_326, %get3A_327] {strides = array<i32>} : memref<32x64xf32, #tpu.memory_space<vmem>>, vector<16xf32>,
          %add3A_329 = arith.constant 1088 : i32
          %add3A_330 = arith.addi %add3A_329, %multiple_of3A_190 : i32
          %swap3A_331 = arith.index_cast %add3A_330 : i32 to index
          %swap3A_332 = tpu.vector_load %arg9[%swap3A_331] {strides = array<i32>} : memref<2048xf32, #tpu.memory_space<vmem>>, vector<16xf32>,
          tpu.vector_store %arg9[%swap3A_331], %get3A_328 {strides = array<i32>} : memref<2048xf32, #tpu.memory_space<vmem>>, vector<16xf32>,
          %get3A_333 = arith.constant 18 : i32
          %get3A_334 = arith.index_cast %get3A_333 : i32 to index
          %get3A_335 = arith.index_cast %multiple_of3A_190 : i32 to index
          %get3A_336 = tpu.vector_load %arg8[%get3A_334, %get3A_335] {strides = array<i32>} : memref<32x64xf32, #tpu.memory_space<vmem>>, vector<16xf32>,
          %add3A_337 = arith.constant 1152 : i32
          %add3A_338 = arith.addi %add3A_337, %multiple_of3A_190 : i32
          %swap3A_339 = arith.index_cast %add3A_338 : i32 to index
          %swap3A_340 = tpu.vector_load %arg9[%swap3A_339] {strides = array<i32>} : memref<2048xf32, #tpu.memory_space<vmem>>, vector<16xf32>,
          tpu.vector_store %arg9[%swap3A_339], %get3A_336 {strides = array<i32>} : memref<2048xf32, #tpu.memory_space<vmem>>, vector<16xf32>,
          %get3A_341 = arith.constant 19 : i32
          %get3A_342 = arith.index_cast %get3A_341 : i32 to index
          %get3A_343 = arith.index_cast %multiple_of3A_190 : i32 to index
          %get3A_344 = tpu.vector_load %arg8[%get3A_342, %get3A_343] {strides = array<i32>} : memref<32x64xf32, #tpu.memory_space<vmem>>, vector<16xf32>,
          %add3A_345 = arith.constant 1216 : i32
          %add3A_346 = arith.addi %add3A_345, %multiple_of3A_190 : i32
          %swap3A_347 = arith.index_cast %add3A_346 : i32 to index
          %swap3A_348 = tpu.vector_load %arg9[%swap3A_347] {strides = array<i32>} : memref<2048xf32, #tpu.memory_space<vmem>>, vector<16xf32>,
          tpu.vector_store %arg9[%swap3A_347], %get3A_344 {strides = array<i32>} : memref<2048xf32, #tpu.memory_space<vmem>>, vector<16xf32>,
          %get3A_349 = arith.constant 20 : i32
          %get3A_350 = arith.index_cast %get3A_349 : i32 to index
          %get3A_351 = arith.index_cast %multiple_of3A_190 : i32 to index
          %get3A_352 = tpu.vector_load %arg8[%get3A_350, %get3A_351] {strides = array<i32>} : memref<32x64xf32, #tpu.memory_space<vmem>>, vector<16xf32>,
          %add3A_353 = arith.constant 1280 : i32
          %add3A_354 = arith.addi %add3A_353, %multiple_of3A_190 : i32
          %swap3A_355 = arith.index_cast %add3A_354 : i32 to index
          %swap3A_356 = tpu.vector_load %arg9[%swap3A_355] {strides = array<i32>} : memref<2048xf32, #tpu.memory_space<vmem>>, vector<16xf32>,
          tpu.vector_store %arg9[%swap3A_355], %get3A_352 {strides = array<i32>} : memref<2048xf32, #tpu.memory_space<vmem>>, vector<16xf32>,
          %get3A_357 = arith.constant 21 : i32
          %get3A_358 = arith.index_cast %get3A_357 : i32 to index
          %get3A_359 = arith.index_cast %multiple_of3A_190 : i32 to index
          %get3A_360 = tpu.vector_load %arg8[%get3A_358, %get3A_359] {strides = array<i32>} : memref<32x64xf32, #tpu.memory_space<vmem>>, vector<16xf32>,
          %add3A_361 = arith.constant 1344 : i32
          %add3A_362 = arith.addi %add3A_361, %multiple_of3A_190 : i32
          %swap3A_363 = arith.index_cast %add3A_362 : i32 to index
          %swap3A_364 = tpu.vector_load %arg9[%swap3A_363] {strides = array<i32>} : memref<2048xf32, #tpu.memory_space<vmem>>, vector<16xf32>,
          tpu.vector_store %arg9[%swap3A_363], %get3A_360 {strides = array<i32>} : memref<2048xf32, #tpu.memory_space<vmem>>, vector<16xf32>,
          %get3A_365 = arith.constant 22 : i32
          %get3A_366 = arith.index_cast %get3A_365 : i32 to index
          %get3A_367 = arith.index_cast %multiple_of3A_190 : i32 to index
          %get3A_368 = tpu.vector_load %arg8[%get3A_366, %get3A_367] {strides = array<i32>} : memref<32x64xf32, #tpu.memory_space<vmem>>, vector<16xf32>,
          %add3A_369 = arith.constant 1408 : i32
          %add3A_370 = arith.addi %add3A_369, %multiple_of3A_190 : i32
          %swap3A_371 = arith.index_cast %add3A_370 : i32 to index
          %swap3A_372 = tpu.vector_load %arg9[%swap3A_371] {strides = array<i32>} : memref<2048xf32, #tpu.memory_space<vmem>>, vector<16xf32>,
          tpu.vector_store %arg9[%swap3A_371], %get3A_368 {strides = array<i32>} : memref<2048xf32, #tpu.memory_space<vmem>>, vector<16xf32>,
          %get3A_373 = arith.constant 23 : i32
          %get3A_374 = arith.index_cast %get3A_373 : i32 to index
          %get3A_375 = arith.index_cast %multiple_of3A_190 : i32 to index
          %get3A_376 = tpu.vector_load %arg8[%get3A_374, %get3A_375] {strides = array<i32>} : memref<32x64xf32, #tpu.memory_space<vmem>>, vector<16xf32>,
          %add3A_377 = arith.constant 1472 : i32
          %add3A_378 = arith.addi %add3A_377, %multiple_of3A_190 : i32
          %swap3A_379 = arith.index_cast %add3A_378 : i32 to index
          %swap3A_380 = tpu.vector_load %arg9[%swap3A_379] {strides = array<i32>} : memref<2048xf32, #tpu.memory_space<vmem>>, vector<16xf32>,
          tpu.vector_store %arg9[%swap3A_379], %get3A_376 {strides = array<i32>} : memref<2048xf32, #tpu.memory_space<vmem>>, vector<16xf32>,
          %get3A_381 = arith.constant 24 : i32
          %get3A_382 = arith.index_cast %get3A_381 : i32 to index
          %get3A_383 = arith.index_cast %multiple_of3A_190 : i32 to index
          %get3A_384 = tpu.vector_load %arg8[%get3A_382, %get3A_383] {strides = array<i32>} : memref<32x64xf32, #tpu.memory_space<vmem>>, vector<16xf32>,
          %add3A_385 = arith.constant 1536 : i32
          %add3A_386 = arith.addi %add3A_385, %multiple_of3A_190 : i32
          %swap3A_387 = arith.index_cast %add3A_386 : i32 to index
          %swap3A_388 = tpu.vector_load %arg9[%swap3A_387] {strides = array<i32>} : memref<2048xf32, #tpu.memory_space<vmem>>, vector<16xf32>,
          tpu.vector_store %arg9[%swap3A_387], %get3A_384 {strides = array<i32>} : memref<2048xf32, #tpu.memory_space<vmem>>, vector<16xf32>,
          %get3A_389 = arith.constant 25 : i32
          %get3A_390 = arith.index_cast %get3A_389 : i32 to index
          %get3A_391 = arith.index_cast %multiple_of3A_190 : i32 to index
          %get3A_392 = tpu.vector_load %arg8[%get3A_390, %get3A_391] {strides = array<i32>} : memref<32x64xf32, #tpu.memory_space<vmem>>, vector<16xf32>,
          %add3A_393 = arith.constant 1600 : i32
          %add3A_394 = arith.addi %add3A_393, %multiple_of3A_190 : i32
          %swap3A_395 = arith.index_cast %add3A_394 : i32 to index
          %swap3A_396 = tpu.vector_load %arg9[%swap3A_395] {strides = array<i32>} : memref<2048xf32, #tpu.memory_space<vmem>>, vector<16xf32>,
          tpu.vector_store %arg9[%swap3A_395], %get3A_392 {strides = array<i32>} : memref<2048xf32, #tpu.memory_space<vmem>>, vector<16xf32>,
          %get3A_397 = arith.constant 26 : i32
          %get3A_398 = arith.index_cast %get3A_397 : i32 to index
          %get3A_399 = arith.index_cast %multiple_of3A_190 : i32 to index
          %get3A_400 = tpu.vector_load %arg8[%get3A_398, %get3A_399] {strides = array<i32>} : memref<32x64xf32, #tpu.memory_space<vmem>>, vector<16xf32>,
          %add3A_401 = arith.constant 1664 : i32
          %add3A_402 = arith.addi %add3A_401, %multiple_of3A_190 : i32
          %swap3A_403 = arith.index_cast %add3A_402 : i32 to index
          %swap3A_404 = tpu.vector_load %arg9[%swap3A_403] {strides = array<i32>} : memref<2048xf32, #tpu.memory_space<vmem>>, vector<16xf32>,
          tpu.vector_store %arg9[%swap3A_403], %get3A_400 {strides = array<i32>} : memref<2048xf32, #tpu.memory_space<vmem>>, vector<16xf32>,
          %get3A_405 = arith.constant 27 : i32
          %get3A_406 = arith.index_cast %get3A_405 : i32 to index
          %get3A_407 = arith.index_cast %multiple_of3A_190 : i32 to index
          %get3A_408 = tpu.vector_load %arg8[%get3A_406, %get3A_407] {strides = array<i32>} : memref<32x64xf32, #tpu.memory_space<vmem>>, vector<16xf32>,
          %add3A_409 = arith.constant 1728 : i32
          %add3A_410 = arith.addi %add3A_409, %multiple_of3A_190 : i32
          %swap3A_411 = arith.index_cast %add3A_410 : i32 to index
          %swap3A_412 = tpu.vector_load %arg9[%swap3A_411] {strides = array<i32>} : memref<2048xf32, #tpu.memory_space<vmem>>, vector<16xf32>,
          tpu.vector_store %arg9[%swap3A_411], %get3A_408 {strides = array<i32>} : memref<2048xf32, #tpu.memory_space<vmem>>, vector<16xf32>,
          %get3A_413 = arith.constant 28 : i32
          %get3A_414 = arith.index_cast %get3A_413 : i32 to index
          %get3A_415 = arith.index_cast %multiple_of3A_190 : i32 to index
          %get3A_416 = tpu.vector_load %arg8[%get3A_414, %get3A_415] {strides = array<i32>} : memref<32x64xf32, #tpu.memory_space<vmem>>, vector<16xf32>,
          %add3A_417 = arith.constant 1792 : i32
          %add3A_418 = arith.addi %add3A_417, %multiple_of3A_190 : i32
          %swap3A_419 = arith.index_cast %add3A_418 : i32 to index
          %swap3A_420 = tpu.vector_load %arg9[%swap3A_419] {strides = array<i32>} : memref<2048xf32, #tpu.memory_space<vmem>>, vector<16xf32>,
          tpu.vector_store %arg9[%swap3A_419], %get3A_416 {strides = array<i32>} : memref<2048xf32, #tpu.memory_space<vmem>>, vector<16xf32>,
          %get3A_421 = arith.constant 29 : i32
          %get3A_422 = arith.index_cast %get3A_421 : i32 to index
          %get3A_423 = arith.index_cast %multiple_of3A_190 : i32 to index
          %get3A_424 = tpu.vector_load %arg8[%get3A_422, %get3A_423] {strides = array<i32>} : memref<32x64xf32, #tpu.memory_space<vmem>>, vector<16xf32>,
          %add3A_425 = arith.constant 1856 : i32
          %add3A_426 = arith.addi %add3A_425, %multiple_of3A_190 : i32
          %swap3A_427 = arith.index_cast %add3A_426 : i32 to index
          %swap3A_428 = tpu.vector_load %arg9[%swap3A_427] {strides = array<i32>} : memref<2048xf32, #tpu.memory_space<vmem>>, vector<16xf32>,
          tpu.vector_store %arg9[%swap3A_427], %get3A_424 {strides = array<i32>} : memref<2048xf32, #tpu.memory_space<vmem>>, vector<16xf32>,
          %get3A_429 = arith.constant 30 : i32
          %get3A_430 = arith.index_cast %get3A_429 : i32 to index
          %get3A_431 = arith.index_cast %multiple_of3A_190 : i32 to index
          %get3A_432 = tpu.vector_load %arg8[%get3A_430, %get3A_431] {strides = array<i32>} : memref<32x64xf32, #tpu.memory_space<vmem>>, vector<16xf32>,
          %add3A_433 = arith.constant 1920 : i32
          %add3A_434 = arith.addi %add3A_433, %multiple_of3A_190 : i32
          %swap3A_435 = arith.index_cast %add3A_434 : i32 to index
          %swap3A_436 = tpu.vector_load %arg9[%swap3A_435] {strides = array<i32>} : memref<2048xf32, #tpu.memory_space<vmem>>, vector<16xf32>,
          tpu.vector_store %arg9[%swap3A_435], %get3A_432 {strides = array<i32>} : memref<2048xf32, #tpu.memory_space<vmem>>, vector<16xf32>,
          %get3A_437 = arith.constant 31 : i32
          %get3A_438 = arith.index_cast %get3A_437 : i32 to index
          %get3A_439 = arith.index_cast %multiple_of3A_190 : i32 to index
          %get3A_440 = tpu.vector_load %arg8[%get3A_438, %get3A_439] {strides = array<i32>} : memref<32x64xf32, #tpu.memory_space<vmem>>, vector<16xf32>,
          %add3A_441 = arith.constant 1984 : i32
          %add3A_442 = arith.addi %add3A_441, %multiple_of3A_190 : i32
          %swap3A_443 = arith.index_cast %add3A_442 : i32 to index
          %swap3A_444 = tpu.vector_load %arg9[%swap3A_443] {strides = array<i32>} : memref<2048xf32, #tpu.memory_space<vmem>>, vector<16xf32>,
          tpu.vector_store %arg9[%swap3A_443], %get3A_440 {strides = array<i32>} : memref<2048xf32, #tpu.memory_space<vmem>>, vector<16xf32>,
        }
        %scan3A_186 = arith.constant 4 : i32
        "tpu.region"() ({
          %run_scoped3A = tpu.sem_alloc : memref<!tpu.dma_semaphore, #tpu.memory_space<semaphore_mem>>
          %dma_start3A_187 = arith.constant 31997952 : i32
          %dma_start3A_188 = tpu.memref_slice %arg4[%dma_start3A_187] : memref<32000000xf32, #tpu.memory_space<hbm>> -> memref<2048xf32, #tpu.memory_space<hbm>>
          %dma_start3A_189 = arith.constant 31997952 : i32
          %dma_start3A_190 = tpu.memref_slice %arg4[%dma_start3A_189] : memref<32000000xf32, #tpu.memory_space<hbm>> -> memref<2048xf32, #tpu.memory_space<hbm>>
          tpu.enqueue_dma source(%arg9 : memref<2048xf32, #tpu.memory_space<vmem>>) target(%dma_start3A_190 : memref<2048xf32, #tpu.memory_space<hbm>>) target_semaphore(%run_scoped3A : memref<!tpu.dma_semaphore, #tpu.memory_space<semaphore_mem>>)
          %dma_wait3A_191 = arith.constant 31997952 : i32
          %dma_wait3A_192 = tpu.memref_slice %arg4[%dma_wait3A_191] : memref<32000000xf32, #tpu.memory_space<hbm>> -> memref<2048xf32, #tpu.memory_space<hbm>>
          %dma_wait3A_193 = arith.constant 31997952 : i32
          %dma_wait3A_194 = tpu.memref_slice %arg4[%dma_wait3A_193] : memref<32000000xf32, #tpu.memory_space<hbm>> -> memref<2048xf32, #tpu.memory_space<hbm>>
          tpu.wait_dma2 semaphore(%run_scoped3A : memref<!tpu.dma_semaphore, #tpu.memory_space<semaphore_mem>>) src(%arg9 : memref<2048xf32, #tpu.memory_space<vmem>>) dst(%dma_wait3A_194 : memref<2048xf32, #tpu.memory_space<hbm>>)
          tpu.yield
        }) : () -> ()
      } else {
      }
    } else {
    }
    %eq3A_2 = arith.constant 1 : i32
    %eq3A_3 = arith.cmpi eq, %arg0, %eq3A_2 : i32
    %convert_element_type3A_4 = arith.extui %eq3A_3 : i1 to i32
    %cond3A_5 = arith.constant 0 : i32
    %cond3A_6 = arith.cmpi ne, %convert_element_type3A_4, %cond3A_5 : i32
    scf.if %cond3A_6 {
      %jit3A = arith.constant 4 : i32
      %div3A = arith.divsi %arg1, %jit3A : i32
      %sign3A = arith.constant 0 : i32
      %sign3A_7 = arith.cmpi sgt, %arg1, %sign3A : i32
      %sign3A_8 = arith.extui %sign3A_7 : i1 to i32
      %sign3A_9 = arith.constant 0 : i32
      %sign3A_10 = arith.cmpi slt, %arg1, %sign3A_9 : i32
      %sign3A_11 = arith.extui %sign3A_10 : i1 to i32
      %sign3A_12 = arith.subi %sign3A_8, %sign3A_11 : i32
      %sign3A_13 = arith.constant 0 : i32
      %sign3A_14 = arith.cmpi sgt, %jit3A, %sign3A_13 : i32
      %sign3A_15 = arith.extui %sign3A_14 : i1 to i32
      %sign3A_16 = arith.constant 0 : i32
      %sign3A_17 = arith.cmpi slt, %jit3A, %sign3A_16 : i32
      %sign3A_18 = arith.extui %sign3A_17 : i1 to i32
      %sign3A_19 = arith.subi %sign3A_15, %sign3A_18 : i32
      %ne3A = arith.cmpi ne, %sign3A_12, %sign3A_19 : i32
      %rem3A = arith.remsi %arg1, %jit3A : i32
      %ne3A_20 = arith.constant 0 : i32
      %ne3A_21 = arith.cmpi ne, %rem3A, %ne3A_20 : i32
      %and3A = arith.andi %ne3A, %ne3A_21 : i1
      %sub3A = arith.constant 1 : i32
      %sub3A_22 = arith.subi %div3A, %sub3A : i32
      %select_n3A = arith.select %and3A, %sub3A_22, %div3A : i32
      %jit3A_23 = arith.constant 4 : i32
      %eq3A_24 = arith.constant 0 : i32
      %eq3A_25 = arith.cmpi eq, %jit3A_23, %eq3A_24 : i32
      %jit3A_26 = arith.constant 1 : i32
      %select_n3A_27 = arith.select %eq3A_25, %jit3A_26, %jit3A_23 : i32
      %rem3A_28 = arith.remsi %arg1, %select_n3A_27 : i32
      %ne3A_29 = arith.constant 0 : i32
      %ne3A_30 = arith.cmpi ne, %rem3A_28, %ne3A_29 : i32
      %lt3A = arith.constant 0 : i32
      %lt3A_31 = arith.cmpi slt, %rem3A_28, %lt3A : i32
      %lt3A_32 = arith.constant 0 : i32
      %lt3A_33 = arith.cmpi slt, %select_n3A_27, %lt3A_32 : i32
      %ne3A_34 = arith.xori %lt3A_31, %lt3A_33 : i1
      %and3A_35 = arith.andi %ne3A_34, %ne3A_30 : i1
      %add3A = arith.addi %rem3A_28, %select_n3A_27 : i32
      %select_n3A_36 = arith.select %and3A_35, %add3A, %rem3A_28 : i32
      %mul3A = arith.constant 8 : i32
      %mul3A_37 = arith.muli %select_n3A, %mul3A : i32
      %multiple_of3A = tpu.assume_multiple %mul3A_37, 8 : i32
      %scan3A = arith.constant 0 : i32
      %scan3A_38 = arith.constant 0 : i32
      %scan3A_39 = arith.constant 63 : i32
      %scan3A_40 = arith.addi %scan3A_38, %scan3A_39 : i32
      %scan3A_41 = arith.constant 1 : i32
      scf.for %scan3A_181 = %scan3A_38 to %scan3A_40 step %scan3A_41  : i32 {
        %mul3A_182 = arith.constant 249984 : i32
        %mul3A_183 = arith.muli %select_n3A_36, %mul3A_182 : i32
        %mul3A_184 = arith.constant 3968 : i32
        %mul3A_185 = arith.muli %scan3A_181, %mul3A_184 : i32
        %add3A_186 = arith.addi %mul3A_183, %mul3A_185 : i32
        %multiple_of3A_187 = tpu.assume_multiple %add3A_186, 128 : i32
        %jit3A_188 = arith.constant 2 : i32
        %eq3A_189 = arith.constant 0 : i32
        %eq3A_190 = arith.cmpi eq, %jit3A_188, %eq3A_189 : i32
        %jit3A_191 = arith.constant 1 : i32
        %select_n3A_192 = arith.select %eq3A_190, %jit3A_191, %jit3A_188 : i32
        %rem3A_193 = arith.remsi %scan3A_181, %select_n3A_192 : i32
        %ne3A_194 = arith.constant 0 : i32
        %ne3A_195 = arith.cmpi ne, %rem3A_193, %ne3A_194 : i32
        %lt3A_196 = arith.constant 0 : i32
        %lt3A_197 = arith.cmpi slt, %rem3A_193, %lt3A_196 : i32
        %lt3A_198 = arith.constant 0 : i32
        %lt3A_199 = arith.cmpi slt, %select_n3A_192, %lt3A_198 : i32
        %ne3A_200 = arith.xori %lt3A_197, %lt3A_199 : i1
        %and3A_201 = arith.andi %ne3A_200, %ne3A_195 : i1
        %add3A_202 = arith.addi %rem3A_193, %select_n3A_192 : i32
        %select_n3A_203 = arith.select %and3A_201, %add3A_202, %rem3A_193 : i32
        %eq3A_204 = arith.constant 0 : i32
        %eq3A_205 = arith.cmpi eq, %select_n3A_203, %eq3A_204 : i32
        %convert_element_type3A_206 = arith.extui %eq3A_205 : i1 to i32
        %cond3A_207 = arith.constant 0 : i32
        %cond3A_208 = arith.cmpi ne, %convert_element_type3A_206, %cond3A_207 : i32
        scf.if %cond3A_208 {
          %ge3A = arith.constant 2 : i32
          %ge3A_230 = arith.cmpi sge, %scan3A_181, %ge3A : i32
          %convert_element_type3A_231 = arith.extui %ge3A_230 : i1 to i32
          %cond3A_232 = arith.constant 0 : i32
          %cond3A_233 = arith.cmpi ne, %convert_element_type3A_231, %cond3A_232 : i32
          scf.if %cond3A_233 {
            %dma_wait3A_241 = arith.constant 0 : i32
            %dma_wait3A_242 = arith.constant 0 : i32
            %dma_wait3A_243 = tpu.memref_slice %arg3[%dma_wait3A_241, %dma_wait3A_242] : memref<32x1000000xf32, #tpu.memory_space<hbm>> -> memref<8x3968xf32, #tpu.memory_space<hbm>>
            %dma_wait3A_244 = arith.constant 0 : i32
            %dma_wait3A_245 = arith.constant 0 : i32
            %dma_wait3A_246 = tpu.memref_slice %arg3[%dma_wait3A_244, %dma_wait3A_245] : memref<32x1000000xf32, #tpu.memory_space<hbm>> -> memref<8x3968xf32, #tpu.memory_space<hbm>>
            tpu.wait_dma2 semaphore(%arg12 : memref<!tpu.dma_semaphore, #tpu.memory_space<semaphore_mem>>) src(%dma_wait3A_246 : memref<8x3968xf32, #tpu.memory_space<hbm>>) dst(%arg6 : memref<8x3968xf32, #tpu.memory_space<vmem>>)
          } else {
          }
          %dma_start3A_234 = tpu.memref_slice %arg3[%multiple_of3A, %multiple_of3A_187] : memref<32x1000000xf32, #tpu.memory_space<hbm>> -> memref<8x3968xf32, #tpu.memory_space<hbm>>
          %dma_start3A_235 = tpu.memref_slice %arg3[%multiple_of3A, %multiple_of3A_187] : memref<32x1000000xf32, #tpu.memory_space<hbm>> -> memref<8x3968xf32, #tpu.memory_space<hbm>>
          tpu.enqueue_dma source(%dma_start3A_235 : memref<8x3968xf32, #tpu.memory_space<hbm>>) target(%arg6 : memref<8x3968xf32, #tpu.memory_space<vmem>>) target_semaphore(%arg10 : memref<!tpu.dma_semaphore, #tpu.memory_space<semaphore_mem>>)
          %ge3A_236 = arith.constant 1 : i32
          %ge3A_237 = arith.cmpi sge, %scan3A_181, %ge3A_236 : i32
          %convert_element_type3A_238 = arith.extui %ge3A_237 : i1 to i32
          %cond3A_239 = arith.constant 0 : i32
          %cond3A_240 = arith.cmpi ne, %convert_element_type3A_238, %cond3A_239 : i32
          scf.if %cond3A_240 {
            %dma_wait3A_241 = arith.constant 0 : i32
            %dma_wait3A_242 = arith.constant 0 : i32
            %dma_wait3A_243 = tpu.memref_slice %arg3[%dma_wait3A_241, %dma_wait3A_242] : memref<32x1000000xf32, #tpu.memory_space<hbm>> -> memref<8x3968xf32, #tpu.memory_space<hbm>>
            %dma_wait3A_244 = arith.constant 0 : i32
            %dma_wait3A_245 = arith.constant 0 : i32
            %dma_wait3A_246 = tpu.memref_slice %arg3[%dma_wait3A_244, %dma_wait3A_245] : memref<32x1000000xf32, #tpu.memory_space<hbm>> -> memref<8x3968xf32, #tpu.memory_space<hbm>>
            tpu.wait_dma2 semaphore(%arg11 : memref<!tpu.dma_semaphore, #tpu.memory_space<semaphore_mem>>) src(%dma_wait3A_246 : memref<8x3968xf32, #tpu.memory_space<hbm>>) dst(%arg7 : memref<8x3968xf32, #tpu.memory_space<vmem>>)
            %sub3A_247 = arith.constant 1 : i32
            %sub3A_248 = arith.subi %scan3A_181, %sub3A_247 : i32
            %mul3A_249 = arith.constant 249984 : i32
            %mul3A_250 = arith.muli %select_n3A_36, %mul3A_249 : i32
            %mul3A_251 = arith.constant 3968 : i32
            %mul3A_252 = arith.muli %sub3A_248, %mul3A_251 : i32
            %add3A_253 = arith.addi %mul3A_250, %mul3A_252 : i32
            %multiple_of3A_254 = tpu.assume_multiple %add3A_253, 128 : i32
            %add3A_255 = arith.constant 0 : i32
            %add3A_256 = arith.addi %multiple_of3A, %add3A_255 : i32
            %mul3A_257 = arith.constant 999936 : i32
            %mul3A_258 = arith.muli %add3A_256, %mul3A_257 : i32
            %add3A_259 = arith.addi %mul3A_258, %multiple_of3A_254 : i32
            %dma_start3A_260 = arith.constant 0 : i32
            %dma_start3A_261 = arith.constant 0 : i32
            %dma_start3A_262 = tpu.memref_slice %arg7[%dma_start3A_260, %dma_start3A_261] : memref<8x3968xf32, #tpu.memory_space<vmem>> -> memref<1x3968xf32, #tpu.memory_space<vmem>>
            %dma_start3A_263 = tpu.memref_squeeze %dma_start3A_262 : memref<1x3968xf32, #tpu.memory_space<vmem>> -> memref<3968xf32, #tpu.memory_space<vmem>>
            %dma_start3A_264 = tpu.memref_slice %arg5[%add3A_259] : memref<32000000xf32, #tpu.memory_space<hbm>> -> memref<3968xf32, #tpu.memory_space<hbm>>
            %dma_start3A_265 = tpu.memref_slice %arg5[%add3A_259] : memref<32000000xf32, #tpu.memory_space<hbm>> -> memref<3968xf32, #tpu.memory_space<hbm>>
            %dma_start3A_266 = arith.constant 0 : i32
            %dma_start3A_267 = tpu.memref_slice %arg7[%dma_start3A_260, %dma_start3A_266] : memref<8x3968xf32, #tpu.memory_space<vmem>> -> memref<1x3968xf32, #tpu.memory_space<vmem>>
            %dma_start3A_268 = tpu.memref_squeeze %dma_start3A_267 : memref<1x3968xf32, #tpu.memory_space<vmem>> -> memref<3968xf32, #tpu.memory_space<vmem>>
            tpu.enqueue_dma source(%dma_start3A_268 : memref<3968xf32, #tpu.memory_space<vmem>>) target(%dma_start3A_265 : memref<3968xf32, #tpu.memory_space<hbm>>) target_semaphore(%arg13 : memref<!tpu.dma_semaphore, #tpu.memory_space<semaphore_mem>>)
            %add3A_269 = arith.constant 1 : i32
            %add3A_270 = arith.addi %multiple_of3A, %add3A_269 : i32
            %mul3A_271 = arith.constant 999936 : i32
            %mul3A_272 = arith.muli %add3A_270, %mul3A_271 : i32
            %add3A_273 = arith.addi %mul3A_272, %multiple_of3A_254 : i32
            %dma_start3A_274 = arith.constant 1 : i32
            %dma_start3A_275 = arith.constant 0 : i32
            %dma_start3A_276 = tpu.memref_slice %arg7[%dma_start3A_274, %dma_start3A_275] : memref<8x3968xf32, #tpu.memory_space<vmem>> -> memref<1x3968xf32, #tpu.memory_space<vmem>>
            %dma_start3A_277 = tpu.memref_squeeze %dma_start3A_276 : memref<1x3968xf32, #tpu.memory_space<vmem>> -> memref<3968xf32, #tpu.memory_space<vmem>>
            %dma_start3A_278 = tpu.memref_slice %arg5[%add3A_273] : memref<32000000xf32, #tpu.memory_space<hbm>> -> memref<3968xf32, #tpu.memory_space<hbm>>
            %dma_start3A_279 = tpu.memref_slice %arg5[%add3A_273] : memref<32000000xf32, #tpu.memory_space<hbm>> -> memref<3968xf32, #tpu.memory_space<hbm>>
            %dma_start3A_280 = arith.constant 0 : i32
            %dma_start3A_281 = tpu.memref_slice %arg7[%dma_start3A_274, %dma_start3A_280] : memref<8x3968xf32, #tpu.memory_space<vmem>> -> memref<1x3968xf32, #tpu.memory_space<vmem>>
            %dma_start3A_282 = tpu.memref_squeeze %dma_start3A_281 : memref<1x3968xf32, #tpu.memory_space<vmem>> -> memref<3968xf32, #tpu.memory_space<vmem>>
            tpu.enqueue_dma source(%dma_start3A_282 : memref<3968xf32, #tpu.memory_space<vmem>>) target(%dma_start3A_279 : memref<3968xf32, #tpu.memory_space<hbm>>) target_semaphore(%arg13 : memref<!tpu.dma_semaphore, #tpu.memory_space<semaphore_mem>>)
            %add3A_283 = arith.constant 2 : i32
            %add3A_284 = arith.addi %multiple_of3A, %add3A_283 : i32
            %mul3A_285 = arith.constant 999936 : i32
            %mul3A_286 = arith.muli %add3A_284, %mul3A_285 : i32
            %add3A_287 = arith.addi %mul3A_286, %multiple_of3A_254 : i32
            %dma_start3A_288 = arith.constant 2 : i32
            %dma_start3A_289 = arith.constant 0 : i32
            %dma_start3A_290 = tpu.memref_slice %arg7[%dma_start3A_288, %dma_start3A_289] : memref<8x3968xf32, #tpu.memory_space<vmem>> -> memref<1x3968xf32, #tpu.memory_space<vmem>>
            %dma_start3A_291 = tpu.memref_squeeze %dma_start3A_290 : memref<1x3968xf32, #tpu.memory_space<vmem>> -> memref<3968xf32, #tpu.memory_space<vmem>>
            %dma_start3A_292 = tpu.memref_slice %arg5[%add3A_287] : memref<32000000xf32, #tpu.memory_space<hbm>> -> memref<3968xf32, #tpu.memory_space<hbm>>
            %dma_start3A_293 = tpu.memref_slice %arg5[%add3A_287] : memref<32000000xf32, #tpu.memory_space<hbm>> -> memref<3968xf32, #tpu.memory_space<hbm>>
            %dma_start3A_294 = arith.constant 0 : i32
            %dma_start3A_295 = tpu.memref_slice %arg7[%dma_start3A_288, %dma_start3A_294] : memref<8x3968xf32, #tpu.memory_space<vmem>> -> memref<1x3968xf32, #tpu.memory_space<vmem>>
            %dma_start3A_296 = tpu.memref_squeeze %dma_start3A_295 : memref<1x3968xf32, #tpu.memory_space<vmem>> -> memref<3968xf32, #tpu.memory_space<vmem>>
            tpu.enqueue_dma source(%dma_start3A_296 : memref<3968xf32, #tpu.memory_space<vmem>>) target(%dma_start3A_293 : memref<3968xf32, #tpu.memory_space<hbm>>) target_semaphore(%arg13 : memref<!tpu.dma_semaphore, #tpu.memory_space<semaphore_mem>>)
            %add3A_297 = arith.constant 3 : i32
            %add3A_298 = arith.addi %multiple_of3A, %add3A_297 : i32
            %mul3A_299 = arith.constant 999936 : i32
            %mul3A_300 = arith.muli %add3A_298, %mul3A_299 : i32
            %add3A_301 = arith.addi %mul3A_300, %multiple_of3A_254 : i32
            %dma_start3A_302 = arith.constant 3 : i32
            %dma_start3A_303 = arith.constant 0 : i32
            %dma_start3A_304 = tpu.memref_slice %arg7[%dma_start3A_302, %dma_start3A_303] : memref<8x3968xf32, #tpu.memory_space<vmem>> -> memref<1x3968xf32, #tpu.memory_space<vmem>>
            %dma_start3A_305 = tpu.memref_squeeze %dma_start3A_304 : memref<1x3968xf32, #tpu.memory_space<vmem>> -> memref<3968xf32, #tpu.memory_space<vmem>>
            %dma_start3A_306 = tpu.memref_slice %arg5[%add3A_301] : memref<32000000xf32, #tpu.memory_space<hbm>> -> memref<3968xf32, #tpu.memory_space<hbm>>
            %dma_start3A_307 = tpu.memref_slice %arg5[%add3A_301] : memref<32000000xf32, #tpu.memory_space<hbm>> -> memref<3968xf32, #tpu.memory_space<hbm>>
            %dma_start3A_308 = arith.constant 0 : i32
            %dma_start3A_309 = tpu.memref_slice %arg7[%dma_start3A_302, %dma_start3A_308] : memref<8x3968xf32, #tpu.memory_space<vmem>> -> memref<1x3968xf32, #tpu.memory_space<vmem>>
            %dma_start3A_310 = tpu.memref_squeeze %dma_start3A_309 : memref<1x3968xf32, #tpu.memory_space<vmem>> -> memref<3968xf32, #tpu.memory_space<vmem>>
            tpu.enqueue_dma source(%dma_start3A_310 : memref<3968xf32, #tpu.memory_space<vmem>>) target(%dma_start3A_307 : memref<3968xf32, #tpu.memory_space<hbm>>) target_semaphore(%arg13 : memref<!tpu.dma_semaphore, #tpu.memory_space<semaphore_mem>>)
            %add3A_311 = arith.constant 4 : i32
            %add3A_312 = arith.addi %multiple_of3A, %add3A_311 : i32
            %mul3A_313 = arith.constant 999936 : i32
            %mul3A_314 = arith.muli %add3A_312, %mul3A_313 : i32
            %add3A_315 = arith.addi %mul3A_314, %multiple_of3A_254 : i32
            %dma_start3A_316 = arith.constant 4 : i32
            %dma_start3A_317 = arith.constant 0 : i32
            %dma_start3A_318 = tpu.memref_slice %arg7[%dma_start3A_316, %dma_start3A_317] : memref<8x3968xf32, #tpu.memory_space<vmem>> -> memref<1x3968xf32, #tpu.memory_space<vmem>>
            %dma_start3A_319 = tpu.memref_squeeze %dma_start3A_318 : memref<1x3968xf32, #tpu.memory_space<vmem>> -> memref<3968xf32, #tpu.memory_space<vmem>>
            %dma_start3A_320 = tpu.memref_slice %arg5[%add3A_315] : memref<32000000xf32, #tpu.memory_space<hbm>> -> memref<3968xf32, #tpu.memory_space<hbm>>
            %dma_start3A_321 = tpu.memref_slice %arg5[%add3A_315] : memref<32000000xf32, #tpu.memory_space<hbm>> -> memref<3968xf32, #tpu.memory_space<hbm>>
            %dma_start3A_322 = arith.constant 0 : i32
            %dma_start3A_323 = tpu.memref_slice %arg7[%dma_start3A_316, %dma_start3A_322] : memref<8x3968xf32, #tpu.memory_space<vmem>> -> memref<1x3968xf32, #tpu.memory_space<vmem>>
            %dma_start3A_324 = tpu.memref_squeeze %dma_start3A_323 : memref<1x3968xf32, #tpu.memory_space<vmem>> -> memref<3968xf32, #tpu.memory_space<vmem>>
            tpu.enqueue_dma source(%dma_start3A_324 : memref<3968xf32, #tpu.memory_space<vmem>>) target(%dma_start3A_321 : memref<3968xf32, #tpu.memory_space<hbm>>) target_semaphore(%arg13 : memref<!tpu.dma_semaphore, #tpu.memory_space<semaphore_mem>>)
            %add3A_325 = arith.constant 5 : i32
            %add3A_326 = arith.addi %multiple_of3A, %add3A_325 : i32
            %mul3A_327 = arith.constant 999936 : i32
            %mul3A_328 = arith.muli %add3A_326, %mul3A_327 : i32
            %add3A_329 = arith.addi %mul3A_328, %multiple_of3A_254 : i32
            %dma_start3A_330 = arith.constant 5 : i32
            %dma_start3A_331 = arith.constant 0 : i32
            %dma_start3A_332 = tpu.memref_slice %arg7[%dma_start3A_330, %dma_start3A_331] : memref<8x3968xf32, #tpu.memory_space<vmem>> -> memref<1x3968xf32, #tpu.memory_space<vmem>>
            %dma_start3A_333 = tpu.memref_squeeze %dma_start3A_332 : memref<1x3968xf32, #tpu.memory_space<vmem>> -> memref<3968xf32, #tpu.memory_space<vmem>>
            %dma_start3A_334 = tpu.memref_slice %arg5[%add3A_329] : memref<32000000xf32, #tpu.memory_space<hbm>> -> memref<3968xf32, #tpu.memory_space<hbm>>
            %dma_start3A_335 = tpu.memref_slice %arg5[%add3A_329] : memref<32000000xf32, #tpu.memory_space<hbm>> -> memref<3968xf32, #tpu.memory_space<hbm>>
            %dma_start3A_336 = arith.constant 0 : i32
            %dma_start3A_337 = tpu.memref_slice %arg7[%dma_start3A_330, %dma_start3A_336] : memref<8x3968xf32, #tpu.memory_space<vmem>> -> memref<1x3968xf32, #tpu.memory_space<vmem>>
            %dma_start3A_338 = tpu.memref_squeeze %dma_start3A_337 : memref<1x3968xf32, #tpu.memory_space<vmem>> -> memref<3968xf32, #tpu.memory_space<vmem>>
            tpu.enqueue_dma source(%dma_start3A_338 : memref<3968xf32, #tpu.memory_space<vmem>>) target(%dma_start3A_335 : memref<3968xf32, #tpu.memory_space<hbm>>) target_semaphore(%arg13 : memref<!tpu.dma_semaphore, #tpu.memory_space<semaphore_mem>>)
            %add3A_339 = arith.constant 6 : i32
            %add3A_340 = arith.addi %multiple_of3A, %add3A_339 : i32
            %mul3A_341 = arith.constant 999936 : i32
            %mul3A_342 = arith.muli %add3A_340, %mul3A_341 : i32
            %add3A_343 = arith.addi %mul3A_342, %multiple_of3A_254 : i32
            %dma_start3A_344 = arith.constant 6 : i32
            %dma_start3A_345 = arith.constant 0 : i32
            %dma_start3A_346 = tpu.memref_slice %arg7[%dma_start3A_344, %dma_start3A_345] : memref<8x3968xf32, #tpu.memory_space<vmem>> -> memref<1x3968xf32, #tpu.memory_space<vmem>>
            %dma_start3A_347 = tpu.memref_squeeze %dma_start3A_346 : memref<1x3968xf32, #tpu.memory_space<vmem>> -> memref<3968xf32, #tpu.memory_space<vmem>>
            %dma_start3A_348 = tpu.memref_slice %arg5[%add3A_343] : memref<32000000xf32, #tpu.memory_space<hbm>> -> memref<3968xf32, #tpu.memory_space<hbm>>
            %dma_start3A_349 = tpu.memref_slice %arg5[%add3A_343] : memref<32000000xf32, #tpu.memory_space<hbm>> -> memref<3968xf32, #tpu.memory_space<hbm>>
            %dma_start3A_350 = arith.constant 0 : i32
            %dma_start3A_351 = tpu.memref_slice %arg7[%dma_start3A_344, %dma_start3A_350] : memref<8x3968xf32, #tpu.memory_space<vmem>> -> memref<1x3968xf32, #tpu.memory_space<vmem>>
            %dma_start3A_352 = tpu.memref_squeeze %dma_start3A_351 : memref<1x3968xf32, #tpu.memory_space<vmem>> -> memref<3968xf32, #tpu.memory_space<vmem>>
            tpu.enqueue_dma source(%dma_start3A_352 : memref<3968xf32, #tpu.memory_space<vmem>>) target(%dma_start3A_349 : memref<3968xf32, #tpu.memory_space<hbm>>) target_semaphore(%arg13 : memref<!tpu.dma_semaphore, #tpu.memory_space<semaphore_mem>>)
            %add3A_353 = arith.constant 7 : i32
            %add3A_354 = arith.addi %multiple_of3A, %add3A_353 : i32
            %mul3A_355 = arith.constant 999936 : i32
            %mul3A_356 = arith.muli %add3A_354, %mul3A_355 : i32
            %add3A_357 = arith.addi %mul3A_356, %multiple_of3A_254 : i32
            %dma_start3A_358 = arith.constant 7 : i32
            %dma_start3A_359 = arith.constant 0 : i32
            %dma_start3A_360 = tpu.memref_slice %arg7[%dma_start3A_358, %dma_start3A_359] : memref<8x3968xf32, #tpu.memory_space<vmem>> -> memref<1x3968xf32, #tpu.memory_space<vmem>>
            %dma_start3A_361 = tpu.memref_squeeze %dma_start3A_360 : memref<1x3968xf32, #tpu.memory_space<vmem>> -> memref<3968xf32, #tpu.memory_space<vmem>>
            %dma_start3A_362 = tpu.memref_slice %arg5[%add3A_357] : memref<32000000xf32, #tpu.memory_space<hbm>> -> memref<3968xf32, #tpu.memory_space<hbm>>
            %dma_start3A_363 = tpu.memref_slice %arg5[%add3A_357] : memref<32000000xf32, #tpu.memory_space<hbm>> -> memref<3968xf32, #tpu.memory_space<hbm>>
            %dma_start3A_364 = arith.constant 0 : i32
            %dma_start3A_365 = tpu.memref_slice %arg7[%dma_start3A_358, %dma_start3A_364] : memref<8x3968xf32, #tpu.memory_space<vmem>> -> memref<1x3968xf32, #tpu.memory_space<vmem>>
            %dma_start3A_366 = tpu.memref_squeeze %dma_start3A_365 : memref<1x3968xf32, #tpu.memory_space<vmem>> -> memref<3968xf32, #tpu.memory_space<vmem>>
            tpu.enqueue_dma source(%dma_start3A_366 : memref<3968xf32, #tpu.memory_space<vmem>>) target(%dma_start3A_363 : memref<3968xf32, #tpu.memory_space<hbm>>) target_semaphore(%arg13 : memref<!tpu.dma_semaphore, #tpu.memory_space<semaphore_mem>>)
          } else {
          }
        } else {
        }
        %jit3A_209 = arith.constant 2 : i32
        %eq3A_210 = arith.constant 0 : i32
        %eq3A_211 = arith.cmpi eq, %jit3A_209, %eq3A_210 : i32
        %jit3A_212 = arith.constant 1 : i32
        %select_n3A_213 = arith.select %eq3A_211, %jit3A_212, %jit3A_209 : i32
        %rem3A_214 = arith.remsi %scan3A_181, %select_n3A_213 : i32
        %ne3A_215 = arith.constant 0 : i32
        %ne3A_216 = arith.cmpi ne, %rem3A_214, %ne3A_215 : i32
        %lt3A_217 = arith.constant 0 : i32
        %lt3A_218 = arith.cmpi slt, %rem3A_214, %lt3A_217 : i32
        %lt3A_219 = arith.constant 0 : i32
        %lt3A_220 = arith.cmpi slt, %select_n3A_213, %lt3A_219 : i32
        %ne3A_221 = arith.xori %lt3A_218, %lt3A_220 : i1
        %and3A_222 = arith.andi %ne3A_221, %ne3A_216 : i1
        %add3A_223 = arith.addi %rem3A_214, %select_n3A_213 : i32
        %select_n3A_224 = arith.select %and3A_222, %add3A_223, %rem3A_214 : i32
        %eq3A_225 = arith.constant 1 : i32
        %eq3A_226 = arith.cmpi eq, %select_n3A_224, %eq3A_225 : i32
        %convert_element_type3A_227 = arith.extui %eq3A_226 : i1 to i32
        %cond3A_228 = arith.constant 0 : i32
        %cond3A_229 = arith.cmpi ne, %convert_element_type3A_227, %cond3A_228 : i32
        scf.if %cond3A_229 {
          %ge3A = arith.constant 2 : i32
          %ge3A_230 = arith.cmpi sge, %scan3A_181, %ge3A : i32
          %convert_element_type3A_231 = arith.extui %ge3A_230 : i1 to i32
          %cond3A_232 = arith.constant 0 : i32
          %cond3A_233 = arith.cmpi ne, %convert_element_type3A_231, %cond3A_232 : i32
          scf.if %cond3A_233 {
            %dma_wait3A_241 = arith.constant 0 : i32
            %dma_wait3A_242 = arith.constant 0 : i32
            %dma_wait3A_243 = tpu.memref_slice %arg3[%dma_wait3A_241, %dma_wait3A_242] : memref<32x1000000xf32, #tpu.memory_space<hbm>> -> memref<8x3968xf32, #tpu.memory_space<hbm>>
            %dma_wait3A_244 = arith.constant 0 : i32
            %dma_wait3A_245 = arith.constant 0 : i32
            %dma_wait3A_246 = tpu.memref_slice %arg3[%dma_wait3A_244, %dma_wait3A_245] : memref<32x1000000xf32, #tpu.memory_space<hbm>> -> memref<8x3968xf32, #tpu.memory_space<hbm>>
            tpu.wait_dma2 semaphore(%arg13 : memref<!tpu.dma_semaphore, #tpu.memory_space<semaphore_mem>>) src(%dma_wait3A_246 : memref<8x3968xf32, #tpu.memory_space<hbm>>) dst(%arg7 : memref<8x3968xf32, #tpu.memory_space<vmem>>)
          } else {
          }
          %dma_start3A_234 = tpu.memref_slice %arg3[%multiple_of3A, %multiple_of3A_187] : memref<32x1000000xf32, #tpu.memory_space<hbm>> -> memref<8x3968xf32, #tpu.memory_space<hbm>>
          %dma_start3A_235 = tpu.memref_slice %arg3[%multiple_of3A, %multiple_of3A_187] : memref<32x1000000xf32, #tpu.memory_space<hbm>> -> memref<8x3968xf32, #tpu.memory_space<hbm>>
          tpu.enqueue_dma source(%dma_start3A_235 : memref<8x3968xf32, #tpu.memory_space<hbm>>) target(%arg7 : memref<8x3968xf32, #tpu.memory_space<vmem>>) target_semaphore(%arg11 : memref<!tpu.dma_semaphore, #tpu.memory_space<semaphore_mem>>)
          %ge3A_236 = arith.constant 1 : i32
          %ge3A_237 = arith.cmpi sge, %scan3A_181, %ge3A_236 : i32
          %convert_element_type3A_238 = arith.extui %ge3A_237 : i1 to i32
          %cond3A_239 = arith.constant 0 : i32
          %cond3A_240 = arith.cmpi ne, %convert_element_type3A_238, %cond3A_239 : i32
          scf.if %cond3A_240 {
            %dma_wait3A_241 = arith.constant 0 : i32
            %dma_wait3A_242 = arith.constant 0 : i32
            %dma_wait3A_243 = tpu.memref_slice %arg3[%dma_wait3A_241, %dma_wait3A_242] : memref<32x1000000xf32, #tpu.memory_space<hbm>> -> memref<8x3968xf32, #tpu.memory_space<hbm>>
            %dma_wait3A_244 = arith.constant 0 : i32
            %dma_wait3A_245 = arith.constant 0 : i32
            %dma_wait3A_246 = tpu.memref_slice %arg3[%dma_wait3A_244, %dma_wait3A_245] : memref<32x1000000xf32, #tpu.memory_space<hbm>> -> memref<8x3968xf32, #tpu.memory_space<hbm>>
            tpu.wait_dma2 semaphore(%arg10 : memref<!tpu.dma_semaphore, #tpu.memory_space<semaphore_mem>>) src(%dma_wait3A_246 : memref<8x3968xf32, #tpu.memory_space<hbm>>) dst(%arg6 : memref<8x3968xf32, #tpu.memory_space<vmem>>)
            %sub3A_247 = arith.constant 1 : i32
            %sub3A_248 = arith.subi %scan3A_181, %sub3A_247 : i32
            %mul3A_249 = arith.constant 249984 : i32
            %mul3A_250 = arith.muli %select_n3A_36, %mul3A_249 : i32
            %mul3A_251 = arith.constant 3968 : i32
            %mul3A_252 = arith.muli %sub3A_248, %mul3A_251 : i32
            %add3A_253 = arith.addi %mul3A_250, %mul3A_252 : i32
            %multiple_of3A_254 = tpu.assume_multiple %add3A_253, 128 : i32
            %add3A_255 = arith.constant 0 : i32
            %add3A_256 = arith.addi %multiple_of3A, %add3A_255 : i32
            %mul3A_257 = arith.constant 999936 : i32
            %mul3A_258 = arith.muli %add3A_256, %mul3A_257 : i32
            %add3A_259 = arith.addi %mul3A_258, %multiple_of3A_254 : i32
            %dma_start3A_260 = arith.constant 0 : i32
            %dma_start3A_261 = arith.constant 0 : i32
            %dma_start3A_262 = tpu.memref_slice %arg6[%dma_start3A_260, %dma_start3A_261] : memref<8x3968xf32, #tpu.memory_space<vmem>> -> memref<1x3968xf32, #tpu.memory_space<vmem>>
            %dma_start3A_263 = tpu.memref_squeeze %dma_start3A_262 : memref<1x3968xf32, #tpu.memory_space<vmem>> -> memref<3968xf32, #tpu.memory_space<vmem>>
            %dma_start3A_264 = tpu.memref_slice %arg5[%add3A_259] : memref<32000000xf32, #tpu.memory_space<hbm>> -> memref<3968xf32, #tpu.memory_space<hbm>>
            %dma_start3A_265 = tpu.memref_slice %arg5[%add3A_259] : memref<32000000xf32, #tpu.memory_space<hbm>> -> memref<3968xf32, #tpu.memory_space<hbm>>
            %dma_start3A_266 = arith.constant 0 : i32
            %dma_start3A_267 = tpu.memref_slice %arg6[%dma_start3A_260, %dma_start3A_266] : memref<8x3968xf32, #tpu.memory_space<vmem>> -> memref<1x3968xf32, #tpu.memory_space<vmem>>
            %dma_start3A_268 = tpu.memref_squeeze %dma_start3A_267 : memref<1x3968xf32, #tpu.memory_space<vmem>> -> memref<3968xf32, #tpu.memory_space<vmem>>
            tpu.enqueue_dma source(%dma_start3A_268 : memref<3968xf32, #tpu.memory_space<vmem>>) target(%dma_start3A_265 : memref<3968xf32, #tpu.memory_space<hbm>>) target_semaphore(%arg12 : memref<!tpu.dma_semaphore, #tpu.memory_space<semaphore_mem>>)
            %add3A_269 = arith.constant 1 : i32
            %add3A_270 = arith.addi %multiple_of3A, %add3A_269 : i32
            %mul3A_271 = arith.constant 999936 : i32
            %mul3A_272 = arith.muli %add3A_270, %mul3A_271 : i32
            %add3A_273 = arith.addi %mul3A_272, %multiple_of3A_254 : i32
            %dma_start3A_274 = arith.constant 1 : i32
            %dma_start3A_275 = arith.constant 0 : i32
            %dma_start3A_276 = tpu.memref_slice %arg6[%dma_start3A_274, %dma_start3A_275] : memref<8x3968xf32, #tpu.memory_space<vmem>> -> memref<1x3968xf32, #tpu.memory_space<vmem>>
            %dma_start3A_277 = tpu.memref_squeeze %dma_start3A_276 : memref<1x3968xf32, #tpu.memory_space<vmem>> -> memref<3968xf32, #tpu.memory_space<vmem>>
            %dma_start3A_278 = tpu.memref_slice %arg5[%add3A_273] : memref<32000000xf32, #tpu.memory_space<hbm>> -> memref<3968xf32, #tpu.memory_space<hbm>>
            %dma_start3A_279 = tpu.memref_slice %arg5[%add3A_273] : memref<32000000xf32, #tpu.memory_space<hbm>> -> memref<3968xf32, #tpu.memory_space<hbm>>
            %dma_start3A_280 = arith.constant 0 : i32
            %dma_start3A_281 = tpu.memref_slice %arg6[%dma_start3A_274, %dma_start3A_280] : memref<8x3968xf32, #tpu.memory_space<vmem>> -> memref<1x3968xf32, #tpu.memory_space<vmem>>
            %dma_start3A_282 = tpu.memref_squeeze %dma_start3A_281 : memref<1x3968xf32, #tpu.memory_space<vmem>> -> memref<3968xf32, #tpu.memory_space<vmem>>
            tpu.enqueue_dma source(%dma_start3A_282 : memref<3968xf32, #tpu.memory_space<vmem>>) target(%dma_start3A_279 : memref<3968xf32, #tpu.memory_space<hbm>>) target_semaphore(%arg12 : memref<!tpu.dma_semaphore, #tpu.memory_space<semaphore_mem>>)
            %add3A_283 = arith.constant 2 : i32
            %add3A_284 = arith.addi %multiple_of3A, %add3A_283 : i32
            %mul3A_285 = arith.constant 999936 : i32
            %mul3A_286 = arith.muli %add3A_284, %mul3A_285 : i32
            %add3A_287 = arith.addi %mul3A_286, %multiple_of3A_254 : i32
            %dma_start3A_288 = arith.constant 2 : i32
            %dma_start3A_289 = arith.constant 0 : i32
            %dma_start3A_290 = tpu.memref_slice %arg6[%dma_start3A_288, %dma_start3A_289] : memref<8x3968xf32, #tpu.memory_space<vmem>> -> memref<1x3968xf32, #tpu.memory_space<vmem>>
            %dma_start3A_291 = tpu.memref_squeeze %dma_start3A_290 : memref<1x3968xf32, #tpu.memory_space<vmem>> -> memref<3968xf32, #tpu.memory_space<vmem>>
            %dma_start3A_292 = tpu.memref_slice %arg5[%add3A_287] : memref<32000000xf32, #tpu.memory_space<hbm>> -> memref<3968xf32, #tpu.memory_space<hbm>>
            %dma_start3A_293 = tpu.memref_slice %arg5[%add3A_287] : memref<32000000xf32, #tpu.memory_space<hbm>> -> memref<3968xf32, #tpu.memory_space<hbm>>
            %dma_start3A_294 = arith.constant 0 : i32
            %dma_start3A_295 = tpu.memref_slice %arg6[%dma_start3A_288, %dma_start3A_294] : memref<8x3968xf32, #tpu.memory_space<vmem>> -> memref<1x3968xf32, #tpu.memory_space<vmem>>
            %dma_start3A_296 = tpu.memref_squeeze %dma_start3A_295 : memref<1x3968xf32, #tpu.memory_space<vmem>> -> memref<3968xf32, #tpu.memory_space<vmem>>
            tpu.enqueue_dma source(%dma_start3A_296 : memref<3968xf32, #tpu.memory_space<vmem>>) target(%dma_start3A_293 : memref<3968xf32, #tpu.memory_space<hbm>>) target_semaphore(%arg12 : memref<!tpu.dma_semaphore, #tpu.memory_space<semaphore_mem>>)
            %add3A_297 = arith.constant 3 : i32
            %add3A_298 = arith.addi %multiple_of3A, %add3A_297 : i32
            %mul3A_299 = arith.constant 999936 : i32
            %mul3A_300 = arith.muli %add3A_298, %mul3A_299 : i32
            %add3A_301 = arith.addi %mul3A_300, %multiple_of3A_254 : i32
            %dma_start3A_302 = arith.constant 3 : i32
            %dma_start3A_303 = arith.constant 0 : i32
            %dma_start3A_304 = tpu.memref_slice %arg6[%dma_start3A_302, %dma_start3A_303] : memref<8x3968xf32, #tpu.memory_space<vmem>> -> memref<1x3968xf32, #tpu.memory_space<vmem>>
            %dma_start3A_305 = tpu.memref_squeeze %dma_start3A_304 : memref<1x3968xf32, #tpu.memory_space<vmem>> -> memref<3968xf32, #tpu.memory_space<vmem>>
            %dma_start3A_306 = tpu.memref_slice %arg5[%add3A_301] : memref<32000000xf32, #tpu.memory_space<hbm>> -> memref<3968xf32, #tpu.memory_space<hbm>>
            %dma_start3A_307 = tpu.memref_slice %arg5[%add3A_301] : memref<32000000xf32, #tpu.memory_space<hbm>> -> memref<3968xf32, #tpu.memory_space<hbm>>
            %dma_start3A_308 = arith.constant 0 : i32
            %dma_start3A_309 = tpu.memref_slice %arg6[%dma_start3A_302, %dma_start3A_308] : memref<8x3968xf32, #tpu.memory_space<vmem>> -> memref<1x3968xf32, #tpu.memory_space<vmem>>
            %dma_start3A_310 = tpu.memref_squeeze %dma_start3A_309 : memref<1x3968xf32, #tpu.memory_space<vmem>> -> memref<3968xf32, #tpu.memory_space<vmem>>
            tpu.enqueue_dma source(%dma_start3A_310 : memref<3968xf32, #tpu.memory_space<vmem>>) target(%dma_start3A_307 : memref<3968xf32, #tpu.memory_space<hbm>>) target_semaphore(%arg12 : memref<!tpu.dma_semaphore, #tpu.memory_space<semaphore_mem>>)
            %add3A_311 = arith.constant 4 : i32
            %add3A_312 = arith.addi %multiple_of3A, %add3A_311 : i32
            %mul3A_313 = arith.constant 999936 : i32
            %mul3A_314 = arith.muli %add3A_312, %mul3A_313 : i32
            %add3A_315 = arith.addi %mul3A_314, %multiple_of3A_254 : i32
            %dma_start3A_316 = arith.constant 4 : i32
            %dma_start3A_317 = arith.constant 0 : i32
            %dma_start3A_318 = tpu.memref_slice %arg6[%dma_start3A_316, %dma_start3A_317] : memref<8x3968xf32, #tpu.memory_space<vmem>> -> memref<1x3968xf32, #tpu.memory_space<vmem>>
            %dma_start3A_319 = tpu.memref_squeeze %dma_start3A_318 : memref<1x3968xf32, #tpu.memory_space<vmem>> -> memref<3968xf32, #tpu.memory_space<vmem>>
            %dma_start3A_320 = tpu.memref_slice %arg5[%add3A_315] : memref<32000000xf32, #tpu.memory_space<hbm>> -> memref<3968xf32, #tpu.memory_space<hbm>>
            %dma_start3A_321 = tpu.memref_slice %arg5[%add3A_315] : memref<32000000xf32, #tpu.memory_space<hbm>> -> memref<3968xf32, #tpu.memory_space<hbm>>
            %dma_start3A_322 = arith.constant 0 : i32
            %dma_start3A_323 = tpu.memref_slice %arg6[%dma_start3A_316, %dma_start3A_322] : memref<8x3968xf32, #tpu.memory_space<vmem>> -> memref<1x3968xf32, #tpu.memory_space<vmem>>
            %dma_start3A_324 = tpu.memref_squeeze %dma_start3A_323 : memref<1x3968xf32, #tpu.memory_space<vmem>> -> memref<3968xf32, #tpu.memory_space<vmem>>
            tpu.enqueue_dma source(%dma_start3A_324 : memref<3968xf32, #tpu.memory_space<vmem>>) target(%dma_start3A_321 : memref<3968xf32, #tpu.memory_space<hbm>>) target_semaphore(%arg12 : memref<!tpu.dma_semaphore, #tpu.memory_space<semaphore_mem>>)
            %add3A_325 = arith.constant 5 : i32
            %add3A_326 = arith.addi %multiple_of3A, %add3A_325 : i32
            %mul3A_327 = arith.constant 999936 : i32
            %mul3A_328 = arith.muli %add3A_326, %mul3A_327 : i32
            %add3A_329 = arith.addi %mul3A_328, %multiple_of3A_254 : i32
            %dma_start3A_330 = arith.constant 5 : i32
            %dma_start3A_331 = arith.constant 0 : i32
            %dma_start3A_332 = tpu.memref_slice %arg6[%dma_start3A_330, %dma_start3A_331] : memref<8x3968xf32, #tpu.memory_space<vmem>> -> memref<1x3968xf32, #tpu.memory_space<vmem>>
            %dma_start3A_333 = tpu.memref_squeeze %dma_start3A_332 : memref<1x3968xf32, #tpu.memory_space<vmem>> -> memref<3968xf32, #tpu.memory_space<vmem>>
            %dma_start3A_334 = tpu.memref_slice %arg5[%add3A_329] : memref<32000000xf32, #tpu.memory_space<hbm>> -> memref<3968xf32, #tpu.memory_space<hbm>>
            %dma_start3A_335 = tpu.memref_slice %arg5[%add3A_329] : memref<32000000xf32, #tpu.memory_space<hbm>> -> memref<3968xf32, #tpu.memory_space<hbm>>
            %dma_start3A_336 = arith.constant 0 : i32
            %dma_start3A_337 = tpu.memref_slice %arg6[%dma_start3A_330, %dma_start3A_336] : memref<8x3968xf32, #tpu.memory_space<vmem>> -> memref<1x3968xf32, #tpu.memory_space<vmem>>
            %dma_start3A_338 = tpu.memref_squeeze %dma_start3A_337 : memref<1x3968xf32, #tpu.memory_space<vmem>> -> memref<3968xf32, #tpu.memory_space<vmem>>
            tpu.enqueue_dma source(%dma_start3A_338 : memref<3968xf32, #tpu.memory_space<vmem>>) target(%dma_start3A_335 : memref<3968xf32, #tpu.memory_space<hbm>>) target_semaphore(%arg12 : memref<!tpu.dma_semaphore, #tpu.memory_space<semaphore_mem>>)
            %add3A_339 = arith.constant 6 : i32
            %add3A_340 = arith.addi %multiple_of3A, %add3A_339 : i32
            %mul3A_341 = arith.constant 999936 : i32
            %mul3A_342 = arith.muli %add3A_340, %mul3A_341 : i32
            %add3A_343 = arith.addi %mul3A_342, %multiple_of3A_254 : i32
            %dma_start3A_344 = arith.constant 6 : i32
            %dma_start3A_345 = arith.constant 0 : i32
            %dma_start3A_346 = tpu.memref_slice %arg6[%dma_start3A_344, %dma_start3A_345] : memref<8x3968xf32, #tpu.memory_space<vmem>> -> memref<1x3968xf32, #tpu.memory_space<vmem>>
            %dma_start3A_347 = tpu.memref_squeeze %dma_start3A_346 : memref<1x3968xf32, #tpu.memory_space<vmem>> -> memref<3968xf32, #tpu.memory_space<vmem>>
            %dma_start3A_348 = tpu.memref_slice %arg5[%add3A_343] : memref<32000000xf32, #tpu.memory_space<hbm>> -> memref<3968xf32, #tpu.memory_space<hbm>>
            %dma_start3A_349 = tpu.memref_slice %arg5[%add3A_343] : memref<32000000xf32, #tpu.memory_space<hbm>> -> memref<3968xf32, #tpu.memory_space<hbm>>
            %dma_start3A_350 = arith.constant 0 : i32
            %dma_start3A_351 = tpu.memref_slice %arg6[%dma_start3A_344, %dma_start3A_350] : memref<8x3968xf32, #tpu.memory_space<vmem>> -> memref<1x3968xf32, #tpu.memory_space<vmem>>
            %dma_start3A_352 = tpu.memref_squeeze %dma_start3A_351 : memref<1x3968xf32, #tpu.memory_space<vmem>> -> memref<3968xf32, #tpu.memory_space<vmem>>
            tpu.enqueue_dma source(%dma_start3A_352 : memref<3968xf32, #tpu.memory_space<vmem>>) target(%dma_start3A_349 : memref<3968xf32, #tpu.memory_space<hbm>>) target_semaphore(%arg12 : memref<!tpu.dma_semaphore, #tpu.memory_space<semaphore_mem>>)
            %add3A_353 = arith.constant 7 : i32
            %add3A_354 = arith.addi %multiple_of3A, %add3A_353 : i32
            %mul3A_355 = arith.constant 999936 : i32
            %mul3A_356 = arith.muli %add3A_354, %mul3A_355 : i32
            %add3A_357 = arith.addi %mul3A_356, %multiple_of3A_254 : i32
            %dma_start3A_358 = arith.constant 7 : i32
            %dma_start3A_359 = arith.constant 0 : i32
            %dma_start3A_360 = tpu.memref_slice %arg6[%dma_start3A_358, %dma_start3A_359] : memref<8x3968xf32, #tpu.memory_space<vmem>> -> memref<1x3968xf32, #tpu.memory_space<vmem>>
            %dma_start3A_361 = tpu.memref_squeeze %dma_start3A_360 : memref<1x3968xf32, #tpu.memory_space<vmem>> -> memref<3968xf32, #tpu.memory_space<vmem>>
            %dma_start3A_362 = tpu.memref_slice %arg5[%add3A_357] : memref<32000000xf32, #tpu.memory_space<hbm>> -> memref<3968xf32, #tpu.memory_space<hbm>>
            %dma_start3A_363 = tpu.memref_slice %arg5[%add3A_357] : memref<32000000xf32, #tpu.memory_space<hbm>> -> memref<3968xf32, #tpu.memory_space<hbm>>
            %dma_start3A_364 = arith.constant 0 : i32
            %dma_start3A_365 = tpu.memref_slice %arg6[%dma_start3A_358, %dma_start3A_364] : memref<8x3968xf32, #tpu.memory_space<vmem>> -> memref<1x3968xf32, #tpu.memory_space<vmem>>
            %dma_start3A_366 = tpu.memref_squeeze %dma_start3A_365 : memref<1x3968xf32, #tpu.memory_space<vmem>> -> memref<3968xf32, #tpu.memory_space<vmem>>
            tpu.enqueue_dma source(%dma_start3A_366 : memref<3968xf32, #tpu.memory_space<vmem>>) target(%dma_start3A_363 : memref<3968xf32, #tpu.memory_space<hbm>>) target_semaphore(%arg12 : memref<!tpu.dma_semaphore, #tpu.memory_space<semaphore_mem>>)
          } else {
          }
        } else {
        }
      }
      %scan3A_42 = arith.constant 63 : i32
      %dma_wait3A = arith.constant 0 : i32
      %dma_wait3A_43 = arith.constant 0 : i32
      %dma_wait3A_44 = tpu.memref_slice %arg3[%dma_wait3A, %dma_wait3A_43] : memref<32x1000000xf32, #tpu.memory_space<hbm>> -> memref<8x3968xf32, #tpu.memory_space<hbm>>
      %dma_wait3A_45 = arith.constant 0 : i32
      %dma_wait3A_46 = arith.constant 0 : i32
      %dma_wait3A_47 = tpu.memref_slice %arg3[%dma_wait3A_45, %dma_wait3A_46] : memref<32x1000000xf32, #tpu.memory_space<hbm>> -> memref<8x3968xf32, #tpu.memory_space<hbm>>
      tpu.wait_dma2 semaphore(%arg10 : memref<!tpu.dma_semaphore, #tpu.memory_space<semaphore_mem>>) src(%dma_wait3A_47 : memref<8x3968xf32, #tpu.memory_space<hbm>>) dst(%arg6 : memref<8x3968xf32, #tpu.memory_space<vmem>>)
      %mul3A_48 = arith.constant 249984 : i32
      %mul3A_49 = arith.muli %select_n3A_36, %mul3A_48 : i32
      %add3A_50 = arith.constant 246016 : i32
      %add3A_51 = arith.addi %mul3A_49, %add3A_50 : i32
      %multiple_of3A_52 = tpu.assume_multiple %add3A_51, 128 : i32
      %add3A_53 = arith.constant 0 : i32
      %add3A_54 = arith.addi %multiple_of3A, %add3A_53 : i32
      %mul3A_55 = arith.constant 999936 : i32
      %mul3A_56 = arith.muli %add3A_54, %mul3A_55 : i32
      %add3A_57 = arith.addi %mul3A_56, %multiple_of3A_52 : i32
      %dma_start3A = arith.constant 0 : i32
      %dma_start3A_58 = arith.constant 0 : i32
      %dma_start3A_59 = tpu.memref_slice %arg6[%dma_start3A, %dma_start3A_58] : memref<8x3968xf32, #tpu.memory_space<vmem>> -> memref<1x3968xf32, #tpu.memory_space<vmem>>
      %dma_start3A_60 = tpu.memref_squeeze %dma_start3A_59 : memref<1x3968xf32, #tpu.memory_space<vmem>> -> memref<3968xf32, #tpu.memory_space<vmem>>
      %dma_start3A_61 = tpu.memref_slice %arg5[%add3A_57] : memref<32000000xf32, #tpu.memory_space<hbm>> -> memref<3968xf32, #tpu.memory_space<hbm>>
      %dma_start3A_62 = tpu.memref_slice %arg5[%add3A_57] : memref<32000000xf32, #tpu.memory_space<hbm>> -> memref<3968xf32, #tpu.memory_space<hbm>>
      %dma_start3A_63 = arith.constant 0 : i32
      %dma_start3A_64 = tpu.memref_slice %arg6[%dma_start3A, %dma_start3A_63] : memref<8x3968xf32, #tpu.memory_space<vmem>> -> memref<1x3968xf32, #tpu.memory_space<vmem>>
      %dma_start3A_65 = tpu.memref_squeeze %dma_start3A_64 : memref<1x3968xf32, #tpu.memory_space<vmem>> -> memref<3968xf32, #tpu.memory_space<vmem>>
      tpu.enqueue_dma source(%dma_start3A_65 : memref<3968xf32, #tpu.memory_space<vmem>>) target(%dma_start3A_62 : memref<3968xf32, #tpu.memory_space<hbm>>) target_semaphore(%arg12 : memref<!tpu.dma_semaphore, #tpu.memory_space<semaphore_mem>>)
      %add3A_66 = arith.constant 1 : i32
      %add3A_67 = arith.addi %multiple_of3A, %add3A_66 : i32
      %mul3A_68 = arith.constant 999936 : i32
      %mul3A_69 = arith.muli %add3A_67, %mul3A_68 : i32
      %add3A_70 = arith.addi %mul3A_69, %multiple_of3A_52 : i32
      %dma_start3A_71 = arith.constant 1 : i32
      %dma_start3A_72 = arith.constant 0 : i32
      %dma_start3A_73 = tpu.memref_slice %arg6[%dma_start3A_71, %dma_start3A_72] : memref<8x3968xf32, #tpu.memory_space<vmem>> -> memref<1x3968xf32, #tpu.memory_space<vmem>>
      %dma_start3A_74 = tpu.memref_squeeze %dma_start3A_73 : memref<1x3968xf32, #tpu.memory_space<vmem>> -> memref<3968xf32, #tpu.memory_space<vmem>>
      %dma_start3A_75 = tpu.memref_slice %arg5[%add3A_70] : memref<32000000xf32, #tpu.memory_space<hbm>> -> memref<3968xf32, #tpu.memory_space<hbm>>
      %dma_start3A_76 = tpu.memref_slice %arg5[%add3A_70] : memref<32000000xf32, #tpu.memory_space<hbm>> -> memref<3968xf32, #tpu.memory_space<hbm>>
      %dma_start3A_77 = arith.constant 0 : i32
      %dma_start3A_78 = tpu.memref_slice %arg6[%dma_start3A_71, %dma_start3A_77] : memref<8x3968xf32, #tpu.memory_space<vmem>> -> memref<1x3968xf32, #tpu.memory_space<vmem>>
      %dma_start3A_79 = tpu.memref_squeeze %dma_start3A_78 : memref<1x3968xf32, #tpu.memory_space<vmem>> -> memref<3968xf32, #tpu.memory_space<vmem>>
      tpu.enqueue_dma source(%dma_start3A_79 : memref<3968xf32, #tpu.memory_space<vmem>>) target(%dma_start3A_76 : memref<3968xf32, #tpu.memory_space<hbm>>) target_semaphore(%arg12 : memref<!tpu.dma_semaphore, #tpu.memory_space<semaphore_mem>>)
      %add3A_80 = arith.constant 2 : i32
      %add3A_81 = arith.addi %multiple_of3A, %add3A_80 : i32
      %mul3A_82 = arith.constant 999936 : i32
      %mul3A_83 = arith.muli %add3A_81, %mul3A_82 : i32
      %add3A_84 = arith.addi %mul3A_83, %multiple_of3A_52 : i32
      %dma_start3A_85 = arith.constant 2 : i32
      %dma_start3A_86 = arith.constant 0 : i32
      %dma_start3A_87 = tpu.memref_slice %arg6[%dma_start3A_85, %dma_start3A_86] : memref<8x3968xf32, #tpu.memory_space<vmem>> -> memref<1x3968xf32, #tpu.memory_space<vmem>>
      %dma_start3A_88 = tpu.memref_squeeze %dma_start3A_87 : memref<1x3968xf32, #tpu.memory_space<vmem>> -> memref<3968xf32, #tpu.memory_space<vmem>>
      %dma_start3A_89 = tpu.memref_slice %arg5[%add3A_84] : memref<32000000xf32, #tpu.memory_space<hbm>> -> memref<3968xf32, #tpu.memory_space<hbm>>
      %dma_start3A_90 = tpu.memref_slice %arg5[%add3A_84] : memref<32000000xf32, #tpu.memory_space<hbm>> -> memref<3968xf32, #tpu.memory_space<hbm>>
      %dma_start3A_91 = arith.constant 0 : i32
      %dma_start3A_92 = tpu.memref_slice %arg6[%dma_start3A_85, %dma_start3A_91] : memref<8x3968xf32, #tpu.memory_space<vmem>> -> memref<1x3968xf32, #tpu.memory_space<vmem>>
      %dma_start3A_93 = tpu.memref_squeeze %dma_start3A_92 : memref<1x3968xf32, #tpu.memory_space<vmem>> -> memref<3968xf32, #tpu.memory_space<vmem>>
      tpu.enqueue_dma source(%dma_start3A_93 : memref<3968xf32, #tpu.memory_space<vmem>>) target(%dma_start3A_90 : memref<3968xf32, #tpu.memory_space<hbm>>) target_semaphore(%arg12 : memref<!tpu.dma_semaphore, #tpu.memory_space<semaphore_mem>>)
      %add3A_94 = arith.constant 3 : i32
      %add3A_95 = arith.addi %multiple_of3A, %add3A_94 : i32
      %mul3A_96 = arith.constant 999936 : i32
      %mul3A_97 = arith.muli %add3A_95, %mul3A_96 : i32
      %add3A_98 = arith.addi %mul3A_97, %multiple_of3A_52 : i32
      %dma_start3A_99 = arith.constant 3 : i32
      %dma_start3A_100 = arith.constant 0 : i32
      %dma_start3A_101 = tpu.memref_slice %arg6[%dma_start3A_99, %dma_start3A_100] : memref<8x3968xf32, #tpu.memory_space<vmem>> -> memref<1x3968xf32, #tpu.memory_space<vmem>>
      %dma_start3A_102 = tpu.memref_squeeze %dma_start3A_101 : memref<1x3968xf32, #tpu.memory_space<vmem>> -> memref<3968xf32, #tpu.memory_space<vmem>>
      %dma_start3A_103 = tpu.memref_slice %arg5[%add3A_98] : memref<32000000xf32, #tpu.memory_space<hbm>> -> memref<3968xf32, #tpu.memory_space<hbm>>
      %dma_start3A_104 = tpu.memref_slice %arg5[%add3A_98] : memref<32000000xf32, #tpu.memory_space<hbm>> -> memref<3968xf32, #tpu.memory_space<hbm>>
      %dma_start3A_105 = arith.constant 0 : i32
      %dma_start3A_106 = tpu.memref_slice %arg6[%dma_start3A_99, %dma_start3A_105] : memref<8x3968xf32, #tpu.memory_space<vmem>> -> memref<1x3968xf32, #tpu.memory_space<vmem>>
      %dma_start3A_107 = tpu.memref_squeeze %dma_start3A_106 : memref<1x3968xf32, #tpu.memory_space<vmem>> -> memref<3968xf32, #tpu.memory_space<vmem>>
      tpu.enqueue_dma source(%dma_start3A_107 : memref<3968xf32, #tpu.memory_space<vmem>>) target(%dma_start3A_104 : memref<3968xf32, #tpu.memory_space<hbm>>) target_semaphore(%arg12 : memref<!tpu.dma_semaphore, #tpu.memory_space<semaphore_mem>>)
      %add3A_108 = arith.constant 4 : i32
      %add3A_109 = arith.addi %multiple_of3A, %add3A_108 : i32
      %mul3A_110 = arith.constant 999936 : i32
      %mul3A_111 = arith.muli %add3A_109, %mul3A_110 : i32
      %add3A_112 = arith.addi %mul3A_111, %multiple_of3A_52 : i32
      %dma_start3A_113 = arith.constant 4 : i32
      %dma_start3A_114 = arith.constant 0 : i32
      %dma_start3A_115 = tpu.memref_slice %arg6[%dma_start3A_113, %dma_start3A_114] : memref<8x3968xf32, #tpu.memory_space<vmem>> -> memref<1x3968xf32, #tpu.memory_space<vmem>>
      %dma_start3A_116 = tpu.memref_squeeze %dma_start3A_115 : memref<1x3968xf32, #tpu.memory_space<vmem>> -> memref<3968xf32, #tpu.memory_space<vmem>>
      %dma_start3A_117 = tpu.memref_slice %arg5[%add3A_112] : memref<32000000xf32, #tpu.memory_space<hbm>> -> memref<3968xf32, #tpu.memory_space<hbm>>
      %dma_start3A_118 = tpu.memref_slice %arg5[%add3A_112] : memref<32000000xf32, #tpu.memory_space<hbm>> -> memref<3968xf32, #tpu.memory_space<hbm>>
      %dma_start3A_119 = arith.constant 0 : i32
      %dma_start3A_120 = tpu.memref_slice %arg6[%dma_start3A_113, %dma_start3A_119] : memref<8x3968xf32, #tpu.memory_space<vmem>> -> memref<1x3968xf32, #tpu.memory_space<vmem>>
      %dma_start3A_121 = tpu.memref_squeeze %dma_start3A_120 : memref<1x3968xf32, #tpu.memory_space<vmem>> -> memref<3968xf32, #tpu.memory_space<vmem>>
      tpu.enqueue_dma source(%dma_start3A_121 : memref<3968xf32, #tpu.memory_space<vmem>>) target(%dma_start3A_118 : memref<3968xf32, #tpu.memory_space<hbm>>) target_semaphore(%arg12 : memref<!tpu.dma_semaphore, #tpu.memory_space<semaphore_mem>>)
      %add3A_122 = arith.constant 5 : i32
      %add3A_123 = arith.addi %multiple_of3A, %add3A_122 : i32
      %mul3A_124 = arith.constant 999936 : i32
      %mul3A_125 = arith.muli %add3A_123, %mul3A_124 : i32
      %add3A_126 = arith.addi %mul3A_125, %multiple_of3A_52 : i32
      %dma_start3A_127 = arith.constant 5 : i32
      %dma_start3A_128 = arith.constant 0 : i32
      %dma_start3A_129 = tpu.memref_slice %arg6[%dma_start3A_127, %dma_start3A_128] : memref<8x3968xf32, #tpu.memory_space<vmem>> -> memref<1x3968xf32, #tpu.memory_space<vmem>>
      %dma_start3A_130 = tpu.memref_squeeze %dma_start3A_129 : memref<1x3968xf32, #tpu.memory_space<vmem>> -> memref<3968xf32, #tpu.memory_space<vmem>>
      %dma_start3A_131 = tpu.memref_slice %arg5[%add3A_126] : memref<32000000xf32, #tpu.memory_space<hbm>> -> memref<3968xf32, #tpu.memory_space<hbm>>
      %dma_start3A_132 = tpu.memref_slice %arg5[%add3A_126] : memref<32000000xf32, #tpu.memory_space<hbm>> -> memref<3968xf32, #tpu.memory_space<hbm>>
      %dma_start3A_133 = arith.constant 0 : i32
      %dma_start3A_134 = tpu.memref_slice %arg6[%dma_start3A_127, %dma_start3A_133] : memref<8x3968xf32, #tpu.memory_space<vmem>> -> memref<1x3968xf32, #tpu.memory_space<vmem>>
      %dma_start3A_135 = tpu.memref_squeeze %dma_start3A_134 : memref<1x3968xf32, #tpu.memory_space<vmem>> -> memref<3968xf32, #tpu.memory_space<vmem>>
      tpu.enqueue_dma source(%dma_start3A_135 : memref<3968xf32, #tpu.memory_space<vmem>>) target(%dma_start3A_132 : memref<3968xf32, #tpu.memory_space<hbm>>) target_semaphore(%arg12 : memref<!tpu.dma_semaphore, #tpu.memory_space<semaphore_mem>>)
      %add3A_136 = arith.constant 6 : i32
      %add3A_137 = arith.addi %multiple_of3A, %add3A_136 : i32
      %mul3A_138 = arith.constant 999936 : i32
      %mul3A_139 = arith.muli %add3A_137, %mul3A_138 : i32
      %add3A_140 = arith.addi %mul3A_139, %multiple_of3A_52 : i32
      %dma_start3A_141 = arith.constant 6 : i32
      %dma_start3A_142 = arith.constant 0 : i32
      %dma_start3A_143 = tpu.memref_slice %arg6[%dma_start3A_141, %dma_start3A_142] : memref<8x3968xf32, #tpu.memory_space<vmem>> -> memref<1x3968xf32, #tpu.memory_space<vmem>>
      %dma_start3A_144 = tpu.memref_squeeze %dma_start3A_143 : memref<1x3968xf32, #tpu.memory_space<vmem>> -> memref<3968xf32, #tpu.memory_space<vmem>>
      %dma_start3A_145 = tpu.memref_slice %arg5[%add3A_140] : memref<32000000xf32, #tpu.memory_space<hbm>> -> memref<3968xf32, #tpu.memory_space<hbm>>
      %dma_start3A_146 = tpu.memref_slice %arg5[%add3A_140] : memref<32000000xf32, #tpu.memory_space<hbm>> -> memref<3968xf32, #tpu.memory_space<hbm>>
      %dma_start3A_147 = arith.constant 0 : i32
      %dma_start3A_148 = tpu.memref_slice %arg6[%dma_start3A_141, %dma_start3A_147] : memref<8x3968xf32, #tpu.memory_space<vmem>> -> memref<1x3968xf32, #tpu.memory_space<vmem>>
      %dma_start3A_149 = tpu.memref_squeeze %dma_start3A_148 : memref<1x3968xf32, #tpu.memory_space<vmem>> -> memref<3968xf32, #tpu.memory_space<vmem>>
      tpu.enqueue_dma source(%dma_start3A_149 : memref<3968xf32, #tpu.memory_space<vmem>>) target(%dma_start3A_146 : memref<3968xf32, #tpu.memory_space<hbm>>) target_semaphore(%arg12 : memref<!tpu.dma_semaphore, #tpu.memory_space<semaphore_mem>>)
      %add3A_150 = arith.constant 7 : i32
      %add3A_151 = arith.addi %multiple_of3A, %add3A_150 : i32
      %mul3A_152 = arith.constant 999936 : i32
      %mul3A_153 = arith.muli %add3A_151, %mul3A_152 : i32
      %add3A_154 = arith.addi %mul3A_153, %multiple_of3A_52 : i32
      %dma_start3A_155 = arith.constant 7 : i32
      %dma_start3A_156 = arith.constant 0 : i32
      %dma_start3A_157 = tpu.memref_slice %arg6[%dma_start3A_155, %dma_start3A_156] : memref<8x3968xf32, #tpu.memory_space<vmem>> -> memref<1x3968xf32, #tpu.memory_space<vmem>>
      %dma_start3A_158 = tpu.memref_squeeze %dma_start3A_157 : memref<1x3968xf32, #tpu.memory_space<vmem>> -> memref<3968xf32, #tpu.memory_space<vmem>>
      %dma_start3A_159 = tpu.memref_slice %arg5[%add3A_154] : memref<32000000xf32, #tpu.memory_space<hbm>> -> memref<3968xf32, #tpu.memory_space<hbm>>
      %dma_start3A_160 = tpu.memref_slice %arg5[%add3A_154] : memref<32000000xf32, #tpu.memory_space<hbm>> -> memref<3968xf32, #tpu.memory_space<hbm>>
      %dma_start3A_161 = arith.constant 0 : i32
      %dma_start3A_162 = tpu.memref_slice %arg6[%dma_start3A_155, %dma_start3A_161] : memref<8x3968xf32, #tpu.memory_space<vmem>> -> memref<1x3968xf32, #tpu.memory_space<vmem>>
      %dma_start3A_163 = tpu.memref_squeeze %dma_start3A_162 : memref<1x3968xf32, #tpu.memory_space<vmem>> -> memref<3968xf32, #tpu.memory_space<vmem>>
      tpu.enqueue_dma source(%dma_start3A_163 : memref<3968xf32, #tpu.memory_space<vmem>>) target(%dma_start3A_160 : memref<3968xf32, #tpu.memory_space<hbm>>) target_semaphore(%arg12 : memref<!tpu.dma_semaphore, #tpu.memory_space<semaphore_mem>>)
      %dma_wait3A_164 = arith.constant 0 : i32
      %dma_wait3A_165 = arith.constant 0 : i32
      %dma_wait3A_166 = tpu.memref_slice %arg3[%dma_wait3A_164, %dma_wait3A_165] : memref<32x1000000xf32, #tpu.memory_space<hbm>> -> memref<8x3968xf32, #tpu.memory_space<hbm>>
      %dma_wait3A_167 = arith.constant 0 : i32
      %dma_wait3A_168 = arith.constant 0 : i32
      %dma_wait3A_169 = tpu.memref_slice %arg3[%dma_wait3A_167, %dma_wait3A_168] : memref<32x1000000xf32, #tpu.memory_space<hbm>> -> memref<8x3968xf32, #tpu.memory_space<hbm>>
      tpu.wait_dma2 semaphore(%arg13 : memref<!tpu.dma_semaphore, #tpu.memory_space<semaphore_mem>>) src(%dma_wait3A_169 : memref<8x3968xf32, #tpu.memory_space<hbm>>) dst(%arg7 : memref<8x3968xf32, #tpu.memory_space<vmem>>)
      %dma_wait3A_170 = arith.constant 0 : i32
      %dma_wait3A_171 = arith.constant 0 : i32
      %dma_wait3A_172 = tpu.memref_slice %arg3[%dma_wait3A_170, %dma_wait3A_171] : memref<32x1000000xf32, #tpu.memory_space<hbm>> -> memref<8x3968xf32, #tpu.memory_space<hbm>>
      %dma_wait3A_173 = arith.constant 0 : i32
      %dma_wait3A_174 = arith.constant 0 : i32
      %dma_wait3A_175 = tpu.memref_slice %arg3[%dma_wait3A_173, %dma_wait3A_174] : memref<32x1000000xf32, #tpu.memory_space<hbm>> -> memref<8x3968xf32, #tpu.memory_space<hbm>>
      tpu.wait_dma2 semaphore(%arg12 : memref<!tpu.dma_semaphore, #tpu.memory_space<semaphore_mem>>) src(%dma_wait3A_175 : memref<8x3968xf32, #tpu.memory_space<hbm>>) dst(%arg6 : memref<8x3968xf32, #tpu.memory_space<vmem>>)
      %eq3A_176 = arith.constant 0 : i32
      %eq3A_177 = arith.cmpi eq, %arg1, %eq3A_176 : i32
      %convert_element_type3A_178 = arith.extui %eq3A_177 : i1 to i32
      %cond3A_179 = arith.constant 0 : i32
      %cond3A_180 = arith.cmpi ne, %convert_element_type3A_178, %cond3A_179 : i32
      scf.if %cond3A_180 {
        "tpu.region"() ({
          %run_scoped3A = tpu.sem_alloc : memref<!tpu.dma_semaphore, #tpu.memory_space<semaphore_mem>>
          %dma_start3A_187 = arith.constant 0 : i32
          %dma_start3A_188 = arith.constant 999936 : i32
          %dma_start3A_189 = tpu.memref_slice %arg3[%dma_start3A_187, %dma_start3A_188] : memref<32x1000000xf32, #tpu.memory_space<hbm>> -> memref<32x64xf32, #tpu.memory_space<hbm>>
          %dma_start3A_190 = arith.constant 0 : i32
          %dma_start3A_191 = arith.constant 999936 : i32
          %dma_start3A_192 = tpu.memref_slice %arg3[%dma_start3A_190, %dma_start3A_191] : memref<32x1000000xf32, #tpu.memory_space<hbm>> -> memref<32x64xf32, #tpu.memory_space<hbm>>
          tpu.enqueue_dma source(%dma_start3A_192 : memref<32x64xf32, #tpu.memory_space<hbm>>) target(%arg8 : memref<32x64xf32, #tpu.memory_space<vmem>>) target_semaphore(%run_scoped3A : memref<!tpu.dma_semaphore, #tpu.memory_space<semaphore_mem>>)
          %dma_wait3A_193 = arith.constant 0 : i32
          %dma_wait3A_194 = arith.constant 999936 : i32
          %dma_wait3A_195 = tpu.memref_slice %arg3[%dma_wait3A_193, %dma_wait3A_194] : memref<32x1000000xf32, #tpu.memory_space<hbm>> -> memref<32x64xf32, #tpu.memory_space<hbm>>
          %dma_wait3A_196 = arith.constant 0 : i32
          %dma_wait3A_197 = arith.constant 999936 : i32
          %dma_wait3A_198 = tpu.memref_slice %arg3[%dma_wait3A_196, %dma_wait3A_197] : memref<32x1000000xf32, #tpu.memory_space<hbm>> -> memref<32x64xf32, #tpu.memory_space<hbm>>
          tpu.wait_dma2 semaphore(%run_scoped3A : memref<!tpu.dma_semaphore, #tpu.memory_space<semaphore_mem>>) src(%dma_wait3A_198 : memref<32x64xf32, #tpu.memory_space<hbm>>) dst(%arg8 : memref<32x64xf32, #tpu.memory_space<vmem>>)
          tpu.yield
        }) : () -> ()
        %scan3A_181 = arith.constant 0 : i32
        %scan3A_182 = arith.constant 0 : i32
        %scan3A_183 = arith.constant 4 : i32
        %scan3A_184 = arith.addi %scan3A_182, %scan3A_183 : i32
        %scan3A_185 = arith.constant 1 : i32
        scf.for %scan3A_187 = %scan3A_182 to %scan3A_184 step %scan3A_185  : i32 {
          %mul3A_188 = arith.constant 16 : i32
          %mul3A_189 = arith.muli %scan3A_187, %mul3A_188 : i32
          %multiple_of3A_190 = tpu.assume_multiple %mul3A_189, 16 : i32
          %get3A = arith.constant 0 : i32
          %get3A_191 = arith.index_cast %get3A : i32 to index
          %get3A_192 = arith.index_cast %multiple_of3A_190 : i32 to index
          %get3A_193 = tpu.vector_load %arg8[%get3A_191, %get3A_192] {strides = array<i32>} : memref<32x64xf32, #tpu.memory_space<vmem>>, vector<16xf32>,
          %add3A_194 = arith.constant 0 : i32
          %add3A_195 = arith.addi %add3A_194, %multiple_of3A_190 : i32
          %swap3A = arith.index_cast %add3A_195 : i32 to index
          %swap3A_196 = tpu.vector_load %arg9[%swap3A] {strides = array<i32>} : memref<2048xf32, #tpu.memory_space<vmem>>, vector<16xf32>,
          tpu.vector_store %arg9[%swap3A], %get3A_193 {strides = array<i32>} : memref<2048xf32, #tpu.memory_space<vmem>>, vector<16xf32>,
          %get3A_197 = arith.constant 1 : i32
          %get3A_198 = arith.index_cast %get3A_197 : i32 to index
          %get3A_199 = arith.index_cast %multiple_of3A_190 : i32 to index
          %get3A_200 = tpu.vector_load %arg8[%get3A_198, %get3A_199] {strides = array<i32>} : memref<32x64xf32, #tpu.memory_space<vmem>>, vector<16xf32>,
          %add3A_201 = arith.constant 64 : i32
          %add3A_202 = arith.addi %add3A_201, %multiple_of3A_190 : i32
          %swap3A_203 = arith.index_cast %add3A_202 : i32 to index
          %swap3A_204 = tpu.vector_load %arg9[%swap3A_203] {strides = array<i32>} : memref<2048xf32, #tpu.memory_space<vmem>>, vector<16xf32>,
          tpu.vector_store %arg9[%swap3A_203], %get3A_200 {strides = array<i32>} : memref<2048xf32, #tpu.memory_space<vmem>>, vector<16xf32>,
          %get3A_205 = arith.constant 2 : i32
          %get3A_206 = arith.index_cast %get3A_205 : i32 to index
          %get3A_207 = arith.index_cast %multiple_of3A_190 : i32 to index
          %get3A_208 = tpu.vector_load %arg8[%get3A_206, %get3A_207] {strides = array<i32>} : memref<32x64xf32, #tpu.memory_space<vmem>>, vector<16xf32>,
          %add3A_209 = arith.constant 128 : i32
          %add3A_210 = arith.addi %add3A_209, %multiple_of3A_190 : i32
          %swap3A_211 = arith.index_cast %add3A_210 : i32 to index
          %swap3A_212 = tpu.vector_load %arg9[%swap3A_211] {strides = array<i32>} : memref<2048xf32, #tpu.memory_space<vmem>>, vector<16xf32>,
          tpu.vector_store %arg9[%swap3A_211], %get3A_208 {strides = array<i32>} : memref<2048xf32, #tpu.memory_space<vmem>>, vector<16xf32>,
          %get3A_213 = arith.constant 3 : i32
          %get3A_214 = arith.index_cast %get3A_213 : i32 to index
          %get3A_215 = arith.index_cast %multiple_of3A_190 : i32 to index
          %get3A_216 = tpu.vector_load %arg8[%get3A_214, %get3A_215] {strides = array<i32>} : memref<32x64xf32, #tpu.memory_space<vmem>>, vector<16xf32>,
          %add3A_217 = arith.constant 192 : i32
          %add3A_218 = arith.addi %add3A_217, %multiple_of3A_190 : i32
          %swap3A_219 = arith.index_cast %add3A_218 : i32 to index
          %swap3A_220 = tpu.vector_load %arg9[%swap3A_219] {strides = array<i32>} : memref<2048xf32, #tpu.memory_space<vmem>>, vector<16xf32>,
          tpu.vector_store %arg9[%swap3A_219], %get3A_216 {strides = array<i32>} : memref<2048xf32, #tpu.memory_space<vmem>>, vector<16xf32>,
          %get3A_221 = arith.constant 4 : i32
          %get3A_222 = arith.index_cast %get3A_221 : i32 to index
          %get3A_223 = arith.index_cast %multiple_of3A_190 : i32 to index
          %get3A_224 = tpu.vector_load %arg8[%get3A_222, %get3A_223] {strides = array<i32>} : memref<32x64xf32, #tpu.memory_space<vmem>>, vector<16xf32>,
          %add3A_225 = arith.constant 256 : i32
          %add3A_226 = arith.addi %add3A_225, %multiple_of3A_190 : i32
          %swap3A_227 = arith.index_cast %add3A_226 : i32 to index
          %swap3A_228 = tpu.vector_load %arg9[%swap3A_227] {strides = array<i32>} : memref<2048xf32, #tpu.memory_space<vmem>>, vector<16xf32>,
          tpu.vector_store %arg9[%swap3A_227], %get3A_224 {strides = array<i32>} : memref<2048xf32, #tpu.memory_space<vmem>>, vector<16xf32>,
          %get3A_229 = arith.constant 5 : i32
          %get3A_230 = arith.index_cast %get3A_229 : i32 to index
          %get3A_231 = arith.index_cast %multiple_of3A_190 : i32 to index
          %get3A_232 = tpu.vector_load %arg8[%get3A_230, %get3A_231] {strides = array<i32>} : memref<32x64xf32, #tpu.memory_space<vmem>>, vector<16xf32>,
          %add3A_233 = arith.constant 320 : i32
          %add3A_234 = arith.addi %add3A_233, %multiple_of3A_190 : i32
          %swap3A_235 = arith.index_cast %add3A_234 : i32 to index
          %swap3A_236 = tpu.vector_load %arg9[%swap3A_235] {strides = array<i32>} : memref<2048xf32, #tpu.memory_space<vmem>>, vector<16xf32>,
          tpu.vector_store %arg9[%swap3A_235], %get3A_232 {strides = array<i32>} : memref<2048xf32, #tpu.memory_space<vmem>>, vector<16xf32>,
          %get3A_237 = arith.constant 6 : i32
          %get3A_238 = arith.index_cast %get3A_237 : i32 to index
          %get3A_239 = arith.index_cast %multiple_of3A_190 : i32 to index
          %get3A_240 = tpu.vector_load %arg8[%get3A_238, %get3A_239] {strides = array<i32>} : memref<32x64xf32, #tpu.memory_space<vmem>>, vector<16xf32>,
          %add3A_241 = arith.constant 384 : i32
          %add3A_242 = arith.addi %add3A_241, %multiple_of3A_190 : i32
          %swap3A_243 = arith.index_cast %add3A_242 : i32 to index
          %swap3A_244 = tpu.vector_load %arg9[%swap3A_243] {strides = array<i32>} : memref<2048xf32, #tpu.memory_space<vmem>>, vector<16xf32>,
          tpu.vector_store %arg9[%swap3A_243], %get3A_240 {strides = array<i32>} : memref<2048xf32, #tpu.memory_space<vmem>>, vector<16xf32>,
          %get3A_245 = arith.constant 7 : i32
          %get3A_246 = arith.index_cast %get3A_245 : i32 to index
          %get3A_247 = arith.index_cast %multiple_of3A_190 : i32 to index
          %get3A_248 = tpu.vector_load %arg8[%get3A_246, %get3A_247] {strides = array<i32>} : memref<32x64xf32, #tpu.memory_space<vmem>>, vector<16xf32>,
          %add3A_249 = arith.constant 448 : i32
          %add3A_250 = arith.addi %add3A_249, %multiple_of3A_190 : i32
          %swap3A_251 = arith.index_cast %add3A_250 : i32 to index
          %swap3A_252 = tpu.vector_load %arg9[%swap3A_251] {strides = array<i32>} : memref<2048xf32, #tpu.memory_space<vmem>>, vector<16xf32>,
          tpu.vector_store %arg9[%swap3A_251], %get3A_248 {strides = array<i32>} : memref<2048xf32, #tpu.memory_space<vmem>>, vector<16xf32>,
          %get3A_253 = arith.constant 8 : i32
          %get3A_254 = arith.index_cast %get3A_253 : i32 to index
          %get3A_255 = arith.index_cast %multiple_of3A_190 : i32 to index
          %get3A_256 = tpu.vector_load %arg8[%get3A_254, %get3A_255] {strides = array<i32>} : memref<32x64xf32, #tpu.memory_space<vmem>>, vector<16xf32>,
          %add3A_257 = arith.constant 512 : i32
          %add3A_258 = arith.addi %add3A_257, %multiple_of3A_190 : i32
          %swap3A_259 = arith.index_cast %add3A_258 : i32 to index
          %swap3A_260 = tpu.vector_load %arg9[%swap3A_259] {strides = array<i32>} : memref<2048xf32, #tpu.memory_space<vmem>>, vector<16xf32>,
          tpu.vector_store %arg9[%swap3A_259], %get3A_256 {strides = array<i32>} : memref<2048xf32, #tpu.memory_space<vmem>>, vector<16xf32>,
          %get3A_261 = arith.constant 9 : i32
          %get3A_262 = arith.index_cast %get3A_261 : i32 to index
          %get3A_263 = arith.index_cast %multiple_of3A_190 : i32 to index
          %get3A_264 = tpu.vector_load %arg8[%get3A_262, %get3A_263] {strides = array<i32>} : memref<32x64xf32, #tpu.memory_space<vmem>>, vector<16xf32>,
          %add3A_265 = arith.constant 576 : i32
          %add3A_266 = arith.addi %add3A_265, %multiple_of3A_190 : i32
          %swap3A_267 = arith.index_cast %add3A_266 : i32 to index
          %swap3A_268 = tpu.vector_load %arg9[%swap3A_267] {strides = array<i32>} : memref<2048xf32, #tpu.memory_space<vmem>>, vector<16xf32>,
          tpu.vector_store %arg9[%swap3A_267], %get3A_264 {strides = array<i32>} : memref<2048xf32, #tpu.memory_space<vmem>>, vector<16xf32>,
          %get3A_269 = arith.constant 10 : i32
          %get3A_270 = arith.index_cast %get3A_269 : i32 to index
          %get3A_271 = arith.index_cast %multiple_of3A_190 : i32 to index
          %get3A_272 = tpu.vector_load %arg8[%get3A_270, %get3A_271] {strides = array<i32>} : memref<32x64xf32, #tpu.memory_space<vmem>>, vector<16xf32>,
          %add3A_273 = arith.constant 640 : i32
          %add3A_274 = arith.addi %add3A_273, %multiple_of3A_190 : i32
          %swap3A_275 = arith.index_cast %add3A_274 : i32 to index
          %swap3A_276 = tpu.vector_load %arg9[%swap3A_275] {strides = array<i32>} : memref<2048xf32, #tpu.memory_space<vmem>>, vector<16xf32>,
          tpu.vector_store %arg9[%swap3A_275], %get3A_272 {strides = array<i32>} : memref<2048xf32, #tpu.memory_space<vmem>>, vector<16xf32>,
          %get3A_277 = arith.constant 11 : i32
          %get3A_278 = arith.index_cast %get3A_277 : i32 to index
          %get3A_279 = arith.index_cast %multiple_of3A_190 : i32 to index
          %get3A_280 = tpu.vector_load %arg8[%get3A_278, %get3A_279] {strides = array<i32>} : memref<32x64xf32, #tpu.memory_space<vmem>>, vector<16xf32>,
          %add3A_281 = arith.constant 704 : i32
          %add3A_282 = arith.addi %add3A_281, %multiple_of3A_190 : i32
          %swap3A_283 = arith.index_cast %add3A_282 : i32 to index
          %swap3A_284 = tpu.vector_load %arg9[%swap3A_283] {strides = array<i32>} : memref<2048xf32, #tpu.memory_space<vmem>>, vector<16xf32>,
          tpu.vector_store %arg9[%swap3A_283], %get3A_280 {strides = array<i32>} : memref<2048xf32, #tpu.memory_space<vmem>>, vector<16xf32>,
          %get3A_285 = arith.constant 12 : i32
          %get3A_286 = arith.index_cast %get3A_285 : i32 to index
          %get3A_287 = arith.index_cast %multiple_of3A_190 : i32 to index
          %get3A_288 = tpu.vector_load %arg8[%get3A_286, %get3A_287] {strides = array<i32>} : memref<32x64xf32, #tpu.memory_space<vmem>>, vector<16xf32>,
          %add3A_289 = arith.constant 768 : i32
          %add3A_290 = arith.addi %add3A_289, %multiple_of3A_190 : i32
          %swap3A_291 = arith.index_cast %add3A_290 : i32 to index
          %swap3A_292 = tpu.vector_load %arg9[%swap3A_291] {strides = array<i32>} : memref<2048xf32, #tpu.memory_space<vmem>>, vector<16xf32>,
          tpu.vector_store %arg9[%swap3A_291], %get3A_288 {strides = array<i32>} : memref<2048xf32, #tpu.memory_space<vmem>>, vector<16xf32>,
          %get3A_293 = arith.constant 13 : i32
          %get3A_294 = arith.index_cast %get3A_293 : i32 to index
          %get3A_295 = arith.index_cast %multiple_of3A_190 : i32 to index
          %get3A_296 = tpu.vector_load %arg8[%get3A_294, %get3A_295] {strides = array<i32>} : memref<32x64xf32, #tpu.memory_space<vmem>>, vector<16xf32>,
          %add3A_297 = arith.constant 832 : i32
          %add3A_298 = arith.addi %add3A_297, %multiple_of3A_190 : i32
          %swap3A_299 = arith.index_cast %add3A_298 : i32 to index
          %swap3A_300 = tpu.vector_load %arg9[%swap3A_299] {strides = array<i32>} : memref<2048xf32, #tpu.memory_space<vmem>>, vector<16xf32>,
          tpu.vector_store %arg9[%swap3A_299], %get3A_296 {strides = array<i32>} : memref<2048xf32, #tpu.memory_space<vmem>>, vector<16xf32>,
          %get3A_301 = arith.constant 14 : i32
          %get3A_302 = arith.index_cast %get3A_301 : i32 to index
          %get3A_303 = arith.index_cast %multiple_of3A_190 : i32 to index
          %get3A_304 = tpu.vector_load %arg8[%get3A_302, %get3A_303] {strides = array<i32>} : memref<32x64xf32, #tpu.memory_space<vmem>>, vector<16xf32>,
          %add3A_305 = arith.constant 896 : i32
          %add3A_306 = arith.addi %add3A_305, %multiple_of3A_190 : i32
          %swap3A_307 = arith.index_cast %add3A_306 : i32 to index
          %swap3A_308 = tpu.vector_load %arg9[%swap3A_307] {strides = array<i32>} : memref<2048xf32, #tpu.memory_space<vmem>>, vector<16xf32>,
          tpu.vector_store %arg9[%swap3A_307], %get3A_304 {strides = array<i32>} : memref<2048xf32, #tpu.memory_space<vmem>>, vector<16xf32>,
          %get3A_309 = arith.constant 15 : i32
          %get3A_310 = arith.index_cast %get3A_309 : i32 to index
          %get3A_311 = arith.index_cast %multiple_of3A_190 : i32 to index
          %get3A_312 = tpu.vector_load %arg8[%get3A_310, %get3A_311] {strides = array<i32>} : memref<32x64xf32, #tpu.memory_space<vmem>>, vector<16xf32>,
          %add3A_313 = arith.constant 960 : i32
          %add3A_314 = arith.addi %add3A_313, %multiple_of3A_190 : i32
          %swap3A_315 = arith.index_cast %add3A_314 : i32 to index
          %swap3A_316 = tpu.vector_load %arg9[%swap3A_315] {strides = array<i32>} : memref<2048xf32, #tpu.memory_space<vmem>>, vector<16xf32>,
          tpu.vector_store %arg9[%swap3A_315], %get3A_312 {strides = array<i32>} : memref<2048xf32, #tpu.memory_space<vmem>>, vector<16xf32>,
          %get3A_317 = arith.constant 16 : i32
          %get3A_318 = arith.index_cast %get3A_317 : i32 to index
          %get3A_319 = arith.index_cast %multiple_of3A_190 : i32 to index
          %get3A_320 = tpu.vector_load %arg8[%get3A_318, %get3A_319] {strides = array<i32>} : memref<32x64xf32, #tpu.memory_space<vmem>>, vector<16xf32>,
          %add3A_321 = arith.constant 1024 : i32
          %add3A_322 = arith.addi %add3A_321, %multiple_of3A_190 : i32
          %swap3A_323 = arith.index_cast %add3A_322 : i32 to index
          %swap3A_324 = tpu.vector_load %arg9[%swap3A_323] {strides = array<i32>} : memref<2048xf32, #tpu.memory_space<vmem>>, vector<16xf32>,
          tpu.vector_store %arg9[%swap3A_323], %get3A_320 {strides = array<i32>} : memref<2048xf32, #tpu.memory_space<vmem>>, vector<16xf32>,
          %get3A_325 = arith.constant 17 : i32
          %get3A_326 = arith.index_cast %get3A_325 : i32 to index
          %get3A_327 = arith.index_cast %multiple_of3A_190 : i32 to index
          %get3A_328 = tpu.vector_load %arg8[%get3A_326, %get3A_327] {strides = array<i32>} : memref<32x64xf32, #tpu.memory_space<vmem>>, vector<16xf32>,
          %add3A_329 = arith.constant 1088 : i32
          %add3A_330 = arith.addi %add3A_329, %multiple_of3A_190 : i32
          %swap3A_331 = arith.index_cast %add3A_330 : i32 to index
          %swap3A_332 = tpu.vector_load %arg9[%swap3A_331] {strides = array<i32>} : memref<2048xf32, #tpu.memory_space<vmem>>, vector<16xf32>,
          tpu.vector_store %arg9[%swap3A_331], %get3A_328 {strides = array<i32>} : memref<2048xf32, #tpu.memory_space<vmem>>, vector<16xf32>,
          %get3A_333 = arith.constant 18 : i32
          %get3A_334 = arith.index_cast %get3A_333 : i32 to index
          %get3A_335 = arith.index_cast %multiple_of3A_190 : i32 to index
          %get3A_336 = tpu.vector_load %arg8[%get3A_334, %get3A_335] {strides = array<i32>} : memref<32x64xf32, #tpu.memory_space<vmem>>, vector<16xf32>,
          %add3A_337 = arith.constant 1152 : i32
          %add3A_338 = arith.addi %add3A_337, %multiple_of3A_190 : i32
          %swap3A_339 = arith.index_cast %add3A_338 : i32 to index
          %swap3A_340 = tpu.vector_load %arg9[%swap3A_339] {strides = array<i32>} : memref<2048xf32, #tpu.memory_space<vmem>>, vector<16xf32>,
          tpu.vector_store %arg9[%swap3A_339], %get3A_336 {strides = array<i32>} : memref<2048xf32, #tpu.memory_space<vmem>>, vector<16xf32>,
          %get3A_341 = arith.constant 19 : i32
          %get3A_342 = arith.index_cast %get3A_341 : i32 to index
          %get3A_343 = arith.index_cast %multiple_of3A_190 : i32 to index
          %get3A_344 = tpu.vector_load %arg8[%get3A_342, %get3A_343] {strides = array<i32>} : memref<32x64xf32, #tpu.memory_space<vmem>>, vector<16xf32>,
          %add3A_345 = arith.constant 1216 : i32
          %add3A_346 = arith.addi %add3A_345, %multiple_of3A_190 : i32
          %swap3A_347 = arith.index_cast %add3A_346 : i32 to index
          %swap3A_348 = tpu.vector_load %arg9[%swap3A_347] {strides = array<i32>} : memref<2048xf32, #tpu.memory_space<vmem>>, vector<16xf32>,
          tpu.vector_store %arg9[%swap3A_347], %get3A_344 {strides = array<i32>} : memref<2048xf32, #tpu.memory_space<vmem>>, vector<16xf32>,
          %get3A_349 = arith.constant 20 : i32
          %get3A_350 = arith.index_cast %get3A_349 : i32 to index
          %get3A_351 = arith.index_cast %multiple_of3A_190 : i32 to index
          %get3A_352 = tpu.vector_load %arg8[%get3A_350, %get3A_351] {strides = array<i32>} : memref<32x64xf32, #tpu.memory_space<vmem>>, vector<16xf32>,
          %add3A_353 = arith.constant 1280 : i32
          %add3A_354 = arith.addi %add3A_353, %multiple_of3A_190 : i32
          %swap3A_355 = arith.index_cast %add3A_354 : i32 to index
          %swap3A_356 = tpu.vector_load %arg9[%swap3A_355] {strides = array<i32>} : memref<2048xf32, #tpu.memory_space<vmem>>, vector<16xf32>,
          tpu.vector_store %arg9[%swap3A_355], %get3A_352 {strides = array<i32>} : memref<2048xf32, #tpu.memory_space<vmem>>, vector<16xf32>,
          %get3A_357 = arith.constant 21 : i32
          %get3A_358 = arith.index_cast %get3A_357 : i32 to index
          %get3A_359 = arith.index_cast %multiple_of3A_190 : i32 to index
          %get3A_360 = tpu.vector_load %arg8[%get3A_358, %get3A_359] {strides = array<i32>} : memref<32x64xf32, #tpu.memory_space<vmem>>, vector<16xf32>,
          %add3A_361 = arith.constant 1344 : i32
          %add3A_362 = arith.addi %add3A_361, %multiple_of3A_190 : i32
          %swap3A_363 = arith.index_cast %add3A_362 : i32 to index
          %swap3A_364 = tpu.vector_load %arg9[%swap3A_363] {strides = array<i32>} : memref<2048xf32, #tpu.memory_space<vmem>>, vector<16xf32>,
          tpu.vector_store %arg9[%swap3A_363], %get3A_360 {strides = array<i32>} : memref<2048xf32, #tpu.memory_space<vmem>>, vector<16xf32>,
          %get3A_365 = arith.constant 22 : i32
          %get3A_366 = arith.index_cast %get3A_365 : i32 to index
          %get3A_367 = arith.index_cast %multiple_of3A_190 : i32 to index
          %get3A_368 = tpu.vector_load %arg8[%get3A_366, %get3A_367] {strides = array<i32>} : memref<32x64xf32, #tpu.memory_space<vmem>>, vector<16xf32>,
          %add3A_369 = arith.constant 1408 : i32
          %add3A_370 = arith.addi %add3A_369, %multiple_of3A_190 : i32
          %swap3A_371 = arith.index_cast %add3A_370 : i32 to index
          %swap3A_372 = tpu.vector_load %arg9[%swap3A_371] {strides = array<i32>} : memref<2048xf32, #tpu.memory_space<vmem>>, vector<16xf32>,
          tpu.vector_store %arg9[%swap3A_371], %get3A_368 {strides = array<i32>} : memref<2048xf32, #tpu.memory_space<vmem>>, vector<16xf32>,
          %get3A_373 = arith.constant 23 : i32
          %get3A_374 = arith.index_cast %get3A_373 : i32 to index
          %get3A_375 = arith.index_cast %multiple_of3A_190 : i32 to index
          %get3A_376 = tpu.vector_load %arg8[%get3A_374, %get3A_375] {strides = array<i32>} : memref<32x64xf32, #tpu.memory_space<vmem>>, vector<16xf32>,
          %add3A_377 = arith.constant 1472 : i32
          %add3A_378 = arith.addi %add3A_377, %multiple_of3A_190 : i32
          %swap3A_379 = arith.index_cast %add3A_378 : i32 to index
          %swap3A_380 = tpu.vector_load %arg9[%swap3A_379] {strides = array<i32>} : memref<2048xf32, #tpu.memory_space<vmem>>, vector<16xf32>,
          tpu.vector_store %arg9[%swap3A_379], %get3A_376 {strides = array<i32>} : memref<2048xf32, #tpu.memory_space<vmem>>, vector<16xf32>,
          %get3A_381 = arith.constant 24 : i32
          %get3A_382 = arith.index_cast %get3A_381 : i32 to index
          %get3A_383 = arith.index_cast %multiple_of3A_190 : i32 to index
          %get3A_384 = tpu.vector_load %arg8[%get3A_382, %get3A_383] {strides = array<i32>} : memref<32x64xf32, #tpu.memory_space<vmem>>, vector<16xf32>,
          %add3A_385 = arith.constant 1536 : i32
          %add3A_386 = arith.addi %add3A_385, %multiple_of3A_190 : i32
          %swap3A_387 = arith.index_cast %add3A_386 : i32 to index
          %swap3A_388 = tpu.vector_load %arg9[%swap3A_387] {strides = array<i32>} : memref<2048xf32, #tpu.memory_space<vmem>>, vector<16xf32>,
          tpu.vector_store %arg9[%swap3A_387], %get3A_384 {strides = array<i32>} : memref<2048xf32, #tpu.memory_space<vmem>>, vector<16xf32>,
          %get3A_389 = arith.constant 25 : i32
          %get3A_390 = arith.index_cast %get3A_389 : i32 to index
          %get3A_391 = arith.index_cast %multiple_of3A_190 : i32 to index
          %get3A_392 = tpu.vector_load %arg8[%get3A_390, %get3A_391] {strides = array<i32>} : memref<32x64xf32, #tpu.memory_space<vmem>>, vector<16xf32>,
          %add3A_393 = arith.constant 1600 : i32
          %add3A_394 = arith.addi %add3A_393, %multiple_of3A_190 : i32
          %swap3A_395 = arith.index_cast %add3A_394 : i32 to index
          %swap3A_396 = tpu.vector_load %arg9[%swap3A_395] {strides = array<i32>} : memref<2048xf32, #tpu.memory_space<vmem>>, vector<16xf32>,
          tpu.vector_store %arg9[%swap3A_395], %get3A_392 {strides = array<i32>} : memref<2048xf32, #tpu.memory_space<vmem>>, vector<16xf32>,
          %get3A_397 = arith.constant 26 : i32
          %get3A_398 = arith.index_cast %get3A_397 : i32 to index
          %get3A_399 = arith.index_cast %multiple_of3A_190 : i32 to index
          %get3A_400 = tpu.vector_load %arg8[%get3A_398, %get3A_399] {strides = array<i32>} : memref<32x64xf32, #tpu.memory_space<vmem>>, vector<16xf32>,
          %add3A_401 = arith.constant 1664 : i32
          %add3A_402 = arith.addi %add3A_401, %multiple_of3A_190 : i32
          %swap3A_403 = arith.index_cast %add3A_402 : i32 to index
          %swap3A_404 = tpu.vector_load %arg9[%swap3A_403] {strides = array<i32>} : memref<2048xf32, #tpu.memory_space<vmem>>, vector<16xf32>,
          tpu.vector_store %arg9[%swap3A_403], %get3A_400 {strides = array<i32>} : memref<2048xf32, #tpu.memory_space<vmem>>, vector<16xf32>,
          %get3A_405 = arith.constant 27 : i32
          %get3A_406 = arith.index_cast %get3A_405 : i32 to index
          %get3A_407 = arith.index_cast %multiple_of3A_190 : i32 to index
          %get3A_408 = tpu.vector_load %arg8[%get3A_406, %get3A_407] {strides = array<i32>} : memref<32x64xf32, #tpu.memory_space<vmem>>, vector<16xf32>,
          %add3A_409 = arith.constant 1728 : i32
          %add3A_410 = arith.addi %add3A_409, %multiple_of3A_190 : i32
          %swap3A_411 = arith.index_cast %add3A_410 : i32 to index
          %swap3A_412 = tpu.vector_load %arg9[%swap3A_411] {strides = array<i32>} : memref<2048xf32, #tpu.memory_space<vmem>>, vector<16xf32>,
          tpu.vector_store %arg9[%swap3A_411], %get3A_408 {strides = array<i32>} : memref<2048xf32, #tpu.memory_space<vmem>>, vector<16xf32>,
          %get3A_413 = arith.constant 28 : i32
          %get3A_414 = arith.index_cast %get3A_413 : i32 to index
          %get3A_415 = arith.index_cast %multiple_of3A_190 : i32 to index
          %get3A_416 = tpu.vector_load %arg8[%get3A_414, %get3A_415] {strides = array<i32>} : memref<32x64xf32, #tpu.memory_space<vmem>>, vector<16xf32>,
          %add3A_417 = arith.constant 1792 : i32
          %add3A_418 = arith.addi %add3A_417, %multiple_of3A_190 : i32
          %swap3A_419 = arith.index_cast %add3A_418 : i32 to index
          %swap3A_420 = tpu.vector_load %arg9[%swap3A_419] {strides = array<i32>} : memref<2048xf32, #tpu.memory_space<vmem>>, vector<16xf32>,
          tpu.vector_store %arg9[%swap3A_419], %get3A_416 {strides = array<i32>} : memref<2048xf32, #tpu.memory_space<vmem>>, vector<16xf32>,
          %get3A_421 = arith.constant 29 : i32
          %get3A_422 = arith.index_cast %get3A_421 : i32 to index
          %get3A_423 = arith.index_cast %multiple_of3A_190 : i32 to index
          %get3A_424 = tpu.vector_load %arg8[%get3A_422, %get3A_423] {strides = array<i32>} : memref<32x64xf32, #tpu.memory_space<vmem>>, vector<16xf32>,
          %add3A_425 = arith.constant 1856 : i32
          %add3A_426 = arith.addi %add3A_425, %multiple_of3A_190 : i32
          %swap3A_427 = arith.index_cast %add3A_426 : i32 to index
          %swap3A_428 = tpu.vector_load %arg9[%swap3A_427] {strides = array<i32>} : memref<2048xf32, #tpu.memory_space<vmem>>, vector<16xf32>,
          tpu.vector_store %arg9[%swap3A_427], %get3A_424 {strides = array<i32>} : memref<2048xf32, #tpu.memory_space<vmem>>, vector<16xf32>,
          %get3A_429 = arith.constant 30 : i32
          %get3A_430 = arith.index_cast %get3A_429 : i32 to index
          %get3A_431 = arith.index_cast %multiple_of3A_190 : i32 to index
          %get3A_432 = tpu.vector_load %arg8[%get3A_430, %get3A_431] {strides = array<i32>} : memref<32x64xf32, #tpu.memory_space<vmem>>, vector<16xf32>,
          %add3A_433 = arith.constant 1920 : i32
          %add3A_434 = arith.addi %add3A_433, %multiple_of3A_190 : i32
          %swap3A_435 = arith.index_cast %add3A_434 : i32 to index
          %swap3A_436 = tpu.vector_load %arg9[%swap3A_435] {strides = array<i32>} : memref<2048xf32, #tpu.memory_space<vmem>>, vector<16xf32>,
          tpu.vector_store %arg9[%swap3A_435], %get3A_432 {strides = array<i32>} : memref<2048xf32, #tpu.memory_space<vmem>>, vector<16xf32>,
          %get3A_437 = arith.constant 31 : i32
          %get3A_438 = arith.index_cast %get3A_437 : i32 to index
          %get3A_439 = arith.index_cast %multiple_of3A_190 : i32 to index
          %get3A_440 = tpu.vector_load %arg8[%get3A_438, %get3A_439] {strides = array<i32>} : memref<32x64xf32, #tpu.memory_space<vmem>>, vector<16xf32>,
          %add3A_441 = arith.constant 1984 : i32
          %add3A_442 = arith.addi %add3A_441, %multiple_of3A_190 : i32
          %swap3A_443 = arith.index_cast %add3A_442 : i32 to index
          %swap3A_444 = tpu.vector_load %arg9[%swap3A_443] {strides = array<i32>} : memref<2048xf32, #tpu.memory_space<vmem>>, vector<16xf32>,
          tpu.vector_store %arg9[%swap3A_443], %get3A_440 {strides = array<i32>} : memref<2048xf32, #tpu.memory_space<vmem>>, vector<16xf32>,
        }
        %scan3A_186 = arith.constant 4 : i32
        "tpu.region"() ({
          %run_scoped3A = tpu.sem_alloc : memref<!tpu.dma_semaphore, #tpu.memory_space<semaphore_mem>>
          %dma_start3A_187 = arith.constant 31997952 : i32
          %dma_start3A_188 = tpu.memref_slice %arg5[%dma_start3A_187] : memref<32000000xf32, #tpu.memory_space<hbm>> -> memref<2048xf32, #tpu.memory_space<hbm>>
          %dma_start3A_189 = arith.constant 31997952 : i32
          %dma_start3A_190 = tpu.memref_slice %arg5[%dma_start3A_189] : memref<32000000xf32, #tpu.memory_space<hbm>> -> memref<2048xf32, #tpu.memory_space<hbm>>
          tpu.enqueue_dma source(%arg9 : memref<2048xf32, #tpu.memory_space<vmem>>) target(%dma_start3A_190 : memref<2048xf32, #tpu.memory_space<hbm>>) target_semaphore(%run_scoped3A : memref<!tpu.dma_semaphore, #tpu.memory_space<semaphore_mem>>)
          %dma_wait3A_191 = arith.constant 31997952 : i32
          %dma_wait3A_192 = tpu.memref_slice %arg5[%dma_wait3A_191] : memref<32000000xf32, #tpu.memory_space<hbm>> -> memref<2048xf32, #tpu.memory_space<hbm>>
          %dma_wait3A_193 = arith.constant 31997952 : i32
          %dma_wait3A_194 = tpu.memref_slice %arg5[%dma_wait3A_193] : memref<32000000xf32, #tpu.memory_space<hbm>> -> memref<2048xf32, #tpu.memory_space<hbm>>
          tpu.wait_dma2 semaphore(%run_scoped3A : memref<!tpu.dma_semaphore, #tpu.memory_space<semaphore_mem>>) src(%arg9 : memref<2048xf32, #tpu.memory_space<vmem>>) dst(%dma_wait3A_194 : memref<2048xf32, #tpu.memory_space<hbm>>)
          tpu.yield
        }) : () -> ()
      } else {
      }
    } else {
    }
    return
  }
}

#map = affine_map<(d0, d1) -> (0)>
module attributes {stable_mosaic.version = 14 : i64} {
  func.func @_gather_dot(%arg0: i32, %arg1: i32, %arg2: memref<16384xi32, #tpu.memory_space<hbm>>, %arg3: memref<16384xi32, #tpu.memory_space<hbm>>, %arg4: memref<32000000xf32, #tpu.memory_space<hbm>>, %arg5: memref<32000000xf32, #tpu.memory_space<hbm>>, %arg6: memref<16384xf32, #tpu.memory_space<hbm>>, %arg7: memref<512xi32, #tpu.memory_space<vmem>>, %arg8: memref<512xi32, #tpu.memory_space<vmem>>, %arg9: memref<16384xi32, #tpu.memory_space<vmem>>, %arg10: memref<16384xi32, #tpu.memory_space<vmem>>, %arg11: memref<16384xf32, #tpu.memory_space<vmem>>, %arg12: memref<16384xf32, #tpu.memory_space<vmem>>, %arg13: memref<512xf32, #tpu.memory_space<vmem>>, %arg14: memref<!tpu.dma_semaphore, #tpu.memory_space<semaphore_mem>>, %arg15: memref<!tpu.dma_semaphore, #tpu.memory_space<semaphore_mem>>) attributes {dimension_semantics = [#tpu.dimension_semantics<core_parallel>, #tpu.dimension_semantics<subcore_parallel>], iteration_bounds = array<i64: 2, 16>, scalar_prefetch = 0 : i64, scratch_operands = 9 : i64, tpu.core_type = #tpu.core_type<sc_vector_subcore>, window_params = [{transform_indices = #map}, {transform_indices = #map}, {transform_indices = #map}, {transform_indices = #map}, {transform_indices = #map}]} {
    %mul3A = arith.constant 2 : i32
    %mul3A_0 = arith.muli %arg1, %mul3A : i32
    %add3A = arith.addi %mul3A_0, %arg0 : i32
    %mul3A_1 = arith.constant 512 : i32
    %mul3A_2 = arith.muli %add3A, %mul3A_1 : i32
    "tpu.region"() ({
      %run_scoped3A = tpu.sem_alloc : memref<!tpu.dma_semaphore, #tpu.memory_space<semaphore_mem>>
      %dma_start3A = tpu.memref_slice %arg2[%mul3A_2] : memref<16384xi32, #tpu.memory_space<hbm>> -> memref<512xi32, #tpu.memory_space<hbm>>
      %dma_start3A_27 = tpu.memref_slice %arg2[%mul3A_2] : memref<16384xi32, #tpu.memory_space<hbm>> -> memref<512xi32, #tpu.memory_space<hbm>>
      tpu.enqueue_dma source(%dma_start3A_27 : memref<512xi32, #tpu.memory_space<hbm>>) target(%arg7 : memref<512xi32, #tpu.memory_space<vmem>>) target_semaphore(%run_scoped3A : memref<!tpu.dma_semaphore, #tpu.memory_space<semaphore_mem>>)
      %dma_wait3A_28 = tpu.memref_slice %arg2[%mul3A_2] : memref<16384xi32, #tpu.memory_space<hbm>> -> memref<512xi32, #tpu.memory_space<hbm>>
      %dma_wait3A_29 = tpu.memref_slice %arg2[%mul3A_2] : memref<16384xi32, #tpu.memory_space<hbm>> -> memref<512xi32, #tpu.memory_space<hbm>>
      tpu.wait_dma2 semaphore(%run_scoped3A : memref<!tpu.dma_semaphore, #tpu.memory_space<semaphore_mem>>) src(%dma_wait3A_29 : memref<512xi32, #tpu.memory_space<hbm>>) dst(%arg7 : memref<512xi32, #tpu.memory_space<vmem>>)
      tpu.yield
    }) : () -> ()
    "tpu.region"() ({
      %run_scoped3A = tpu.sem_alloc : memref<!tpu.dma_semaphore, #tpu.memory_space<semaphore_mem>>
      %dma_start3A = tpu.memref_slice %arg3[%mul3A_2] : memref<16384xi32, #tpu.memory_space<hbm>> -> memref<512xi32, #tpu.memory_space<hbm>>
      %dma_start3A_27 = tpu.memref_slice %arg3[%mul3A_2] : memref<16384xi32, #tpu.memory_space<hbm>> -> memref<512xi32, #tpu.memory_space<hbm>>
      tpu.enqueue_dma source(%dma_start3A_27 : memref<512xi32, #tpu.memory_space<hbm>>) target(%arg8 : memref<512xi32, #tpu.memory_space<vmem>>) target_semaphore(%run_scoped3A : memref<!tpu.dma_semaphore, #tpu.memory_space<semaphore_mem>>)
      %dma_wait3A_28 = tpu.memref_slice %arg3[%mul3A_2] : memref<16384xi32, #tpu.memory_space<hbm>> -> memref<512xi32, #tpu.memory_space<hbm>>
      %dma_wait3A_29 = tpu.memref_slice %arg3[%mul3A_2] : memref<16384xi32, #tpu.memory_space<hbm>> -> memref<512xi32, #tpu.memory_space<hbm>>
      tpu.wait_dma2 semaphore(%run_scoped3A : memref<!tpu.dma_semaphore, #tpu.memory_space<semaphore_mem>>) src(%dma_wait3A_29 : memref<512xi32, #tpu.memory_space<hbm>>) dst(%arg8 : memref<512xi32, #tpu.memory_space<vmem>>)
      tpu.yield
    }) : () -> ()
    %scan3A = arith.constant 0 : i32
    %scan3A_3 = arith.constant 0 : i32
    %scan3A_4 = arith.constant 32 : i32
    %scan3A_5 = arith.addi %scan3A_3, %scan3A_4 : i32
    %scan3A_6 = arith.constant 1 : i32
    scf.for %scan3A_27 = %scan3A_3 to %scan3A_5 step %scan3A_6  : i32 {
      %mul3A_28 = arith.constant 16 : i32
      %mul3A_29 = arith.muli %scan3A_27, %mul3A_28 : i32
      %multiple_of3A = tpu.assume_multiple %mul3A_29, 16 : i32
      %get3A = arith.index_cast %multiple_of3A : i32 to index
      %get3A_30 = tpu.vector_load %arg7[%get3A] {strides = array<i32>} : memref<512xi32, #tpu.memory_space<vmem>>, vector<16xi32>,
      %get3A_31 = arith.index_cast %multiple_of3A : i32 to index
      %get3A_32 = tpu.vector_load %arg8[%get3A_31] {strides = array<i32>} : memref<512xi32, #tpu.memory_space<vmem>>, vector<16xi32>,
      %lt3A = arith.constant 999936 : i32
      %lt3A_33 = vector.broadcast %lt3A : i32 to vector<16xi32>
      %lt3A_34 = arith.cmpi slt, %get3A_30, %lt3A_33 : vector<16xi32>
      %lt3A_35 = arith.constant 999936 : i32
      %lt3A_36 = vector.broadcast %lt3A_35 : i32 to vector<16xi32>
      %lt3A_37 = arith.cmpi slt, %get3A_32, %lt3A_36 : vector<16xi32>
      %jit3A = arith.constant 999936 : i32
      %jit3A_38 = arith.constant 64 : i32
      %broadcast_in_dim3A = vector.broadcast %jit3A : i32 to vector<16xi32>
      %broadcast_in_dim3A_39 = vector.broadcast %jit3A_38 : i32 to vector<16xi32>
      %select_n3A = arith.select %lt3A_34, %broadcast_in_dim3A, %broadcast_in_dim3A_39 : vector<16xi1>, vector<16xi32>
      %jit3A_40 = arith.constant 999936 : i32
      %jit3A_41 = arith.constant 64 : i32
      %broadcast_in_dim3A_42 = vector.broadcast %jit3A_40 : i32 to vector<16xi32>
      %broadcast_in_dim3A_43 = vector.broadcast %jit3A_41 : i32 to vector<16xi32>
      %select_n3A_44 = arith.select %lt3A_37, %broadcast_in_dim3A_42, %broadcast_in_dim3A_43 : vector<16xi1>, vector<16xi32>
      %add3A_45 = arith.constant 31997952 : i32
      %add3A_46 = vector.broadcast %add3A_45 : i32 to vector<16xi32>
      %add3A_47 = arith.addi %add3A_46, %get3A_30 : vector<16xi32>
      %sub3A = arith.constant 999936 : i32
      %sub3A_48 = vector.broadcast %sub3A : i32 to vector<16xi32>
      %sub3A_49 = arith.subi %add3A_47, %sub3A_48 : vector<16xi32>
      %select_n3A_50 = arith.select %lt3A_34, %get3A_30, %sub3A_49 : vector<16xi1>, vector<16xi32>
      %add3A_51 = arith.constant 31997952 : i32
      %add3A_52 = vector.broadcast %add3A_51 : i32 to vector<16xi32>
      %add3A_53 = arith.addi %add3A_52, %get3A_32 : vector<16xi32>
      %sub3A_54 = arith.constant 999936 : i32
      %sub3A_55 = vector.broadcast %sub3A_54 : i32 to vector<16xi32>
      %sub3A_56 = arith.subi %add3A_53, %sub3A_55 : vector<16xi32>
      %select_n3A_57 = arith.select %lt3A_37, %get3A_32, %sub3A_56 : vector<16xi1>, vector<16xi32>
      %add3A_58 = arith.constant 0 : i32
      %add3A_59 = arith.addi %add3A_58, %multiple_of3A : i32
      %swap3A = arith.index_cast %add3A_59 : i32 to index
      %swap3A_60 = tpu.vector_load %arg9[%swap3A] {strides = array<i32>} : memref<16384xi32, #tpu.memory_space<vmem>>, vector<16xi32>,
      tpu.vector_store %arg9[%swap3A], %select_n3A_50 {strides = array<i32>} : memref<16384xi32, #tpu.memory_space<vmem>>, vector<16xi32>,
      %add3A_61 = arith.constant 0 : i32
      %add3A_62 = arith.addi %add3A_61, %multiple_of3A : i32
      %swap3A_63 = arith.index_cast %add3A_62 : i32 to index
      %swap3A_64 = tpu.vector_load %arg10[%swap3A_63] {strides = array<i32>} : memref<16384xi32, #tpu.memory_space<vmem>>, vector<16xi32>,
      tpu.vector_store %arg10[%swap3A_63], %select_n3A_57 {strides = array<i32>} : memref<16384xi32, #tpu.memory_space<vmem>>, vector<16xi32>,
      %add3A_65 = arith.addi %select_n3A_50, %select_n3A : vector<16xi32>
      %add3A_66 = arith.addi %select_n3A_57, %select_n3A_44 : vector<16xi32>
      %add3A_67 = arith.constant 512 : i32
      %add3A_68 = arith.addi %add3A_67, %multiple_of3A : i32
      %swap3A_69 = arith.index_cast %add3A_68 : i32 to index
      %swap3A_70 = tpu.vector_load %arg9[%swap3A_69] {strides = array<i32>} : memref<16384xi32, #tpu.memory_space<vmem>>, vector<16xi32>,
      tpu.vector_store %arg9[%swap3A_69], %add3A_65 {strides = array<i32>} : memref<16384xi32, #tpu.memory_space<vmem>>, vector<16xi32>,
      %add3A_71 = arith.constant 512 : i32
      %add3A_72 = arith.addi %add3A_71, %multiple_of3A : i32
      %swap3A_73 = arith.index_cast %add3A_72 : i32 to index
      %swap3A_74 = tpu.vector_load %arg10[%swap3A_73] {strides = array<i32>} : memref<16384xi32, #tpu.memory_space<vmem>>, vector<16xi32>,
      tpu.vector_store %arg10[%swap3A_73], %add3A_66 {strides = array<i32>} : memref<16384xi32, #tpu.memory_space<vmem>>, vector<16xi32>,
      %add3A_75 = arith.addi %add3A_65, %select_n3A : vector<16xi32>
      %add3A_76 = arith.addi %add3A_66, %select_n3A_44 : vector<16xi32>
      %add3A_77 = arith.constant 1024 : i32
      %add3A_78 = arith.addi %add3A_77, %multiple_of3A : i32
      %swap3A_79 = arith.index_cast %add3A_78 : i32 to index
      %swap3A_80 = tpu.vector_load %arg9[%swap3A_79] {strides = array<i32>} : memref<16384xi32, #tpu.memory_space<vmem>>, vector<16xi32>,
      tpu.vector_store %arg9[%swap3A_79], %add3A_75 {strides = array<i32>} : memref<16384xi32, #tpu.memory_space<vmem>>, vector<16xi32>,
      %add3A_81 = arith.constant 1024 : i32
      %add3A_82 = arith.addi %add3A_81, %multiple_of3A : i32
      %swap3A_83 = arith.index_cast %add3A_82 : i32 to index
      %swap3A_84 = tpu.vector_load %arg10[%swap3A_83] {strides = array<i32>} : memref<16384xi32, #tpu.memory_space<vmem>>, vector<16xi32>,
      tpu.vector_store %arg10[%swap3A_83], %add3A_76 {strides = array<i32>} : memref<16384xi32, #tpu.memory_space<vmem>>, vector<16xi32>,
      %add3A_85 = arith.addi %add3A_75, %select_n3A : vector<16xi32>
      %add3A_86 = arith.addi %add3A_76, %select_n3A_44 : vector<16xi32>
      %add3A_87 = arith.constant 1536 : i32
      %add3A_88 = arith.addi %add3A_87, %multiple_of3A : i32
      %swap3A_89 = arith.index_cast %add3A_88 : i32 to index
      %swap3A_90 = tpu.vector_load %arg9[%swap3A_89] {strides = array<i32>} : memref<16384xi32, #tpu.memory_space<vmem>>, vector<16xi32>,
      tpu.vector_store %arg9[%swap3A_89], %add3A_85 {strides = array<i32>} : memref<16384xi32, #tpu.memory_space<vmem>>, vector<16xi32>,
      %add3A_91 = arith.constant 1536 : i32
      %add3A_92 = arith.addi %add3A_91, %multiple_of3A : i32
      %swap3A_93 = arith.index_cast %add3A_92 : i32 to index
      %swap3A_94 = tpu.vector_load %arg10[%swap3A_93] {strides = array<i32>} : memref<16384xi32, #tpu.memory_space<vmem>>, vector<16xi32>,
      tpu.vector_store %arg10[%swap3A_93], %add3A_86 {strides = array<i32>} : memref<16384xi32, #tpu.memory_space<vmem>>, vector<16xi32>,
      %add3A_95 = arith.addi %add3A_85, %select_n3A : vector<16xi32>
      %add3A_96 = arith.addi %add3A_86, %select_n3A_44 : vector<16xi32>
      %add3A_97 = arith.constant 2048 : i32
      %add3A_98 = arith.addi %add3A_97, %multiple_of3A : i32
      %swap3A_99 = arith.index_cast %add3A_98 : i32 to index
      %swap3A_100 = tpu.vector_load %arg9[%swap3A_99] {strides = array<i32>} : memref<16384xi32, #tpu.memory_space<vmem>>, vector<16xi32>,
      tpu.vector_store %arg9[%swap3A_99], %add3A_95 {strides = array<i32>} : memref<16384xi32, #tpu.memory_space<vmem>>, vector<16xi32>,
      %add3A_101 = arith.constant 2048 : i32
      %add3A_102 = arith.addi %add3A_101, %multiple_of3A : i32
      %swap3A_103 = arith.index_cast %add3A_102 : i32 to index
      %swap3A_104 = tpu.vector_load %arg10[%swap3A_103] {strides = array<i32>} : memref<16384xi32, #tpu.memory_space<vmem>>, vector<16xi32>,
      tpu.vector_store %arg10[%swap3A_103], %add3A_96 {strides = array<i32>} : memref<16384xi32, #tpu.memory_space<vmem>>, vector<16xi32>,
      %add3A_105 = arith.addi %add3A_95, %select_n3A : vector<16xi32>
      %add3A_106 = arith.addi %add3A_96, %select_n3A_44 : vector<16xi32>
      %add3A_107 = arith.constant 2560 : i32
      %add3A_108 = arith.addi %add3A_107, %multiple_of3A : i32
      %swap3A_109 = arith.index_cast %add3A_108 : i32 to index
      %swap3A_110 = tpu.vector_load %arg9[%swap3A_109] {strides = array<i32>} : memref<16384xi32, #tpu.memory_space<vmem>>, vector<16xi32>,
      tpu.vector_store %arg9[%swap3A_109], %add3A_105 {strides = array<i32>} : memref<16384xi32, #tpu.memory_space<vmem>>, vector<16xi32>,
      %add3A_111 = arith.constant 2560 : i32
      %add3A_112 = arith.addi %add3A_111, %multiple_of3A : i32
      %swap3A_113 = arith.index_cast %add3A_112 : i32 to index
      %swap3A_114 = tpu.vector_load %arg10[%swap3A_113] {strides = array<i32>} : memref<16384xi32, #tpu.memory_space<vmem>>, vector<16xi32>,
      tpu.vector_store %arg10[%swap3A_113], %add3A_106 {strides = array<i32>} : memref<16384xi32, #tpu.memory_space<vmem>>, vector<16xi32>,
      %add3A_115 = arith.addi %add3A_105, %select_n3A : vector<16xi32>
      %add3A_116 = arith.addi %add3A_106, %select_n3A_44 : vector<16xi32>
      %add3A_117 = arith.constant 3072 : i32
      %add3A_118 = arith.addi %add3A_117, %multiple_of3A : i32
      %swap3A_119 = arith.index_cast %add3A_118 : i32 to index
      %swap3A_120 = tpu.vector_load %arg9[%swap3A_119] {strides = array<i32>} : memref<16384xi32, #tpu.memory_space<vmem>>, vector<16xi32>,
      tpu.vector_store %arg9[%swap3A_119], %add3A_115 {strides = array<i32>} : memref<16384xi32, #tpu.memory_space<vmem>>, vector<16xi32>,
      %add3A_121 = arith.constant 3072 : i32
      %add3A_122 = arith.addi %add3A_121, %multiple_of3A : i32
      %swap3A_123 = arith.index_cast %add3A_122 : i32 to index
      %swap3A_124 = tpu.vector_load %arg10[%swap3A_123] {strides = array<i32>} : memref<16384xi32, #tpu.memory_space<vmem>>, vector<16xi32>,
      tpu.vector_store %arg10[%swap3A_123], %add3A_116 {strides = array<i32>} : memref<16384xi32, #tpu.memory_space<vmem>>, vector<16xi32>,
      %add3A_125 = arith.addi %add3A_115, %select_n3A : vector<16xi32>
      %add3A_126 = arith.addi %add3A_116, %select_n3A_44 : vector<16xi32>
      %add3A_127 = arith.constant 3584 : i32
      %add3A_128 = arith.addi %add3A_127, %multiple_of3A : i32
      %swap3A_129 = arith.index_cast %add3A_128 : i32 to index
      %swap3A_130 = tpu.vector_load %arg9[%swap3A_129] {strides = array<i32>} : memref<16384xi32, #tpu.memory_space<vmem>>, vector<16xi32>,
      tpu.vector_store %arg9[%swap3A_129], %add3A_125 {strides = array<i32>} : memref<16384xi32, #tpu.memory_space<vmem>>, vector<16xi32>,
      %add3A_131 = arith.constant 3584 : i32
      %add3A_132 = arith.addi %add3A_131, %multiple_of3A : i32
      %swap3A_133 = arith.index_cast %add3A_132 : i32 to index
      %swap3A_134 = tpu.vector_load %arg10[%swap3A_133] {strides = array<i32>} : memref<16384xi32, #tpu.memory_space<vmem>>, vector<16xi32>,
      tpu.vector_store %arg10[%swap3A_133], %add3A_126 {strides = array<i32>} : memref<16384xi32, #tpu.memory_space<vmem>>, vector<16xi32>,
      %add3A_135 = arith.addi %add3A_125, %select_n3A : vector<16xi32>
      %add3A_136 = arith.addi %add3A_126, %select_n3A_44 : vector<16xi32>
      %add3A_137 = arith.constant 4096 : i32
      %add3A_138 = arith.addi %add3A_137, %multiple_of3A : i32
      %swap3A_139 = arith.index_cast %add3A_138 : i32 to index
      %swap3A_140 = tpu.vector_load %arg9[%swap3A_139] {strides = array<i32>} : memref<16384xi32, #tpu.memory_space<vmem>>, vector<16xi32>,
      tpu.vector_store %arg9[%swap3A_139], %add3A_135 {strides = array<i32>} : memref<16384xi32, #tpu.memory_space<vmem>>, vector<16xi32>,
      %add3A_141 = arith.constant 4096 : i32
      %add3A_142 = arith.addi %add3A_141, %multiple_of3A : i32
      %swap3A_143 = arith.index_cast %add3A_142 : i32 to index
      %swap3A_144 = tpu.vector_load %arg10[%swap3A_143] {strides = array<i32>} : memref<16384xi32, #tpu.memory_space<vmem>>, vector<16xi32>,
      tpu.vector_store %arg10[%swap3A_143], %add3A_136 {strides = array<i32>} : memref<16384xi32, #tpu.memory_space<vmem>>, vector<16xi32>,
      %add3A_145 = arith.addi %add3A_135, %select_n3A : vector<16xi32>
      %add3A_146 = arith.addi %add3A_136, %select_n3A_44 : vector<16xi32>
      %add3A_147 = arith.constant 4608 : i32
      %add3A_148 = arith.addi %add3A_147, %multiple_of3A : i32
      %swap3A_149 = arith.index_cast %add3A_148 : i32 to index
      %swap3A_150 = tpu.vector_load %arg9[%swap3A_149] {strides = array<i32>} : memref<16384xi32, #tpu.memory_space<vmem>>, vector<16xi32>,
      tpu.vector_store %arg9[%swap3A_149], %add3A_145 {strides = array<i32>} : memref<16384xi32, #tpu.memory_space<vmem>>, vector<16xi32>,
      %add3A_151 = arith.constant 4608 : i32
      %add3A_152 = arith.addi %add3A_151, %multiple_of3A : i32
      %swap3A_153 = arith.index_cast %add3A_152 : i32 to index
      %swap3A_154 = tpu.vector_load %arg10[%swap3A_153] {strides = array<i32>} : memref<16384xi32, #tpu.memory_space<vmem>>, vector<16xi32>,
      tpu.vector_store %arg10[%swap3A_153], %add3A_146 {strides = array<i32>} : memref<16384xi32, #tpu.memory_space<vmem>>, vector<16xi32>,
      %add3A_155 = arith.addi %add3A_145, %select_n3A : vector<16xi32>
      %add3A_156 = arith.addi %add3A_146, %select_n3A_44 : vector<16xi32>
      %add3A_157 = arith.constant 5120 : i32
      %add3A_158 = arith.addi %add3A_157, %multiple_of3A : i32
      %swap3A_159 = arith.index_cast %add3A_158 : i32 to index
      %swap3A_160 = tpu.vector_load %arg9[%swap3A_159] {strides = array<i32>} : memref<16384xi32, #tpu.memory_space<vmem>>, vector<16xi32>,
      tpu.vector_store %arg9[%swap3A_159], %add3A_155 {strides = array<i32>} : memref<16384xi32, #tpu.memory_space<vmem>>, vector<16xi32>,
      %add3A_161 = arith.constant 5120 : i32
      %add3A_162 = arith.addi %add3A_161, %multiple_of3A : i32
      %swap3A_163 = arith.index_cast %add3A_162 : i32 to index
      %swap3A_164 = tpu.vector_load %arg10[%swap3A_163] {strides = array<i32>} : memref<16384xi32, #tpu.memory_space<vmem>>, vector<16xi32>,
      tpu.vector_store %arg10[%swap3A_163], %add3A_156 {strides = array<i32>} : memref<16384xi32, #tpu.memory_space<vmem>>, vector<16xi32>,
      %add3A_165 = arith.addi %add3A_155, %select_n3A : vector<16xi32>
      %add3A_166 = arith.addi %add3A_156, %select_n3A_44 : vector<16xi32>
      %add3A_167 = arith.constant 5632 : i32
      %add3A_168 = arith.addi %add3A_167, %multiple_of3A : i32
      %swap3A_169 = arith.index_cast %add3A_168 : i32 to index
      %swap3A_170 = tpu.vector_load %arg9[%swap3A_169] {strides = array<i32>} : memref<16384xi32, #tpu.memory_space<vmem>>, vector<16xi32>,
      tpu.vector_store %arg9[%swap3A_169], %add3A_165 {strides = array<i32>} : memref<16384xi32, #tpu.memory_space<vmem>>, vector<16xi32>,
      %add3A_171 = arith.constant 5632 : i32
      %add3A_172 = arith.addi %add3A_171, %multiple_of3A : i32
      %swap3A_173 = arith.index_cast %add3A_172 : i32 to index
      %swap3A_174 = tpu.vector_load %arg10[%swap3A_173] {strides = array<i32>} : memref<16384xi32, #tpu.memory_space<vmem>>, vector<16xi32>,
      tpu.vector_store %arg10[%swap3A_173], %add3A_166 {strides = array<i32>} : memref<16384xi32, #tpu.memory_space<vmem>>, vector<16xi32>,
      %add3A_175 = arith.addi %add3A_165, %select_n3A : vector<16xi32>
      %add3A_176 = arith.addi %add3A_166, %select_n3A_44 : vector<16xi32>
      %add3A_177 = arith.constant 6144 : i32
      %add3A_178 = arith.addi %add3A_177, %multiple_of3A : i32
      %swap3A_179 = arith.index_cast %add3A_178 : i32 to index
      %swap3A_180 = tpu.vector_load %arg9[%swap3A_179] {strides = array<i32>} : memref<16384xi32, #tpu.memory_space<vmem>>, vector<16xi32>,
      tpu.vector_store %arg9[%swap3A_179], %add3A_175 {strides = array<i32>} : memref<16384xi32, #tpu.memory_space<vmem>>, vector<16xi32>,
      %add3A_181 = arith.constant 6144 : i32
      %add3A_182 = arith.addi %add3A_181, %multiple_of3A : i32
      %swap3A_183 = arith.index_cast %add3A_182 : i32 to index
      %swap3A_184 = tpu.vector_load %arg10[%swap3A_183] {strides = array<i32>} : memref<16384xi32, #tpu.memory_space<vmem>>, vector<16xi32>,
      tpu.vector_store %arg10[%swap3A_183], %add3A_176 {strides = array<i32>} : memref<16384xi32, #tpu.memory_space<vmem>>, vector<16xi32>,
      %add3A_185 = arith.addi %add3A_175, %select_n3A : vector<16xi32>
      %add3A_186 = arith.addi %add3A_176, %select_n3A_44 : vector<16xi32>
      %add3A_187 = arith.constant 6656 : i32
      %add3A_188 = arith.addi %add3A_187, %multiple_of3A : i32
      %swap3A_189 = arith.index_cast %add3A_188 : i32 to index
      %swap3A_190 = tpu.vector_load %arg9[%swap3A_189] {strides = array<i32>} : memref<16384xi32, #tpu.memory_space<vmem>>, vector<16xi32>,
      tpu.vector_store %arg9[%swap3A_189], %add3A_185 {strides = array<i32>} : memref<16384xi32, #tpu.memory_space<vmem>>, vector<16xi32>,
      %add3A_191 = arith.constant 6656 : i32
      %add3A_192 = arith.addi %add3A_191, %multiple_of3A : i32
      %swap3A_193 = arith.index_cast %add3A_192 : i32 to index
      %swap3A_194 = tpu.vector_load %arg10[%swap3A_193] {strides = array<i32>} : memref<16384xi32, #tpu.memory_space<vmem>>, vector<16xi32>,
      tpu.vector_store %arg10[%swap3A_193], %add3A_186 {strides = array<i32>} : memref<16384xi32, #tpu.memory_space<vmem>>, vector<16xi32>,
      %add3A_195 = arith.addi %add3A_185, %select_n3A : vector<16xi32>
      %add3A_196 = arith.addi %add3A_186, %select_n3A_44 : vector<16xi32>
      %add3A_197 = arith.constant 7168 : i32
      %add3A_198 = arith.addi %add3A_197, %multiple_of3A : i32
      %swap3A_199 = arith.index_cast %add3A_198 : i32 to index
      %swap3A_200 = tpu.vector_load %arg9[%swap3A_199] {strides = array<i32>} : memref<16384xi32, #tpu.memory_space<vmem>>, vector<16xi32>,
      tpu.vector_store %arg9[%swap3A_199], %add3A_195 {strides = array<i32>} : memref<16384xi32, #tpu.memory_space<vmem>>, vector<16xi32>,
      %add3A_201 = arith.constant 7168 : i32
      %add3A_202 = arith.addi %add3A_201, %multiple_of3A : i32
      %swap3A_203 = arith.index_cast %add3A_202 : i32 to index
      %swap3A_204 = tpu.vector_load %arg10[%swap3A_203] {strides = array<i32>} : memref<16384xi32, #tpu.memory_space<vmem>>, vector<16xi32>,
      tpu.vector_store %arg10[%swap3A_203], %add3A_196 {strides = array<i32>} : memref<16384xi32, #tpu.memory_space<vmem>>, vector<16xi32>,
      %add3A_205 = arith.addi %add3A_195, %select_n3A : vector<16xi32>
      %add3A_206 = arith.addi %add3A_196, %select_n3A_44 : vector<16xi32>
      %add3A_207 = arith.constant 7680 : i32
      %add3A_208 = arith.addi %add3A_207, %multiple_of3A : i32
      %swap3A_209 = arith.index_cast %add3A_208 : i32 to index
      %swap3A_210 = tpu.vector_load %arg9[%swap3A_209] {strides = array<i32>} : memref<16384xi32, #tpu.memory_space<vmem>>, vector<16xi32>,
      tpu.vector_store %arg9[%swap3A_209], %add3A_205 {strides = array<i32>} : memref<16384xi32, #tpu.memory_space<vmem>>, vector<16xi32>,
      %add3A_211 = arith.constant 7680 : i32
      %add3A_212 = arith.addi %add3A_211, %multiple_of3A : i32
      %swap3A_213 = arith.index_cast %add3A_212 : i32 to index
      %swap3A_214 = tpu.vector_load %arg10[%swap3A_213] {strides = array<i32>} : memref<16384xi32, #tpu.memory_space<vmem>>, vector<16xi32>,
      tpu.vector_store %arg10[%swap3A_213], %add3A_206 {strides = array<i32>} : memref<16384xi32, #tpu.memory_space<vmem>>, vector<16xi32>,
      %add3A_215 = arith.addi %add3A_205, %select_n3A : vector<16xi32>
      %add3A_216 = arith.addi %add3A_206, %select_n3A_44 : vector<16xi32>
      %add3A_217 = arith.constant 8192 : i32
      %add3A_218 = arith.addi %add3A_217, %multiple_of3A : i32
      %swap3A_219 = arith.index_cast %add3A_218 : i32 to index
      %swap3A_220 = tpu.vector_load %arg9[%swap3A_219] {strides = array<i32>} : memref<16384xi32, #tpu.memory_space<vmem>>, vector<16xi32>,
      tpu.vector_store %arg9[%swap3A_219], %add3A_215 {strides = array<i32>} : memref<16384xi32, #tpu.memory_space<vmem>>, vector<16xi32>,
      %add3A_221 = arith.constant 8192 : i32
      %add3A_222 = arith.addi %add3A_221, %multiple_of3A : i32
      %swap3A_223 = arith.index_cast %add3A_222 : i32 to index
      %swap3A_224 = tpu.vector_load %arg10[%swap3A_223] {strides = array<i32>} : memref<16384xi32, #tpu.memory_space<vmem>>, vector<16xi32>,
      tpu.vector_store %arg10[%swap3A_223], %add3A_216 {strides = array<i32>} : memref<16384xi32, #tpu.memory_space<vmem>>, vector<16xi32>,
      %add3A_225 = arith.addi %add3A_215, %select_n3A : vector<16xi32>
      %add3A_226 = arith.addi %add3A_216, %select_n3A_44 : vector<16xi32>
      %add3A_227 = arith.constant 8704 : i32
      %add3A_228 = arith.addi %add3A_227, %multiple_of3A : i32
      %swap3A_229 = arith.index_cast %add3A_228 : i32 to index
      %swap3A_230 = tpu.vector_load %arg9[%swap3A_229] {strides = array<i32>} : memref<16384xi32, #tpu.memory_space<vmem>>, vector<16xi32>,
      tpu.vector_store %arg9[%swap3A_229], %add3A_225 {strides = array<i32>} : memref<16384xi32, #tpu.memory_space<vmem>>, vector<16xi32>,
      %add3A_231 = arith.constant 8704 : i32
      %add3A_232 = arith.addi %add3A_231, %multiple_of3A : i32
      %swap3A_233 = arith.index_cast %add3A_232 : i32 to index
      %swap3A_234 = tpu.vector_load %arg10[%swap3A_233] {strides = array<i32>} : memref<16384xi32, #tpu.memory_space<vmem>>, vector<16xi32>,
      tpu.vector_store %arg10[%swap3A_233], %add3A_226 {strides = array<i32>} : memref<16384xi32, #tpu.memory_space<vmem>>, vector<16xi32>,
      %add3A_235 = arith.addi %add3A_225, %select_n3A : vector<16xi32>
      %add3A_236 = arith.addi %add3A_226, %select_n3A_44 : vector<16xi32>
      %add3A_237 = arith.constant 9216 : i32
      %add3A_238 = arith.addi %add3A_237, %multiple_of3A : i32
      %swap3A_239 = arith.index_cast %add3A_238 : i32 to index
      %swap3A_240 = tpu.vector_load %arg9[%swap3A_239] {strides = array<i32>} : memref<16384xi32, #tpu.memory_space<vmem>>, vector<16xi32>,
      tpu.vector_store %arg9[%swap3A_239], %add3A_235 {strides = array<i32>} : memref<16384xi32, #tpu.memory_space<vmem>>, vector<16xi32>,
      %add3A_241 = arith.constant 9216 : i32
      %add3A_242 = arith.addi %add3A_241, %multiple_of3A : i32
      %swap3A_243 = arith.index_cast %add3A_242 : i32 to index
      %swap3A_244 = tpu.vector_load %arg10[%swap3A_243] {strides = array<i32>} : memref<16384xi32, #tpu.memory_space<vmem>>, vector<16xi32>,
      tpu.vector_store %arg10[%swap3A_243], %add3A_236 {strides = array<i32>} : memref<16384xi32, #tpu.memory_space<vmem>>, vector<16xi32>,
      %add3A_245 = arith.addi %add3A_235, %select_n3A : vector<16xi32>
      %add3A_246 = arith.addi %add3A_236, %select_n3A_44 : vector<16xi32>
      %add3A_247 = arith.constant 9728 : i32
      %add3A_248 = arith.addi %add3A_247, %multiple_of3A : i32
      %swap3A_249 = arith.index_cast %add3A_248 : i32 to index
      %swap3A_250 = tpu.vector_load %arg9[%swap3A_249] {strides = array<i32>} : memref<16384xi32, #tpu.memory_space<vmem>>, vector<16xi32>,
      tpu.vector_store %arg9[%swap3A_249], %add3A_245 {strides = array<i32>} : memref<16384xi32, #tpu.memory_space<vmem>>, vector<16xi32>,
      %add3A_251 = arith.constant 9728 : i32
      %add3A_252 = arith.addi %add3A_251, %multiple_of3A : i32
      %swap3A_253 = arith.index_cast %add3A_252 : i32 to index
      %swap3A_254 = tpu.vector_load %arg10[%swap3A_253] {strides = array<i32>} : memref<16384xi32, #tpu.memory_space<vmem>>, vector<16xi32>,
      tpu.vector_store %arg10[%swap3A_253], %add3A_246 {strides = array<i32>} : memref<16384xi32, #tpu.memory_space<vmem>>, vector<16xi32>,
      %add3A_255 = arith.addi %add3A_245, %select_n3A : vector<16xi32>
      %add3A_256 = arith.addi %add3A_246, %select_n3A_44 : vector<16xi32>
      %add3A_257 = arith.constant 10240 : i32
      %add3A_258 = arith.addi %add3A_257, %multiple_of3A : i32
      %swap3A_259 = arith.index_cast %add3A_258 : i32 to index
      %swap3A_260 = tpu.vector_load %arg9[%swap3A_259] {strides = array<i32>} : memref<16384xi32, #tpu.memory_space<vmem>>, vector<16xi32>,
      tpu.vector_store %arg9[%swap3A_259], %add3A_255 {strides = array<i32>} : memref<16384xi32, #tpu.memory_space<vmem>>, vector<16xi32>,
      %add3A_261 = arith.constant 10240 : i32
      %add3A_262 = arith.addi %add3A_261, %multiple_of3A : i32
      %swap3A_263 = arith.index_cast %add3A_262 : i32 to index
      %swap3A_264 = tpu.vector_load %arg10[%swap3A_263] {strides = array<i32>} : memref<16384xi32, #tpu.memory_space<vmem>>, vector<16xi32>,
      tpu.vector_store %arg10[%swap3A_263], %add3A_256 {strides = array<i32>} : memref<16384xi32, #tpu.memory_space<vmem>>, vector<16xi32>,
      %add3A_265 = arith.addi %add3A_255, %select_n3A : vector<16xi32>
      %add3A_266 = arith.addi %add3A_256, %select_n3A_44 : vector<16xi32>
      %add3A_267 = arith.constant 10752 : i32
      %add3A_268 = arith.addi %add3A_267, %multiple_of3A : i32
      %swap3A_269 = arith.index_cast %add3A_268 : i32 to index
      %swap3A_270 = tpu.vector_load %arg9[%swap3A_269] {strides = array<i32>} : memref<16384xi32, #tpu.memory_space<vmem>>, vector<16xi32>,
      tpu.vector_store %arg9[%swap3A_269], %add3A_265 {strides = array<i32>} : memref<16384xi32, #tpu.memory_space<vmem>>, vector<16xi32>,
      %add3A_271 = arith.constant 10752 : i32
      %add3A_272 = arith.addi %add3A_271, %multiple_of3A : i32
      %swap3A_273 = arith.index_cast %add3A_272 : i32 to index
      %swap3A_274 = tpu.vector_load %arg10[%swap3A_273] {strides = array<i32>} : memref<16384xi32, #tpu.memory_space<vmem>>, vector<16xi32>,
      tpu.vector_store %arg10[%swap3A_273], %add3A_266 {strides = array<i32>} : memref<16384xi32, #tpu.memory_space<vmem>>, vector<16xi32>,
      %add3A_275 = arith.addi %add3A_265, %select_n3A : vector<16xi32>
      %add3A_276 = arith.addi %add3A_266, %select_n3A_44 : vector<16xi32>
      %add3A_277 = arith.constant 11264 : i32
      %add3A_278 = arith.addi %add3A_277, %multiple_of3A : i32
      %swap3A_279 = arith.index_cast %add3A_278 : i32 to index
      %swap3A_280 = tpu.vector_load %arg9[%swap3A_279] {strides = array<i32>} : memref<16384xi32, #tpu.memory_space<vmem>>, vector<16xi32>,
      tpu.vector_store %arg9[%swap3A_279], %add3A_275 {strides = array<i32>} : memref<16384xi32, #tpu.memory_space<vmem>>, vector<16xi32>,
      %add3A_281 = arith.constant 11264 : i32
      %add3A_282 = arith.addi %add3A_281, %multiple_of3A : i32
      %swap3A_283 = arith.index_cast %add3A_282 : i32 to index
      %swap3A_284 = tpu.vector_load %arg10[%swap3A_283] {strides = array<i32>} : memref<16384xi32, #tpu.memory_space<vmem>>, vector<16xi32>,
      tpu.vector_store %arg10[%swap3A_283], %add3A_276 {strides = array<i32>} : memref<16384xi32, #tpu.memory_space<vmem>>, vector<16xi32>,
      %add3A_285 = arith.addi %add3A_275, %select_n3A : vector<16xi32>
      %add3A_286 = arith.addi %add3A_276, %select_n3A_44 : vector<16xi32>
      %add3A_287 = arith.constant 11776 : i32
      %add3A_288 = arith.addi %add3A_287, %multiple_of3A : i32
      %swap3A_289 = arith.index_cast %add3A_288 : i32 to index
      %swap3A_290 = tpu.vector_load %arg9[%swap3A_289] {strides = array<i32>} : memref<16384xi32, #tpu.memory_space<vmem>>, vector<16xi32>,
      tpu.vector_store %arg9[%swap3A_289], %add3A_285 {strides = array<i32>} : memref<16384xi32, #tpu.memory_space<vmem>>, vector<16xi32>,
      %add3A_291 = arith.constant 11776 : i32
      %add3A_292 = arith.addi %add3A_291, %multiple_of3A : i32
      %swap3A_293 = arith.index_cast %add3A_292 : i32 to index
      %swap3A_294 = tpu.vector_load %arg10[%swap3A_293] {strides = array<i32>} : memref<16384xi32, #tpu.memory_space<vmem>>, vector<16xi32>,
      tpu.vector_store %arg10[%swap3A_293], %add3A_286 {strides = array<i32>} : memref<16384xi32, #tpu.memory_space<vmem>>, vector<16xi32>,
      %add3A_295 = arith.addi %add3A_285, %select_n3A : vector<16xi32>
      %add3A_296 = arith.addi %add3A_286, %select_n3A_44 : vector<16xi32>
      %add3A_297 = arith.constant 12288 : i32
      %add3A_298 = arith.addi %add3A_297, %multiple_of3A : i32
      %swap3A_299 = arith.index_cast %add3A_298 : i32 to index
      %swap3A_300 = tpu.vector_load %arg9[%swap3A_299] {strides = array<i32>} : memref<16384xi32, #tpu.memory_space<vmem>>, vector<16xi32>,
      tpu.vector_store %arg9[%swap3A_299], %add3A_295 {strides = array<i32>} : memref<16384xi32, #tpu.memory_space<vmem>>, vector<16xi32>,
      %add3A_301 = arith.constant 12288 : i32
      %add3A_302 = arith.addi %add3A_301, %multiple_of3A : i32
      %swap3A_303 = arith.index_cast %add3A_302 : i32 to index
      %swap3A_304 = tpu.vector_load %arg10[%swap3A_303] {strides = array<i32>} : memref<16384xi32, #tpu.memory_space<vmem>>, vector<16xi32>,
      tpu.vector_store %arg10[%swap3A_303], %add3A_296 {strides = array<i32>} : memref<16384xi32, #tpu.memory_space<vmem>>, vector<16xi32>,
      %add3A_305 = arith.addi %add3A_295, %select_n3A : vector<16xi32>
      %add3A_306 = arith.addi %add3A_296, %select_n3A_44 : vector<16xi32>
      %add3A_307 = arith.constant 12800 : i32
      %add3A_308 = arith.addi %add3A_307, %multiple_of3A : i32
      %swap3A_309 = arith.index_cast %add3A_308 : i32 to index
      %swap3A_310 = tpu.vector_load %arg9[%swap3A_309] {strides = array<i32>} : memref<16384xi32, #tpu.memory_space<vmem>>, vector<16xi32>,
      tpu.vector_store %arg9[%swap3A_309], %add3A_305 {strides = array<i32>} : memref<16384xi32, #tpu.memory_space<vmem>>, vector<16xi32>,
      %add3A_311 = arith.constant 12800 : i32
      %add3A_312 = arith.addi %add3A_311, %multiple_of3A : i32
      %swap3A_313 = arith.index_cast %add3A_312 : i32 to index
      %swap3A_314 = tpu.vector_load %arg10[%swap3A_313] {strides = array<i32>} : memref<16384xi32, #tpu.memory_space<vmem>>, vector<16xi32>,
      tpu.vector_store %arg10[%swap3A_313], %add3A_306 {strides = array<i32>} : memref<16384xi32, #tpu.memory_space<vmem>>, vector<16xi32>,
      %add3A_315 = arith.addi %add3A_305, %select_n3A : vector<16xi32>
      %add3A_316 = arith.addi %add3A_306, %select_n3A_44 : vector<16xi32>
      %add3A_317 = arith.constant 13312 : i32
      %add3A_318 = arith.addi %add3A_317, %multiple_of3A : i32
      %swap3A_319 = arith.index_cast %add3A_318 : i32 to index
      %swap3A_320 = tpu.vector_load %arg9[%swap3A_319] {strides = array<i32>} : memref<16384xi32, #tpu.memory_space<vmem>>, vector<16xi32>,
      tpu.vector_store %arg9[%swap3A_319], %add3A_315 {strides = array<i32>} : memref<16384xi32, #tpu.memory_space<vmem>>, vector<16xi32>,
      %add3A_321 = arith.constant 13312 : i32
      %add3A_322 = arith.addi %add3A_321, %multiple_of3A : i32
      %swap3A_323 = arith.index_cast %add3A_322 : i32 to index
      %swap3A_324 = tpu.vector_load %arg10[%swap3A_323] {strides = array<i32>} : memref<16384xi32, #tpu.memory_space<vmem>>, vector<16xi32>,
      tpu.vector_store %arg10[%swap3A_323], %add3A_316 {strides = array<i32>} : memref<16384xi32, #tpu.memory_space<vmem>>, vector<16xi32>,
      %add3A_325 = arith.addi %add3A_315, %select_n3A : vector<16xi32>
      %add3A_326 = arith.addi %add3A_316, %select_n3A_44 : vector<16xi32>
      %add3A_327 = arith.constant 13824 : i32
      %add3A_328 = arith.addi %add3A_327, %multiple_of3A : i32
      %swap3A_329 = arith.index_cast %add3A_328 : i32 to index
      %swap3A_330 = tpu.vector_load %arg9[%swap3A_329] {strides = array<i32>} : memref<16384xi32, #tpu.memory_space<vmem>>, vector<16xi32>,
      tpu.vector_store %arg9[%swap3A_329], %add3A_325 {strides = array<i32>} : memref<16384xi32, #tpu.memory_space<vmem>>, vector<16xi32>,
      %add3A_331 = arith.constant 13824 : i32
      %add3A_332 = arith.addi %add3A_331, %multiple_of3A : i32
      %swap3A_333 = arith.index_cast %add3A_332 : i32 to index
      %swap3A_334 = tpu.vector_load %arg10[%swap3A_333] {strides = array<i32>} : memref<16384xi32, #tpu.memory_space<vmem>>, vector<16xi32>,
      tpu.vector_store %arg10[%swap3A_333], %add3A_326 {strides = array<i32>} : memref<16384xi32, #tpu.memory_space<vmem>>, vector<16xi32>,
      %add3A_335 = arith.addi %add3A_325, %select_n3A : vector<16xi32>
      %add3A_336 = arith.addi %add3A_326, %select_n3A_44 : vector<16xi32>
      %add3A_337 = arith.constant 14336 : i32
      %add3A_338 = arith.addi %add3A_337, %multiple_of3A : i32
      %swap3A_339 = arith.index_cast %add3A_338 : i32 to index
      %swap3A_340 = tpu.vector_load %arg9[%swap3A_339] {strides = array<i32>} : memref<16384xi32, #tpu.memory_space<vmem>>, vector<16xi32>,
      tpu.vector_store %arg9[%swap3A_339], %add3A_335 {strides = array<i32>} : memref<16384xi32, #tpu.memory_space<vmem>>, vector<16xi32>,
      %add3A_341 = arith.constant 14336 : i32
      %add3A_342 = arith.addi %add3A_341, %multiple_of3A : i32
      %swap3A_343 = arith.index_cast %add3A_342 : i32 to index
      %swap3A_344 = tpu.vector_load %arg10[%swap3A_343] {strides = array<i32>} : memref<16384xi32, #tpu.memory_space<vmem>>, vector<16xi32>,
      tpu.vector_store %arg10[%swap3A_343], %add3A_336 {strides = array<i32>} : memref<16384xi32, #tpu.memory_space<vmem>>, vector<16xi32>,
      %add3A_345 = arith.addi %add3A_335, %select_n3A : vector<16xi32>
      %add3A_346 = arith.addi %add3A_336, %select_n3A_44 : vector<16xi32>
      %add3A_347 = arith.constant 14848 : i32
      %add3A_348 = arith.addi %add3A_347, %multiple_of3A : i32
      %swap3A_349 = arith.index_cast %add3A_348 : i32 to index
      %swap3A_350 = tpu.vector_load %arg9[%swap3A_349] {strides = array<i32>} : memref<16384xi32, #tpu.memory_space<vmem>>, vector<16xi32>,
      tpu.vector_store %arg9[%swap3A_349], %add3A_345 {strides = array<i32>} : memref<16384xi32, #tpu.memory_space<vmem>>, vector<16xi32>,
      %add3A_351 = arith.constant 14848 : i32
      %add3A_352 = arith.addi %add3A_351, %multiple_of3A : i32
      %swap3A_353 = arith.index_cast %add3A_352 : i32 to index
      %swap3A_354 = tpu.vector_load %arg10[%swap3A_353] {strides = array<i32>} : memref<16384xi32, #tpu.memory_space<vmem>>, vector<16xi32>,
      tpu.vector_store %arg10[%swap3A_353], %add3A_346 {strides = array<i32>} : memref<16384xi32, #tpu.memory_space<vmem>>, vector<16xi32>,
      %add3A_355 = arith.addi %add3A_345, %select_n3A : vector<16xi32>
      %add3A_356 = arith.addi %add3A_346, %select_n3A_44 : vector<16xi32>
      %add3A_357 = arith.constant 15360 : i32
      %add3A_358 = arith.addi %add3A_357, %multiple_of3A : i32
      %swap3A_359 = arith.index_cast %add3A_358 : i32 to index
      %swap3A_360 = tpu.vector_load %arg9[%swap3A_359] {strides = array<i32>} : memref<16384xi32, #tpu.memory_space<vmem>>, vector<16xi32>,
      tpu.vector_store %arg9[%swap3A_359], %add3A_355 {strides = array<i32>} : memref<16384xi32, #tpu.memory_space<vmem>>, vector<16xi32>,
      %add3A_361 = arith.constant 15360 : i32
      %add3A_362 = arith.addi %add3A_361, %multiple_of3A : i32
      %swap3A_363 = arith.index_cast %add3A_362 : i32 to index
      %swap3A_364 = tpu.vector_load %arg10[%swap3A_363] {strides = array<i32>} : memref<16384xi32, #tpu.memory_space<vmem>>, vector<16xi32>,
      tpu.vector_store %arg10[%swap3A_363], %add3A_356 {strides = array<i32>} : memref<16384xi32, #tpu.memory_space<vmem>>, vector<16xi32>,
      %add3A_365 = arith.addi %add3A_355, %select_n3A : vector<16xi32>
      %add3A_366 = arith.addi %add3A_356, %select_n3A_44 : vector<16xi32>
      %add3A_367 = arith.constant 15872 : i32
      %add3A_368 = arith.addi %add3A_367, %multiple_of3A : i32
      %swap3A_369 = arith.index_cast %add3A_368 : i32 to index
      %swap3A_370 = tpu.vector_load %arg9[%swap3A_369] {strides = array<i32>} : memref<16384xi32, #tpu.memory_space<vmem>>, vector<16xi32>,
      tpu.vector_store %arg9[%swap3A_369], %add3A_365 {strides = array<i32>} : memref<16384xi32, #tpu.memory_space<vmem>>, vector<16xi32>,
      %add3A_371 = arith.constant 15872 : i32
      %add3A_372 = arith.addi %add3A_371, %multiple_of3A : i32
      %swap3A_373 = arith.index_cast %add3A_372 : i32 to index
      %swap3A_374 = tpu.vector_load %arg10[%swap3A_373] {strides = array<i32>} : memref<16384xi32, #tpu.memory_space<vmem>>, vector<16xi32>,
      tpu.vector_store %arg10[%swap3A_373], %add3A_366 {strides = array<i32>} : memref<16384xi32, #tpu.memory_space<vmem>>, vector<16xi32>,
      %add3A_375 = arith.addi %add3A_365, %select_n3A : vector<16xi32>
      %add3A_376 = arith.addi %add3A_366, %select_n3A_44 : vector<16xi32>
    }
    %scan3A_7 = arith.constant 32 : i32
    %scan3A_8 = arith.constant 0 : i32
    %scan3A_9 = arith.constant 0 : i32
    %scan3A_10 = arith.constant 128 : i32
    %scan3A_11 = arith.addi %scan3A_9, %scan3A_10 : i32
    %scan3A_12 = arith.constant 1 : i32
    scf.for %scan3A_27 = %scan3A_9 to %scan3A_11 step %scan3A_12  : i32 {
      %mul3A_28 = arith.constant 128 : i32
      %mul3A_29 = arith.muli %scan3A_27, %mul3A_28 : i32
      %multiple_of3A = tpu.assume_multiple %mul3A_29, 128 : i32
      %dma_start3A = tpu.memref_slice %arg11[%multiple_of3A] : memref<16384xf32, #tpu.memory_space<vmem>> -> memref<128xf32, #tpu.memory_space<vmem>>
      %dma_start3A_30 = tpu.memref_slice %arg9[%multiple_of3A] : memref<16384xi32, #tpu.memory_space<vmem>> -> memref<128xi32, #tpu.memory_space<vmem>>
      %dma_start3A_31 = arith.constant 0 : i32
      %dma_start3A_32 = tpu.memref_slice %arg4[%dma_start3A_31] : memref<32000000xf32, #tpu.memory_space<hbm>> -> memref<32000000xf32, #tpu.memory_space<hbm>>
      tpu.enqueue_indirect_dma source(%dma_start3A_32 : memref<32000000xf32, #tpu.memory_space<hbm>>) target(%dma_start3A : memref<128xf32, #tpu.memory_space<vmem>>) offsets(%dma_start3A_30 : memref<128xi32, #tpu.memory_space<vmem>>) semaphore(%arg14 : memref<!tpu.dma_semaphore, #tpu.memory_space<semaphore_mem>>)
      %dma_start3A_33 = tpu.memref_slice %arg12[%multiple_of3A] : memref<16384xf32, #tpu.memory_space<vmem>> -> memref<128xf32, #tpu.memory_space<vmem>>
      %dma_start3A_34 = tpu.memref_slice %arg10[%multiple_of3A] : memref<16384xi32, #tpu.memory_space<vmem>> -> memref<128xi32, #tpu.memory_space<vmem>>
      %dma_start3A_35 = arith.constant 0 : i32
      %dma_start3A_36 = tpu.memref_slice %arg5[%dma_start3A_35] : memref<32000000xf32, #tpu.memory_space<hbm>> -> memref<32000000xf32, #tpu.memory_space<hbm>>
      tpu.enqueue_indirect_dma source(%dma_start3A_36 : memref<32000000xf32, #tpu.memory_space<hbm>>) target(%dma_start3A_33 : memref<128xf32, #tpu.memory_space<vmem>>) offsets(%dma_start3A_34 : memref<128xi32, #tpu.memory_space<vmem>>) semaphore(%arg15 : memref<!tpu.dma_semaphore, #tpu.memory_space<semaphore_mem>>)
    }
    %scan3A_13 = arith.constant 128 : i32
    %dma_wait3A = arith.constant 0 : i32
    %dma_wait3A_14 = tpu.memref_slice %arg4[%dma_wait3A] : memref<32000000xf32, #tpu.memory_space<hbm>> -> memref<16384xf32, #tpu.memory_space<hbm>>
    %dma_wait3A_15 = arith.constant 0 : i32
    %dma_wait3A_16 = tpu.memref_slice %arg4[%dma_wait3A_15] : memref<32000000xf32, #tpu.memory_space<hbm>> -> memref<16384xf32, #tpu.memory_space<hbm>>
    tpu.wait_dma2 semaphore(%arg14 : memref<!tpu.dma_semaphore, #tpu.memory_space<semaphore_mem>>) src(%dma_wait3A_16 : memref<16384xf32, #tpu.memory_space<hbm>>) dst(%arg11 : memref<16384xf32, #tpu.memory_space<vmem>>)
    %dma_wait3A_17 = arith.constant 0 : i32
    %dma_wait3A_18 = tpu.memref_slice %arg5[%dma_wait3A_17] : memref<32000000xf32, #tpu.memory_space<hbm>> -> memref<16384xf32, #tpu.memory_space<hbm>>
    %dma_wait3A_19 = arith.constant 0 : i32
    %dma_wait3A_20 = tpu.memref_slice %arg5[%dma_wait3A_19] : memref<32000000xf32, #tpu.memory_space<hbm>> -> memref<16384xf32, #tpu.memory_space<hbm>>
    tpu.wait_dma2 semaphore(%arg15 : memref<!tpu.dma_semaphore, #tpu.memory_space<semaphore_mem>>) src(%dma_wait3A_20 : memref<16384xf32, #tpu.memory_space<hbm>>) dst(%arg12 : memref<16384xf32, #tpu.memory_space<vmem>>)
    %scan3A_21 = arith.constant 0 : i32
    %scan3A_22 = arith.constant 0 : i32
    %scan3A_23 = arith.constant 32 : i32
    %scan3A_24 = arith.addi %scan3A_22, %scan3A_23 : i32
    %scan3A_25 = arith.constant 1 : i32
    scf.for %scan3A_27 = %scan3A_22 to %scan3A_24 step %scan3A_25  : i32 {
      %mul3A_28 = arith.constant 16 : i32
      %mul3A_29 = arith.muli %scan3A_27, %mul3A_28 : i32
      %multiple_of3A = tpu.assume_multiple %mul3A_29, 16 : i32
      %broadcast_in_dim3A = arith.constant 0.000000e+00 : f32
      %broadcast_in_dim3A_30 = vector.broadcast %broadcast_in_dim3A : f32 to vector<16xf32>
      %add3A_31 = arith.constant 0 : i32
      %add3A_32 = arith.addi %add3A_31, %multiple_of3A : i32
      %get3A = arith.index_cast %add3A_32 : i32 to index
      %get3A_33 = tpu.vector_load %arg11[%get3A] {strides = array<i32>} : memref<16384xf32, #tpu.memory_space<vmem>>, vector<16xf32>,
      %add3A_34 = arith.constant 0 : i32
      %add3A_35 = arith.addi %add3A_34, %multiple_of3A : i32
      %get3A_36 = arith.index_cast %add3A_35 : i32 to index
      %get3A_37 = tpu.vector_load %arg12[%get3A_36] {strides = array<i32>} : memref<16384xf32, #tpu.memory_space<vmem>>, vector<16xf32>,
      %mul3A_38 = arith.mulf %get3A_33, %get3A_37 : vector<16xf32>
      %add3A_39 = arith.addf %broadcast_in_dim3A_30, %mul3A_38 : vector<16xf32>
      %add3A_40 = arith.constant 512 : i32
      %add3A_41 = arith.addi %add3A_40, %multiple_of3A : i32
      %get3A_42 = arith.index_cast %add3A_41 : i32 to index
      %get3A_43 = tpu.vector_load %arg11[%get3A_42] {strides = array<i32>} : memref<16384xf32, #tpu.memory_space<vmem>>, vector<16xf32>,
      %add3A_44 = arith.constant 512 : i32
      %add3A_45 = arith.addi %add3A_44, %multiple_of3A : i32
      %get3A_46 = arith.index_cast %add3A_45 : i32 to index
      %get3A_47 = tpu.vector_load %arg12[%get3A_46] {strides = array<i32>} : memref<16384xf32, #tpu.memory_space<vmem>>, vector<16xf32>,
      %mul3A_48 = arith.mulf %get3A_43, %get3A_47 : vector<16xf32>
      %add3A_49 = arith.addf %add3A_39, %mul3A_48 : vector<16xf32>
      %add3A_50 = arith.constant 1024 : i32
      %add3A_51 = arith.addi %add3A_50, %multiple_of3A : i32
      %get3A_52 = arith.index_cast %add3A_51 : i32 to index
      %get3A_53 = tpu.vector_load %arg11[%get3A_52] {strides = array<i32>} : memref<16384xf32, #tpu.memory_space<vmem>>, vector<16xf32>,
      %add3A_54 = arith.constant 1024 : i32
      %add3A_55 = arith.addi %add3A_54, %multiple_of3A : i32
      %get3A_56 = arith.index_cast %add3A_55 : i32 to index
      %get3A_57 = tpu.vector_load %arg12[%get3A_56] {strides = array<i32>} : memref<16384xf32, #tpu.memory_space<vmem>>, vector<16xf32>,
      %mul3A_58 = arith.mulf %get3A_53, %get3A_57 : vector<16xf32>
      %add3A_59 = arith.addf %add3A_49, %mul3A_58 : vector<16xf32>
      %add3A_60 = arith.constant 1536 : i32
      %add3A_61 = arith.addi %add3A_60, %multiple_of3A : i32
      %get3A_62 = arith.index_cast %add3A_61 : i32 to index
      %get3A_63 = tpu.vector_load %arg11[%get3A_62] {strides = array<i32>} : memref<16384xf32, #tpu.memory_space<vmem>>, vector<16xf32>,
      %add3A_64 = arith.constant 1536 : i32
      %add3A_65 = arith.addi %add3A_64, %multiple_of3A : i32
      %get3A_66 = arith.index_cast %add3A_65 : i32 to index
      %get3A_67 = tpu.vector_load %arg12[%get3A_66] {strides = array<i32>} : memref<16384xf32, #tpu.memory_space<vmem>>, vector<16xf32>,
      %mul3A_68 = arith.mulf %get3A_63, %get3A_67 : vector<16xf32>
      %add3A_69 = arith.addf %add3A_59, %mul3A_68 : vector<16xf32>
      %add3A_70 = arith.constant 2048 : i32
      %add3A_71 = arith.addi %add3A_70, %multiple_of3A : i32
      %get3A_72 = arith.index_cast %add3A_71 : i32 to index
      %get3A_73 = tpu.vector_load %arg11[%get3A_72] {strides = array<i32>} : memref<16384xf32, #tpu.memory_space<vmem>>, vector<16xf32>,
      %add3A_74 = arith.constant 2048 : i32
      %add3A_75 = arith.addi %add3A_74, %multiple_of3A : i32
      %get3A_76 = arith.index_cast %add3A_75 : i32 to index
      %get3A_77 = tpu.vector_load %arg12[%get3A_76] {strides = array<i32>} : memref<16384xf32, #tpu.memory_space<vmem>>, vector<16xf32>,
      %mul3A_78 = arith.mulf %get3A_73, %get3A_77 : vector<16xf32>
      %add3A_79 = arith.addf %add3A_69, %mul3A_78 : vector<16xf32>
      %add3A_80 = arith.constant 2560 : i32
      %add3A_81 = arith.addi %add3A_80, %multiple_of3A : i32
      %get3A_82 = arith.index_cast %add3A_81 : i32 to index
      %get3A_83 = tpu.vector_load %arg11[%get3A_82] {strides = array<i32>} : memref<16384xf32, #tpu.memory_space<vmem>>, vector<16xf32>,
      %add3A_84 = arith.constant 2560 : i32
      %add3A_85 = arith.addi %add3A_84, %multiple_of3A : i32
      %get3A_86 = arith.index_cast %add3A_85 : i32 to index
      %get3A_87 = tpu.vector_load %arg12[%get3A_86] {strides = array<i32>} : memref<16384xf32, #tpu.memory_space<vmem>>, vector<16xf32>,
      %mul3A_88 = arith.mulf %get3A_83, %get3A_87 : vector<16xf32>
      %add3A_89 = arith.addf %add3A_79, %mul3A_88 : vector<16xf32>
      %add3A_90 = arith.constant 3072 : i32
      %add3A_91 = arith.addi %add3A_90, %multiple_of3A : i32
      %get3A_92 = arith.index_cast %add3A_91 : i32 to index
      %get3A_93 = tpu.vector_load %arg11[%get3A_92] {strides = array<i32>} : memref<16384xf32, #tpu.memory_space<vmem>>, vector<16xf32>,
      %add3A_94 = arith.constant 3072 : i32
      %add3A_95 = arith.addi %add3A_94, %multiple_of3A : i32
      %get3A_96 = arith.index_cast %add3A_95 : i32 to index
      %get3A_97 = tpu.vector_load %arg12[%get3A_96] {strides = array<i32>} : memref<16384xf32, #tpu.memory_space<vmem>>, vector<16xf32>,
      %mul3A_98 = arith.mulf %get3A_93, %get3A_97 : vector<16xf32>
      %add3A_99 = arith.addf %add3A_89, %mul3A_98 : vector<16xf32>
      %add3A_100 = arith.constant 3584 : i32
      %add3A_101 = arith.addi %add3A_100, %multiple_of3A : i32
      %get3A_102 = arith.index_cast %add3A_101 : i32 to index
      %get3A_103 = tpu.vector_load %arg11[%get3A_102] {strides = array<i32>} : memref<16384xf32, #tpu.memory_space<vmem>>, vector<16xf32>,
      %add3A_104 = arith.constant 3584 : i32
      %add3A_105 = arith.addi %add3A_104, %multiple_of3A : i32
      %get3A_106 = arith.index_cast %add3A_105 : i32 to index
      %get3A_107 = tpu.vector_load %arg12[%get3A_106] {strides = array<i32>} : memref<16384xf32, #tpu.memory_space<vmem>>, vector<16xf32>,
      %mul3A_108 = arith.mulf %get3A_103, %get3A_107 : vector<16xf32>
      %add3A_109 = arith.addf %add3A_99, %mul3A_108 : vector<16xf32>
      %add3A_110 = arith.constant 4096 : i32
      %add3A_111 = arith.addi %add3A_110, %multiple_of3A : i32
      %get3A_112 = arith.index_cast %add3A_111 : i32 to index
      %get3A_113 = tpu.vector_load %arg11[%get3A_112] {strides = array<i32>} : memref<16384xf32, #tpu.memory_space<vmem>>, vector<16xf32>,
      %add3A_114 = arith.constant 4096 : i32
      %add3A_115 = arith.addi %add3A_114, %multiple_of3A : i32
      %get3A_116 = arith.index_cast %add3A_115 : i32 to index
      %get3A_117 = tpu.vector_load %arg12[%get3A_116] {strides = array<i32>} : memref<16384xf32, #tpu.memory_space<vmem>>, vector<16xf32>,
      %mul3A_118 = arith.mulf %get3A_113, %get3A_117 : vector<16xf32>
      %add3A_119 = arith.addf %add3A_109, %mul3A_118 : vector<16xf32>
      %add3A_120 = arith.constant 4608 : i32
      %add3A_121 = arith.addi %add3A_120, %multiple_of3A : i32
      %get3A_122 = arith.index_cast %add3A_121 : i32 to index
      %get3A_123 = tpu.vector_load %arg11[%get3A_122] {strides = array<i32>} : memref<16384xf32, #tpu.memory_space<vmem>>, vector<16xf32>,
      %add3A_124 = arith.constant 4608 : i32
      %add3A_125 = arith.addi %add3A_124, %multiple_of3A : i32
      %get3A_126 = arith.index_cast %add3A_125 : i32 to index
      %get3A_127 = tpu.vector_load %arg12[%get3A_126] {strides = array<i32>} : memref<16384xf32, #tpu.memory_space<vmem>>, vector<16xf32>,
      %mul3A_128 = arith.mulf %get3A_123, %get3A_127 : vector<16xf32>
      %add3A_129 = arith.addf %add3A_119, %mul3A_128 : vector<16xf32>
      %add3A_130 = arith.constant 5120 : i32
      %add3A_131 = arith.addi %add3A_130, %multiple_of3A : i32
      %get3A_132 = arith.index_cast %add3A_131 : i32 to index
      %get3A_133 = tpu.vector_load %arg11[%get3A_132] {strides = array<i32>} : memref<16384xf32, #tpu.memory_space<vmem>>, vector<16xf32>,
      %add3A_134 = arith.constant 5120 : i32
      %add3A_135 = arith.addi %add3A_134, %multiple_of3A : i32
      %get3A_136 = arith.index_cast %add3A_135 : i32 to index
      %get3A_137 = tpu.vector_load %arg12[%get3A_136] {strides = array<i32>} : memref<16384xf32, #tpu.memory_space<vmem>>, vector<16xf32>,
      %mul3A_138 = arith.mulf %get3A_133, %get3A_137 : vector<16xf32>
      %add3A_139 = arith.addf %add3A_129, %mul3A_138 : vector<16xf32>
      %add3A_140 = arith.constant 5632 : i32
      %add3A_141 = arith.addi %add3A_140, %multiple_of3A : i32
      %get3A_142 = arith.index_cast %add3A_141 : i32 to index
      %get3A_143 = tpu.vector_load %arg11[%get3A_142] {strides = array<i32>} : memref<16384xf32, #tpu.memory_space<vmem>>, vector<16xf32>,
      %add3A_144 = arith.constant 5632 : i32
      %add3A_145 = arith.addi %add3A_144, %multiple_of3A : i32
      %get3A_146 = arith.index_cast %add3A_145 : i32 to index
      %get3A_147 = tpu.vector_load %arg12[%get3A_146] {strides = array<i32>} : memref<16384xf32, #tpu.memory_space<vmem>>, vector<16xf32>,
      %mul3A_148 = arith.mulf %get3A_143, %get3A_147 : vector<16xf32>
      %add3A_149 = arith.addf %add3A_139, %mul3A_148 : vector<16xf32>
      %add3A_150 = arith.constant 6144 : i32
      %add3A_151 = arith.addi %add3A_150, %multiple_of3A : i32
      %get3A_152 = arith.index_cast %add3A_151 : i32 to index
      %get3A_153 = tpu.vector_load %arg11[%get3A_152] {strides = array<i32>} : memref<16384xf32, #tpu.memory_space<vmem>>, vector<16xf32>,
      %add3A_154 = arith.constant 6144 : i32
      %add3A_155 = arith.addi %add3A_154, %multiple_of3A : i32
      %get3A_156 = arith.index_cast %add3A_155 : i32 to index
      %get3A_157 = tpu.vector_load %arg12[%get3A_156] {strides = array<i32>} : memref<16384xf32, #tpu.memory_space<vmem>>, vector<16xf32>,
      %mul3A_158 = arith.mulf %get3A_153, %get3A_157 : vector<16xf32>
      %add3A_159 = arith.addf %add3A_149, %mul3A_158 : vector<16xf32>
      %add3A_160 = arith.constant 6656 : i32
      %add3A_161 = arith.addi %add3A_160, %multiple_of3A : i32
      %get3A_162 = arith.index_cast %add3A_161 : i32 to index
      %get3A_163 = tpu.vector_load %arg11[%get3A_162] {strides = array<i32>} : memref<16384xf32, #tpu.memory_space<vmem>>, vector<16xf32>,
      %add3A_164 = arith.constant 6656 : i32
      %add3A_165 = arith.addi %add3A_164, %multiple_of3A : i32
      %get3A_166 = arith.index_cast %add3A_165 : i32 to index
      %get3A_167 = tpu.vector_load %arg12[%get3A_166] {strides = array<i32>} : memref<16384xf32, #tpu.memory_space<vmem>>, vector<16xf32>,
      %mul3A_168 = arith.mulf %get3A_163, %get3A_167 : vector<16xf32>
      %add3A_169 = arith.addf %add3A_159, %mul3A_168 : vector<16xf32>
      %add3A_170 = arith.constant 7168 : i32
      %add3A_171 = arith.addi %add3A_170, %multiple_of3A : i32
      %get3A_172 = arith.index_cast %add3A_171 : i32 to index
      %get3A_173 = tpu.vector_load %arg11[%get3A_172] {strides = array<i32>} : memref<16384xf32, #tpu.memory_space<vmem>>, vector<16xf32>,
      %add3A_174 = arith.constant 7168 : i32
      %add3A_175 = arith.addi %add3A_174, %multiple_of3A : i32
      %get3A_176 = arith.index_cast %add3A_175 : i32 to index
      %get3A_177 = tpu.vector_load %arg12[%get3A_176] {strides = array<i32>} : memref<16384xf32, #tpu.memory_space<vmem>>, vector<16xf32>,
      %mul3A_178 = arith.mulf %get3A_173, %get3A_177 : vector<16xf32>
      %add3A_179 = arith.addf %add3A_169, %mul3A_178 : vector<16xf32>
      %add3A_180 = arith.constant 7680 : i32
      %add3A_181 = arith.addi %add3A_180, %multiple_of3A : i32
      %get3A_182 = arith.index_cast %add3A_181 : i32 to index
      %get3A_183 = tpu.vector_load %arg11[%get3A_182] {strides = array<i32>} : memref<16384xf32, #tpu.memory_space<vmem>>, vector<16xf32>,
      %add3A_184 = arith.constant 7680 : i32
      %add3A_185 = arith.addi %add3A_184, %multiple_of3A : i32
      %get3A_186 = arith.index_cast %add3A_185 : i32 to index
      %get3A_187 = tpu.vector_load %arg12[%get3A_186] {strides = array<i32>} : memref<16384xf32, #tpu.memory_space<vmem>>, vector<16xf32>,
      %mul3A_188 = arith.mulf %get3A_183, %get3A_187 : vector<16xf32>
      %add3A_189 = arith.addf %add3A_179, %mul3A_188 : vector<16xf32>
      %add3A_190 = arith.constant 8192 : i32
      %add3A_191 = arith.addi %add3A_190, %multiple_of3A : i32
      %get3A_192 = arith.index_cast %add3A_191 : i32 to index
      %get3A_193 = tpu.vector_load %arg11[%get3A_192] {strides = array<i32>} : memref<16384xf32, #tpu.memory_space<vmem>>, vector<16xf32>,
      %add3A_194 = arith.constant 8192 : i32
      %add3A_195 = arith.addi %add3A_194, %multiple_of3A : i32
      %get3A_196 = arith.index_cast %add3A_195 : i32 to index
      %get3A_197 = tpu.vector_load %arg12[%get3A_196] {strides = array<i32>} : memref<16384xf32, #tpu.memory_space<vmem>>, vector<16xf32>,
      %mul3A_198 = arith.mulf %get3A_193, %get3A_197 : vector<16xf32>
      %add3A_199 = arith.addf %add3A_189, %mul3A_198 : vector<16xf32>
      %add3A_200 = arith.constant 8704 : i32
      %add3A_201 = arith.addi %add3A_200, %multiple_of3A : i32
      %get3A_202 = arith.index_cast %add3A_201 : i32 to index
      %get3A_203 = tpu.vector_load %arg11[%get3A_202] {strides = array<i32>} : memref<16384xf32, #tpu.memory_space<vmem>>, vector<16xf32>,
      %add3A_204 = arith.constant 8704 : i32
      %add3A_205 = arith.addi %add3A_204, %multiple_of3A : i32
      %get3A_206 = arith.index_cast %add3A_205 : i32 to index
      %get3A_207 = tpu.vector_load %arg12[%get3A_206] {strides = array<i32>} : memref<16384xf32, #tpu.memory_space<vmem>>, vector<16xf32>,
      %mul3A_208 = arith.mulf %get3A_203, %get3A_207 : vector<16xf32>
      %add3A_209 = arith.addf %add3A_199, %mul3A_208 : vector<16xf32>
      %add3A_210 = arith.constant 9216 : i32
      %add3A_211 = arith.addi %add3A_210, %multiple_of3A : i32
      %get3A_212 = arith.index_cast %add3A_211 : i32 to index
      %get3A_213 = tpu.vector_load %arg11[%get3A_212] {strides = array<i32>} : memref<16384xf32, #tpu.memory_space<vmem>>, vector<16xf32>,
      %add3A_214 = arith.constant 9216 : i32
      %add3A_215 = arith.addi %add3A_214, %multiple_of3A : i32
      %get3A_216 = arith.index_cast %add3A_215 : i32 to index
      %get3A_217 = tpu.vector_load %arg12[%get3A_216] {strides = array<i32>} : memref<16384xf32, #tpu.memory_space<vmem>>, vector<16xf32>,
      %mul3A_218 = arith.mulf %get3A_213, %get3A_217 : vector<16xf32>
      %add3A_219 = arith.addf %add3A_209, %mul3A_218 : vector<16xf32>
      %add3A_220 = arith.constant 9728 : i32
      %add3A_221 = arith.addi %add3A_220, %multiple_of3A : i32
      %get3A_222 = arith.index_cast %add3A_221 : i32 to index
      %get3A_223 = tpu.vector_load %arg11[%get3A_222] {strides = array<i32>} : memref<16384xf32, #tpu.memory_space<vmem>>, vector<16xf32>,
      %add3A_224 = arith.constant 9728 : i32
      %add3A_225 = arith.addi %add3A_224, %multiple_of3A : i32
      %get3A_226 = arith.index_cast %add3A_225 : i32 to index
      %get3A_227 = tpu.vector_load %arg12[%get3A_226] {strides = array<i32>} : memref<16384xf32, #tpu.memory_space<vmem>>, vector<16xf32>,
      %mul3A_228 = arith.mulf %get3A_223, %get3A_227 : vector<16xf32>
      %add3A_229 = arith.addf %add3A_219, %mul3A_228 : vector<16xf32>
      %add3A_230 = arith.constant 10240 : i32
      %add3A_231 = arith.addi %add3A_230, %multiple_of3A : i32
      %get3A_232 = arith.index_cast %add3A_231 : i32 to index
      %get3A_233 = tpu.vector_load %arg11[%get3A_232] {strides = array<i32>} : memref<16384xf32, #tpu.memory_space<vmem>>, vector<16xf32>,
      %add3A_234 = arith.constant 10240 : i32
      %add3A_235 = arith.addi %add3A_234, %multiple_of3A : i32
      %get3A_236 = arith.index_cast %add3A_235 : i32 to index
      %get3A_237 = tpu.vector_load %arg12[%get3A_236] {strides = array<i32>} : memref<16384xf32, #tpu.memory_space<vmem>>, vector<16xf32>,
      %mul3A_238 = arith.mulf %get3A_233, %get3A_237 : vector<16xf32>
      %add3A_239 = arith.addf %add3A_229, %mul3A_238 : vector<16xf32>
      %add3A_240 = arith.constant 10752 : i32
      %add3A_241 = arith.addi %add3A_240, %multiple_of3A : i32
      %get3A_242 = arith.index_cast %add3A_241 : i32 to index
      %get3A_243 = tpu.vector_load %arg11[%get3A_242] {strides = array<i32>} : memref<16384xf32, #tpu.memory_space<vmem>>, vector<16xf32>,
      %add3A_244 = arith.constant 10752 : i32
      %add3A_245 = arith.addi %add3A_244, %multiple_of3A : i32
      %get3A_246 = arith.index_cast %add3A_245 : i32 to index
      %get3A_247 = tpu.vector_load %arg12[%get3A_246] {strides = array<i32>} : memref<16384xf32, #tpu.memory_space<vmem>>, vector<16xf32>,
      %mul3A_248 = arith.mulf %get3A_243, %get3A_247 : vector<16xf32>
      %add3A_249 = arith.addf %add3A_239, %mul3A_248 : vector<16xf32>
      %add3A_250 = arith.constant 11264 : i32
      %add3A_251 = arith.addi %add3A_250, %multiple_of3A : i32
      %get3A_252 = arith.index_cast %add3A_251 : i32 to index
      %get3A_253 = tpu.vector_load %arg11[%get3A_252] {strides = array<i32>} : memref<16384xf32, #tpu.memory_space<vmem>>, vector<16xf32>,
      %add3A_254 = arith.constant 11264 : i32
      %add3A_255 = arith.addi %add3A_254, %multiple_of3A : i32
      %get3A_256 = arith.index_cast %add3A_255 : i32 to index
      %get3A_257 = tpu.vector_load %arg12[%get3A_256] {strides = array<i32>} : memref<16384xf32, #tpu.memory_space<vmem>>, vector<16xf32>,
      %mul3A_258 = arith.mulf %get3A_253, %get3A_257 : vector<16xf32>
      %add3A_259 = arith.addf %add3A_249, %mul3A_258 : vector<16xf32>
      %add3A_260 = arith.constant 11776 : i32
      %add3A_261 = arith.addi %add3A_260, %multiple_of3A : i32
      %get3A_262 = arith.index_cast %add3A_261 : i32 to index
      %get3A_263 = tpu.vector_load %arg11[%get3A_262] {strides = array<i32>} : memref<16384xf32, #tpu.memory_space<vmem>>, vector<16xf32>,
      %add3A_264 = arith.constant 11776 : i32
      %add3A_265 = arith.addi %add3A_264, %multiple_of3A : i32
      %get3A_266 = arith.index_cast %add3A_265 : i32 to index
      %get3A_267 = tpu.vector_load %arg12[%get3A_266] {strides = array<i32>} : memref<16384xf32, #tpu.memory_space<vmem>>, vector<16xf32>,
      %mul3A_268 = arith.mulf %get3A_263, %get3A_267 : vector<16xf32>
      %add3A_269 = arith.addf %add3A_259, %mul3A_268 : vector<16xf32>
      %add3A_270 = arith.constant 12288 : i32
      %add3A_271 = arith.addi %add3A_270, %multiple_of3A : i32
      %get3A_272 = arith.index_cast %add3A_271 : i32 to index
      %get3A_273 = tpu.vector_load %arg11[%get3A_272] {strides = array<i32>} : memref<16384xf32, #tpu.memory_space<vmem>>, vector<16xf32>,
      %add3A_274 = arith.constant 12288 : i32
      %add3A_275 = arith.addi %add3A_274, %multiple_of3A : i32
      %get3A_276 = arith.index_cast %add3A_275 : i32 to index
      %get3A_277 = tpu.vector_load %arg12[%get3A_276] {strides = array<i32>} : memref<16384xf32, #tpu.memory_space<vmem>>, vector<16xf32>,
      %mul3A_278 = arith.mulf %get3A_273, %get3A_277 : vector<16xf32>
      %add3A_279 = arith.addf %add3A_269, %mul3A_278 : vector<16xf32>
      %add3A_280 = arith.constant 12800 : i32
      %add3A_281 = arith.addi %add3A_280, %multiple_of3A : i32
      %get3A_282 = arith.index_cast %add3A_281 : i32 to index
      %get3A_283 = tpu.vector_load %arg11[%get3A_282] {strides = array<i32>} : memref<16384xf32, #tpu.memory_space<vmem>>, vector<16xf32>,
      %add3A_284 = arith.constant 12800 : i32
      %add3A_285 = arith.addi %add3A_284, %multiple_of3A : i32
      %get3A_286 = arith.index_cast %add3A_285 : i32 to index
      %get3A_287 = tpu.vector_load %arg12[%get3A_286] {strides = array<i32>} : memref<16384xf32, #tpu.memory_space<vmem>>, vector<16xf32>,
      %mul3A_288 = arith.mulf %get3A_283, %get3A_287 : vector<16xf32>
      %add3A_289 = arith.addf %add3A_279, %mul3A_288 : vector<16xf32>
      %add3A_290 = arith.constant 13312 : i32
      %add3A_291 = arith.addi %add3A_290, %multiple_of3A : i32
      %get3A_292 = arith.index_cast %add3A_291 : i32 to index
      %get3A_293 = tpu.vector_load %arg11[%get3A_292] {strides = array<i32>} : memref<16384xf32, #tpu.memory_space<vmem>>, vector<16xf32>,
      %add3A_294 = arith.constant 13312 : i32
      %add3A_295 = arith.addi %add3A_294, %multiple_of3A : i32
      %get3A_296 = arith.index_cast %add3A_295 : i32 to index
      %get3A_297 = tpu.vector_load %arg12[%get3A_296] {strides = array<i32>} : memref<16384xf32, #tpu.memory_space<vmem>>, vector<16xf32>,
      %mul3A_298 = arith.mulf %get3A_293, %get3A_297 : vector<16xf32>
      %add3A_299 = arith.addf %add3A_289, %mul3A_298 : vector<16xf32>
      %add3A_300 = arith.constant 13824 : i32
      %add3A_301 = arith.addi %add3A_300, %multiple_of3A : i32
      %get3A_302 = arith.index_cast %add3A_301 : i32 to index
      %get3A_303 = tpu.vector_load %arg11[%get3A_302] {strides = array<i32>} : memref<16384xf32, #tpu.memory_space<vmem>>, vector<16xf32>,
      %add3A_304 = arith.constant 13824 : i32
      %add3A_305 = arith.addi %add3A_304, %multiple_of3A : i32
      %get3A_306 = arith.index_cast %add3A_305 : i32 to index
      %get3A_307 = tpu.vector_load %arg12[%get3A_306] {strides = array<i32>} : memref<16384xf32, #tpu.memory_space<vmem>>, vector<16xf32>,
      %mul3A_308 = arith.mulf %get3A_303, %get3A_307 : vector<16xf32>
      %add3A_309 = arith.addf %add3A_299, %mul3A_308 : vector<16xf32>
      %add3A_310 = arith.constant 14336 : i32
      %add3A_311 = arith.addi %add3A_310, %multiple_of3A : i32
      %get3A_312 = arith.index_cast %add3A_311 : i32 to index
      %get3A_313 = tpu.vector_load %arg11[%get3A_312] {strides = array<i32>} : memref<16384xf32, #tpu.memory_space<vmem>>, vector<16xf32>,
      %add3A_314 = arith.constant 14336 : i32
      %add3A_315 = arith.addi %add3A_314, %multiple_of3A : i32
      %get3A_316 = arith.index_cast %add3A_315 : i32 to index
      %get3A_317 = tpu.vector_load %arg12[%get3A_316] {strides = array<i32>} : memref<16384xf32, #tpu.memory_space<vmem>>, vector<16xf32>,
      %mul3A_318 = arith.mulf %get3A_313, %get3A_317 : vector<16xf32>
      %add3A_319 = arith.addf %add3A_309, %mul3A_318 : vector<16xf32>
      %add3A_320 = arith.constant 14848 : i32
      %add3A_321 = arith.addi %add3A_320, %multiple_of3A : i32
      %get3A_322 = arith.index_cast %add3A_321 : i32 to index
      %get3A_323 = tpu.vector_load %arg11[%get3A_322] {strides = array<i32>} : memref<16384xf32, #tpu.memory_space<vmem>>, vector<16xf32>,
      %add3A_324 = arith.constant 14848 : i32
      %add3A_325 = arith.addi %add3A_324, %multiple_of3A : i32
      %get3A_326 = arith.index_cast %add3A_325 : i32 to index
      %get3A_327 = tpu.vector_load %arg12[%get3A_326] {strides = array<i32>} : memref<16384xf32, #tpu.memory_space<vmem>>, vector<16xf32>,
      %mul3A_328 = arith.mulf %get3A_323, %get3A_327 : vector<16xf32>
      %add3A_329 = arith.addf %add3A_319, %mul3A_328 : vector<16xf32>
      %add3A_330 = arith.constant 15360 : i32
      %add3A_331 = arith.addi %add3A_330, %multiple_of3A : i32
      %get3A_332 = arith.index_cast %add3A_331 : i32 to index
      %get3A_333 = tpu.vector_load %arg11[%get3A_332] {strides = array<i32>} : memref<16384xf32, #tpu.memory_space<vmem>>, vector<16xf32>,
      %add3A_334 = arith.constant 15360 : i32
      %add3A_335 = arith.addi %add3A_334, %multiple_of3A : i32
      %get3A_336 = arith.index_cast %add3A_335 : i32 to index
      %get3A_337 = tpu.vector_load %arg12[%get3A_336] {strides = array<i32>} : memref<16384xf32, #tpu.memory_space<vmem>>, vector<16xf32>,
      %mul3A_338 = arith.mulf %get3A_333, %get3A_337 : vector<16xf32>
      %add3A_339 = arith.addf %add3A_329, %mul3A_338 : vector<16xf32>
      %add3A_340 = arith.constant 15872 : i32
      %add3A_341 = arith.addi %add3A_340, %multiple_of3A : i32
      %get3A_342 = arith.index_cast %add3A_341 : i32 to index
      %get3A_343 = tpu.vector_load %arg11[%get3A_342] {strides = array<i32>} : memref<16384xf32, #tpu.memory_space<vmem>>, vector<16xf32>,
      %add3A_344 = arith.constant 15872 : i32
      %add3A_345 = arith.addi %add3A_344, %multiple_of3A : i32
      %get3A_346 = arith.index_cast %add3A_345 : i32 to index
      %get3A_347 = tpu.vector_load %arg12[%get3A_346] {strides = array<i32>} : memref<16384xf32, #tpu.memory_space<vmem>>, vector<16xf32>,
      %mul3A_348 = arith.mulf %get3A_343, %get3A_347 : vector<16xf32>
      %add3A_349 = arith.addf %add3A_339, %mul3A_348 : vector<16xf32>
      %swap3A = arith.index_cast %multiple_of3A : i32 to index
      %swap3A_350 = tpu.vector_load %arg13[%swap3A] {strides = array<i32>} : memref<512xf32, #tpu.memory_space<vmem>>, vector<16xf32>,
      tpu.vector_store %arg13[%swap3A], %add3A_349 {strides = array<i32>} : memref<512xf32, #tpu.memory_space<vmem>>, vector<16xf32>,
    }
    %scan3A_26 = arith.constant 32 : i32
    "tpu.region"() ({
      %run_scoped3A = tpu.sem_alloc : memref<!tpu.dma_semaphore, #tpu.memory_space<semaphore_mem>>
      %dma_start3A = tpu.memref_slice %arg6[%mul3A_2] : memref<16384xf32, #tpu.memory_space<hbm>> -> memref<512xf32, #tpu.memory_space<hbm>>
      %dma_start3A_27 = tpu.memref_slice %arg6[%mul3A_2] : memref<16384xf32, #tpu.memory_space<hbm>> -> memref<512xf32, #tpu.memory_space<hbm>>
      tpu.enqueue_dma source(%arg13 : memref<512xf32, #tpu.memory_space<vmem>>) target(%dma_start3A_27 : memref<512xf32, #tpu.memory_space<hbm>>) target_semaphore(%run_scoped3A : memref<!tpu.dma_semaphore, #tpu.memory_space<semaphore_mem>>)
      %dma_wait3A_28 = tpu.memref_slice %arg6[%mul3A_2] : memref<16384xf32, #tpu.memory_space<hbm>> -> memref<512xf32, #tpu.memory_space<hbm>>
      %dma_wait3A_29 = tpu.memref_slice %arg6[%mul3A_2] : memref<16384xf32, #tpu.memory_space<hbm>> -> memref<512xf32, #tpu.memory_space<hbm>>
      tpu.wait_dma2 semaphore(%run_scoped3A : memref<!tpu.dma_semaphore, #tpu.memory_space<semaphore_mem>>) src(%arg13 : memref<512xf32, #tpu.memory_space<vmem>>) dst(%dma_wait3A_29 : memref<512xf32, #tpu.memory_space<hbm>>)
      tpu.yield
    }) : () -> ()
    return
  }
}

</mosaic_0001>

<sc_bundles>
// kernel: kernel.4.cloned.1.call-start
scs
__scs_entry_jumppad:
0x0: {  	(pc) =	sbr.rel $0x88, $3  }
0x1: {  	(tag) =	ssettag $0x0;
	lr =	simm.s32 $0x1  }
0x2: {  	[smem:$0x3F9D] =	sst lr;
	_ =	strace $0xD0000000  }
0x3: {  	_ = 	snop  }
0x4: {  	_ = 	snop  }
0x5: {  	_ = 	snop  }
0x6: {  	_ = 	snop  }
0x7: {  	_ = 	snop  }
__scs_overlays_trampoline_lowered:
0x8: {  	[smem:$0x3FAC] =	sst s0  }
0x9: {  	[smem:$0x3FAD] =	sst s1  }
0xa: {  	[smem:$0x3FAE] =	sst s2  }
0xb: {  	[smem:$0x3FAF] =	sst s3  }
0xc: {  	[smem:$0x3FB0] =	sst s4  }
0xd: {  	[smem:$0x3FB1] =	sst s5  }
0xe: {  	[smem:$0x3FB2] =	sst s6  }
0xf: {  	[smem:$0x3FB3] =	sst s7  }
0x10: {  	[smem:$0x3FB4] =	sst s8  }
0x11: {  	[smem:$0x3FB5] =	sst s9;
	s0 =	simm.s32 @!p0 $0x0  }
0x12: {  	s1 =	sld [smem:$0x3F9B];
	s0 =	simm.s32 @p0 $0x1  }
0x13: {  	[smem:$0x3FB6] =	sst s0;
	s0 =	simm.s32 @!p1 $0x0  }
0x14: {  	s2 =	sld [smem:$0x3F9A];
	s0 =	simm.s32 @p1 $0x1  }
0x15: {  	[smem:$0x3FB7] =	sst s0;
	s0 =	simm.s32 @!p2 $0x0  }
0x16: {  	s3 =	sld [smem:$0x3FDB];
	s0 =	simm.s32 @p2 $0x1  }
0x17: {  	s4 =	simm.s32 $0x1BF5;
	[smem:$0x3FB9] =	sst s0  }
0x18: {  	s0 =	sld [smem:$0x3F9C];
	_ =	swait.ge [sflag:s4], $0x0  }
0x19: {  	s7 =	sld [smem:$0x3F9D]  }
0x1a: {  	s8 =	sadd.s32 $0xFFFFE003, lr  }
0x1b: {  	s9 =	sadd.s32 $0xFFFFFEF7, lr;
	s5 =	simm.s32 $0xFFFFFFFF;
	p2 =	slt.u32 s8, $0xFFFFF086  }
0x1c: {  	p1 =	slt.u32 s9, $0xF7A;
	s5 =	simm.s32 @!p2 $0x0  }
0x1d: {  	s5 =	simm.s32 @p1 $0x1;
	p0 =	seq.s32 s7, s2  }
0x1e: {  	s7 =	smul.u32 @!p0 $0xF7A, s2;
	p2 =	seq.s32 @!p0 s5, $0x0  }
0x1f: {  	s9 =	smul.u32 $0xF7A, s1;
	s8 =	simm.s32 @!p0 $0x1BF5;
	p2 =	por !p2, p0  }
0x20: {  	[sflag:s8] =	ssyncset.s32 @!p0 $0xFFFFF086;
	s6 =	sadd.s32 @!p0 s3, s7;
	s7 =	simm.s32 @!p0 $0x108  }
0x21: {  	s3 =	sadd.s32 s3, s9;
	s6 =	sadd.s32 @!p0 $0x88, s6;
	s7 =	simm.s32 @p2 $0x1082  }
0x22: {  	[simem:s7], [sflag:s8] =	dma.local @!p0 [hbm:s6], $0xF7A  }
0x23: {  	s9 =	sor.u32 $0xD0000000, s2;
	s6 =	simm.s32 $0x108;
	_ =	swait.ge @!p0 [sflag:s8], $0x0  }
0x24: {  	s3 =	sadd.s32 $0x88, s3;
	s6 =	simm.s32 @!p1 $0x1082;
	[sflag:s4] =	ssyncset.s32 $0xFFFFF086  }
0x25: {  	[simem:s6], [sflag:s4] =	dma.local [hbm:s3], $0xF7A  }
0x26: {  	[smem:$0x3F9D] =	sst s1;
	(tag) =	ssettag s2;
	_ =	strace s9  }
0x27: {  	s1 =	sld [smem:$0x3FAD]  }
0x28: {  	s2 =	sld [smem:$0x3FAE]  }
0x29: {  	s4 =	sld [smem:$0x3FB0]  }
0x2a: {  	p0 =	seq.s32 s5, $0x0;
	s5 =	sld [smem:$0x3FB1]  }
0x2b: {  	s6 =	sld [smem:$0x3FB2]  }
0x2c: {  	s7 =	sld [smem:$0x3FB3]  }
0x2d: {  	s3 =	simm.s32 $0x108;
	s8 =	sld [smem:$0x3FB4]  }
0x2e: {  	s3 =	simm.s32 @!p0 $0x1082;
	s9 =	sld [smem:$0x3FB5]  }
0x2f: {  	lr =	sadd.s32 s0, s3;
	s0 =	sld [smem:$0x3FAC]  }
0x30: {  	s3 =	sld [smem:$0x3FAF]  }
0x31: {  	[smem:$0x3FB8] =	sst s10  }
0x32: {  	s10 =	sld [smem:$0x3FB6];
	_ =	sdelay $0x3  }
0x33: {  	p0 =	seq.s32 s10, $0x1;
	s10 =	sld [smem:$0x3FB8];
	_ =	sdelay $0x3  }
0x34: {  	[smem:$0x3FB8] =	sst s10  }
0x35: {  	s10 =	sld [smem:$0x3FB7];
	_ =	sdelay $0x3  }
0x36: {  	p1 =	seq.s32 s10, $0x1;
	s10 =	sld [smem:$0x3FB8];
	_ =	sdelay $0x3  }
0x37: {  	[smem:$0x3FB8] =	sst s10  }
0x38: {  	s10 =	sld [smem:$0x3FB9]  }
0x39: {  	_ = 	snop;
	(pc) =	sbr.ind lr, $3  }
0x3a: {  	_ = 	snop  }
0x3b: {  	_ = 	snop  }
0x3c: {  	p2 =	seq.s32 s10, $0x1;
	s10 =	sld [smem:$0x3FB8]  }
0x3d: {  	_ =	shalt  }
0x3e: {  	_ =	shalt  }
0x3f: {  	_ =	shalt  }
0x40: {  	_ =	shalt  }
0x41: {  	_ =	shalt  }
0x42: {  	_ =	shalt  }
0x43: {  	_ =	shalt  }
0x44: {  	_ =	shalt  }
0x45: {  	_ =	shalt  }
0x46: {  	_ =	shalt  }
0x47: {  	_ =	shalt  }
0x48: {  	_ =	shalt  }
0x49: {  	_ =	shalt  }
0x4a: {  	_ =	shalt  }
0x4b: {  	_ =	shalt  }
0x4c: {  	_ =	shalt  }
0x4d: {  	_ =	shalt  }
0x4e: {  	_ =	shalt  }
0x4f: {  	_ =	shalt  }
0x50: {  	_ =	shalt  }
0x51: {  	_ =	shalt  }
0x52: {  	_ =	shalt  }
0x53: {  	_ =	shalt  }
0x54: {  	_ =	shalt  }
0x55: {  	_ =	shalt  }
0x56: {  	_ =	shalt  }
0x57: {  	_ =	shalt  }
0x58: {  	_ =	shalt  }
0x59: {  	_ =	shalt  }
0x5a: {  	_ =	shalt  }
0x5b: {  	_ =	shalt  }
0x5c: {  	_ =	shalt  }
0x5d: {  	_ =	shalt  }
0x5e: {  	_ =	shalt  }
0x5f: {  	_ =	shalt  }
0x60: {  	_ =	shalt  }
0x61: {  	_ =	shalt  }
0x62: {  	_ =	shalt  }
0x63: {  	_ =	shalt  }
0x64: {  	_ =	shalt  }
0x65: {  	_ =	shalt  }
0x66: {  	_ =	shalt  }
0x67: {  	_ =	shalt  }
0x68: {  	_ =	shalt  }
0x69: {  	_ =	shalt  }
0x6a: {  	_ =	shalt  }
0x6b: {  	_ =	shalt  }
0x6c: {  	_ =	shalt  }
0x6d: {  	_ =	shalt  }
0x6e: {  	_ =	shalt  }
0x6f: {  	_ =	shalt  }
0x70: {  	_ =	shalt  }
0x71: {  	_ =	shalt  }
0x72: {  	_ =	shalt  }
0x73: {  	_ =	shalt  }
0x74: {  	_ =	shalt  }
0x75: {  	_ =	shalt  }
0x76: {  	_ =	shalt  }
0x77: {  	_ =	shalt  }
0x78: {  	_ =	shalt  }
0x79: {  	_ =	shalt  }
0x7a: {  	_ =	shalt  }
0x7b: {  	_ =	shalt  }
0x7c: {  	_ =	shalt  }
0x7d: {  	_ =	shalt  }
0x7e: {  	_ =	shalt  }
0x7f: {  	_ =	shalt  }
0x80: {  	_ =	shalt  }
0x81: {  	_ =	shalt  }
0x82: {  	_ =	shalt  }
0x83: {  	_ =	shalt  }
0x84: {  	_ =	shalt  }
0x85: {  	_ =	shalt  }
0x86: {  	_ =	shalt  }
0x87: {  	_ =	shalt  }
.Lfunc_end0:
.L_simem_size_0:
called_computation_lowered:
.L_overlay_start_0:
0x88: {  	s2 =	sld [smem:$0x3FD9]  }
0x89: {  	s3 =	sld [smem:$0x3FFE];
	_ =	sdelay $0x1  }
0x8a: {  	s1 =	srdreg.scid  }
0x8b: {  	s0 =	sand.u32 $0x1, s1  }
0x8c: {  	s17 =	sshll.u32 s0, $0xA;
	s2 =	sadd.s32 s3, s2  }
0x8d: {  	s2 =	sadd.s32 s2, s17  }
0x8e: {  	[smem:$0x3FC4] =	sst s2  }
0x8f: {  	_ = 	snop  }
0x90: {  	s2 =	sld [smem:$0x3FC7]  }
0x91: {  	s18 =	sld [smem:$0x3FC6];
	(tm) =	ssettm $0x1  }
0x92: {  	s4 =	sld [smem:$0x3FFB];
	_ =	sdelay $0x3  }
0x93: {  	_ =	strace s4  }
0x94: {  	s4 =	sld [smem:$0x3FFC];
	_ =	sdelay $0x3  }
0x95: {  	_ =	strace s4  }
0x96: {  	s4 =	sld [smem:$0x3FFD];
	_ =	sdelay $0x3  }
0x97: {  	_ =	strace s4  }
0x98: {  	_ =	strace $0x8FFFFFFF  }
0x99: {  	s19 =	sld [smem:$0x3FDB];
	_ =	sdelay $0x1  }
0x9a: {  	s5 =	simm.s32 $_scs_section_size  }
0x9b: {  	s6 =	simm.s32 $_size__tile_overlayer_lowered;
	s7 =	simm.s32 $_tile_overlayer_lowered  }
0x9c: {  	s22 =	simm.s32 $0x1BFF;
	s21 =	sshll.u32 s7, $0x1;
	s4 =	sadd.s32 s5, s19  }
0x9d: {  	s8 =	simm.s32 $0x0;
	s20 =	sshll.u32 s6, $0x1;
	s6 =	sadd.s32 s21, s4  }
0x9e: {  	[timem:s8], [sflag:s22] =	dma.local [hbm:s6], s20  }
0x9f: {  	_ =	swait.ge [sflag:s22], s20  }
0xa0: {  	s5 =	ssub.s32 $0x0, s20;
	[sflag:s22] =	ssyncset.done $0x0  }
0xa1: {  	[sflag:s22] =	ssyncadd.s32 s5;
	_ =	sdelay $0x1  }
0xa2: {  	s23 =	simm.s32 $0x1B8B  }
0xa3: {  	_ =	swait.ge [sflag:s23], $0x1  }
0xa4: {  	[sflag:s23] =	ssyncset.done $0x0  }
0xa5: {  	s25 =	simm.s32 $0x1B8E;
	s24 =	sld [smem:$0x3FFE];
	[sflag:s23] =	ssyncadd.s32 $0xFFFFFFFF  }
0xa6: {  	s26 =	simm.s32 $execute0_lowered;
	[smem:$0x3FD2] =	sst s25  }
0xa7: {  	s6 =	sshll.u32 s26, $0x1;
	_ =	strace $0x80000046;
	[dreg:$0x1] =	wrdreg $0xFFFFFFFF  }
0xa8: {  	s28 =	simm.s32 $_size_execute0_lowered;
	s4 =	sadd.s32 s4, s6;
	[dreg:$0x0] =	wrdreg $0x0  }
0xa9: {  	s6 =	sshll.u32 s28, $0x1;
	[dreg:$0x2] =	wrdreg s4  }
0xaa: {  	[dreg:$0x3] =	wrdreg s6  }
0xab: {  	[dreg:$0x4] =	wrdreg $0xC0  }
0xac: {  	_ =	task [dreg:s8], $0x5FFFF  }
0xad: {  	[dreg:$0x1] =	wrdreg $0xFFFFFFFF  }
0xae: {  	[dreg:$0x0] =	wrdreg $0x60  }
0xaf: {  	[dreg:$0x2] =	wrdreg s2  }
0xb0: {  	[dreg:$0x3] =	wrdreg s18  }
0xb1: {  	[dreg:$0x4] =	wrdreg s24  }
0xb2: {  	[dreg:$0x5] =	wrdreg $0x9  }
0xb3: {  	_ =	task.clear_ibuf [dreg:s8], $0x6FFFF;
	_ =	strace $0x90000046  }
0xb4: {  	s29 =	simm.s32 $0x9;
	_ =	strace $0x80000048  }
0xb5: {  	_ =	swait.ge [sflag:s29], $0x1  }
0xb6: {  	[sflag:s29] =	ssyncadd.s32 $0xFFFFFFFF  }
0xb7: {  	_ =	strace $0x90000048  }
0xb8: {  	_ =	sfence  }
0xb9: {  	s30 =	sld [smem:$0x0];
	_ =	sdelay $0x2  }
0xba: {  	s31 =	sshll.u32 s1, $0xD;
	s1 =	sshrl.u32 s1, $0x2  }
0xbb: {  	s3 =	sand.u32 $0x4000, s31;
	s1 =	sadd.s32 s1, s30  }
0xbc: {  	s0 =	sor.u32 s3, s0;
	s1 =	sshll.u32 s1, $0x11  }
0xbd: {  	s0 =	sor.u32 s1, s0  }
0xbe: {  	s0 =	sadd.s32 $0x8F2B, s0  }
0xbf: {  	[sflag:s0] =	ssyncadd.remote.s32 $0x1  }
0xc0: {  	_ =	sfence.sel $0xFFFF  }
0xc1: {  	[dreg:$0x0] =	wrdreg $0xFFFFFFFF;
	(pc) =	sbr.abs _section_cstart, $3  }
0xc2: {  	[dreg:$0x1] =	wrdreg $0xFFFFFFFF  }
0xc3: {  	_ =	task.clear_ibuf [dreg:s8], $0x2FFFF;
	_ =	strace $0x9FFFFFFF  }
0xc4: {  	(tm) =	ssettm $0x7FFFFFFF  }
0xc5: {  	_ =	shalt  }
tec
execute0_lowered:
.L_overlay_start_1:
0x0: {  	(tag) =	ssettag $0x1  }
0x1: {  	s0 =	rddreg [dreg:$0x0]  }
0x2: {  	s3 =	rddreg [dreg:$0x1]  }
0x3: {  	s5 =	rddreg [dreg:$0x2];
	s6 =	stileid.u32;
	s1 =	simm.s32 $0x0  }
0x4: {  	s8 =	srdreg.scid;
	s2 =	sand.u32 $0x3, s6;
	[smem:$0x7FF] =	sst s1  }
0x5: {  	s7 =	sshrl.u32 s6, $0x2;
	s4 =	sadd.s32 $0xC00, s5;
	s2 =	smul.u32 $0x3D080, s2  }
0x6: {  	s8 =	sand.u32 $0x1, s8;
	s5 =	sadd.s32 $0x3D1600, s5;
	s30 =	smul.u32 $0x7A1000, s7  }
0x7: {  	p1 =	sne.s32 s6, $0x0;
	s24 =	sadd.s32 $0xF4200, s3;
	s14 =	smul.u32 $0xF4280, s7  }
0x8: {  	_ =	strace $0x80000047;
	s9 =	ssub.s32 $0x2, s8;
	[dreg:$0x8] =	wrdreg s24  }
0x9: {  	p0 =	seq.s32 s8, $0x1;
	s7 =	sadd.s32 s0, s14;
	[dreg:$0x4] =	wrdreg s30  }
0xa: {  	s11 =	sshrl.u32 s9, $0x1;
	s0 =	sadd.s32 $0xF4200, s0;
	[dreg:$0x5] =	wrdreg s7  }
0xb: {  	s10 =	sadd.s32 s30, s2;
	s25 =	sadd.s32 $0xF4200, s30;
	[dreg:$0x6] =	wrdreg s0  }
0xc: {  	s23 =	ssub.s32 s9, s11;
	s24 =	sadd.s32 $0x4C4A00, s30;
	[dreg:$0xa] =	wrdreg s25  }
0xd: {  	s26 =	sadd.s32 $0xFFFFF080, s2;
	s31 =	sadd.s32 $0x6ACE00, s30;
	[dreg:$0xf] =	wrdreg s24  }
0xe: {  	s15 =	sshrl.u32 s10, $0x3;
	s23 =	smax.u32 s23, $0x1;
	[dreg:$0x9] =	wrdreg s26  }
0xf: {  	s25 =	sadd.s32 $0x5B8C00, s30;
	[dreg:$0x11] =	wrdreg s31;
	s16 =	sadd.s32 $0x7820, s15  }
0x10: {  	s17 =	sadd.s32 $0x26060, s15;
	s18 =	sadd.s32 $0x448A0, s15;
	s19 =	sadd.s32 $0x630E0, s15  }
0x11: {  	s20 =	sadd.s32 $0x81920, s15;
	s21 =	sadd.s32 $0xA0160, s15;
	s22 =	sadd.s32 $0xBE9A0, s15  }
0x12: {  	s6 =	sadd.s32 $0xDD1E0, s15;
	s15 =	sadd.s32 s3, s14;
	[dreg:$0xe] =	wrdreg s23  }
0x13: {  	s3 =	sadd.s32 $0x1E8400, s30;
	s14 =	sadd.s32 $0x2DC600, s30;
	[dreg:$0x10] =	wrdreg s25  }
0x14: {  	s23 =	simm.s32 $0x0;
	s7 =	sadd.s32 s4, s16;
	s8 =	sadd.s32 s4, s17  }
0x15: {  	s9 =	sadd.s32 s4, s18;
	s10 =	sadd.s32 s4, s19;
	s11 =	sadd.s32 s4, s20  }
0x16: {  	s12 =	sadd.s32 s4, s21;
	s13 =	sadd.s32 s4, s22;
	[dreg:$0x7] =	wrdreg s15  }
.Ltmp0:
0x17: {  	s16 =	sadd.s32 s5, s16;
	s17 =	sadd.s32 s5, s17;
	(pc) =	sbr.rel .LBB2_1-.Ltmp0, $4  }
0x18: {  	s18 =	sadd.s32 s5, s18;
	s19 =	sadd.s32 s5, s19;
	s20 =	sadd.s32 s5, s20  }
0x19: {  	s21 =	sadd.s32 s5, s21;
	s22 =	sadd.s32 s5, s22;
	[dreg:$0xb] =	wrdreg s3  }
0x1a: {  	s28 =	sadd.s32 s4, s6;
	[dreg:$0xc] =	wrdreg s14;
	s15 =	sadd.s32 $0x3D0800, s30  }
0x1b: {  	s29 =	sadd.s32 s5, s6;
	s6 =	simm.s32 $0x1;
	[dreg:$0xd] =	wrdreg s15  }
.LBB2_112:
0x1c: {  	v0 =	vld [tilespmem:$0xF800]  }
0x1d: {  	v1 =	vld [tilespmem:$0xF880]  }
0x1e: {  	v2 =	vld [tilespmem:$0xF900]  }
0x1f: {  	v3 =	vld [tilespmem:$0xF980]  }
0x20: {  	v4 =	vld [tilespmem:$0xFA00]  }
0x21: {  	v53 =	vld [tilespmem:$0xFA80];
	[tilespmem:$0x10800] =	vst v0  }
0x22: {  	v54 =	vld [tilespmem:$0xFB00];
	[tilespmem:$0x10840] =	vst v1  }
0x23: {  	v55 =	vld [tilespmem:$0xFB80];
	[tilespmem:$0x10880] =	vst v2  }
0x24: {  	v56 =	vld [tilespmem:$0xFC00];
	[tilespmem:$0x108C0] =	vst v3  }
0x25: {  	v57 =	vld [tilespmem:$0xFC80];
	[tilespmem:$0x10900] =	vst v4  }
0x26: {  	v58 =	vld [tilespmem:$0xFD00];
	[tilespmem:$0x10940] =	vst v53  }
0x27: {  	v59 =	vld [tilespmem:$0xFD80];
	[tilespmem:$0x10980] =	vst v54  }
0x28: {  	v60 =	vld [tilespmem:$0xFE00];
	[tilespmem:$0x109C0] =	vst v55  }
0x29: {  	v61 =	vld [tilespmem:$0xFE80];
	[tilespmem:$0x10A00] =	vst v56  }
0x2a: {  	v62 =	vld [tilespmem:$0xFF00];
	[tilespmem:$0x10A40] =	vst v57  }
0x2b: {  	v63 =	vld [tilespmem:$0xFF80];
	[tilespmem:$0x10A80] =	vst v58  }
0x2c: {  	v8 =	vld [tilespmem:$0x10000];
	[tilespmem:$0x10AC0] =	vst v59  }
0x2d: {  	v9 =	vld [tilespmem:$0x10080];
	[tilespmem:$0x10B00] =	vst v60  }
0x2e: {  	v10 =	vld [tilespmem:$0x10100];
	[tilespmem:$0x10B40] =	vst v61  }
0x2f: {  	v11 =	vld [tilespmem:$0x10180];
	[tilespmem:$0x10B80] =	vst v62  }
0x30: {  	v12 =	vld [tilespmem:$0x10200];
	[tilespmem:$0x10BC0] =	vst v63  }
0x31: {  	v13 =	vld [tilespmem:$0x10280];
	[tilespmem:$0x10C00] =	vst v8  }
0x32: {  	v14 =	vld [tilespmem:$0x10300];
	[tilespmem:$0x10C40] =	vst v9  }
0x33: {  	v15 =	vld [tilespmem:$0x10380];
	[tilespmem:$0x10C80] =	vst v10  }
0x34: {  	v16 =	vld [tilespmem:$0x10400];
	[tilespmem:$0x10CC0] =	vst v11  }
0x35: {  	v17 =	vld [tilespmem:$0x10480];
	[tilespmem:$0x10D00] =	vst v12  }
0x36: {  	v18 =	vld [tilespmem:$0x10500];
	[tilespmem:$0x10D40] =	vst v13  }
0x37: {  	v19 =	vld [tilespmem:$0x10580];
	[tilespmem:$0x10D80] =	vst v14  }
0x38: {  	v20 =	vld [tilespmem:$0x10600];
	[tilespmem:$0x10DC0] =	vst v15  }
0x39: {  	v21 =	vld [tilespmem:$0x10680];
	[tilespmem:$0x10E00] =	vst v16  }
0x3a: {  	v22 =	vld [tilespmem:$0x10700];
	[tilespmem:$0x10E40] =	vst v17  }
0x3b: {  	v23 =	vld [tilespmem:$0x10780];
	[tilespmem:$0x10E80] =	vst v18  }
0x3c: {  	v24 =	vld [tilespmem:$0xF810];
	[tilespmem:$0x10EC0] =	vst v19  }
0x3d: {  	v25 =	vld [tilespmem:$0xF890];
	[tilespmem:$0x10F00] =	vst v20  }
0x3e: {  	v26 =	vld [tilespmem:$0xF910];
	[tilespmem:$0x10F40] =	vst v21  }
0x3f: {  	v27 =	vld [tilespmem:$0xF990];
	[tilespmem:$0x10F80] =	vst v22  }
0x40: {  	v28 =	vld [tilespmem:$0xFA10];
	[tilespmem:$0x10FC0] =	vst v23  }
0x41: {  	v29 =	vld [tilespmem:$0xFA90];
	[tilespmem:$0x10810] =	vst v24  }
0x42: {  	v30 =	vld [tilespmem:$0xFB10];
	[tilespmem:$0x10850] =	vst v25  }
0x43: {  	v31 =	vld [tilespmem:$0xFB90];
	[tilespmem:$0x10890] =	vst v26  }
0x44: {  	v32 =	vld [tilespmem:$0xFC10];
	[tilespmem:$0x108D0] =	vst v27  }
0x45: {  	v33 =	vld [tilespmem:$0xFC90];
	[tilespmem:$0x10910] =	vst v28  }
0x46: {  	v34 =	vld [tilespmem:$0xFD10];
	[tilespmem:$0x10950] =	vst v29  }
0x47: {  	v35 =	vld [tilespmem:$0xFD90];
	[tilespmem:$0x10990] =	vst v30  }
0x48: {  	v36 =	vld [tilespmem:$0xFE10];
	[tilespmem:$0x109D0] =	vst v31  }
0x49: {  	v37 =	vld [tilespmem:$0xFE90];
	[tilespmem:$0x10A10] =	vst v32  }
0x4a: {  	v38 =	vld [tilespmem:$0xFF10];
	[tilespmem:$0x10A50] =	vst v33  }
0x4b: {  	v39 =	vld [tilespmem:$0xFF90];
	[tilespmem:$0x10A90] =	vst v34  }
0x4c: {  	v40 =	vld [tilespmem:$0x10010];
	[tilespmem:$0x10AD0] =	vst v35  }
0x4d: {  	v41 =	vld [tilespmem:$0x10090];
	[tilespmem:$0x10B10] =	vst v36  }
0x4e: {  	v42 =	vld [tilespmem:$0x10110];
	[tilespmem:$0x10B50] =	vst v37  }
0x4f: {  	v43 =	vld [tilespmem:$0x10190];
	[tilespmem:$0x10B90] =	vst v38  }
0x50: {  	v44 =	vld [tilespmem:$0x10210];
	[tilespmem:$0x10BD0] =	vst v39  }
0x51: {  	v45 =	vld [tilespmem:$0x10290];
	[tilespmem:$0x10C10] =	vst v40  }
0x52: {  	v46 =	vld [tilespmem:$0x10310];
	[tilespmem:$0x10C50] =	vst v41  }
0x53: {  	v47 =	vld [tilespmem:$0x10390];
	[tilespmem:$0x10C90] =	vst v42  }
0x54: {  	v48 =	vld [tilespmem:$0x10410];
	[tilespmem:$0x10CD0] =	vst v43  }
0x55: {  	v49 =	vld [tilespmem:$0x10490];
	[tilespmem:$0x10D10] =	vst v44  }
0x56: {  	v50 =	vld [tilespmem:$0x10510];
	[tilespmem:$0x10D50] =	vst v45  }
0x57: {  	v51 =	vld [tilespmem:$0x10590];
	[tilespmem:$0x10D90] =	vst v46  }
0x58: {  	v52 =	vld [tilespmem:$0x10610];
	[tilespmem:$0x10DD0] =	vst v47  }
0x59: {  	[tilespmem:$0x10E10] =	vst v48;
	v53 =	vld [tilespmem:$0x10690]  }
0x5a: {  	[tilespmem:$0x10E50] =	vst v49;
	v54 =	vld [tilespmem:$0x10710]  }
0x5b: {  	[tilespmem:$0x10E90] =	vst v50;
	v55 =	vld [tilespmem:$0x10790]  }
0x5c: {  	[tilespmem:$0x10ED0] =	vst v51;
	v56 =	vld [tilespmem:$0xF820]  }
0x5d: {  	[tilespmem:$0x10F10] =	vst v52;
	v57 =	vld [tilespmem:$0xF8A0]  }
0x5e: {  	v58 =	vld [tilespmem:$0xF920];
	[tilespmem:$0x10F50] =	vst v53  }
0x5f: {  	v59 =	vld [tilespmem:$0xF9A0];
	[tilespmem:$0x10F90] =	vst v54  }
0x60: {  	v60 =	vld [tilespmem:$0xFA20];
	[tilespmem:$0x10FD0] =	vst v55  }
0x61: {  	v61 =	vld [tilespmem:$0xFAA0];
	[tilespmem:$0x10820] =	vst v56  }
0x62: {  	v62 =	vld [tilespmem:$0xFB20];
	[tilespmem:$0x10860] =	vst v57  }
0x63: {  	v63 =	vld [tilespmem:$0xFBA0];
	[tilespmem:$0x108A0] =	vst v58  }
0x64: {  	v8 =	vld [tilespmem:$0xFC20];
	[tilespmem:$0x108E0] =	vst v59  }
0x65: {  	v9 =	vld [tilespmem:$0xFCA0];
	[tilespmem:$0x10920] =	vst v60  }
0x66: {  	v10 =	vld [tilespmem:$0xFD20];
	[tilespmem:$0x10960] =	vst v61  }
0x67: {  	v11 =	vld [tilespmem:$0xFDA0];
	[tilespmem:$0x109A0] =	vst v62  }
0x68: {  	v12 =	vld [tilespmem:$0xFE20];
	[tilespmem:$0x109E0] =	vst v63  }
0x69: {  	v13 =	vld [tilespmem:$0xFEA0];
	[tilespmem:$0x10A20] =	vst v8  }
0x6a: {  	v14 =	vld [tilespmem:$0xFF20];
	[tilespmem:$0x10A60] =	vst v9  }
0x6b: {  	v15 =	vld [tilespmem:$0xFFA0];
	[tilespmem:$0x10AA0] =	vst v10  }
0x6c: {  	v16 =	vld [tilespmem:$0x10020];
	[tilespmem:$0x10AE0] =	vst v11  }
0x6d: {  	v17 =	vld [tilespmem:$0x100A0];
	[tilespmem:$0x10B20] =	vst v12  }
0x6e: {  	v18 =	vld [tilespmem:$0x10120];
	[tilespmem:$0x10B60] =	vst v13  }
0x6f: {  	v19 =	vld [tilespmem:$0x101A0];
	[tilespmem:$0x10BA0] =	vst v14  }
0x70: {  	v20 =	vld [tilespmem:$0x10220];
	[tilespmem:$0x10BE0] =	vst v15  }
0x71: {  	v21 =	vld [tilespmem:$0x102A0];
	[tilespmem:$0x10C20] =	vst v16  }
0x72: {  	v22 =	vld [tilespmem:$0x10320];
	[tilespmem:$0x10C60] =	vst v17  }
0x73: {  	v23 =	vld [tilespmem:$0x103A0];
	[tilespmem:$0x10CA0] =	vst v18  }
0x74: {  	v24 =	vld [tilespmem:$0x10420];
	[tilespmem:$0x10CE0] =	vst v19  }
0x75: {  	v25 =	vld [tilespmem:$0x104A0];
	[tilespmem:$0x10D20] =	vst v20  }
0x76: {  	v26 =	vld [tilespmem:$0x10520];
	[tilespmem:$0x10D60] =	vst v21  }
0x77: {  	v27 =	vld [tilespmem:$0x105A0];
	[tilespmem:$0x10DA0] =	vst v22  }
0x78: {  	v28 =	vld [tilespmem:$0x10620];
	[tilespmem:$0x10DE0] =	vst v23  }
0x79: {  	v29 =	vld [tilespmem:$0x106A0];
	[tilespmem:$0x10E20] =	vst v24  }
0x7a: {  	v30 =	vld [tilespmem:$0x10720];
	[tilespmem:$0x10E60] =	vst v25  }
0x7b: {  	v31 =	vld [tilespmem:$0x107A0];
	[tilespmem:$0x10EA0] =	vst v26  }
0x7c: {  	v32 =	vld [tilespmem:$0xF830];
	[tilespmem:$0x10EE0] =	vst v27  }
0x7d: {  	v33 =	vld [tilespmem:$0xF8B0];
	[tilespmem:$0x10F20] =	vst v28  }
0x7e: {  	v34 =	vld [tilespmem:$0xF930];
	[tilespmem:$0x10F60] =	vst v29  }
0x7f: {  	v35 =	vld [tilespmem:$0xF9B0];
	[tilespmem:$0x10FA0] =	vst v30  }
0x80: {  	v36 =	vld [tilespmem:$0xFA30];
	[tilespmem:$0x10FE0] =	vst v31  }
0x81: {  	v37 =	vld [tilespmem:$0xFAB0];
	[tilespmem:$0x10830] =	vst v32  }
0x82: {  	v38 =	vld [tilespmem:$0xFB30];
	[tilespmem:$0x10870] =	vst v33  }
0x83: {  	v39 =	vld [tilespmem:$0xFBB0];
	[tilespmem:$0x108B0] =	vst v34  }
0x84: {  	v40 =	vld [tilespmem:$0xFC30];
	[tilespmem:$0x108F0] =	vst v35  }
0x85: {  	v41 =	vld [tilespmem:$0xFCB0];
	[tilespmem:$0x10930] =	vst v36  }
0x86: {  	v42 =	vld [tilespmem:$0xFD30];
	[tilespmem:$0x10970] =	vst v37  }
0x87: {  	v43 =	vld [tilespmem:$0xFDB0];
	[tilespmem:$0x109B0] =	vst v38  }
0x88: {  	v44 =	vld [tilespmem:$0xFE30];
	[tilespmem:$0x109F0] =	vst v39  }
0x89: {  	v45 =	vld [tilespmem:$0xFEB0];
	[tilespmem:$0x10A30] =	vst v40  }
0x8a: {  	v46 =	vld [tilespmem:$0xFF30];
	[tilespmem:$0x10A70] =	vst v41  }
0x8b: {  	v47 =	vld [tilespmem:$0xFFB0];
	[tilespmem:$0x10AB0] =	vst v42  }
0x8c: {  	v48 =	vld [tilespmem:$0x10030];
	[tilespmem:$0x10AF0] =	vst v43  }
0x8d: {  	v49 =	vld [tilespmem:$0x100B0];
	[tilespmem:$0x10B30] =	vst v44  }
0x8e: {  	v50 =	vld [tilespmem:$0x10130];
	[tilespmem:$0x10B70] =	vst v45  }
0x8f: {  	v51 =	vld [tilespmem:$0x101B0];
	[tilespmem:$0x10BB0] =	vst v46  }
0x90: {  	v52 =	vld [tilespmem:$0x10230];
	[tilespmem:$0x10BF0] =	vst v47  }
0x91: {  	[tilespmem:$0x10C30] =	vst v48;
	v53 =	vld [tilespmem:$0x102B0]  }
0x92: {  	[tilespmem:$0x10C70] =	vst v49;
	v54 =	vld [tilespmem:$0x10330]  }
0x93: {  	[tilespmem:$0x10CB0] =	vst v50;
	v55 =	vld [tilespmem:$0x103B0]  }
0x94: {  	[tilespmem:$0x10CF0] =	vst v51;
	v56 =	vld [tilespmem:$0x10430]  }
0x95: {  	[tilespmem:$0x10D30] =	vst v52;
	v57 =	vld [tilespmem:$0x104B0]  }
0x96: {  	v58 =	vld [tilespmem:$0x10530];
	[tilespmem:$0x10D70] =	vst v53  }
0x97: {  	v59 =	vld [tilespmem:$0x105B0];
	[tilespmem:$0x10DB0] =	vst v54  }
0x98: {  	v60 =	vld [tilespmem:$0x10630];
	[tilespmem:$0x10DF0] =	vst v55  }
0x99: {  	v61 =	vld [tilespmem:$0x106B0];
	[tilespmem:$0x10E30] =	vst v56  }
0x9a: {  	v62 =	vld [tilespmem:$0x10730];
	[tilespmem:$0x10E70] =	vst v57  }
0x9b: {  	v63 =	vld [tilespmem:$0x107B0];
	[tilespmem:$0x10EB0] =	vst v58  }
0x9c: {  	[tilespmem:$0x10EF0] =	vst v59  }
0x9d: {  	[tilespmem:$0x10F30] =	vst v60  }
0x9e: {  	[tilespmem:$0x10F70] =	vst v61  }
0x9f: {  	[tilespmem:$0x10FB0] =	vst v62  }
0xa0: {  	s0 =	sadd.s32 $0x3D0800, s3;
	s25 =	simm.s32 $0x10800;
	[tilespmem:$0x10FF0] =	vst v63  }
0xa1: {  	[hbm4b:s0+s1] =	stream.linear.scatter [tilespmem:s25], [sflag:$0x5], $0x800, $0x38;
	[tilespmem:$0x11000] =	vst v63  }
0xa2: {  	_ =	swait.ge [sflag:s14], $0x800  }
0xa3: {  	[sflag:s14] =	ssyncset.done $0x0  }
0xa4: {  	[sflag:s14] =	ssyncadd.s32 $0xFFFFF800  }
.LBB2_113:
0xa5: {  	s23 =	sadd.s32 $0x1, s23;
	s0 =	rddreg [dreg:$0xe]  }
0xa6: {  	p2 =	sne.s32 s23, s0  }
.Ltmp1:
0xa7: {  	_ = 	snop;
	(pc) =	sbr.rel @!p2 .LBB2_114-.Ltmp1, $1  }
0xa8: {  	_ =	sdelay $0x3  }
.LBB2_1:
.Ltmp2:
0xa9: {  	(pc) =	sbr.rel @p0 .LBB2_57-.Ltmp2, $4  }
.Ltmp3:
0xaa: {  	(pc) =	sbr.rel @!p0 .LBB2_2-.Ltmp3, $4  }
0xab: {  	_ = 	snop  }
0xac: {  	_ = 	snop  }
0xad: {  	[dreg:$0x12] =	wrdreg s23;
	s15 =	simm.s32 $0x0;
	s3 =	simm.s32 $0x0  }
0xae: {  	_ = 	snop  }
.LBB2_93:
0xaf: {  	s3 =	sadd.s32 $0x1, s3  }
0xb0: {  	p2 =	sne.s32 s3, $0x3F  }
.Ltmp4:
0xb1: {  	_ = 	snop;
	(pc) =	sbr.rel @!p2 .LBB2_94-.Ltmp4, $1  }
0xb2: {  	_ =	sdelay $0x3  }
.LBB2_57:
0xb3: {  	s25 =	sand.u32 $0x1, s3  }
0xb4: {  	p2 =	seq.s32 s25, $0x1  }
.Ltmp5:
0xb5: {  	_ = 	snop;
	(pc) =	sbr.rel @p2 .LBB2_76-.Ltmp5, $3  }
0xb6: {  	_ = 	snop  }
0xb7: {  	s15 =	smul.u32 $0xF80, s3;
	_ =	sdelay $0x1  }
0xb8: {  	s24 =	sadd.s32 s2, s15  }
0xb9: {  	p2 =	slt.u32 s3, $0x2  }
0xba: {  	s0 =	simm.s32 @!p2 $0x3  }
0xbb: {  	_ =	swait.ge @!p2 [sflag:s0], $0x7C00  }
0xbc: {  	[sflag:s0] =	ssyncset.done @!p2 $0x0  }
0xbd: {  	[sflag:s0] =	ssyncadd.s32 @!p2 $0xFFFF8400;
	p2 =	seq.s32 s3, $0x0  }
.Ltmp6:
0xbe: {  	_ = 	snop;
	(pc) =	sbr.rel @p2 .LBB2_93-.Ltmp6, $4  }
0xbf: {  	_ = 	snop  }
0xc0: {  	s23 =	rddreg [dreg:$0x7]  }
0xc1: {  	s0 =	sadd.s32 s24, s23  }
0xc2: {  	[tilespmem:s1], [sflag:$0x1] =	stream.linear.gather [hbm4b:s0+s1], $0x7C00, $0x38;
	[tilespmem:$0x11000] =	vst v63  }
0xc3: {  	s26 =	sadd.s32 s26, s15  }
0xc4: {  	s14 =	simm.s32 $0x2;
	s0 =	sadd.s32 s30, s26  }
0xc5: {  	s31 =	simm.s32 $0x7C00;
	_ =	swait.ge [sflag:s14], $0x7C00;
	s0 =	sshrl.u32 s0, $0x3  }
0xc6: {  	s23 =	simm.s32 $0x8000;
	[sflag:s14] =	ssyncset.done $0x0;
	s30 =	sadd.s32 s5, s0  }
0xc7: {  	[sflag:s14] =	ssyncadd.s32 $0xFFFF8400;
	s14 =	simm.s32 $0x10;
	s0 =	sadd.s32 $0x0, s30  }
.LBB2_60:
0xc8: {  	[hbm4b:s0+s1] =	stream.linear.scatter [tilespmem:s31], [sflag:$0x4], $0x80, $0x38;
	[tilespmem:$0x11000] =	vst v63  }
0xc9: {  	s0 =	smov.u32 s14;
	s31 =	smov.u32 s23;
	p2 =	sne.s32 s14, $0x1E0  }
.Ltmp7:
0xca: {  	s14 =	sadd.s32 $0x10, s14;
	(pc) =	sbr.rel @p2 .LBB2_60-.Ltmp7, $2  }
0xcb: {  	_ =	sdelay $0x2  }
0xcc: {  	s23 =	sadd.s32 $0x400, s23;
	s0 =	sadd.s32 s0, s30  }
0xcd: {  	[hbm4b:s0+s1] =	stream.linear.scatter [tilespmem:s31], [sflag:$0x4], $0x80, $0x38;
	[tilespmem:$0x11000] =	vst v63  }
0xce: {  	s23 =	rddreg [dreg:$0xa]  }
0xcf: {  	s0 =	sadd.s32 s23, s26  }
0xd0: {  	s0 =	sshrl.u32 s0, $0x3  }
0xd1: {  	s31 =	simm.s32 $0x7C80;
	s30 =	sadd.s32 s5, s0  }
0xd2: {  	s14 =	simm.s32 $0x10;
	s23 =	simm.s32 $0x8080;
	s0 =	sadd.s32 $0x0, s30  }
.LBB2_62:
0xd3: {  	[hbm4b:s0+s1] =	stream.linear.scatter [tilespmem:s31], [sflag:$0x4], $0x80, $0x38;
	[tilespmem:$0x11000] =	vst v63  }
0xd4: {  	s0 =	smov.u32 s14;
	s31 =	smov.u32 s23;
	p2 =	sne.s32 s14, $0x1E0  }
.Ltmp8:
0xd5: {  	s14 =	sadd.s32 $0x10, s14;
	(pc) =	sbr.rel @p2 .LBB2_62-.Ltmp8, $2  }
0xd6: {  	_ =	sdelay $0x2  }
0xd7: {  	s23 =	sadd.s32 $0x400, s23;
	s0 =	sadd.s32 s0, s30  }
0xd8: {  	[hbm4b:s0+s1] =	stream.linear.scatter [tilespmem:s31], [sflag:$0x4], $0x80, $0x38;
	[tilespmem:$0x11000] =	vst v63  }
0xd9: {  	s23 =	rddreg [dreg:$0xb]  }
0xda: {  	s0 =	sadd.s32 s23, s26  }
0xdb: {  	s0 =	sshrl.u32 s0, $0x3  }
0xdc: {  	s31 =	simm.s32 $0x7D00;
	s30 =	sadd.s32 s5, s0  }
0xdd: {  	s14 =	simm.s32 $0x10;
	s23 =	simm.s32 $0x8100;
	s0 =	sadd.s32 $0x0, s30  }
.LBB2_64:
0xde: {  	[hbm4b:s0+s1] =	stream.linear.scatter [tilespmem:s31], [sflag:$0x4], $0x80, $0x38;
	[tilespmem:$0x11000] =	vst v63  }
0xdf: {  	s0 =	smov.u32 s14;
	s31 =	smov.u32 s23;
	p2 =	sne.s32 s14, $0x1E0  }
.Ltmp9:
0xe0: {  	s14 =	sadd.s32 $0x10, s14;
	(pc) =	sbr.rel @p2 .LBB2_64-.Ltmp9, $2  }
0xe1: {  	_ =	sdelay $0x2  }
0xe2: {  	s23 =	sadd.s32 $0x400, s23;
	s0 =	sadd.s32 s0, s30  }
0xe3: {  	[hbm4b:s0+s1] =	stream.linear.scatter [tilespmem:s31], [sflag:$0x4], $0x80, $0x38;
	[tilespmem:$0x11000] =	vst v63  }
0xe4: {  	s23 =	rddreg [dreg:$0xc]  }
0xe5: {  	s0 =	sadd.s32 s23, s26  }
0xe6: {  	s0 =	sshrl.u32 s0, $0x3  }
0xe7: {  	s31 =	simm.s32 $0x7D80;
	s30 =	sadd.s32 s5, s0  }
0xe8: {  	s14 =	simm.s32 $0x10;
	s23 =	simm.s32 $0x8180;
	s0 =	sadd.s32 $0x0, s30  }
.LBB2_66:
0xe9: {  	[hbm4b:s0+s1] =	stream.linear.scatter [tilespmem:s31], [sflag:$0x4], $0x80, $0x38;
	[tilespmem:$0x11000] =	vst v63  }
0xea: {  	s0 =	smov.u32 s14;
	s31 =	smov.u32 s23;
	p2 =	sne.s32 s14, $0x1E0  }
.Ltmp10:
0xeb: {  	s14 =	sadd.s32 $0x10, s14;
	(pc) =	sbr.rel @p2 .LBB2_66-.Ltmp10, $2  }
0xec: {  	_ =	sdelay $0x2  }
0xed: {  	s23 =	sadd.s32 $0x400, s23;
	s0 =	sadd.s32 s0, s30  }
0xee: {  	[hbm4b:s0+s1] =	stream.linear.scatter [tilespmem:s31], [sflag:$0x4], $0x80, $0x38;
	[tilespmem:$0x11000] =	vst v63  }
0xef: {  	s23 =	rddreg [dreg:$0xd]  }
0xf0: {  	s0 =	sadd.s32 s23, s26  }
0xf1: {  	s0 =	sshrl.u32 s0, $0x3  }
0xf2: {  	s31 =	simm.s32 $0x7E00;
	s30 =	sadd.s32 s5, s0  }
0xf3: {  	s14 =	simm.s32 $0x10;
	s23 =	simm.s32 $0x8200;
	s0 =	sadd.s32 $0x0, s30  }
.LBB2_68:
0xf4: {  	[hbm4b:s0+s1] =	stream.linear.scatter [tilespmem:s31], [sflag:$0x4], $0x80, $0x38;
	[tilespmem:$0x11000] =	vst v63  }
0xf5: {  	s0 =	smov.u32 s14;
	s31 =	smov.u32 s23;
	p2 =	sne.s32 s14, $0x1E0  }
.Ltmp11:
0xf6: {  	s14 =	sadd.s32 $0x10, s14;
	(pc) =	sbr.rel @p2 .LBB2_68-.Ltmp11, $2  }
0xf7: {  	_ =	sdelay $0x2  }
0xf8: {  	s23 =	sadd.s32 $0x400, s23;
	s0 =	sadd.s32 s0, s30  }
0xf9: {  	[hbm4b:s0+s1] =	stream.linear.scatter [tilespmem:s31], [sflag:$0x4], $0x80, $0x38;
	[tilespmem:$0x11000] =	vst v63  }
0xfa: {  	s23 =	rddreg [dreg:$0xf]  }
0xfb: {  	s0 =	sadd.s32 s23, s26  }
0xfc: {  	s0 =	sshrl.u32 s0, $0x3  }
0xfd: {  	s31 =	simm.s32 $0x7E80;
	s30 =	sadd.s32 s5, s0  }
0xfe: {  	s14 =	simm.s32 $0x10;
	s23 =	simm.s32 $0x8280;
	s0 =	sadd.s32 $0x0, s30  }
.LBB2_70:
0xff: {  	[hbm4b:s0+s1] =	stream.linear.scatter [tilespmem:s31], [sflag:$0x4], $0x80, $0x38;
	[tilespmem:$0x11000] =	vst v63  }
0x100: {  	s0 =	smov.u32 s14;
	s31 =	smov.u32 s23;
	p2 =	sne.s32 s14, $0x1E0  }
.Ltmp12:
0x101: {  	s14 =	sadd.s32 $0x10, s14;
	(pc) =	sbr.rel @p2 .LBB2_70-.Ltmp12, $2  }
0x102: {  	_ =	sdelay $0x2  }
0x103: {  	s23 =	sadd.s32 $0x400, s23;
	s0 =	sadd.s32 s0, s30  }
0x104: {  	[hbm4b:s0+s1] =	stream.linear.scatter [tilespmem:s31], [sflag:$0x4], $0x80, $0x38;
	[tilespmem:$0x11000] =	vst v63  }
0x105: {  	s23 =	rddreg [dreg:$0x10]  }
0x106: {  	s0 =	sadd.s32 s23, s26  }
0x107: {  	s0 =	sshrl.u32 s0, $0x3  }
0x108: {  	s31 =	simm.s32 $0x7F00;
	s30 =	sadd.s32 s5, s0  }
0x109: {  	s14 =	simm.s32 $0x10;
	s23 =	simm.s32 $0x8300;
	s0 =	sadd.s32 $0x0, s30  }
.LBB2_72:
0x10a: {  	[hbm4b:s0+s1] =	stream.linear.scatter [tilespmem:s31], [sflag:$0x4], $0x80, $0x38;
	[tilespmem:$0x11000] =	vst v63  }
0x10b: {  	s0 =	smov.u32 s14;
	s31 =	smov.u32 s23;
	p2 =	sne.s32 s14, $0x1E0  }
.Ltmp13:
0x10c: {  	s14 =	sadd.s32 $0x10, s14;
	(pc) =	sbr.rel @p2 .LBB2_72-.Ltmp13, $2  }
0x10d: {  	_ =	sdelay $0x2  }
0x10e: {  	s23 =	sadd.s32 $0x400, s23;
	s0 =	sadd.s32 s0, s30  }
0x10f: {  	[hbm4b:s0+s1] =	stream.linear.scatter [tilespmem:s31], [sflag:$0x4], $0x80, $0x38;
	[tilespmem:$0x11000] =	vst v63  }
0x110: {  	s31 =	rddreg [dreg:$0x11]  }
0x111: {  	s26 =	sadd.s32 s31, s26  }
0x112: {  	s0 =	sshrl.u32 s26, $0x3  }
0x113: {  	s30 =	simm.s32 $0x7F80;
	s26 =	sadd.s32 s5, s0  }
0x114: {  	s14 =	simm.s32 $0x10;
	s23 =	simm.s32 $0x8380;
	s0 =	sadd.s32 $0x0, s26  }
.LBB2_74:
0x115: {  	[hbm4b:s0+s1] =	stream.linear.scatter [tilespmem:s30], [sflag:$0x4], $0x80, $0x38;
	[tilespmem:$0x11000] =	vst v63  }
0x116: {  	s0 =	smov.u32 s14;
	s30 =	smov.u32 s23;
	p2 =	sne.s32 s14, $0x1E0  }
.Ltmp14:
0x117: {  	s14 =	sadd.s32 $0x10, s14;
	(pc) =	sbr.rel @p2 .LBB2_74-.Ltmp14, $2  }
0x118: {  	_ =	sdelay $0x2  }
0x119: {  	s23 =	sadd.s32 $0x400, s23;
	s0 =	sadd.s32 s0, s26  }
0x11a: {  	p2 =	seq.s32 s25, $0x0  }
.Ltmp15:
0x11b: {  	_ = 	snop;
	(pc) =	sbr.rel @p2 .LBB2_93-.Ltmp15, $4  }
0x11c: {  	_ = 	snop  }
0x11d: {  	[hbm4b:s0+s1] =	stream.linear.scatter [tilespmem:s30], [sflag:$0x4], $0x80, $0x38;
	[tilespmem:$0x11000] =	vst v63  }
0x11e: {  	s30 =	rddreg [dreg:$0x4]  }
0x11f: {  	s26 =	rddreg [dreg:$0x9]  }
.LBB2_76:
0x120: {  	p2 =	slt.u32 s3, $0x2  }
0x121: {  	s0 =	simm.s32 @!p2 $0x4  }
0x122: {  	s14 =	simm.s32 $0x7C00;
	s15 =	sadd.s32 s26, s15;
	_ =	swait.ge @!p2 [sflag:s0], $0x7C00  }
0x123: {  	s25 =	sadd.s32 s30, s15;
	[sflag:s0] =	ssyncset.done @!p2 $0x0;
	s23 =	rddreg [dreg:$0x7]  }
0x124: {  	[sflag:s0] =	ssyncadd.s32 @!p2 $0xFFFF8400;
	s0 =	sadd.s32 s24, s23;
	s24 =	simm.s32 $0x0  }
0x125: {  	[tilespmem:s14], [sflag:$0x2] =	stream.linear.gather [hbm4b:s0+s24], $0x7C00, $0x38;
	[tilespmem:$0x11000] =	vst v63  }
0x126: {  	s0 =	sshrl.u32 s25, $0x3;
	_ =	swait.ge [sflag:s6], $0x7C00  }
0x127: {  	s23 =	simm.s32 $0x400;
	s25 =	sadd.s32 s5, s0;
	[sflag:s6] =	ssyncset.done $0x0  }
0x128: {  	s14 =	simm.s32 $0x10;
	s0 =	sadd.s32 $0x0, s25;
	[sflag:s6] =	ssyncadd.s32 $0xFFFF8400  }
.LBB2_77:
0x129: {  	[hbm4b:s0+s1] =	stream.linear.scatter [tilespmem:s24], [sflag:$0x3], $0x80, $0x38;
	[tilespmem:$0x11000] =	vst v63  }
0x12a: {  	s0 =	smov.u32 s14;
	s24 =	smov.u32 s23;
	p2 =	sne.s32 s14, $0x1E0  }
.Ltmp16:
0x12b: {  	s14 =	sadd.s32 $0x10, s14;
	(pc) =	sbr.rel @p2 .LBB2_77-.Ltmp16, $2  }
0x12c: {  	_ =	sdelay $0x2  }
0x12d: {  	s23 =	sadd.s32 $0x400, s23;
	s0 =	sadd.s32 s0, s25  }
0x12e: {  	[hbm4b:s0+s1] =	stream.linear.scatter [tilespmem:s24], [sflag:$0x3], $0x80, $0x38;
	[tilespmem:$0x11000] =	vst v63  }
0x12f: {  	s25 =	rddreg [dreg:$0xa]  }
0x130: {  	s0 =	sadd.s32 s25, s15  }
0x131: {  	s0 =	sshrl.u32 s0, $0x3  }
0x132: {  	s14 =	simm.s32 $0x10;
	s24 =	sadd.s32 s5, s0  }
0x133: {  	s23 =	simm.s32 $0x480;
	s25 =	simm.s32 $0x80;
	s0 =	sadd.s32 $0x0, s24  }
.LBB2_79:
0x134: {  	[hbm4b:s0+s1] =	stream.linear.scatter [tilespmem:s25], [sflag:$0x3], $0x80, $0x38;
	[tilespmem:$0x11000] =	vst v63  }
0x135: {  	s0 =	smov.u32 s14;
	s25 =	smov.u32 s23;
	p2 =	sne.s32 s14, $0x1E0  }
.Ltmp17:
0x136: {  	s14 =	sadd.s32 $0x10, s14;
	(pc) =	sbr.rel @p2 .LBB2_79-.Ltmp17, $2  }
0x137: {  	_ =	sdelay $0x2  }
0x138: {  	s23 =	sadd.s32 $0x400, s23;
	s0 =	sadd.s32 s0, s24  }
0x139: {  	[hbm4b:s0+s1] =	stream.linear.scatter [tilespmem:s25], [sflag:$0x3], $0x80, $0x38;
	[tilespmem:$0x11000] =	vst v63  }
0x13a: {  	s25 =	rddreg [dreg:$0xb]  }
0x13b: {  	s0 =	sadd.s32 s25, s15  }
0x13c: {  	s0 =	sshrl.u32 s0, $0x3  }
0x13d: {  	s14 =	simm.s32 $0x10;
	s24 =	sadd.s32 s5, s0  }
0x13e: {  	s23 =	simm.s32 $0x500;
	s25 =	simm.s32 $0x100;
	s0 =	sadd.s32 $0x0, s24  }
.LBB2_81:
0x13f: {  	[hbm4b:s0+s1] =	stream.linear.scatter [tilespmem:s25], [sflag:$0x3], $0x80, $0x38;
	[tilespmem:$0x11000] =	vst v63  }
0x140: {  	s0 =	smov.u32 s14;
	s25 =	smov.u32 s23;
	p2 =	sne.s32 s14, $0x1E0  }
.Ltmp18:
0x141: {  	s14 =	sadd.s32 $0x10, s14;
	(pc) =	sbr.rel @p2 .LBB2_81-.Ltmp18, $2  }
0x142: {  	_ =	sdelay $0x2  }
0x143: {  	s23 =	sadd.s32 $0x400, s23;
	s0 =	sadd.s32 s0, s24  }
0x144: {  	[hbm4b:s0+s1] =	stream.linear.scatter [tilespmem:s25], [sflag:$0x3], $0x80, $0x38;
	[tilespmem:$0x11000] =	vst v63  }
0x145: {  	s25 =	rddreg [dreg:$0xc]  }
0x146: {  	s0 =	sadd.s32 s25, s15  }
0x147: {  	s0 =	sshrl.u32 s0, $0x3  }
0x148: {  	s14 =	simm.s32 $0x10;
	s24 =	sadd.s32 s5, s0  }
0x149: {  	s23 =	simm.s32 $0x580;
	s25 =	simm.s32 $0x180;
	s0 =	sadd.s32 $0x0, s24  }
.LBB2_83:
0x14a: {  	[hbm4b:s0+s1] =	stream.linear.scatter [tilespmem:s25], [sflag:$0x3], $0x80, $0x38;
	[tilespmem:$0x11000] =	vst v63  }
0x14b: {  	s0 =	smov.u32 s14;
	s25 =	smov.u32 s23;
	p2 =	sne.s32 s14, $0x1E0  }
.Ltmp19:
0x14c: {  	s14 =	sadd.s32 $0x10, s14;
	(pc) =	sbr.rel @p2 .LBB2_83-.Ltmp19, $2  }
0x14d: {  	_ =	sdelay $0x2  }
0x14e: {  	s23 =	sadd.s32 $0x400, s23;
	s0 =	sadd.s32 s0, s24  }
0x14f: {  	[hbm4b:s0+s1] =	stream.linear.scatter [tilespmem:s25], [sflag:$0x3], $0x80, $0x38;
	[tilespmem:$0x11000] =	vst v63  }
0x150: {  	s25 =	rddreg [dreg:$0xd]  }
0x151: {  	s0 =	sadd.s32 s25, s15  }
0x152: {  	s0 =	sshrl.u32 s0, $0x3  }
0x153: {  	s14 =	simm.s32 $0x10;
	s24 =	sadd.s32 s5, s0  }
0x154: {  	s23 =	simm.s32 $0x600;
	s25 =	simm.s32 $0x200;
	s0 =	sadd.s32 $0x0, s24  }
.LBB2_85:
0x155: {  	[hbm4b:s0+s1] =	stream.linear.scatter [tilespmem:s25], [sflag:$0x3], $0x80, $0x38;
	[tilespmem:$0x11000] =	vst v63  }
0x156: {  	s0 =	smov.u32 s14;
	s25 =	smov.u32 s23;
	p2 =	sne.s32 s14, $0x1E0  }
.Ltmp20:
0x157: {  	s14 =	sadd.s32 $0x10, s14;
	(pc) =	sbr.rel @p2 .LBB2_85-.Ltmp20, $2  }
0x158: {  	_ =	sdelay $0x2  }
0x159: {  	s23 =	sadd.s32 $0x400, s23;
	s0 =	sadd.s32 s0, s24  }
0x15a: {  	[hbm4b:s0+s1] =	stream.linear.scatter [tilespmem:s25], [sflag:$0x3], $0x80, $0x38;
	[tilespmem:$0x11000] =	vst v63  }
0x15b: {  	s25 =	rddreg [dreg:$0xf]  }
0x15c: {  	s0 =	sadd.s32 s25, s15  }
0x15d: {  	s0 =	sshrl.u32 s0, $0x3  }
0x15e: {  	s14 =	simm.s32 $0x10;
	s24 =	sadd.s32 s5, s0  }
0x15f: {  	s23 =	simm.s32 $0x680;
	s25 =	simm.s32 $0x280;
	s0 =	sadd.s32 $0x0, s24  }
.LBB2_87:
0x160: {  	[hbm4b:s0+s1] =	stream.linear.scatter [tilespmem:s25], [sflag:$0x3], $0x80, $0x38;
	[tilespmem:$0x11000] =	vst v63  }
0x161: {  	s0 =	smov.u32 s14;
	s25 =	smov.u32 s23;
	p2 =	sne.s32 s14, $0x1E0  }
.Ltmp21:
0x162: {  	s14 =	sadd.s32 $0x10, s14;
	(pc) =	sbr.rel @p2 .LBB2_87-.Ltmp21, $2  }
0x163: {  	_ =	sdelay $0x2  }
0x164: {  	s23 =	sadd.s32 $0x400, s23;
	s0 =	sadd.s32 s0, s24  }
0x165: {  	[hbm4b:s0+s1] =	stream.linear.scatter [tilespmem:s25], [sflag:$0x3], $0x80, $0x38;
	[tilespmem:$0x11000] =	vst v63  }
0x166: {  	s25 =	rddreg [dreg:$0x10]  }
0x167: {  	s0 =	sadd.s32 s25, s15  }
0x168: {  	s0 =	sshrl.u32 s0, $0x3  }
0x169: {  	s14 =	simm.s32 $0x10;
	s24 =	sadd.s32 s5, s0  }
0x16a: {  	s23 =	simm.s32 $0x700;
	s25 =	simm.s32 $0x300;
	s0 =	sadd.s32 $0x0, s24  }
.LBB2_89:
0x16b: {  	[hbm4b:s0+s1] =	stream.linear.scatter [tilespmem:s25], [sflag:$0x3], $0x80, $0x38;
	[tilespmem:$0x11000] =	vst v63  }
0x16c: {  	s0 =	smov.u32 s14;
	s25 =	smov.u32 s23;
	p2 =	sne.s32 s14, $0x1E0  }
.Ltmp22:
0x16d: {  	s14 =	sadd.s32 $0x10, s14;
	(pc) =	sbr.rel @p2 .LBB2_89-.Ltmp22, $2  }
0x16e: {  	_ =	sdelay $0x2  }
0x16f: {  	s23 =	sadd.s32 $0x400, s23;
	s0 =	sadd.s32 s0, s24  }
0x170: {  	[hbm4b:s0+s1] =	stream.linear.scatter [tilespmem:s25], [sflag:$0x3], $0x80, $0x38;
	[tilespmem:$0x11000] =	vst v63  }
0x171: {  	s25 =	sadd.s32 s31, s15  }
0x172: {  	s0 =	sshrl.u32 s25, $0x3  }
0x173: {  	s24 =	simm.s32 $0x380;
	s15 =	sadd.s32 s5, s0  }
0x174: {  	s14 =	simm.s32 $0x10;
	s23 =	simm.s32 $0x780;
	s0 =	sadd.s32 $0x0, s15  }
.LBB2_91:
0x175: {  	[hbm4b:s0+s1] =	stream.linear.scatter [tilespmem:s24], [sflag:$0x3], $0x80, $0x38;
	[tilespmem:$0x11000] =	vst v63  }
0x176: {  	s0 =	smov.u32 s14;
	s24 =	smov.u32 s23;
	p2 =	sne.s32 s14, $0x1E0  }
.Ltmp23:
0x177: {  	s14 =	sadd.s32 $0x10, s14;
	(pc) =	sbr.rel @p2 .LBB2_91-.Ltmp23, $2  }
0x178: {  	_ =	sdelay $0x2  }
0x179: {  	s23 =	sadd.s32 $0x400, s23;
	s0 =	sadd.s32 s0, s15  }
.Ltmp24:
0x17a: {  	(pc) =	sbr.rel .LBB2_93-.Ltmp24, $2  }
0x17b: {  	_ =	sdelay $0x2  }
0x17c: {  	[hbm4b:s0+s1] =	stream.linear.scatter [tilespmem:s24], [sflag:$0x3], $0x80, $0x38;
	[tilespmem:$0x11000] =	vst v63  }
.LBB2_37:
0x17d: {  	[hbm4b:s0+s1] =	stream.linear.scatter [tilespmem:s24], [sflag:$0x3], $0x80, $0x38;
	[tilespmem:$0x11000] =	vst v63  }
.LBB2_38:
0x17e: {  	s15 =	sadd.s32 $0x1, s15  }
0x17f: {  	p2 =	sne.s32 s15, $0x3F  }
.Ltmp25:
0x180: {  	_ = 	snop;
	(pc) =	sbr.rel @!p2 .LBB2_39-.Ltmp25, $1  }
0x181: {  	_ =	sdelay $0x3  }
.LBB2_2:
0x182: {  	s25 =	sand.u32 $0x1, s15  }
0x183: {  	p2 =	seq.s32 s25, $0x1  }
.Ltmp26:
0x184: {  	_ = 	snop;
	(pc) =	sbr.rel @p2 .LBB2_21-.Ltmp26, $3  }
0x185: {  	_ = 	snop  }
0x186: {  	s3 =	smul.u32 $0xF80, s15;
	_ =	sdelay $0x1  }
0x187: {  	s24 =	sadd.s32 s2, s3  }
0x188: {  	p2 =	slt.u32 s15, $0x2  }
0x189: {  	s0 =	simm.s32 @!p2 $0x3  }
0x18a: {  	_ =	swait.ge @!p2 [sflag:s0], $0x7C00  }
0x18b: {  	[sflag:s0] =	ssyncset.done @!p2 $0x0  }
0x18c: {  	[sflag:s0] =	ssyncadd.s32 @!p2 $0xFFFF8400;
	p2 =	seq.s32 s15, $0x0  }
.Ltmp27:
0x18d: {  	_ = 	snop;
	(pc) =	sbr.rel @p2 .LBB2_38-.Ltmp27, $4  }
0x18e: {  	_ = 	snop  }
0x18f: {  	s23 =	rddreg [dreg:$0x5]  }
0x190: {  	s0 =	sadd.s32 s24, s23  }
0x191: {  	[tilespmem:s1], [sflag:$0x1] =	stream.linear.gather [hbm4b:s0+s1], $0x7C00, $0x38;
	[tilespmem:$0x11000] =	vst v63  }
0x192: {  	s26 =	sadd.s32 s26, s3  }
0x193: {  	s14 =	simm.s32 $0x2;
	s0 =	sadd.s32 s30, s26  }
0x194: {  	s31 =	simm.s32 $0x7C00;
	_ =	swait.ge [sflag:s14], $0x7C00;
	s0 =	sshrl.u32 s0, $0x3  }
0x195: {  	s23 =	simm.s32 $0x8000;
	[sflag:s14] =	ssyncset.done $0x0;
	s30 =	sadd.s32 s4, s0  }
0x196: {  	[sflag:s14] =	ssyncadd.s32 $0xFFFF8400;
	s14 =	simm.s32 $0x10;
	s0 =	sadd.s32 $0x0, s30  }
.LBB2_5:
0x197: {  	[hbm4b:s0+s1] =	stream.linear.scatter [tilespmem:s31], [sflag:$0x4], $0x80, $0x38;
	[tilespmem:$0x11000] =	vst v63  }
0x198: {  	s0 =	smov.u32 s14;
	s31 =	smov.u32 s23;
	p2 =	sne.s32 s14, $0x1E0  }
.Ltmp28:
0x199: {  	s14 =	sadd.s32 $0x10, s14;
	(pc) =	sbr.rel @p2 .LBB2_5-.Ltmp28, $2  }
0x19a: {  	_ =	sdelay $0x2  }
0x19b: {  	s23 =	sadd.s32 $0x400, s23;
	s0 =	sadd.s32 s0, s30  }
0x19c: {  	[hbm4b:s0+s1] =	stream.linear.scatter [tilespmem:s31], [sflag:$0x4], $0x80, $0x38;
	[tilespmem:$0x11000] =	vst v63  }
0x19d: {  	s23 =	rddreg [dreg:$0xa]  }
0x19e: {  	s0 =	sadd.s32 s23, s26  }
0x19f: {  	s0 =	sshrl.u32 s0, $0x3  }
0x1a0: {  	s31 =	simm.s32 $0x7C80;
	s30 =	sadd.s32 s4, s0  }
0x1a1: {  	s14 =	simm.s32 $0x10;
	s23 =	simm.s32 $0x8080;
	s0 =	sadd.s32 $0x0, s30  }
.LBB2_7:
0x1a2: {  	[hbm4b:s0+s1] =	stream.linear.scatter [tilespmem:s31], [sflag:$0x4], $0x80, $0x38;
	[tilespmem:$0x11000] =	vst v63  }
0x1a3: {  	s0 =	smov.u32 s14;
	s31 =	smov.u32 s23;
	p2 =	sne.s32 s14, $0x1E0  }
.Ltmp29:
0x1a4: {  	s14 =	sadd.s32 $0x10, s14;
	(pc) =	sbr.rel @p2 .LBB2_7-.Ltmp29, $2  }
0x1a5: {  	_ =	sdelay $0x2  }
0x1a6: {  	s23 =	sadd.s32 $0x400, s23;
	s0 =	sadd.s32 s0, s30  }
0x1a7: {  	[hbm4b:s0+s1] =	stream.linear.scatter [tilespmem:s31], [sflag:$0x4], $0x80, $0x38;
	[tilespmem:$0x11000] =	vst v63  }
0x1a8: {  	s23 =	rddreg [dreg:$0xb]  }
0x1a9: {  	s0 =	sadd.s32 s23, s26  }
0x1aa: {  	s0 =	sshrl.u32 s0, $0x3  }
0x1ab: {  	s31 =	simm.s32 $0x7D00;
	s30 =	sadd.s32 s4, s0  }
0x1ac: {  	s14 =	simm.s32 $0x10;
	s23 =	simm.s32 $0x8100;
	s0 =	sadd.s32 $0x0, s30  }
.LBB2_9:
0x1ad: {  	[hbm4b:s0+s1] =	stream.linear.scatter [tilespmem:s31], [sflag:$0x4], $0x80, $0x38;
	[tilespmem:$0x11000] =	vst v63  }
0x1ae: {  	s0 =	smov.u32 s14;
	s31 =	smov.u32 s23;
	p2 =	sne.s32 s14, $0x1E0  }
.Ltmp30:
0x1af: {  	s14 =	sadd.s32 $0x10, s14;
	(pc) =	sbr.rel @p2 .LBB2_9-.Ltmp30, $2  }
0x1b0: {  	_ =	sdelay $0x2  }
0x1b1: {  	s23 =	sadd.s32 $0x400, s23;
	s0 =	sadd.s32 s0, s30  }
0x1b2: {  	[hbm4b:s0+s1] =	stream.linear.scatter [tilespmem:s31], [sflag:$0x4], $0x80, $0x38;
	[tilespmem:$0x11000] =	vst v63  }
0x1b3: {  	s23 =	rddreg [dreg:$0xc]  }
0x1b4: {  	s0 =	sadd.s32 s23, s26  }
0x1b5: {  	s0 =	sshrl.u32 s0, $0x3  }
0x1b6: {  	s31 =	simm.s32 $0x7D80;
	s30 =	sadd.s32 s4, s0  }
0x1b7: {  	s14 =	simm.s32 $0x10;
	s23 =	simm.s32 $0x8180;
	s0 =	sadd.s32 $0x0, s30  }
.LBB2_11:
0x1b8: {  	[hbm4b:s0+s1] =	stream.linear.scatter [tilespmem:s31], [sflag:$0x4], $0x80, $0x38;
	[tilespmem:$0x11000] =	vst v63  }
0x1b9: {  	s0 =	smov.u32 s14;
	s31 =	smov.u32 s23;
	p2 =	sne.s32 s14, $0x1E0  }
.Ltmp31:
0x1ba: {  	s14 =	sadd.s32 $0x10, s14;
	(pc) =	sbr.rel @p2 .LBB2_11-.Ltmp31, $2  }
0x1bb: {  	_ =	sdelay $0x2  }
0x1bc: {  	s23 =	sadd.s32 $0x400, s23;
	s0 =	sadd.s32 s0, s30  }
0x1bd: {  	[hbm4b:s0+s1] =	stream.linear.scatter [tilespmem:s31], [sflag:$0x4], $0x80, $0x38;
	[tilespmem:$0x11000] =	vst v63  }
0x1be: {  	s23 =	rddreg [dreg:$0xd]  }
0x1bf: {  	s0 =	sadd.s32 s23, s26  }
0x1c0: {  	s0 =	sshrl.u32 s0, $0x3  }
0x1c1: {  	s31 =	simm.s32 $0x7E00;
	s30 =	sadd.s32 s4, s0  }
0x1c2: {  	s14 =	simm.s32 $0x10;
	s23 =	simm.s32 $0x8200;
	s0 =	sadd.s32 $0x0, s30  }
.LBB2_13:
0x1c3: {  	[hbm4b:s0+s1] =	stream.linear.scatter [tilespmem:s31], [sflag:$0x4], $0x80, $0x38;
	[tilespmem:$0x11000] =	vst v63  }
0x1c4: {  	s0 =	smov.u32 s14;
	s31 =	smov.u32 s23;
	p2 =	sne.s32 s14, $0x1E0  }
.Ltmp32:
0x1c5: {  	s14 =	sadd.s32 $0x10, s14;
	(pc) =	sbr.rel @p2 .LBB2_13-.Ltmp32, $2  }
0x1c6: {  	_ =	sdelay $0x2  }
0x1c7: {  	s23 =	sadd.s32 $0x400, s23;
	s0 =	sadd.s32 s0, s30  }
0x1c8: {  	[hbm4b:s0+s1] =	stream.linear.scatter [tilespmem:s31], [sflag:$0x4], $0x80, $0x38;
	[tilespmem:$0x11000] =	vst v63  }
0x1c9: {  	s23 =	rddreg [dreg:$0xf]  }
0x1ca: {  	s0 =	sadd.s32 s23, s26  }
0x1cb: {  	s0 =	sshrl.u32 s0, $0x3  }
0x1cc: {  	s31 =	simm.s32 $0x7E80;
	s30 =	sadd.s32 s4, s0  }
0x1cd: {  	s14 =	simm.s32 $0x10;
	s23 =	simm.s32 $0x8280;
	s0 =	sadd.s32 $0x0, s30  }
.LBB2_15:
0x1ce: {  	[hbm4b:s0+s1] =	stream.linear.scatter [tilespmem:s31], [sflag:$0x4], $0x80, $0x38;
	[tilespmem:$0x11000] =	vst v63  }
0x1cf: {  	s0 =	smov.u32 s14;
	s31 =	smov.u32 s23;
	p2 =	sne.s32 s14, $0x1E0  }
.Ltmp33:
0x1d0: {  	s14 =	sadd.s32 $0x10, s14;
	(pc) =	sbr.rel @p2 .LBB2_15-.Ltmp33, $2  }
0x1d1: {  	_ =	sdelay $0x2  }
0x1d2: {  	s23 =	sadd.s32 $0x400, s23;
	s0 =	sadd.s32 s0, s30  }
0x1d3: {  	[hbm4b:s0+s1] =	stream.linear.scatter [tilespmem:s31], [sflag:$0x4], $0x80, $0x38;
	[tilespmem:$0x11000] =	vst v63  }
0x1d4: {  	s23 =	rddreg [dreg:$0x10]  }
0x1d5: {  	s0 =	sadd.s32 s23, s26  }
0x1d6: {  	s0 =	sshrl.u32 s0, $0x3  }
0x1d7: {  	s31 =	simm.s32 $0x7F00;
	s30 =	sadd.s32 s4, s0  }
0x1d8: {  	s14 =	simm.s32 $0x10;
	s23 =	simm.s32 $0x8300;
	s0 =	sadd.s32 $0x0, s30  }
.LBB2_17:
0x1d9: {  	[hbm4b:s0+s1] =	stream.linear.scatter [tilespmem:s31], [sflag:$0x4], $0x80, $0x38;
	[tilespmem:$0x11000] =	vst v63  }
0x1da: {  	s0 =	smov.u32 s14;
	s31 =	smov.u32 s23;
	p2 =	sne.s32 s14, $0x1E0  }
.Ltmp34:
0x1db: {  	s14 =	sadd.s32 $0x10, s14;
	(pc) =	sbr.rel @p2 .LBB2_17-.Ltmp34, $2  }
0x1dc: {  	_ =	sdelay $0x2  }
0x1dd: {  	s23 =	sadd.s32 $0x400, s23;
	s0 =	sadd.s32 s0, s30  }
0x1de: {  	[hbm4b:s0+s1] =	stream.linear.scatter [tilespmem:s31], [sflag:$0x4], $0x80, $0x38;
	[tilespmem:$0x11000] =	vst v63  }
0x1df: {  	s31 =	rddreg [dreg:$0x11]  }
0x1e0: {  	s26 =	sadd.s32 s31, s26  }
0x1e1: {  	s0 =	sshrl.u32 s26, $0x3  }
0x1e2: {  	s30 =	simm.s32 $0x7F80;
	s26 =	sadd.s32 s4, s0  }
0x1e3: {  	s14 =	simm.s32 $0x10;
	s23 =	simm.s32 $0x8380;
	s0 =	sadd.s32 $0x0, s26  }
.LBB2_19:
0x1e4: {  	[hbm4b:s0+s1] =	stream.linear.scatter [tilespmem:s30], [sflag:$0x4], $0x80, $0x38;
	[tilespmem:$0x11000] =	vst v63  }
0x1e5: {  	s0 =	smov.u32 s14;
	s30 =	smov.u32 s23;
	p2 =	sne.s32 s14, $0x1E0  }
.Ltmp35:
0x1e6: {  	s14 =	sadd.s32 $0x10, s14;
	(pc) =	sbr.rel @p2 .LBB2_19-.Ltmp35, $2  }
0x1e7: {  	_ =	sdelay $0x2  }
0x1e8: {  	s23 =	sadd.s32 $0x400, s23;
	s0 =	sadd.s32 s0, s26  }
0x1e9: {  	p2 =	seq.s32 s25, $0x0  }
.Ltmp36:
0x1ea: {  	_ = 	snop;
	(pc) =	sbr.rel @p2 .LBB2_38-.Ltmp36, $4  }
0x1eb: {  	_ = 	snop  }
0x1ec: {  	[hbm4b:s0+s1] =	stream.linear.scatter [tilespmem:s30], [sflag:$0x4], $0x80, $0x38;
	[tilespmem:$0x11000] =	vst v63  }
0x1ed: {  	s30 =	rddreg [dreg:$0x4]  }
0x1ee: {  	s26 =	rddreg [dreg:$0x9]  }
.LBB2_21:
0x1ef: {  	p2 =	slt.u32 s15, $0x2  }
0x1f0: {  	s0 =	simm.s32 @!p2 $0x4  }
0x1f1: {  	s14 =	simm.s32 $0x7C00;
	s3 =	sadd.s32 s26, s3;
	_ =	swait.ge @!p2 [sflag:s0], $0x7C00  }
0x1f2: {  	s25 =	sadd.s32 s30, s3;
	[sflag:s0] =	ssyncset.done @!p2 $0x0;
	s23 =	rddreg [dreg:$0x5]  }
0x1f3: {  	[sflag:s0] =	ssyncadd.s32 @!p2 $0xFFFF8400;
	s0 =	sadd.s32 s24, s23;
	s24 =	simm.s32 $0x0  }
0x1f4: {  	[tilespmem:s14], [sflag:$0x2] =	stream.linear.gather [hbm4b:s0+s24], $0x7C00, $0x38;
	[tilespmem:$0x11000] =	vst v63  }
0x1f5: {  	s0 =	sshrl.u32 s25, $0x3;
	_ =	swait.ge [sflag:s6], $0x7C00  }
0x1f6: {  	s23 =	simm.s32 $0x400;
	s25 =	sadd.s32 s4, s0;
	[sflag:s6] =	ssyncset.done $0x0  }
0x1f7: {  	s14 =	simm.s32 $0x10;
	s0 =	sadd.s32 $0x0, s25;
	[sflag:s6] =	ssyncadd.s32 $0xFFFF8400  }
.LBB2_22:
0x1f8: {  	[hbm4b:s0+s1] =	stream.linear.scatter [tilespmem:s24], [sflag:$0x3], $0x80, $0x38;
	[tilespmem:$0x11000] =	vst v63  }
0x1f9: {  	s0 =	smov.u32 s14;
	s24 =	smov.u32 s23;
	p2 =	sne.s32 s14, $0x1E0  }
.Ltmp37:
0x1fa: {  	s14 =	sadd.s32 $0x10, s14;
	(pc) =	sbr.rel @p2 .LBB2_22-.Ltmp37, $2  }
0x1fb: {  	_ =	sdelay $0x2  }
0x1fc: {  	s23 =	sadd.s32 $0x400, s23;
	s0 =	sadd.s32 s0, s25  }
0x1fd: {  	[hbm4b:s0+s1] =	stream.linear.scatter [tilespmem:s24], [sflag:$0x3], $0x80, $0x38;
	[tilespmem:$0x11000] =	vst v63  }
0x1fe: {  	s25 =	rddreg [dreg:$0xa]  }
0x1ff: {  	s0 =	sadd.s32 s25, s3  }
0x200: {  	s0 =	sshrl.u32 s0, $0x3  }
0x201: {  	s14 =	simm.s32 $0x10;
	s24 =	sadd.s32 s4, s0  }
0x202: {  	s23 =	simm.s32 $0x480;
	s25 =	simm.s32 $0x80;
	s0 =	sadd.s32 $0x0, s24  }
.LBB2_24:
0x203: {  	[hbm4b:s0+s1] =	stream.linear.scatter [tilespmem:s25], [sflag:$0x3], $0x80, $0x38;
	[tilespmem:$0x11000] =	vst v63  }
0x204: {  	s0 =	smov.u32 s14;
	s25 =	smov.u32 s23;
	p2 =	sne.s32 s14, $0x1E0  }
.Ltmp38:
0x205: {  	s14 =	sadd.s32 $0x10, s14;
	(pc) =	sbr.rel @p2 .LBB2_24-.Ltmp38, $2  }
0x206: {  	_ =	sdelay $0x2  }
0x207: {  	s23 =	sadd.s32 $0x400, s23;
	s0 =	sadd.s32 s0, s24  }
0x208: {  	[hbm4b:s0+s1] =	stream.linear.scatter [tilespmem:s25], [sflag:$0x3], $0x80, $0x38;
	[tilespmem:$0x11000] =	vst v63  }
0x209: {  	s25 =	rddreg [dreg:$0xb]  }
0x20a: {  	s0 =	sadd.s32 s25, s3  }
0x20b: {  	s0 =	sshrl.u32 s0, $0x3  }
0x20c: {  	s14 =	simm.s32 $0x10;
	s24 =	sadd.s32 s4, s0  }
0x20d: {  	s23 =	simm.s32 $0x500;
	s25 =	simm.s32 $0x100;
	s0 =	sadd.s32 $0x0, s24  }
.LBB2_26:
0x20e: {  	[hbm4b:s0+s1] =	stream.linear.scatter [tilespmem:s25], [sflag:$0x3], $0x80, $0x38;
	[tilespmem:$0x11000] =	vst v63  }
0x20f: {  	s0 =	smov.u32 s14;
	s25 =	smov.u32 s23;
	p2 =	sne.s32 s14, $0x1E0  }
.Ltmp39:
0x210: {  	s14 =	sadd.s32 $0x10, s14;
	(pc) =	sbr.rel @p2 .LBB2_26-.Ltmp39, $2  }
0x211: {  	_ =	sdelay $0x2  }
0x212: {  	s23 =	sadd.s32 $0x400, s23;
	s0 =	sadd.s32 s0, s24  }
0x213: {  	[hbm4b:s0+s1] =	stream.linear.scatter [tilespmem:s25], [sflag:$0x3], $0x80, $0x38;
	[tilespmem:$0x11000] =	vst v63  }
0x214: {  	s25 =	rddreg [dreg:$0xc]  }
0x215: {  	s0 =	sadd.s32 s25, s3  }
0x216: {  	s0 =	sshrl.u32 s0, $0x3  }
0x217: {  	s14 =	simm.s32 $0x10;
	s24 =	sadd.s32 s4, s0  }
0x218: {  	s23 =	simm.s32 $0x580;
	s25 =	simm.s32 $0x180;
	s0 =	sadd.s32 $0x0, s24  }
.LBB2_28:
0x219: {  	[hbm4b:s0+s1] =	stream.linear.scatter [tilespmem:s25], [sflag:$0x3], $0x80, $0x38;
	[tilespmem:$0x11000] =	vst v63  }
0x21a: {  	s0 =	smov.u32 s14;
	s25 =	smov.u32 s23;
	p2 =	sne.s32 s14, $0x1E0  }
.Ltmp40:
0x21b: {  	s14 =	sadd.s32 $0x10, s14;
	(pc) =	sbr.rel @p2 .LBB2_28-.Ltmp40, $2  }
0x21c: {  	_ =	sdelay $0x2  }
0x21d: {  	s23 =	sadd.s32 $0x400, s23;
	s0 =	sadd.s32 s0, s24  }
0x21e: {  	[hbm4b:s0+s1] =	stream.linear.scatter [tilespmem:s25], [sflag:$0x3], $0x80, $0x38;
	[tilespmem:$0x11000] =	vst v63  }
0x21f: {  	s25 =	rddreg [dreg:$0xd]  }
0x220: {  	s0 =	sadd.s32 s25, s3  }
0x221: {  	s0 =	sshrl.u32 s0, $0x3  }
0x222: {  	s14 =	simm.s32 $0x10;
	s24 =	sadd.s32 s4, s0  }
0x223: {  	s23 =	simm.s32 $0x600;
	s25 =	simm.s32 $0x200;
	s0 =	sadd.s32 $0x0, s24  }
.LBB2_30:
0x224: {  	[hbm4b:s0+s1] =	stream.linear.scatter [tilespmem:s25], [sflag:$0x3], $0x80, $0x38;
	[tilespmem:$0x11000] =	vst v63  }
0x225: {  	s0 =	smov.u32 s14;
	s25 =	smov.u32 s23;
	p2 =	sne.s32 s14, $0x1E0  }
.Ltmp41:
0x226: {  	s14 =	sadd.s32 $0x10, s14;
	(pc) =	sbr.rel @p2 .LBB2_30-.Ltmp41, $2  }
0x227: {  	_ =	sdelay $0x2  }
0x228: {  	s23 =	sadd.s32 $0x400, s23;
	s0 =	sadd.s32 s0, s24  }
0x229: {  	[hbm4b:s0+s1] =	stream.linear.scatter [tilespmem:s25], [sflag:$0x3], $0x80, $0x38;
	[tilespmem:$0x11000] =	vst v63  }
0x22a: {  	s25 =	rddreg [dreg:$0xf]  }
0x22b: {  	s0 =	sadd.s32 s25, s3  }
0x22c: {  	s0 =	sshrl.u32 s0, $0x3  }
0x22d: {  	s14 =	simm.s32 $0x10;
	s24 =	sadd.s32 s4, s0  }
0x22e: {  	s23 =	simm.s32 $0x680;
	s25 =	simm.s32 $0x280;
	s0 =	sadd.s32 $0x0, s24  }
.LBB2_32:
0x22f: {  	[hbm4b:s0+s1] =	stream.linear.scatter [tilespmem:s25], [sflag:$0x3], $0x80, $0x38;
	[tilespmem:$0x11000] =	vst v63  }
0x230: {  	s0 =	smov.u32 s14;
	s25 =	smov.u32 s23;
	p2 =	sne.s32 s14, $0x1E0  }
.Ltmp42:
0x231: {  	s14 =	sadd.s32 $0x10, s14;
	(pc) =	sbr.rel @p2 .LBB2_32-.Ltmp42, $2  }
0x232: {  	_ =	sdelay $0x2  }
0x233: {  	s23 =	sadd.s32 $0x400, s23;
	s0 =	sadd.s32 s0, s24  }
0x234: {  	[hbm4b:s0+s1] =	stream.linear.scatter [tilespmem:s25], [sflag:$0x3], $0x80, $0x38;
	[tilespmem:$0x11000] =	vst v63  }
0x235: {  	s25 =	rddreg [dreg:$0x10]  }
0x236: {  	s0 =	sadd.s32 s25, s3  }
0x237: {  	s0 =	sshrl.u32 s0, $0x3  }
0x238: {  	s14 =	simm.s32 $0x10;
	s24 =	sadd.s32 s4, s0  }
0x239: {  	s23 =	simm.s32 $0x700;
	s25 =	simm.s32 $0x300;
	s0 =	sadd.s32 $0x0, s24  }
.LBB2_34:
0x23a: {  	[hbm4b:s0+s1] =	stream.linear.scatter [tilespmem:s25], [sflag:$0x3], $0x80, $0x38;
	[tilespmem:$0x11000] =	vst v63  }
0x23b: {  	s0 =	smov.u32 s14;
	s25 =	smov.u32 s23;
	p2 =	sne.s32 s14, $0x1E0  }
.Ltmp43:
0x23c: {  	s14 =	sadd.s32 $0x10, s14;
	(pc) =	sbr.rel @p2 .LBB2_34-.Ltmp43, $2  }
0x23d: {  	_ =	sdelay $0x2  }
0x23e: {  	s23 =	sadd.s32 $0x400, s23;
	s0 =	sadd.s32 s0, s24  }
0x23f: {  	[hbm4b:s0+s1] =	stream.linear.scatter [tilespmem:s25], [sflag:$0x3], $0x80, $0x38;
	[tilespmem:$0x11000] =	vst v63  }
0x240: {  	s25 =	sadd.s32 s31, s3  }
0x241: {  	s0 =	sshrl.u32 s25, $0x3  }
0x242: {  	s24 =	simm.s32 $0x380;
	s3 =	sadd.s32 s4, s0  }
0x243: {  	s14 =	simm.s32 $0x10;
	s23 =	simm.s32 $0x780;
	s0 =	sadd.s32 $0x0, s3  }
.LBB2_36:
0x244: {  	[hbm4b:s0+s1] =	stream.linear.scatter [tilespmem:s24], [sflag:$0x3], $0x80, $0x38;
	[tilespmem:$0x11000] =	vst v63  }
0x245: {  	s0 =	smov.u32 s14;
	s24 =	smov.u32 s23;
	p2 =	sne.s32 s14, $0x1E0  }
.Ltmp44:
0x246: {  	s14 =	sadd.s32 $0x10, s14;
	(pc) =	sbr.rel @p2 .LBB2_36-.Ltmp44, $2  }
0x247: {  	_ =	sdelay $0x2  }
0x248: {  	s23 =	sadd.s32 $0x400, s23;
	s0 =	sadd.s32 s0, s3  }
.Ltmp45:
0x249: {  	_ = 	snop;
	(pc) =	sbr.rel .LBB2_37-.Ltmp45, $1  }
0x24a: {  	_ =	sdelay $0x3  }
.LBB2_94:
0x24b: {  	_ =	swait.ge [sflag:s6], $0x7C00  }
0x24c: {  	s3 =	simm.s32 $0x0;
	s14 =	simm.s32 $0x10;
	[sflag:s6] =	ssyncset.done $0x0  }
0x24d: {  	s0 =	sadd.s32 $0x0, s16;
	s15 =	simm.s32 $0x400;
	[sflag:s6] =	ssyncadd.s32 $0xFFFF8400  }
.LBB2_95:
0x24e: {  	[hbm4b:s0+s1] =	stream.linear.scatter [tilespmem:s3], [sflag:$0x3], $0x80, $0x38;
	[tilespmem:$0x11000] =	vst v63  }
0x24f: {  	s0 =	smov.u32 s14;
	s3 =	smov.u32 s15;
	p2 =	sne.s32 s14, $0x1E0  }
.Ltmp46:
0x250: {  	s14 =	sadd.s32 $0x10, s14;
	(pc) =	sbr.rel @p2 .LBB2_95-.Ltmp46, $2  }
0x251: {  	_ =	sdelay $0x2  }
0x252: {  	s15 =	sadd.s32 $0x400, s15;
	s0 =	sadd.s32 s0, s16  }
0x253: {  	[hbm4b:s0+s1] =	stream.linear.scatter [tilespmem:s3], [sflag:$0x3], $0x80, $0x38;
	[tilespmem:$0x11000] =	vst v63  }
0x254: {  	s3 =	simm.s32 $0x80  }
0x255: {  	s14 =	simm.s32 $0x10;
	s0 =	sadd.s32 $0x0, s17;
	s15 =	simm.s32 $0x480  }
.LBB2_97:
0x256: {  	[hbm4b:s0+s1] =	stream.linear.scatter [tilespmem:s3], [sflag:$0x3], $0x80, $0x38;
	[tilespmem:$0x11000] =	vst v63  }
0x257: {  	s0 =	smov.u32 s14;
	s3 =	smov.u32 s15;
	p2 =	sne.s32 s14, $0x1E0  }
.Ltmp47:
0x258: {  	s14 =	sadd.s32 $0x10, s14;
	(pc) =	sbr.rel @p2 .LBB2_97-.Ltmp47, $2  }
0x259: {  	_ =	sdelay $0x2  }
0x25a: {  	s15 =	sadd.s32 $0x400, s15;
	s0 =	sadd.s32 s0, s17  }
0x25b: {  	[hbm4b:s0+s1] =	stream.linear.scatter [tilespmem:s3], [sflag:$0x3], $0x80, $0x38;
	[tilespmem:$0x11000] =	vst v63  }
0x25c: {  	s3 =	simm.s32 $0x100  }
0x25d: {  	s14 =	simm.s32 $0x10;
	s0 =	sadd.s32 $0x0, s18;
	s15 =	simm.s32 $0x500  }
.LBB2_99:
0x25e: {  	[hbm4b:s0+s1] =	stream.linear.scatter [tilespmem:s3], [sflag:$0x3], $0x80, $0x38;
	[tilespmem:$0x11000] =	vst v63  }
0x25f: {  	s0 =	smov.u32 s14;
	s3 =	smov.u32 s15;
	p2 =	sne.s32 s14, $0x1E0  }
.Ltmp48:
0x260: {  	s14 =	sadd.s32 $0x10, s14;
	(pc) =	sbr.rel @p2 .LBB2_99-.Ltmp48, $2  }
0x261: {  	_ =	sdelay $0x2  }
0x262: {  	s15 =	sadd.s32 $0x400, s15;
	s0 =	sadd.s32 s0, s18  }
0x263: {  	[hbm4b:s0+s1] =	stream.linear.scatter [tilespmem:s3], [sflag:$0x3], $0x80, $0x38;
	[tilespmem:$0x11000] =	vst v63  }
0x264: {  	s3 =	simm.s32 $0x180;
	s14 =	simm.s32 $0x10  }
0x265: {  	s0 =	sadd.s32 $0x0, s19;
	s15 =	simm.s32 $0x580;
	s23 =	rddreg [dreg:$0x12]  }
.LBB2_101:
0x266: {  	[hbm4b:s0+s1] =	stream.linear.scatter [tilespmem:s3], [sflag:$0x3], $0x80, $0x38;
	[tilespmem:$0x11000] =	vst v63  }
0x267: {  	s0 =	smov.u32 s14;
	s3 =	smov.u32 s15;
	p2 =	sne.s32 s14, $0x1E0  }
.Ltmp49:
0x268: {  	s14 =	sadd.s32 $0x10, s14;
	(pc) =	sbr.rel @p2 .LBB2_101-.Ltmp49, $2  }
0x269: {  	_ =	sdelay $0x2  }
0x26a: {  	s15 =	sadd.s32 $0x400, s15;
	s0 =	sadd.s32 s0, s19  }
0x26b: {  	[hbm4b:s0+s1] =	stream.linear.scatter [tilespmem:s3], [sflag:$0x3], $0x80, $0x38;
	[tilespmem:$0x11000] =	vst v63  }
0x26c: {  	s3 =	simm.s32 $0x200  }
0x26d: {  	s14 =	simm.s32 $0x10;
	s0 =	sadd.s32 $0x0, s20;
	s15 =	simm.s32 $0x600  }
.LBB2_103:
0x26e: {  	[hbm4b:s0+s1] =	stream.linear.scatter [tilespmem:s3], [sflag:$0x3], $0x80, $0x38;
	[tilespmem:$0x11000] =	vst v63  }
0x26f: {  	s0 =	smov.u32 s14;
	s3 =	smov.u32 s15;
	p2 =	sne.s32 s14, $0x1E0  }
.Ltmp50:
0x270: {  	s14 =	sadd.s32 $0x10, s14;
	(pc) =	sbr.rel @p2 .LBB2_103-.Ltmp50, $2  }
0x271: {  	_ =	sdelay $0x2  }
0x272: {  	s15 =	sadd.s32 $0x400, s15;
	s0 =	sadd.s32 s0, s20  }
0x273: {  	[hbm4b:s0+s1] =	stream.linear.scatter [tilespmem:s3], [sflag:$0x3], $0x80, $0x38;
	[tilespmem:$0x11000] =	vst v63  }
0x274: {  	s3 =	simm.s32 $0x280  }
0x275: {  	s14 =	simm.s32 $0x10;
	s0 =	sadd.s32 $0x0, s21;
	s15 =	simm.s32 $0x680  }
.LBB2_105:
0x276: {  	[hbm4b:s0+s1] =	stream.linear.scatter [tilespmem:s3], [sflag:$0x3], $0x80, $0x38;
	[tilespmem:$0x11000] =	vst v63  }
0x277: {  	s0 =	smov.u32 s14;
	s3 =	smov.u32 s15;
	p2 =	sne.s32 s14, $0x1E0  }
.Ltmp51:
0x278: {  	s14 =	sadd.s32 $0x10, s14;
	(pc) =	sbr.rel @p2 .LBB2_105-.Ltmp51, $2  }
0x279: {  	_ =	sdelay $0x2  }
0x27a: {  	s15 =	sadd.s32 $0x400, s15;
	s0 =	sadd.s32 s0, s21  }
0x27b: {  	[hbm4b:s0+s1] =	stream.linear.scatter [tilespmem:s3], [sflag:$0x3], $0x80, $0x38;
	[tilespmem:$0x11000] =	vst v63  }
0x27c: {  	s3 =	simm.s32 $0x300  }
0x27d: {  	s14 =	simm.s32 $0x10;
	s0 =	sadd.s32 $0x0, s22;
	s15 =	simm.s32 $0x700  }
.LBB2_107:
0x27e: {  	[hbm4b:s0+s1] =	stream.linear.scatter [tilespmem:s3], [sflag:$0x3], $0x80, $0x38;
	[tilespmem:$0x11000] =	vst v63  }
0x27f: {  	s0 =	smov.u32 s14;
	s3 =	smov.u32 s15;
	p2 =	sne.s32 s14, $0x1E0  }
.Ltmp52:
0x280: {  	s14 =	sadd.s32 $0x10, s14;
	(pc) =	sbr.rel @p2 .LBB2_107-.Ltmp52, $2  }
0x281: {  	_ =	sdelay $0x2  }
0x282: {  	s15 =	sadd.s32 $0x400, s15;
	s0 =	sadd.s32 s0, s22  }
0x283: {  	[hbm4b:s0+s1] =	stream.linear.scatter [tilespmem:s3], [sflag:$0x3], $0x80, $0x38;
	[tilespmem:$0x11000] =	vst v63  }
0x284: {  	s3 =	simm.s32 $0x380  }
0x285: {  	s14 =	simm.s32 $0x10;
	s0 =	sadd.s32 $0x0, s29;
	s15 =	simm.s32 $0x780  }
.LBB2_109:
0x286: {  	[hbm4b:s0+s1] =	stream.linear.scatter [tilespmem:s3], [sflag:$0x3], $0x80, $0x38;
	[tilespmem:$0x11000] =	vst v63  }
0x287: {  	s0 =	smov.u32 s14;
	s3 =	smov.u32 s15;
	p2 =	sne.s32 s14, $0x1E0  }
.Ltmp53:
0x288: {  	s14 =	sadd.s32 $0x10, s14;
	(pc) =	sbr.rel @p2 .LBB2_109-.Ltmp53, $2  }
0x289: {  	_ =	sdelay $0x2  }
0x28a: {  	s15 =	sadd.s32 $0x400, s15;
	s0 =	sadd.s32 s0, s29  }
0x28b: {  	[hbm4b:s0+s1] =	stream.linear.scatter [tilespmem:s3], [sflag:$0x3], $0x80, $0x38;
	[tilespmem:$0x11000] =	vst v63  }
0x28c: {  	s24 =	simm.s32 $0x4  }
0x28d: {  	_ =	swait.ge [sflag:s24], $0x7C00  }
.Ltmp54:
0x28e: {  	[sflag:s24] =	ssyncset.done $0x0;
	(pc) =	sbr.rel @p1 .LBB2_113-.Ltmp54, $4  }
0x28f: {  	s25 =	simm.s32 $0x3;
	[sflag:s24] =	ssyncadd.s32 $0xFFFF8400  }
0x290: {  	_ =	swait.ge [sflag:s25], $0x7C00  }
0x291: {  	[sflag:s25] =	ssyncset.done $0x0  }
0x292: {  	[sflag:s25] =	ssyncadd.s32 $0xFFFF8400  }
0x293: {  	s0 =	rddreg [dreg:$0x8]  }
0x294: {  	s3 =	simm.s32 $0x400;
	s14 =	simm.s32 $0x7A1400;
	s15 =	simm.s32 $0xF800  }
0x295: {  	[tilespmem:s15], [sflag:$0x5] =	stream.strided.gather [hbm4b:s0+s3], $0x1000, s14, s3, $0x38;
	[tilespmem:$0x11000] =	vst v63  }
.Ltmp55:
0x296: {  	_ = 	snop;
	(pc) =	sbr.rel .LBB2_112-.Ltmp55, $4  }
0x297: {  	s14 =	simm.s32 $0x5  }
0x298: {  	_ =	swait.ge [sflag:s14], $0x1000  }
0x299: {  	[sflag:s14] =	ssyncset.done $0x0  }
0x29a: {  	s3 =	smov.u32 s5;
	[sflag:s14] =	ssyncadd.s32 $0xFFFFF000  }
.LBB2_39:
0x29b: {  	_ =	swait.ge [sflag:s6], $0x7C00  }
0x29c: {  	s3 =	simm.s32 $0x0;
	s14 =	simm.s32 $0x10;
	[sflag:s6] =	ssyncset.done $0x0  }
0x29d: {  	s0 =	sadd.s32 $0x0, s7;
	s15 =	simm.s32 $0x400;
	[sflag:s6] =	ssyncadd.s32 $0xFFFF8400  }
.LBB2_40:
0x29e: {  	[hbm4b:s0+s1] =	stream.linear.scatter [tilespmem:s3], [sflag:$0x3], $0x80, $0x38;
	[tilespmem:$0x11000] =	vst v63  }
0x29f: {  	s0 =	smov.u32 s14;
	s3 =	smov.u32 s15;
	p2 =	sne.s32 s14, $0x1E0  }
.Ltmp56:
0x2a0: {  	s14 =	sadd.s32 $0x10, s14;
	(pc) =	sbr.rel @p2 .LBB2_40-.Ltmp56, $2  }
0x2a1: {  	_ =	sdelay $0x2  }
0x2a2: {  	s15 =	sadd.s32 $0x400, s15;
	s0 =	sadd.s32 s0, s7  }
0x2a3: {  	[hbm4b:s0+s1] =	stream.linear.scatter [tilespmem:s3], [sflag:$0x3], $0x80, $0x38;
	[tilespmem:$0x11000] =	vst v63  }
0x2a4: {  	s3 =	simm.s32 $0x80  }
0x2a5: {  	s14 =	simm.s32 $0x10;
	s0 =	sadd.s32 $0x0, s8;
	s15 =	simm.s32 $0x480  }
.LBB2_42:
0x2a6: {  	[hbm4b:s0+s1] =	stream.linear.scatter [tilespmem:s3], [sflag:$0x3], $0x80, $0x38;
	[tilespmem:$0x11000] =	vst v63  }
0x2a7: {  	s0 =	smov.u32 s14;
	s3 =	smov.u32 s15;
	p2 =	sne.s32 s14, $0x1E0  }
.Ltmp57:
0x2a8: {  	s14 =	sadd.s32 $0x10, s14;
	(pc) =	sbr.rel @p2 .LBB2_42-.Ltmp57, $2  }
0x2a9: {  	_ =	sdelay $0x2  }
0x2aa: {  	s15 =	sadd.s32 $0x400, s15;
	s0 =	sadd.s32 s0, s8  }
0x2ab: {  	[hbm4b:s0+s1] =	stream.linear.scatter [tilespmem:s3], [sflag:$0x3], $0x80, $0x38;
	[tilespmem:$0x11000] =	vst v63  }
0x2ac: {  	s3 =	simm.s32 $0x100  }
0x2ad: {  	s14 =	simm.s32 $0x10;
	s0 =	sadd.s32 $0x0, s9;
	s15 =	simm.s32 $0x500  }
.LBB2_44:
0x2ae: {  	[hbm4b:s0+s1] =	stream.linear.scatter [tilespmem:s3], [sflag:$0x3], $0x80, $0x38;
	[tilespmem:$0x11000] =	vst v63  }
0x2af: {  	s0 =	smov.u32 s14;
	s3 =	smov.u32 s15;
	p2 =	sne.s32 s14, $0x1E0  }
.Ltmp58:
0x2b0: {  	s14 =	sadd.s32 $0x10, s14;
	(pc) =	sbr.rel @p2 .LBB2_44-.Ltmp58, $2  }
0x2b1: {  	_ =	sdelay $0x2  }
0x2b2: {  	s15 =	sadd.s32 $0x400, s15;
	s0 =	sadd.s32 s0, s9  }
0x2b3: {  	[hbm4b:s0+s1] =	stream.linear.scatter [tilespmem:s3], [sflag:$0x3], $0x80, $0x38;
	[tilespmem:$0x11000] =	vst v63  }
0x2b4: {  	s3 =	simm.s32 $0x180;
	s14 =	simm.s32 $0x10  }
0x2b5: {  	s0 =	sadd.s32 $0x0, s10;
	s15 =	simm.s32 $0x580;
	s23 =	rddreg [dreg:$0x12]  }
.LBB2_46:
0x2b6: {  	[hbm4b:s0+s1] =	stream.linear.scatter [tilespmem:s3], [sflag:$0x3], $0x80, $0x38;
	[tilespmem:$0x11000] =	vst v63  }
0x2b7: {  	s0 =	smov.u32 s14;
	s3 =	smov.u32 s15;
	p2 =	sne.s32 s14, $0x1E0  }
.Ltmp59:
0x2b8: {  	s14 =	sadd.s32 $0x10, s14;
	(pc) =	sbr.rel @p2 .LBB2_46-.Ltmp59, $2  }
0x2b9: {  	_ =	sdelay $0x2  }
0x2ba: {  	s15 =	sadd.s32 $0x400, s15;
	s0 =	sadd.s32 s0, s10  }
0x2bb: {  	[hbm4b:s0+s1] =	stream.linear.scatter [tilespmem:s3], [sflag:$0x3], $0x80, $0x38;
	[tilespmem:$0x11000] =	vst v63  }
0x2bc: {  	s3 =	simm.s32 $0x200  }
0x2bd: {  	s14 =	simm.s32 $0x10;
	s0 =	sadd.s32 $0x0, s11;
	s15 =	simm.s32 $0x600  }
.LBB2_48:
0x2be: {  	[hbm4b:s0+s1] =	stream.linear.scatter [tilespmem:s3], [sflag:$0x3], $0x80, $0x38;
	[tilespmem:$0x11000] =	vst v63  }
0x2bf: {  	s0 =	smov.u32 s14;
	s3 =	smov.u32 s15;
	p2 =	sne.s32 s14, $0x1E0  }
.Ltmp60:
0x2c0: {  	s14 =	sadd.s32 $0x10, s14;
	(pc) =	sbr.rel @p2 .LBB2_48-.Ltmp60, $2  }
0x2c1: {  	_ =	sdelay $0x2  }
0x2c2: {  	s15 =	sadd.s32 $0x400, s15;
	s0 =	sadd.s32 s0, s11  }
0x2c3: {  	[hbm4b:s0+s1] =	stream.linear.scatter [tilespmem:s3], [sflag:$0x3], $0x80, $0x38;
	[tilespmem:$0x11000] =	vst v63  }
0x2c4: {  	s3 =	simm.s32 $0x280  }
0x2c5: {  	s14 =	simm.s32 $0x10;
	s0 =	sadd.s32 $0x0, s12;
	s15 =	simm.s32 $0x680  }
.LBB2_50:
0x2c6: {  	[hbm4b:s0+s1] =	stream.linear.scatter [tilespmem:s3], [sflag:$0x3], $0x80, $0x38;
	[tilespmem:$0x11000] =	vst v63  }
0x2c7: {  	s0 =	smov.u32 s14;
	s3 =	smov.u32 s15;
	p2 =	sne.s32 s14, $0x1E0  }
.Ltmp61:
0x2c8: {  	s14 =	sadd.s32 $0x10, s14;
	(pc) =	sbr.rel @p2 .LBB2_50-.Ltmp61, $2  }
0x2c9: {  	_ =	sdelay $0x2  }
0x2ca: {  	s15 =	sadd.s32 $0x400, s15;
	s0 =	sadd.s32 s0, s12  }
0x2cb: {  	[hbm4b:s0+s1] =	stream.linear.scatter [tilespmem:s3], [sflag:$0x3], $0x80, $0x38;
	[tilespmem:$0x11000] =	vst v63  }
0x2cc: {  	s3 =	simm.s32 $0x300  }
0x2cd: {  	s14 =	simm.s32 $0x10;
	s0 =	sadd.s32 $0x0, s13;
	s15 =	simm.s32 $0x700  }
.LBB2_52:
0x2ce: {  	[hbm4b:s0+s1] =	stream.linear.scatter [tilespmem:s3], [sflag:$0x3], $0x80, $0x38;
	[tilespmem:$0x11000] =	vst v63  }
0x2cf: {  	s0 =	smov.u32 s14;
	s3 =	smov.u32 s15;
	p2 =	sne.s32 s14, $0x1E0  }
.Ltmp62:
0x2d0: {  	s14 =	sadd.s32 $0x10, s14;
	(pc) =	sbr.rel @p2 .LBB2_52-.Ltmp62, $2  }
0x2d1: {  	_ =	sdelay $0x2  }
0x2d2: {  	s15 =	sadd.s32 $0x400, s15;
	s0 =	sadd.s32 s0, s13  }
0x2d3: {  	[hbm4b:s0+s1] =	stream.linear.scatter [tilespmem:s3], [sflag:$0x3], $0x80, $0x38;
	[tilespmem:$0x11000] =	vst v63  }
0x2d4: {  	s3 =	simm.s32 $0x380  }
0x2d5: {  	s14 =	simm.s32 $0x10;
	s0 =	sadd.s32 $0x0, s28;
	s15 =	simm.s32 $0x780  }
.LBB2_54:
0x2d6: {  	[hbm4b:s0+s1] =	stream.linear.scatter [tilespmem:s3], [sflag:$0x3], $0x80, $0x38;
	[tilespmem:$0x11000] =	vst v63  }
0x2d7: {  	s0 =	smov.u32 s14;
	s3 =	smov.u32 s15;
	p2 =	sne.s32 s14, $0x1E0  }
.Ltmp63:
0x2d8: {  	s14 =	sadd.s32 $0x10, s14;
	(pc) =	sbr.rel @p2 .LBB2_54-.Ltmp63, $2  }
0x2d9: {  	_ =	sdelay $0x2  }
0x2da: {  	s15 =	sadd.s32 $0x400, s15;
	s0 =	sadd.s32 s0, s28  }
0x2db: {  	[hbm4b:s0+s1] =	stream.linear.scatter [tilespmem:s3], [sflag:$0x3], $0x80, $0x38;
	[tilespmem:$0x11000] =	vst v63  }
0x2dc: {  	s24 =	simm.s32 $0x4  }
0x2dd: {  	_ =	swait.ge [sflag:s24], $0x7C00  }
.Ltmp64:
0x2de: {  	[sflag:s24] =	ssyncset.done $0x0;
	(pc) =	sbr.rel @p1 .LBB2_113-.Ltmp64, $4  }
0x2df: {  	s25 =	simm.s32 $0x3;
	[sflag:s24] =	ssyncadd.s32 $0xFFFF8400  }
0x2e0: {  	_ =	swait.ge [sflag:s25], $0x7C00  }
0x2e1: {  	[sflag:s25] =	ssyncset.done $0x0  }
0x2e2: {  	[sflag:s25] =	ssyncadd.s32 $0xFFFF8400  }
0x2e3: {  	s0 =	rddreg [dreg:$0x6]  }
0x2e4: {  	s3 =	simm.s32 $0x400;
	s14 =	simm.s32 $0x7A1400;
	s15 =	simm.s32 $0xF800  }
0x2e5: {  	[tilespmem:s15], [sflag:$0x5] =	stream.strided.gather [hbm4b:s0+s3], $0x1000, s14, s3, $0x38;
	[tilespmem:$0x11000] =	vst v63  }
.Ltmp65:
0x2e6: {  	_ = 	snop;
	(pc) =	sbr.rel .LBB2_112-.Ltmp65, $4  }
0x2e7: {  	s14 =	simm.s32 $0x5  }
0x2e8: {  	_ =	swait.ge [sflag:s14], $0x1000  }
0x2e9: {  	[sflag:s14] =	ssyncset.done $0x0  }
0x2ea: {  	s3 =	smov.u32 s4;
	[sflag:s14] =	ssyncadd.s32 $0xFFFFF000  }
.LBB2_114:
0x2eb: {  	_ =	sfence.sel $0x180000  }
0x2ec: {  	[bflag:$0x0] =	sbarrier.arrive $0xFFFF  }
0x2ed: {  	_ =	strace $0x90000047  }
0x2ee: {  	[bflag:$0x2] =	sbarrier.arrive $0xFFFF  }
0x2ef: {  	s0 =	rddreg [dreg:$0x3]  }
0x2f0: {  	s0 =	sadd.s32 @!p1 $0x100000, s0  }
0x2f1: {  	[sflag:s0] =	ssyncadd.tile.s32 @!p1 $0x1;
	_ =	shalt  }
.Lfunc_end2:
_tile_overlayer_lowered:
.L_overlay_start_2:
0x2f2: {  	(tag) =	ssettag $0x2  }
0x2f3: {  	s0 =	rddreg [dreg:$0x0];
	s2 =	stileid.u32  }
0x2f4: {  	s1 =	rddreg [dreg:$0x1];
	p0 =	sne.s32 s2, $0x0  }
0x2f5: {  	s3 =	rddreg [dreg:$0x2];
	[bflag:$0x3] =	sbarrier.arrive $0xFFFF;
	s2 =	simm.s32 @!p0 $0x1C05  }
0x2f6: {  	[timem:s3], [sflag:s2] =	dma.local @!p0 [hbm:s0], s1  }
0x2f7: {  	s0 =	simm.s32 @!p0 $0x5  }
0x2f8: {  	_ =	swait.ge @!p0 [sflag:s0], s1  }
0x2f9: {  	s1 =	ssub.s32 @!p0 $0x0, s1;
	[sflag:s0] =	ssyncset.done @!p0 $0x0  }
0x2fa: {  	[sflag:s0] =	ssyncadd.s32 @!p0 s1  }
0x2fb: {  	[bflag:$0x3] =	sbarrier.arrive $0xFFFF  }
0x2fc: {  	_ =	shalt  }

// kernel: kernel.7.cloned.1.call-start
scs
__scs_entry_jumppad:
0x0: {  	(pc) =	sbr.rel $0x88, $3  }
0x1: {  	(tag) =	ssettag $0x0;
	lr =	simm.s32 $0x1  }
0x2: {  	[smem:$0x3F9D] =	sst lr;
	_ =	strace $0xD0000000  }
0x3: {  	_ = 	snop  }
0x4: {  	_ = 	snop  }
0x5: {  	_ = 	snop  }
0x6: {  	_ = 	snop  }
0x7: {  	_ = 	snop  }
__scs_overlays_trampoline_lowered:
0x8: {  	[smem:$0x3FAC] =	sst s0  }
0x9: {  	[smem:$0x3FAD] =	sst s1  }
0xa: {  	[smem:$0x3FAE] =	sst s2  }
0xb: {  	[smem:$0x3FAF] =	sst s3  }
0xc: {  	[smem:$0x3FB0] =	sst s4  }
0xd: {  	[smem:$0x3FB1] =	sst s5  }
0xe: {  	[smem:$0x3FB2] =	sst s6  }
0xf: {  	[smem:$0x3FB3] =	sst s7  }
0x10: {  	[smem:$0x3FB4] =	sst s8  }
0x11: {  	[smem:$0x3FB5] =	sst s9;
	s0 =	simm.s32 @!p0 $0x0  }
0x12: {  	s1 =	sld [smem:$0x3F9B];
	s0 =	simm.s32 @p0 $0x1  }
0x13: {  	[smem:$0x3FB6] =	sst s0;
	s0 =	simm.s32 @!p1 $0x0  }
0x14: {  	s2 =	sld [smem:$0x3F9A];
	s0 =	simm.s32 @p1 $0x1  }
0x15: {  	[smem:$0x3FB7] =	sst s0;
	s0 =	simm.s32 @!p2 $0x0  }
0x16: {  	s3 =	sld [smem:$0x3FDB];
	s0 =	simm.s32 @p2 $0x1  }
0x17: {  	s4 =	simm.s32 $0x1BF5;
	[smem:$0x3FB9] =	sst s0  }
0x18: {  	s0 =	sld [smem:$0x3F9C];
	_ =	swait.ge [sflag:s4], $0x0  }
0x19: {  	s7 =	sld [smem:$0x3F9D]  }
0x1a: {  	s8 =	sadd.s32 $0xFFFFE003, lr  }
0x1b: {  	s9 =	sadd.s32 $0xFFFFFEF7, lr;
	s5 =	simm.s32 $0xFFFFFFFF;
	p2 =	slt.u32 s8, $0xFFFFF086  }
0x1c: {  	p1 =	slt.u32 s9, $0xF7A;
	s5 =	simm.s32 @!p2 $0x0  }
0x1d: {  	s5 =	simm.s32 @p1 $0x1;
	p0 =	seq.s32 s7, s2  }
0x1e: {  	s7 =	smul.u32 @!p0 $0xF7A, s2;
	p2 =	seq.s32 @!p0 s5, $0x0  }
0x1f: {  	s9 =	smul.u32 $0xF7A, s1;
	s8 =	simm.s32 @!p0 $0x1BF5;
	p2 =	por !p2, p0  }
0x20: {  	[sflag:s8] =	ssyncset.s32 @!p0 $0xFFFFF086;
	s6 =	sadd.s32 @!p0 s3, s7;
	s7 =	simm.s32 @!p0 $0x108  }
0x21: {  	s3 =	sadd.s32 s3, s9;
	s6 =	sadd.s32 @!p0 $0x88, s6;
	s7 =	simm.s32 @p2 $0x1082  }
0x22: {  	[simem:s7], [sflag:s8] =	dma.local @!p0 [hbm:s6], $0xF7A  }
0x23: {  	s9 =	sor.u32 $0xD0000000, s2;
	s6 =	simm.s32 $0x108;
	_ =	swait.ge @!p0 [sflag:s8], $0x0  }
0x24: {  	s3 =	sadd.s32 $0x88, s3;
	s6 =	simm.s32 @!p1 $0x1082;
	[sflag:s4] =	ssyncset.s32 $0xFFFFF086  }
0x25: {  	[simem:s6], [sflag:s4] =	dma.local [hbm:s3], $0xF7A  }
0x26: {  	[smem:$0x3F9D] =	sst s1;
	(tag) =	ssettag s2;
	_ =	strace s9  }
0x27: {  	s1 =	sld [smem:$0x3FAD]  }
0x28: {  	s2 =	sld [smem:$0x3FAE]  }
0x29: {  	s4 =	sld [smem:$0x3FB0]  }
0x2a: {  	p0 =	seq.s32 s5, $0x0;
	s5 =	sld [smem:$0x3FB1]  }
0x2b: {  	s6 =	sld [smem:$0x3FB2]  }
0x2c: {  	s7 =	sld [smem:$0x3FB3]  }
0x2d: {  	s3 =	simm.s32 $0x108;
	s8 =	sld [smem:$0x3FB4]  }
0x2e: {  	s3 =	simm.s32 @!p0 $0x1082;
	s9 =	sld [smem:$0x3FB5]  }
0x2f: {  	lr =	sadd.s32 s0, s3;
	s0 =	sld [smem:$0x3FAC]  }
0x30: {  	s3 =	sld [smem:$0x3FAF]  }
0x31: {  	[smem:$0x3FB8] =	sst s10  }
0x32: {  	s10 =	sld [smem:$0x3FB6];
	_ =	sdelay $0x3  }
0x33: {  	p0 =	seq.s32 s10, $0x1;
	s10 =	sld [smem:$0x3FB8];
	_ =	sdelay $0x3  }
0x34: {  	[smem:$0x3FB8] =	sst s10  }
0x35: {  	s10 =	sld [smem:$0x3FB7];
	_ =	sdelay $0x3  }
0x36: {  	p1 =	seq.s32 s10, $0x1;
	s10 =	sld [smem:$0x3FB8];
	_ =	sdelay $0x3  }
0x37: {  	[smem:$0x3FB8] =	sst s10  }
0x38: {  	s10 =	sld [smem:$0x3FB9]  }
0x39: {  	_ = 	snop;
	(pc) =	sbr.ind lr, $3  }
0x3a: {  	_ = 	snop  }
0x3b: {  	_ = 	snop  }
0x3c: {  	p2 =	seq.s32 s10, $0x1;
	s10 =	sld [smem:$0x3FB8]  }
0x3d: {  	_ =	shalt  }
0x3e: {  	_ =	shalt  }
0x3f: {  	_ =	shalt  }
0x40: {  	_ =	shalt  }
0x41: {  	_ =	shalt  }
0x42: {  	_ =	shalt  }
0x43: {  	_ =	shalt  }
0x44: {  	_ =	shalt  }
0x45: {  	_ =	shalt  }
0x46: {  	_ =	shalt  }
0x47: {  	_ =	shalt  }
0x48: {  	_ =	shalt  }
0x49: {  	_ =	shalt  }
0x4a: {  	_ =	shalt  }
0x4b: {  	_ =	shalt  }
0x4c: {  	_ =	shalt  }
0x4d: {  	_ =	shalt  }
0x4e: {  	_ =	shalt  }
0x4f: {  	_ =	shalt  }
0x50: {  	_ =	shalt  }
0x51: {  	_ =	shalt  }
0x52: {  	_ =	shalt  }
0x53: {  	_ =	shalt  }
0x54: {  	_ =	shalt  }
0x55: {  	_ =	shalt  }
0x56: {  	_ =	shalt  }
0x57: {  	_ =	shalt  }
0x58: {  	_ =	shalt  }
0x59: {  	_ =	shalt  }
0x5a: {  	_ =	shalt  }
0x5b: {  	_ =	shalt  }
0x5c: {  	_ =	shalt  }
0x5d: {  	_ =	shalt  }
0x5e: {  	_ =	shalt  }
0x5f: {  	_ =	shalt  }
0x60: {  	_ =	shalt  }
0x61: {  	_ =	shalt  }
0x62: {  	_ =	shalt  }
0x63: {  	_ =	shalt  }
0x64: {  	_ =	shalt  }
0x65: {  	_ =	shalt  }
0x66: {  	_ =	shalt  }
0x67: {  	_ =	shalt  }
0x68: {  	_ =	shalt  }
0x69: {  	_ =	shalt  }
0x6a: {  	_ =	shalt  }
0x6b: {  	_ =	shalt  }
0x6c: {  	_ =	shalt  }
0x6d: {  	_ =	shalt  }
0x6e: {  	_ =	shalt  }
0x6f: {  	_ =	shalt  }
0x70: {  	_ =	shalt  }
0x71: {  	_ =	shalt  }
0x72: {  	_ =	shalt  }
0x73: {  	_ =	shalt  }
0x74: {  	_ =	shalt  }
0x75: {  	_ =	shalt  }
0x76: {  	_ =	shalt  }
0x77: {  	_ =	shalt  }
0x78: {  	_ =	shalt  }
0x79: {  	_ =	shalt  }
0x7a: {  	_ =	shalt  }
0x7b: {  	_ =	shalt  }
0x7c: {  	_ =	shalt  }
0x7d: {  	_ =	shalt  }
0x7e: {  	_ =	shalt  }
0x7f: {  	_ =	shalt  }
0x80: {  	_ =	shalt  }
0x81: {  	_ =	shalt  }
0x82: {  	_ =	shalt  }
0x83: {  	_ =	shalt  }
0x84: {  	_ =	shalt  }
0x85: {  	_ =	shalt  }
0x86: {  	_ =	shalt  }
0x87: {  	_ =	shalt  }
.Lfunc_end0:
.L_simem_size_0:
called_computation.1_lowered:
.L_overlay_start_0:
0x88: {  	s2 =	sld [smem:$0x3FD9]  }
0x89: {  	s3 =	sld [smem:$0x3FFE];
	_ =	sdelay $0x1  }
0x8a: {  	s1 =	srdreg.scid  }
0x8b: {  	s0 =	sand.u32 $0x1, s1  }
0x8c: {  	s17 =	sshll.u32 s0, $0xA;
	s2 =	sadd.s32 s3, s2  }
0x8d: {  	s2 =	sadd.s32 s2, s17  }
0x8e: {  	[smem:$0x3FC4] =	sst s2  }
0x8f: {  	_ = 	snop  }
0x90: {  	s2 =	sld [smem:$0x3FC9]  }
0x91: {  	s18 =	sld [smem:$0x3FC8]  }
0x92: {  	s4 =	sld [smem:$0x3FD0];
	(tm) =	ssettm $0x1  }
0x93: {  	s5 =	sld [smem:$0x3FFB];
	_ =	sdelay $0x3  }
0x94: {  	_ =	strace s5  }
0x95: {  	s5 =	sld [smem:$0x3FFC];
	_ =	sdelay $0x3  }
0x96: {  	_ =	strace s5  }
0x97: {  	s5 =	sld [smem:$0x3FFD];
	_ =	sdelay $0x3  }
0x98: {  	_ =	strace s5  }
0x99: {  	_ =	strace $0x8FFFFFFF  }
0x9a: {  	s19 =	sld [smem:$0x3FDB];
	_ =	sdelay $0x1  }
0x9b: {  	s6 =	simm.s32 $_scs_section_size  }
0x9c: {  	s7 =	simm.s32 $_size__tile_overlayer_lowered;
	s8 =	simm.s32 $_tile_overlayer_lowered  }
0x9d: {  	s22 =	simm.s32 $0x1BFF;
	s21 =	sshll.u32 s8, $0x1;
	s5 =	sadd.s32 s6, s19  }
0x9e: {  	s9 =	simm.s32 $0x0;
	s20 =	sshll.u32 s7, $0x1;
	s7 =	sadd.s32 s21, s5  }
0x9f: {  	[timem:s9], [sflag:s22] =	dma.local [hbm:s7], s20  }
0xa0: {  	_ =	swait.ge [sflag:s22], s20  }
0xa1: {  	s6 =	ssub.s32 $0x0, s20;
	[sflag:s22] =	ssyncset.done $0x0  }
0xa2: {  	[sflag:s22] =	ssyncadd.s32 s6;
	_ =	sdelay $0x1  }
0xa3: {  	s23 =	simm.s32 $0x1B8B  }
0xa4: {  	_ =	swait.ge [sflag:s23], $0x1  }
0xa5: {  	[sflag:s23] =	ssyncset.done $0x0  }
0xa6: {  	s25 =	simm.s32 $0x1B8E;
	s24 =	sld [smem:$0x3FFE];
	[sflag:s23] =	ssyncadd.s32 $0xFFFFFFFF  }
0xa7: {  	s26 =	simm.s32 $execute0_lowered;
	[smem:$0x3FD2] =	sst s25  }
0xa8: {  	s7 =	sshll.u32 s26, $0x1;
	_ =	strace $0x80000049;
	[dreg:$0x1] =	wrdreg $0xFFFFFFFF  }
0xa9: {  	s28 =	simm.s32 $_size_execute0_lowered;
	s5 =	sadd.s32 s5, s7;
	[dreg:$0x0] =	wrdreg $0x0  }
0xaa: {  	s7 =	sshll.u32 s28, $0x1;
	[dreg:$0x2] =	wrdreg s5  }
0xab: {  	[dreg:$0x3] =	wrdreg s7  }
0xac: {  	[dreg:$0x4] =	wrdreg $0xC0  }
0xad: {  	_ =	task [dreg:s9], $0x5FFFF  }
0xae: {  	[dreg:$0x1] =	wrdreg $0xFFFFFFFF  }
0xaf: {  	[dreg:$0x0] =	wrdreg $0x60  }
0xb0: {  	[dreg:$0x2] =	wrdreg s2  }
0xb1: {  	[dreg:$0x3] =	wrdreg s18  }
0xb2: {  	[dreg:$0x4] =	wrdreg s24  }
0xb3: {  	[dreg:$0x5] =	wrdreg s4  }
0xb4: {  	[dreg:$0x6] =	wrdreg $0x9  }
0xb5: {  	_ =	task.clear_ibuf [dreg:s9], $0x7FFFF;
	_ =	strace $0x90000049  }
0xb6: {  	s29 =	simm.s32 $0x9;
	_ =	strace $0x8000004B  }
0xb7: {  	_ =	swait.ge [sflag:s29], $0x1  }
0xb8: {  	[sflag:s29] =	ssyncadd.s32 $0xFFFFFFFF  }
0xb9: {  	_ =	strace $0x9000004B  }
0xba: {  	_ =	sfence  }
0xbb: {  	s30 =	sld [smem:$0x0];
	_ =	sdelay $0x2  }
0xbc: {  	s31 =	sshll.u32 s1, $0xD;
	s1 =	sshrl.u32 s1, $0x2  }
0xbd: {  	s3 =	sand.u32 $0x4000, s31;
	s1 =	sadd.s32 s1, s30  }
0xbe: {  	s0 =	sor.u32 s3, s0;
	s1 =	sshll.u32 s1, $0x11  }
0xbf: {  	s0 =	sor.u32 s1, s0  }
0xc0: {  	s0 =	sadd.s32 $0x8F2B, s0  }
0xc1: {  	[sflag:s0] =	ssyncadd.remote.s32 $0x1  }
0xc2: {  	_ =	sfence.sel $0xFFFF  }
0xc3: {  	[dreg:$0x0] =	wrdreg $0xFFFFFFFF;
	(pc) =	sbr.abs _section_cstart, $3  }
0xc4: {  	[dreg:$0x1] =	wrdreg $0xFFFFFFFF  }
0xc5: {  	_ =	task.clear_ibuf [dreg:s9], $0x2FFFF;
	_ =	strace $0x9FFFFFFF  }
0xc6: {  	(tm) =	ssettm $0x7FFFFFFF  }
0xc7: {  	_ =	shalt  }
tec
execute0_lowered:
.L_overlay_start_1:
0x0: {  	(tag) =	ssettag $0x1  }
0x1: {  	s5 =	rddreg [dreg:$0x0]  }
0x2: {  	s6 =	rddreg [dreg:$0x1]  }
0x3: {  	s4 =	rddreg [dreg:$0x2]  }
0x4: {  	s7 =	rddreg [dreg:$0x3]  }
0x5: {  	s0 =	rddreg [dreg:$0x4];
	s1 =	simm.s32 $0x0  }
0x6: {  	s8 =	srdreg.scid;
	s2 =	stileid.u32;
	s12 =	simm.s32 $0x1  }
0x7: {  	s13 =	simm.s32 $0x2;
	s14 =	simm.s32 $0x10400;
	s15 =	simm.s32 $0x0  }
0x8: {  	[smem:$0x7FF] =	sst s1;
	s3 =	sadd.s32 $0xC00, s4;
	s8 =	sand.u32 $0x1, s8  }
0x9: {  	s10 =	sshll.u32 s2, $0x7;
	s4 =	sadd.s32 $0x3D1600, s4;
	s9 =	ssub.s32 $0x2, s8  }
0xa: {  	_ =	strace $0x8000004A;
	s8 =	sshll.u32 s8, $0x6;
	s11 =	sshrl.u32 s9, $0x1  }
0xb: {  	s8 =	sor.u32 s8, s10;
	s10 =	simm.s32 $0x200;
	s9 =	ssub.s32 s9, s11  }
0xc: {  	s5 =	sadd.s32 s5, s8;
	s6 =	sadd.s32 s6, s8;
	s7 =	sadd.s32 s7, s8  }
0xd: {  	v0 =	vimm.s32 $0x40;
	v1 =	vimm.s32 $0x1D8FE40;
	s11 =	simm.s32 $0x80;
	s8 =	smax.u32 s9, $0x1;
	s9 =	simm.s32 $0x3  }
.LBB2_1:
0xe: {  	[tilespmem:s1], [sflag:$0x3] =	stream.linear.gather [hbm4b:s5+s1], $0x200, $0x38;
	[tilespmem:$0x10600] =	vst v63  }
0xf: {  	_ =	swait.ge [sflag:s9], $0x200  }
0x10: {  	[sflag:s9] =	ssyncset.done $0x0  }
0x11: {  	[sflag:s9] =	ssyncadd.s32 $0xFFFFFE00  }
0x12: {  	[tilespmem:s10], [sflag:$0x3] =	stream.linear.gather [hbm4b:s6+s1], $0x200, $0x38;
	[tilespmem:$0x10600] =	vst v63  }
0x13: {  	_ =	swait.ge [sflag:s9], $0x200  }
0x14: {  	[sflag:s9] =	ssyncset.done $0x0  }
0x15: {  	s16 =	simm.s32 $0x0;
	[sflag:s9] =	ssyncadd.s32 $0xFFFFFE00  }
0x16: {  	v8 =	vld [tilespmem:s16+$0x200]  }
0x17: {  	v9 =	vld [tilespmem:s16+$0x0];
	_ =	sdelay $0x3  }
0x18: {  	vm0 =	vlt.s32 v8, $0xF4200  }
0x19: {  	vm1 =	vlt.s32 v9, $0xF4200;
	v2 =	vsel vm0, $0xF4200, v1  }
0x1a: {  	v10 =	vsel vm0, $0xF4200, v0;
	v3 =	vsel vm1, $0xF4200, v1;
	v4 =	vadd.s32 v8, v2  }
0x1b: {  	v11 =	vsel vm1, $0xF4200, v0;
	v2 =	vadd.s32 v9, v3;
	[tilespmem:s16+$0x4600] =	vst v4;
	v4 =	vadd.s32 v10, v4  }
0x1c: {  	v3 =	vadd.s32 v11, v2;
	[tilespmem:s16+$0x4800] =	vst v4;
	v5 =	vadd.s32 v10, v4  }
0x1d: {  	v4 =	vadd.s32 v11, v3;
	[tilespmem:s16+$0x4A00] =	vst v5;
	v6 =	vadd.s32 v10, v5  }
0x1e: {  	v5 =	vadd.s32 v11, v4;
	[tilespmem:s16+$0x4C00] =	vst v6;
	v7 =	vadd.s32 v10, v6  }
0x1f: {  	v6 =	vadd.s32 v11, v5;
	[tilespmem:s16+$0x4E00] =	vst v7;
	v12 =	vadd.s32 v10, v7  }
0x20: {  	v7 =	vadd.s32 v11, v6;
	[tilespmem:s16+$0x5000] =	vst v12;
	v12 =	vadd.s32 v10, v12  }
0x21: {  	v13 =	vadd.s32 v11, v7;
	[tilespmem:s16+$0x5200] =	vst v12  }
0x22: {  	v12 =	vadd.s32 v10, v12;
	[tilespmem:s16+$0x1200] =	vst v13  }
0x23: {  	v14 =	vadd.s32 v11, v13;
	[tilespmem:s16+$0x5400] =	vst v12  }
0x24: {  	v12 =	vadd.s32 v10, v12;
	[tilespmem:s16+$0x1400] =	vst v14  }
0x25: {  	v15 =	vadd.s32 v11, v14;
	[tilespmem:s16+$0x5600] =	vst v12  }
0x26: {  	v12 =	vadd.s32 v10, v12;
	[tilespmem:s16+$0x1600] =	vst v15  }
0x27: {  	v16 =	vadd.s32 v11, v15;
	[tilespmem:s16+$0x5800] =	vst v12  }
0x28: {  	v12 =	vadd.s32 v10, v12;
	[tilespmem:s16+$0x1800] =	vst v16  }
0x29: {  	v17 =	vadd.s32 v11, v16;
	[tilespmem:s16+$0x5A00] =	vst v12  }
0x2a: {  	v12 =	vadd.s32 v10, v12;
	[tilespmem:s16+$0x1A00] =	vst v17  }
0x2b: {  	v18 =	vadd.s32 v11, v17;
	[tilespmem:s16+$0x5C00] =	vst v12  }
0x2c: {  	v12 =	vadd.s32 v10, v12;
	[tilespmem:s16+$0x1C00] =	vst v18  }
0x2d: {  	v19 =	vadd.s32 v11, v18;
	[tilespmem:s16+$0x5E00] =	vst v12  }
0x2e: {  	v12 =	vadd.s32 v10, v12;
	[tilespmem:s16+$0x1E00] =	vst v19  }
0x2f: {  	v20 =	vadd.s32 v11, v19;
	[tilespmem:s16+$0x6000] =	vst v12  }
0x30: {  	v12 =	vadd.s32 v10, v12;
	[tilespmem:s16+$0x2000] =	vst v20  }
0x31: {  	v21 =	vadd.s32 v11, v20;
	[tilespmem:s16+$0x6200] =	vst v12  }
0x32: {  	v12 =	vadd.s32 v10, v12;
	[tilespmem:s16+$0x2200] =	vst v21  }
0x33: {  	v22 =	vadd.s32 v11, v21;
	[tilespmem:s16+$0x6400] =	vst v12  }
0x34: {  	v12 =	vadd.s32 v10, v12;
	[tilespmem:s16+$0x2400] =	vst v22  }
0x35: {  	v23 =	vadd.s32 v11, v22;
	[tilespmem:s16+$0x6600] =	vst v12  }
0x36: {  	v12 =	vadd.s32 v10, v12;
	[tilespmem:s16+$0x2600] =	vst v23  }
0x37: {  	v24 =	vadd.s32 v11, v23;
	[tilespmem:s16+$0x6800] =	vst v12  }
0x38: {  	v12 =	vadd.s32 v10, v12;
	[tilespmem:s16+$0x2800] =	vst v24  }
0x39: {  	v25 =	vadd.s32 v11, v24;
	[tilespmem:s16+$0x6A00] =	vst v12  }
0x3a: {  	v12 =	vadd.s32 v10, v12;
	[tilespmem:s16+$0x2A00] =	vst v25  }
0x3b: {  	v26 =	vadd.s32 v11, v25;
	[tilespmem:s16+$0x6C00] =	vst v12  }
0x3c: {  	v12 =	vadd.s32 v10, v12;
	[tilespmem:s16+$0x2C00] =	vst v26  }
0x3d: {  	v27 =	vadd.s32 v11, v26;
	[tilespmem:s16+$0x6E00] =	vst v12  }
0x3e: {  	v12 =	vadd.s32 v10, v12;
	[tilespmem:s16+$0x2E00] =	vst v27  }
0x3f: {  	v28 =	vadd.s32 v11, v27;
	[tilespmem:s16+$0x7000] =	vst v12  }
0x40: {  	v12 =	vadd.s32 v10, v12;
	[tilespmem:s16+$0x3000] =	vst v28  }
0x41: {  	v29 =	vadd.s32 v11, v28;
	[tilespmem:s16+$0x7200] =	vst v12  }
0x42: {  	v12 =	vadd.s32 v10, v12;
	[tilespmem:s16+$0x3200] =	vst v29  }
0x43: {  	v30 =	vadd.s32 v11, v29;
	[tilespmem:s16+$0x7400] =	vst v12  }
0x44: {  	v12 =	vadd.s32 v10, v12;
	[tilespmem:s16+$0x3400] =	vst v30  }
0x45: {  	v31 =	vadd.s32 v11, v30;
	[tilespmem:s16+$0x7600] =	vst v12  }
0x46: {  	v12 =	vadd.s32 v10, v12;
	[tilespmem:s16+$0x3600] =	vst v31  }
0x47: {  	v32 =	vadd.s32 v11, v31;
	[tilespmem:s16+$0x7800] =	vst v12  }
0x48: {  	v12 =	vadd.s32 v10, v12;
	[tilespmem:s16+$0x3800] =	vst v32  }
0x49: {  	v33 =	vadd.s32 v11, v32;
	[tilespmem:s16+$0x7A00] =	vst v12  }
0x4a: {  	v12 =	vadd.s32 v10, v12;
	[tilespmem:s16+$0x3A00] =	vst v33  }
0x4b: {  	v34 =	vadd.s32 v11, v33;
	[tilespmem:s16+$0x7C00] =	vst v12  }
0x4c: {  	v12 =	vadd.s32 v10, v12;
	[tilespmem:s16+$0x3C00] =	vst v34  }
0x4d: {  	v35 =	vadd.s32 v11, v34;
	[tilespmem:s16+$0x7E00] =	vst v12  }
0x4e: {  	v12 =	vadd.s32 v10, v12;
	[tilespmem:s16+$0x3E00] =	vst v35  }
0x4f: {  	v63 =	vadd.s32 v11, v35;
	[tilespmem:s16+$0x8000] =	vst v12;
	v10 =	vadd.s32 v10, v12  }
0x50: {  	[tilespmem:s16+$0x8200] =	vst v10;
	v10 =	vadd.s32 v11, v63  }
0x51: {  	v11 =	vadd.s32 $0x1D8FE00, v9;
	[tilespmem:s16+$0x4200] =	vst v10;
	v10 =	vadd.s32 $0x1D8FE00, v8  }
0x52: {  	s18 =	simm.s32 $0x10;
	s17 =	simm.s32 $0x80;
	[tilespmem:s16+$0x4000] =	vst v63;
	v9 =	vsel vm1, v9, v11;
	v8 =	vsel vm0, v8, v10  }
.LBB2_2:
0x53: {  	p0 =	sne.s32 s17, $0x7C0;
	v10 =	vld [tilespmem:s18+$0x200];
	[tilespmem:s16+$0x1000] =	vst v7  }
0x54: {  	v7 =	vld [tilespmem:s18+$0x0];
	[tilespmem:s16+$0xE00] =	vst v6  }
0x55: {  	[tilespmem:s16+$0xC00] =	vst v5  }
0x56: {  	[tilespmem:s16+$0xA00] =	vst v4  }
0x57: {  	[tilespmem:s16+$0x800] =	vst v3  }
0x58: {  	vm0 =	vlt.s32 v10, $0xF4200;
	v4 =	vadd.s32 $0x1D8FE00, v10;
	[tilespmem:s16+$0x600] =	vst v2  }
0x59: {  	vm1 =	vlt.s32 v7, $0xF4200;
	v3 =	vadd.s32 $0x1D8FE00, v7;
	v2 =	vsel vm0, $0xF4200, v1;
	[tilespmem:s16+$0x400] =	vst v9  }
0x5a: {  	v14 =	vsel vm0, $0xF4200, v0;
	v5 =	vsel vm1, $0xF4200, v1;
	v6 =	vadd.s32 v10, v2;
	[tilespmem:s16+$0x4400] =	vst v8;
	s16 =	smov.u32 s18  }
0x5b: {  	v15 =	vsel vm1, $0xF4200, v0;
	v2 =	vadd.s32 v7, v5;
	[tilespmem:s16+$0x4600] =	vst v6;
	v5 =	vadd.s32 v14, v6  }
0x5c: {  	v9 =	vsel vm1, v7, v3;
	v3 =	vadd.s32 v15, v2;
	[tilespmem:s16+$0x4800] =	vst v5;
	v5 =	vadd.s32 v14, v5  }
0x5d: {  	v8 =	vsel vm0, v10, v4;
	v4 =	vadd.s32 v15, v3;
	[tilespmem:s16+$0x4A00] =	vst v5;
	v6 =	vadd.s32 v14, v5  }
0x5e: {  	v5 =	vadd.s32 v15, v4;
	[tilespmem:s16+$0x4C00] =	vst v6;
	v7 =	vadd.s32 v14, v6  }
0x5f: {  	v6 =	vadd.s32 v15, v5;
	[tilespmem:s16+$0x4E00] =	vst v7;
	v10 =	vadd.s32 v14, v7  }
0x60: {  	v7 =	vadd.s32 v15, v6;
	[tilespmem:s16+$0x5000] =	vst v10;
	v11 =	vadd.s32 v14, v10  }
0x61: {  	v10 =	vadd.s32 v15, v7;
	[tilespmem:s16+$0x5200] =	vst v11;
	v12 =	vadd.s32 v14, v11  }
0x62: {  	v11 =	vadd.s32 v15, v10;
	[tilespmem:s16+$0x5400] =	vst v12;
	v13 =	vadd.s32 v14, v12  }
0x63: {  	v12 =	vadd.s32 v15, v11;
	[tilespmem:s16+$0x5600] =	vst v13;
	v16 =	vadd.s32 v14, v13  }
0x64: {  	v13 =	vadd.s32 v15, v12;
	[tilespmem:s16+$0x5800] =	vst v16;
	v16 =	vadd.s32 v14, v16  }
0x65: {  	v17 =	vadd.s32 v15, v13;
	[tilespmem:s16+$0x5A00] =	vst v16;
	v16 =	vadd.s32 v14, v16  }
0x66: {  	v18 =	vadd.s32 v15, v17;
	[tilespmem:s16+$0x5C00] =	vst v16;
	v16 =	vadd.s32 v14, v16  }
0x67: {  	v19 =	vadd.s32 v15, v18;
	[tilespmem:s16+$0x5E00] =	vst v16;
	v16 =	vadd.s32 v14, v16  }
0x68: {  	v20 =	vadd.s32 v15, v19;
	[tilespmem:s16+$0x6000] =	vst v16;
	v16 =	vadd.s32 v14, v16  }
0x69: {  	v21 =	vadd.s32 v15, v20;
	[tilespmem:s16+$0x6200] =	vst v16;
	v16 =	vadd.s32 v14, v16  }
0x6a: {  	v22 =	vadd.s32 v15, v21;
	[tilespmem:s16+$0x6400] =	vst v16;
	v16 =	vadd.s32 v14, v16  }
0x6b: {  	v23 =	vadd.s32 v15, v22;
	[tilespmem:s16+$0x6600] =	vst v16;
	v16 =	vadd.s32 v14, v16  }
0x6c: {  	v24 =	vadd.s32 v15, v23;
	[tilespmem:s16+$0x6800] =	vst v16;
	v16 =	vadd.s32 v14, v16  }
0x6d: {  	v25 =	vadd.s32 v15, v24;
	[tilespmem:s16+$0x6A00] =	vst v16;
	v16 =	vadd.s32 v14, v16  }
0x6e: {  	v26 =	vadd.s32 v15, v25;
	[tilespmem:s16+$0x6C00] =	vst v16;
	v16 =	vadd.s32 v14, v16  }
0x6f: {  	v27 =	vadd.s32 v15, v26;
	[tilespmem:s16+$0x6E00] =	vst v16;
	v16 =	vadd.s32 v14, v16  }
0x70: {  	v28 =	vadd.s32 v15, v27;
	[tilespmem:s16+$0x7000] =	vst v16;
	v16 =	vadd.s32 v14, v16  }
0x71: {  	v29 =	vadd.s32 v15, v28;
	[tilespmem:s16+$0x7200] =	vst v16;
	v16 =	vadd.s32 v14, v16  }
0x72: {  	v30 =	vadd.s32 v15, v29;
	[tilespmem:s16+$0x7400] =	vst v16;
	v16 =	vadd.s32 v14, v16  }
0x73: {  	v31 =	vadd.s32 v15, v30;
	[tilespmem:s16+$0x7600] =	vst v16;
	v16 =	vadd.s32 v14, v16  }
0x74: {  	v32 =	vadd.s32 v15, v31;
	[tilespmem:s16+$0x7800] =	vst v16;
	v16 =	vadd.s32 v14, v16  }
0x75: {  	v33 =	vadd.s32 v15, v32;
	[tilespmem:s16+$0x7A00] =	vst v16;
	v16 =	vadd.s32 v14, v16  }
0x76: {  	v34 =	vadd.s32 v15, v33;
	[tilespmem:s16+$0x7C00] =	vst v16;
	v16 =	vadd.s32 v14, v16  }
0x77: {  	v35 =	vadd.s32 v15, v34;
	[tilespmem:s16+$0x7E00] =	vst v16;
	v16 =	vadd.s32 v14, v16  }
0x78: {  	v36 =	vadd.s32 v15, v35;
	[tilespmem:s16+$0x8000] =	vst v16;
	v14 =	vadd.s32 v14, v16  }
0x79: {  	v15 =	vadd.s32 v15, v36;
	[tilespmem:s16+$0x8200] =	vst v14  }
0x7a: {  	[tilespmem:s16+$0x4200] =	vst v15  }
0x7b: {  	[tilespmem:s16+$0x4000] =	vst v36  }
0x7c: {  	[tilespmem:s16+$0x3E00] =	vst v35  }
0x7d: {  	[tilespmem:s16+$0x3C00] =	vst v34  }
0x7e: {  	[tilespmem:s16+$0x3A00] =	vst v33  }
0x7f: {  	[tilespmem:s16+$0x3800] =	vst v32  }
0x80: {  	[tilespmem:s16+$0x3600] =	vst v31  }
0x81: {  	[tilespmem:s16+$0x3400] =	vst v30  }
0x82: {  	[tilespmem:s16+$0x3200] =	vst v29  }
0x83: {  	[tilespmem:s16+$0x3000] =	vst v28  }
0x84: {  	[tilespmem:s16+$0x2E00] =	vst v27  }
0x85: {  	[tilespmem:s16+$0x2C00] =	vst v26  }
0x86: {  	[tilespmem:s16+$0x2A00] =	vst v25  }
0x87: {  	[tilespmem:s16+$0x2800] =	vst v24  }
0x88: {  	[tilespmem:s16+$0x2600] =	vst v23  }
0x89: {  	[tilespmem:s16+$0x2400] =	vst v22  }
0x8a: {  	[tilespmem:s16+$0x2200] =	vst v21  }
0x8b: {  	[tilespmem:s16+$0x2000] =	vst v20  }
0x8c: {  	[tilespmem:s16+$0x1E00] =	vst v19  }
0x8d: {  	[tilespmem:s16+$0x1C00] =	vst v18  }
.Ltmp0:
0x8e: {  	[tilespmem:s16+$0x1A00] =	vst v17;
	(pc) =	sbr.rel @p0 .LBB2_2-.Ltmp0, $4  }
0x8f: {  	[tilespmem:s16+$0x1800] =	vst v13  }
0x90: {  	[tilespmem:s16+$0x1600] =	vst v12  }
0x91: {  	[tilespmem:s16+$0x1400] =	vst v11  }
0x92: {  	s18 =	sshra.s32 s17, $0x2;
	s17 =	sadd.s32 $0x40, s17;
	[tilespmem:s16+$0x1200] =	vst v10  }
0x93: {  	v10 =	vld [tilespmem:s18+$0x200];
	[tilespmem:s16+$0x1000] =	vst v7  }
0x94: {  	v7 =	vld [tilespmem:s18+$0x0];
	[tilespmem:s16+$0xE00] =	vst v6  }
0x95: {  	[tilespmem:s16+$0xC00] =	vst v5  }
0x96: {  	[tilespmem:s16+$0xA00] =	vst v4  }
0x97: {  	[tilespmem:s16+$0x800] =	vst v3  }
0x98: {  	[tilespmem:s16+$0x600] =	vst v2;
	vm0 =	vlt.s32 v10, $0xF4200  }
0x99: {  	[tilespmem:s16+$0x400] =	vst v9;
	v2 =	vsel vm0, $0xF4200, v1  }
0x9a: {  	[tilespmem:s16+$0x4400] =	vst v8;
	vm1 =	vlt.s32 v7, $0xF4200;
	v3 =	vsel vm0, $0xF4200, v0;
	v2 =	vadd.s32 v10, v2  }
0x9b: {  	v59 =	vsel vm1, $0xF4200, v1;
	[tilespmem:s18+$0x4600] =	vst v2;
	v2 =	vadd.s32 v3, v2  }
0x9c: {  	v4 =	vadd.s32 v7, v59;
	[tilespmem:s18+$0x4800] =	vst v2  }
0x9d: {  	v60 =	vsel vm1, $0xF4200, v0;
	v2 =	vadd.s32 v3, v2;
	[tilespmem:s18+$0x600] =	vst v4  }
0x9e: {  	v61 =	vadd.s32 v60, v4;
	[tilespmem:s18+$0x4A00] =	vst v2  }
0x9f: {  	v2 =	vadd.s32 v3, v2;
	[tilespmem:s18+$0x800] =	vst v61  }
0xa0: {  	v62 =	vadd.s32 v60, v61;
	[tilespmem:s18+$0x4C00] =	vst v2  }
0xa1: {  	v2 =	vadd.s32 v3, v2;
	[tilespmem:s18+$0xA00] =	vst v62  }
0xa2: {  	v63 =	vadd.s32 v60, v62;
	[tilespmem:s18+$0x4E00] =	vst v2  }
0xa3: {  	v2 =	vadd.s32 v3, v2;
	[tilespmem:s18+$0xC00] =	vst v63  }
0xa4: {  	v11 =	vadd.s32 v60, v63;
	[tilespmem:s18+$0x5000] =	vst v2  }
0xa5: {  	v2 =	vadd.s32 v3, v2;
	[tilespmem:s18+$0xE00] =	vst v11  }
0xa6: {  	v12 =	vadd.s32 v60, v11;
	[tilespmem:s18+$0x5200] =	vst v2  }
0xa7: {  	v2 =	vadd.s32 v3, v2;
	[tilespmem:s18+$0x1000] =	vst v12  }
0xa8: {  	v13 =	vadd.s32 v60, v12;
	[tilespmem:s18+$0x5400] =	vst v2  }
0xa9: {  	v2 =	vadd.s32 v3, v2;
	[tilespmem:s18+$0x1200] =	vst v13  }
0xaa: {  	v14 =	vadd.s32 v60, v13;
	[tilespmem:s18+$0x5600] =	vst v2  }
0xab: {  	v2 =	vadd.s32 v3, v2;
	[tilespmem:s18+$0x1400] =	vst v14  }
0xac: {  	v15 =	vadd.s32 v60, v14;
	[tilespmem:s18+$0x5800] =	vst v2  }
0xad: {  	v2 =	vadd.s32 v3, v2;
	[tilespmem:s18+$0x1600] =	vst v15  }
0xae: {  	v16 =	vadd.s32 v60, v15;
	[tilespmem:s18+$0x5A00] =	vst v2  }
0xaf: {  	v2 =	vadd.s32 v3, v2;
	[tilespmem:s18+$0x1800] =	vst v16  }
0xb0: {  	v17 =	vadd.s32 v60, v16;
	[tilespmem:s18+$0x5C00] =	vst v2  }
0xb1: {  	v2 =	vadd.s32 v3, v2;
	[tilespmem:s18+$0x1A00] =	vst v17  }
0xb2: {  	v18 =	vadd.s32 v60, v17;
	[tilespmem:s18+$0x5E00] =	vst v2  }
0xb3: {  	v2 =	vadd.s32 v3, v2;
	[tilespmem:s18+$0x1C00] =	vst v18  }
0xb4: {  	v19 =	vadd.s32 v60, v18;
	[tilespmem:s18+$0x6000] =	vst v2  }
0xb5: {  	v2 =	vadd.s32 v3, v2;
	[tilespmem:s18+$0x1E00] =	vst v19  }
0xb6: {  	v20 =	vadd.s32 v60, v19;
	[tilespmem:s18+$0x6200] =	vst v2  }
0xb7: {  	v2 =	vadd.s32 v3, v2;
	[tilespmem:s18+$0x2000] =	vst v20  }
0xb8: {  	v21 =	vadd.s32 v60, v20;
	[tilespmem:s18+$0x6400] =	vst v2  }
0xb9: {  	v2 =	vadd.s32 v3, v2;
	[tilespmem:s18+$0x2200] =	vst v21  }
0xba: {  	v22 =	vadd.s32 v60, v21;
	[tilespmem:s18+$0x6600] =	vst v2  }
0xbb: {  	v2 =	vadd.s32 v3, v2;
	[tilespmem:s18+$0x2400] =	vst v22  }
0xbc: {  	v23 =	vadd.s32 v60, v22;
	[tilespmem:s18+$0x6800] =	vst v2  }
0xbd: {  	v2 =	vadd.s32 v3, v2;
	[tilespmem:s18+$0x2600] =	vst v23  }
0xbe: {  	v24 =	vadd.s32 v60, v23;
	[tilespmem:s18+$0x6A00] =	vst v2  }
0xbf: {  	v2 =	vadd.s32 v3, v2;
	[tilespmem:s18+$0x2800] =	vst v24  }
0xc0: {  	v25 =	vadd.s32 v60, v24;
	[tilespmem:s18+$0x6C00] =	vst v2  }
0xc1: {  	v2 =	vadd.s32 v3, v2;
	[tilespmem:s18+$0x2A00] =	vst v25  }
0xc2: {  	v26 =	vadd.s32 v60, v25;
	[tilespmem:s18+$0x6E00] =	vst v2  }
0xc3: {  	v2 =	vadd.s32 v3, v2;
	[tilespmem:s18+$0x2C00] =	vst v26  }
0xc4: {  	v27 =	vadd.s32 v60, v26;
	[tilespmem:s18+$0x7000] =	vst v2  }
0xc5: {  	v2 =	vadd.s32 v3, v2;
	[tilespmem:s18+$0x2E00] =	vst v27  }
0xc6: {  	v28 =	vadd.s32 v60, v27;
	[tilespmem:s18+$0x7200] =	vst v2  }
0xc7: {  	v2 =	vadd.s32 v3, v2;
	[tilespmem:s18+$0x3000] =	vst v28  }
0xc8: {  	v29 =	vadd.s32 v60, v28;
	[tilespmem:s18+$0x7400] =	vst v2  }
0xc9: {  	v2 =	vadd.s32 v3, v2;
	[tilespmem:s18+$0x3200] =	vst v29  }
0xca: {  	v30 =	vadd.s32 v60, v29;
	[tilespmem:s18+$0x7600] =	vst v2  }
0xcb: {  	v2 =	vadd.s32 v3, v2;
	[tilespmem:s18+$0x3400] =	vst v30  }
0xcc: {  	v31 =	vadd.s32 v60, v30;
	[tilespmem:s18+$0x7800] =	vst v2  }
0xcd: {  	v2 =	vadd.s32 v3, v2;
	[tilespmem:s18+$0x3600] =	vst v31  }
0xce: {  	v32 =	vadd.s32 v60, v31;
	[tilespmem:s18+$0x7A00] =	vst v2  }
0xcf: {  	v2 =	vadd.s32 v3, v2;
	[tilespmem:s18+$0x3800] =	vst v32  }
0xd0: {  	v33 =	vadd.s32 v60, v32;
	[tilespmem:s18+$0x7C00] =	vst v2  }
0xd1: {  	v2 =	vadd.s32 v3, v2;
	[tilespmem:s18+$0x3A00] =	vst v33  }
0xd2: {  	v34 =	vadd.s32 v60, v33;
	[tilespmem:s18+$0x7E00] =	vst v2  }
0xd3: {  	v2 =	vadd.s32 v3, v2;
	[tilespmem:s18+$0x3C00] =	vst v34  }
0xd4: {  	v35 =	vadd.s32 v60, v34;
	[tilespmem:s18+$0x8000] =	vst v2  }
0xd5: {  	v2 =	vadd.s32 v3, v2;
	[tilespmem:s18+$0x3E00] =	vst v35  }
0xd6: {  	v3 =	vadd.s32 v60, v35;
	[tilespmem:s18+$0x8200] =	vst v2  }
0xd7: {  	v2 =	vadd.s32 v60, v3;
	[tilespmem:s18+$0x4000] =	vst v3;
	v3 =	vadd.s32 $0x1D8FE00, v10  }
0xd8: {  	[tilespmem:s18+$0x4200] =	vst v2;
	v2 =	vadd.s32 $0x1D8FE00, v7;
	v3 =	vsel vm0, v10, v3  }
0xd9: {  	v2 =	vsel vm1, v7, v2;
	[tilespmem:s18+$0x4400] =	vst v3  }
0xda: {  	s31 =	simm.s32 $0x8400;
	s17 =	simm.s32 $0x400;
	[tilespmem:s18+$0x400] =	vst v2  }
0xdb: {  	[tilespmem:s31], [sflag:$0x1] =	stream.indirect.gather [hbm4b:s3+s11], $0x1, s17, s11, $0xb8;
	[tilespmem:$0x10600] =	vst v63  }
0xdc: {  	s16 =	simm.s32 $0x200;
	s18 =	simm.s32 $0x4400;
	s17 =	simm.s32 $0xC400  }
.LBB2_4:
0xdd: {  	[tilespmem:s17], [sflag:$0x2] =	stream.indirect.gather [hbm4b:s4+s11], $0x1, s18, s11, $0xb8;
	[tilespmem:$0x10600] =	vst v63  }
0xde: {  	s17 =	smov.u32 s16;
	p0 =	sne.s32 s16, $0xFE00  }
.Ltmp1:
0xdf: {  	s16 =	sadd.s32 $0x200, s16;
	(pc) =	sbr.rel @p0 .LBB2_4-.Ltmp1, $4  }
0xe0: {  	s18 =	sshra.s32 s17, $0x2  }
0xe1: {  	s17 =	sadd.s32 $0x8400, s18;
	s19 =	sadd.s32 $0x400, s18  }
0xe2: {  	[tilespmem:s17], [sflag:$0x1] =	stream.indirect.gather [hbm4b:s3+s11], $0x1, s19, s11, $0xb8;
	[tilespmem:$0x10600] =	vst v63  }
0xe3: {  	s17 =	sadd.s32 $0xC400, s18;
	s18 =	sadd.s32 $0x4400, s18  }
0xe4: {  	[tilespmem:s17], [sflag:$0x2] =	stream.indirect.gather [hbm4b:s4+s11], $0x1, s18, s11, $0xb8;
	[tilespmem:$0x10600] =	vst v63  }
0xe5: {  	_ =	swait.ge [sflag:s12], $0x4000  }
0xe6: {  	[sflag:s12] =	ssyncset.done $0x0  }
0xe7: {  	[sflag:s12] =	ssyncadd.s32 $0xFFFFC000  }
0xe8: {  	_ =	swait.ge [sflag:s13], $0x4000  }
0xe9: {  	[sflag:s13] =	ssyncset.done $0x0  }
0xea: {  	s16 =	simm.s32 $0x0;
	[sflag:s13] =	ssyncadd.s32 $0xFFFFC000  }
0xeb: {  	v2 =	vld [tilespmem:s16+$0x8400]  }
0xec: {  	v3 =	vld [tilespmem:s16+$0xC400]  }
0xed: {  	v4 =	vld [tilespmem:s16+$0x8600]  }
0xee: {  	v5 =	vld [tilespmem:s16+$0xC600]  }
0xef: {  	v6 =	vld [tilespmem:s16+$0x8800]  }
0xf0: {  	v7 =	vld [tilespmem:s16+$0xC800]  }
0xf1: {  	v8 =	vld [tilespmem:s16+$0xCA00];
	v2 =	vmul.f32 v3, v2  }
0xf2: {  	v3 =	vld [tilespmem:s16+$0x8A00]  }
0xf3: {  	v9 =	vld [tilespmem:s16+$0xCC00];
	v4 =	vmul.f32 v5, v4;
	v2 =	vadd.f32 $0.0e+00, v2  }
0xf4: {  	v5 =	vld [tilespmem:s16+$0x8C00]  }
0xf5: {  	v2 =	vadd.f32 v4, v2;
	v4 =	vmul.f32 v7, v6;
	v6 =	vld [tilespmem:s16+$0x8E00]  }
0xf6: {  	v7 =	vld [tilespmem:s16+$0xCE00]  }
0xf7: {  	v3 =	vmul.f32 v8, v3;
	v8 =	vld [tilespmem:s16+$0xD000];
	v2 =	vadd.f32 v4, v2  }
0xf8: {  	v4 =	vld [tilespmem:s16+$0x9000]  }
0xf9: {  	v2 =	vadd.f32 v3, v2;
	v3 =	vmul.f32 v9, v5;
	v5 =	vld [tilespmem:s16+$0x9200]  }
0xfa: {  	v9 =	vld [tilespmem:s16+$0xD200]  }
0xfb: {  	v2 =	vadd.f32 v3, v2;
	v3 =	vmul.f32 v7, v6;
	v6 =	vld [tilespmem:s16+$0x9400]  }
0xfc: {  	v7 =	vld [tilespmem:s16+$0xD400]  }
0xfd: {  	v2 =	vadd.f32 v3, v2;
	v3 =	vmul.f32 v8, v4;
	v4 =	vld [tilespmem:s16+$0x9600]  }
0xfe: {  	v8 =	vld [tilespmem:s16+$0xD600]  }
0xff: {  	v2 =	vadd.f32 v3, v2;
	v3 =	vmul.f32 v9, v5;
	v5 =	vld [tilespmem:s16+$0x9800]  }
0x100: {  	v9 =	vld [tilespmem:s16+$0xD800]  }
0x101: {  	v2 =	vadd.f32 v3, v2;
	v3 =	vmul.f32 v7, v6;
	v6 =	vld [tilespmem:s16+$0x9A00]  }
0x102: {  	v7 =	vld [tilespmem:s16+$0xDA00]  }
0x103: {  	v2 =	vadd.f32 v3, v2;
	v3 =	vmul.f32 v8, v4;
	v4 =	vld [tilespmem:s16+$0x9C00]  }
0x104: {  	v8 =	vld [tilespmem:s16+$0xDC00]  }
0x105: {  	v2 =	vadd.f32 v3, v2;
	v3 =	vmul.f32 v9, v5;
	v5 =	vld [tilespmem:s16+$0x9E00]  }
0x106: {  	v9 =	vld [tilespmem:s16+$0xDE00]  }
0x107: {  	v2 =	vadd.f32 v3, v2;
	v3 =	vmul.f32 v7, v6;
	v6 =	vld [tilespmem:s16+$0xA000]  }
0x108: {  	v7 =	vld [tilespmem:s16+$0xE000]  }
0x109: {  	v2 =	vadd.f32 v3, v2;
	v3 =	vmul.f32 v8, v4;
	v4 =	vld [tilespmem:s16+$0xA200]  }
0x10a: {  	v8 =	vld [tilespmem:s16+$0xE200]  }
0x10b: {  	v2 =	vadd.f32 v3, v2;
	v3 =	vmul.f32 v9, v5;
	v5 =	vld [tilespmem:s16+$0xA400]  }
0x10c: {  	v9 =	vld [tilespmem:s16+$0xE400]  }
0x10d: {  	v2 =	vadd.f32 v3, v2;
	v3 =	vmul.f32 v7, v6;
	v6 =	vld [tilespmem:s16+$0xA600]  }
0x10e: {  	v7 =	vld [tilespmem:s16+$0xE600]  }
0x10f: {  	v2 =	vadd.f32 v3, v2;
	v3 =	vmul.f32 v8, v4;
	v4 =	vld [tilespmem:s16+$0xA800]  }
0x110: {  	v8 =	vld [tilespmem:s16+$0xE800]  }
0x111: {  	v2 =	vadd.f32 v3, v2;
	v3 =	vmul.f32 v9, v5;
	v5 =	vld [tilespmem:s16+$0xAA00]  }
0x112: {  	v9 =	vld [tilespmem:s16+$0xEA00]  }
0x113: {  	v2 =	vadd.f32 v3, v2;
	v3 =	vmul.f32 v7, v6;
	v6 =	vld [tilespmem:s16+$0xAC00]  }
0x114: {  	v7 =	vld [tilespmem:s16+$0xEC00]  }
0x115: {  	v2 =	vadd.f32 v3, v2;
	v3 =	vmul.f32 v8, v4;
	v4 =	vld [tilespmem:s16+$0xAE00]  }
0x116: {  	v8 =	vld [tilespmem:s16+$0xEE00]  }
0x117: {  	v2 =	vadd.f32 v3, v2;
	v3 =	vmul.f32 v9, v5;
	v5 =	vld [tilespmem:s16+$0xB000]  }
0x118: {  	v9 =	vld [tilespmem:s16+$0xF000]  }
0x119: {  	v2 =	vadd.f32 v3, v2;
	v3 =	vmul.f32 v7, v6;
	v6 =	vld [tilespmem:s16+$0xB200]  }
0x11a: {  	v7 =	vld [tilespmem:s16+$0xF200]  }
0x11b: {  	v2 =	vadd.f32 v3, v2;
	v3 =	vmul.f32 v8, v4;
	v4 =	vld [tilespmem:s16+$0xB400]  }
0x11c: {  	v8 =	vld [tilespmem:s16+$0xF400]  }
0x11d: {  	v2 =	vadd.f32 v3, v2;
	v3 =	vmul.f32 v9, v5;
	v5 =	vld [tilespmem:s16+$0xB600]  }
0x11e: {  	v9 =	vld [tilespmem:s16+$0xF600]  }
0x11f: {  	v2 =	vadd.f32 v3, v2;
	v3 =	vmul.f32 v7, v6;
	v6 =	vld [tilespmem:s16+$0xB800]  }
0x120: {  	v7 =	vld [tilespmem:s16+$0xF800]  }
0x121: {  	v2 =	vadd.f32 v3, v2;
	v3 =	vmul.f32 v8, v4;
	v4 =	vld [tilespmem:s16+$0xBA00]  }
0x122: {  	v8 =	vld [tilespmem:s16+$0xFA00]  }
0x123: {  	v10 =	vld [tilespmem:s16+$0xFC00];
	v2 =	vadd.f32 v3, v2;
	v3 =	vmul.f32 v9, v5  }
0x124: {  	v9 =	vld [tilespmem:s16+$0xBC00]  }
0x125: {  	v11 =	vld [tilespmem:s16+$0xBE00];
	v2 =	vadd.f32 v3, v2;
	v3 =	vmul.f32 v7, v6  }
0x126: {  	v12 =	vld [tilespmem:s16+$0xFE00]  }
0x127: {  	v5 =	vld [tilespmem:s16+$0x10000];
	v4 =	vmul.f32 v8, v4;
	v3 =	vadd.f32 v3, v2  }
0x128: {  	v2 =	vld [tilespmem:s16+$0xC000]  }
0x129: {  	v6 =	vld [tilespmem:s16+$0x10200];
	v8 =	vmul.f32 v10, v9;
	v7 =	vadd.f32 v4, v3  }
0x12a: {  	s18 =	simm.s32 $0x10;
	v3 =	vld [tilespmem:s16+$0xC200]  }
0x12b: {  	s17 =	simm.s32 $0x80;
	v4 =	vld [tilespmem:s18+$0x8400];
	v7 =	vadd.f32 v8, v7;
	v8 =	vmul.f32 v12, v11  }
.LBB2_6:
0x12c: {  	p0 =	sne.s32 s17, $0x7C0;
	v9 =	vld [tilespmem:s18+$0xC400]  }
0x12d: {  	v10 =	vld [tilespmem:s18+$0x8600];
	v7 =	vadd.f32 v8, v7;
	v2 =	vmul.f32 v5, v2  }
0x12e: {  	v5 =	vld [tilespmem:s18+$0xC600]  }
0x12f: {  	v8 =	vld [tilespmem:s18+$0x8800];
	v2 =	vadd.f32 v2, v7;
	v3 =	vmul.f32 v6, v3  }
0x130: {  	v6 =	vld [tilespmem:s18+$0xC800]  }
0x131: {  	v4 =	vmul.f32 v9, v4;
	v7 =	vld [tilespmem:s18+$0x8A00];
	v2 =	vadd.f32 v3, v2  }
0x132: {  	v3 =	vld [tilespmem:s18+$0xCA00]  }
0x133: {  	v4 =	vadd.f32 $0.0e+00, v4;
	v5 =	vmul.f32 v5, v10;
	v9 =	vld [tilespmem:s18+$0x8C00];
	[tilespmem:s16+$0x10400] =	vst v2;
	s16 =	smov.u32 s18  }
0x134: {  	v2 =	vld [tilespmem:s16+$0xCC00]  }
0x135: {  	v4 =	vadd.f32 v5, v4;
	v5 =	vmul.f32 v6, v8;
	v6 =	vld [tilespmem:s16+$0x8E00]  }
0x136: {  	v8 =	vld [tilespmem:s16+$0xCE00]  }
0x137: {  	v4 =	vadd.f32 v5, v4;
	v3 =	vmul.f32 v3, v7;
	v5 =	vld [tilespmem:s16+$0x9000]  }
0x138: {  	v7 =	vld [tilespmem:s16+$0xD000]  }
0x139: {  	v3 =	vadd.f32 v3, v4;
	v2 =	vmul.f32 v2, v9;
	v4 =	vld [tilespmem:s16+$0x9200]  }
0x13a: {  	v9 =	vld [tilespmem:s16+$0xD200]  }
0x13b: {  	v2 =	vadd.f32 v2, v3;
	v3 =	vmul.f32 v8, v6;
	v6 =	vld [tilespmem:s16+$0x9400]  }
0x13c: {  	v8 =	vld [tilespmem:s16+$0xD400]  }
0x13d: {  	v2 =	vadd.f32 v3, v2;
	v3 =	vmul.f32 v7, v5;
	v5 =	vld [tilespmem:s16+$0x9600]  }
0x13e: {  	v7 =	vld [tilespmem:s16+$0xD600]  }
0x13f: {  	v2 =	vadd.f32 v3, v2;
	v3 =	vmul.f32 v9, v4;
	v4 =	vld [tilespmem:s16+$0x9800]  }
0x140: {  	v9 =	vld [tilespmem:s16+$0xD800]  }
0x141: {  	v2 =	vadd.f32 v3, v2;
	v3 =	vmul.f32 v8, v6;
	v6 =	vld [tilespmem:s16+$0x9A00]  }
0x142: {  	v8 =	vld [tilespmem:s16+$0xDA00]  }
0x143: {  	v2 =	vadd.f32 v3, v2;
	v3 =	vmul.f32 v7, v5;
	v5 =	vld [tilespmem:s16+$0x9C00]  }
0x144: {  	v7 =	vld [tilespmem:s16+$0xDC00]  }
0x145: {  	v2 =	vadd.f32 v3, v2;
	v3 =	vmul.f32 v9, v4;
	v4 =	vld [tilespmem:s16+$0x9E00]  }
0x146: {  	v9 =	vld [tilespmem:s16+$0xDE00]  }
0x147: {  	v2 =	vadd.f32 v3, v2;
	v3 =	vmul.f32 v8, v6;
	v6 =	vld [tilespmem:s16+$0xA000]  }
0x148: {  	v8 =	vld [tilespmem:s16+$0xE000]  }
0x149: {  	v2 =	vadd.f32 v3, v2;
	v3 =	vmul.f32 v7, v5;
	v5 =	vld [tilespmem:s16+$0xA200]  }
0x14a: {  	v7 =	vld [tilespmem:s16+$0xE200]  }
0x14b: {  	v2 =	vadd.f32 v3, v2;
	v3 =	vmul.f32 v9, v4;
	v4 =	vld [tilespmem:s16+$0xA400]  }
0x14c: {  	v9 =	vld [tilespmem:s16+$0xE400]  }
0x14d: {  	v2 =	vadd.f32 v3, v2;
	v3 =	vmul.f32 v8, v6;
	v6 =	vld [tilespmem:s16+$0xA600]  }
0x14e: {  	v8 =	vld [tilespmem:s16+$0xE600]  }
0x14f: {  	v2 =	vadd.f32 v3, v2;
	v3 =	vmul.f32 v7, v5;
	v5 =	vld [tilespmem:s16+$0xA800]  }
0x150: {  	v7 =	vld [tilespmem:s16+$0xE800]  }
0x151: {  	v2 =	vadd.f32 v3, v2;
	v3 =	vmul.f32 v9, v4;
	v4 =	vld [tilespmem:s16+$0xAA00]  }
0x152: {  	v9 =	vld [tilespmem:s16+$0xEA00]  }
0x153: {  	v2 =	vadd.f32 v3, v2;
	v3 =	vmul.f32 v8, v6;
	v6 =	vld [tilespmem:s16+$0xAC00]  }
0x154: {  	v8 =	vld [tilespmem:s16+$0xEC00]  }
0x155: {  	v2 =	vadd.f32 v3, v2;
	v3 =	vmul.f32 v7, v5;
	v5 =	vld [tilespmem:s16+$0xAE00]  }
0x156: {  	v7 =	vld [tilespmem:s16+$0xEE00]  }
0x157: {  	v2 =	vadd.f32 v3, v2;
	v3 =	vmul.f32 v9, v4;
	v4 =	vld [tilespmem:s16+$0xB000]  }
0x158: {  	v9 =	vld [tilespmem:s16+$0xF000]  }
0x159: {  	v2 =	vadd.f32 v3, v2;
	v3 =	vmul.f32 v8, v6;
	v6 =	vld [tilespmem:s16+$0xB200]  }
0x15a: {  	v8 =	vld [tilespmem:s16+$0xF200]  }
0x15b: {  	v2 =	vadd.f32 v3, v2;
	v3 =	vmul.f32 v7, v5;
	v5 =	vld [tilespmem:s16+$0xB400]  }
0x15c: {  	v7 =	vld [tilespmem:s16+$0xF400]  }
0x15d: {  	v2 =	vadd.f32 v3, v2;
	v3 =	vmul.f32 v9, v4;
	v4 =	vld [tilespmem:s16+$0xB600]  }
0x15e: {  	v9 =	vld [tilespmem:s16+$0xF600]  }
0x15f: {  	v2 =	vadd.f32 v3, v2;
	v3 =	vmul.f32 v8, v6;
	v6 =	vld [tilespmem:s16+$0xB800]  }
0x160: {  	v8 =	vld [tilespmem:s16+$0xF800]  }
0x161: {  	v2 =	vadd.f32 v3, v2;
	v3 =	vmul.f32 v7, v5;
	v5 =	vld [tilespmem:s16+$0xBA00]  }
0x162: {  	v7 =	vld [tilespmem:s16+$0xFA00]  }
0x163: {  	v2 =	vadd.f32 v3, v2;
	v3 =	vmul.f32 v9, v4;
	v4 =	vld [tilespmem:s16+$0xBC00]  }
0x164: {  	v9 =	vld [tilespmem:s16+$0xFC00]  }
0x165: {  	v2 =	vadd.f32 v3, v2;
	v3 =	vmul.f32 v8, v6;
	v8 =	vld [tilespmem:s16+$0xBE00]  }
0x166: {  	v10 =	vld [tilespmem:s16+$0xFE00]  }
.Ltmp2:
0x167: {  	v3 =	vadd.f32 v3, v2;
	v6 =	vmul.f32 v7, v5;
	v2 =	vld [tilespmem:s16+$0xC000];
	(pc) =	sbr.rel @p0 .LBB2_6-.Ltmp2, $4  }
0x168: {  	v5 =	vld [tilespmem:s16+$0x10000]  }
0x169: {  	v7 =	vadd.f32 v6, v3;
	v9 =	vmul.f32 v9, v4;
	v3 =	vld [tilespmem:s16+$0xC200]  }
0x16a: {  	s18 =	sshra.s32 s17, $0x2;
	v6 =	vld [tilespmem:s16+$0x10200]  }
0x16b: {  	s17 =	sadd.s32 $0x40, s17;
	v4 =	vld [tilespmem:s18+$0x8400];
	v7 =	vadd.f32 v9, v7;
	v8 =	vmul.f32 v10, v8  }
0x16c: {  	v9 =	vld [tilespmem:s18+$0xC400]  }
0x16d: {  	v10 =	vld [tilespmem:s18+$0x8600];
	v7 =	vadd.f32 v8, v7;
	v2 =	vmul.f32 v5, v2  }
0x16e: {  	v56 =	vld [tilespmem:s18+$0xC600]  }
0x16f: {  	v57 =	vld [tilespmem:s18+$0x8800];
	v2 =	vadd.f32 v2, v7;
	v3 =	vmul.f32 v6, v3  }
0x170: {  	v58 =	vld [tilespmem:s18+$0xC800]  }
0x171: {  	v59 =	vld [tilespmem:s18+$0x8A00];
	v4 =	vmul.f32 v9, v4;
	v2 =	vadd.f32 v3, v2  }
0x172: {  	v3 =	vld [tilespmem:s18+$0xCA00]  }
0x173: {  	v60 =	vld [tilespmem:s18+$0x8C00];
	v5 =	vmul.f32 v56, v10;
	v4 =	vadd.f32 $0.0e+00, v4;
	[tilespmem:s16+$0x10400] =	vst v2  }
0x174: {  	v2 =	vld [tilespmem:s18+$0xCC00]  }
0x175: {  	v61 =	vmul.f32 v58, v57;
	v62 =	vld [tilespmem:s18+$0x8E00];
	v4 =	vadd.f32 v5, v4  }
0x176: {  	v63 =	vld [tilespmem:s18+$0xCE00]  }
0x177: {  	v12 =	vld [tilespmem:s18+$0x9000];
	v3 =	vmul.f32 v3, v59;
	v4 =	vadd.f32 v61, v4  }
0x178: {  	v13 =	vld [tilespmem:s18+$0xD000]  }
0x179: {  	v14 =	vld [tilespmem:s18+$0x9200];
	v3 =	vadd.f32 v3, v4;
	v2 =	vmul.f32 v2, v60  }
0x17a: {  	v15 =	vld [tilespmem:s18+$0xD200]  }
0x17b: {  	v16 =	vld [tilespmem:s18+$0x9400];
	v2 =	vadd.f32 v2, v3;
	v3 =	vmul.f32 v63, v62  }
0x17c: {  	v17 =	vld [tilespmem:s18+$0xD400]  }
0x17d: {  	v18 =	vld [tilespmem:s18+$0x9600];
	v2 =	vadd.f32 v3, v2;
	v3 =	vmul.f32 v13, v12  }
0x17e: {  	v19 =	vld [tilespmem:s18+$0xD600]  }
0x17f: {  	v20 =	vld [tilespmem:s18+$0x9800];
	v2 =	vadd.f32 v3, v2;
	v3 =	vmul.f32 v15, v14  }
0x180: {  	v21 =	vld [tilespmem:s18+$0xD800]  }
0x181: {  	v22 =	vld [tilespmem:s18+$0x9A00];
	v2 =	vadd.f32 v3, v2;
	v3 =	vmul.f32 v17, v16  }
0x182: {  	v23 =	vld [tilespmem:s18+$0xDA00]  }
0x183: {  	v24 =	vld [tilespmem:s18+$0x9C00];
	v2 =	vadd.f32 v3, v2;
	v3 =	vmul.f32 v19, v18  }
0x184: {  	v25 =	vld [tilespmem:s18+$0xDC00]  }
0x185: {  	v26 =	vld [tilespmem:s18+$0x9E00];
	v2 =	vadd.f32 v3, v2;
	v3 =	vmul.f32 v21, v20  }
0x186: {  	v27 =	vld [tilespmem:s18+$0xDE00]  }
0x187: {  	v28 =	vld [tilespmem:s18+$0xA000];
	v2 =	vadd.f32 v3, v2;
	v3 =	vmul.f32 v23, v22  }
0x188: {  	v29 =	vld [tilespmem:s18+$0xE000]  }
0x189: {  	v30 =	vld [tilespmem:s18+$0xA200];
	v2 =	vadd.f32 v3, v2;
	v3 =	vmul.f32 v25, v24  }
0x18a: {  	v31 =	vld [tilespmem:s18+$0xE200]  }
0x18b: {  	v32 =	vld [tilespmem:s18+$0xA400];
	v2 =	vadd.f32 v3, v2;
	v3 =	vmul.f32 v27, v26  }
0x18c: {  	v33 =	vld [tilespmem:s18+$0xE400]  }
0x18d: {  	v34 =	vld [tilespmem:s18+$0xA600];
	v2 =	vadd.f32 v3, v2;
	v3 =	vmul.f32 v29, v28  }
0x18e: {  	v35 =	vld [tilespmem:s18+$0xE600]  }
0x18f: {  	v36 =	vld [tilespmem:s18+$0xA800];
	v2 =	vadd.f32 v3, v2;
	v3 =	vmul.f32 v31, v30  }
0x190: {  	v37 =	vld [tilespmem:s18+$0xE800]  }
0x191: {  	v38 =	vld [tilespmem:s18+$0xAA00];
	v2 =	vadd.f32 v3, v2;
	v3 =	vmul.f32 v33, v32  }
0x192: {  	v39 =	vld [tilespmem:s18+$0xEA00]  }
0x193: {  	v40 =	vld [tilespmem:s18+$0xAC00];
	v2 =	vadd.f32 v3, v2;
	v3 =	vmul.f32 v35, v34  }
0x194: {  	v41 =	vld [tilespmem:s18+$0xEC00]  }
0x195: {  	v42 =	vld [tilespmem:s18+$0xAE00];
	v2 =	vadd.f32 v3, v2;
	v3 =	vmul.f32 v37, v36  }
0x196: {  	v43 =	vld [tilespmem:s18+$0xEE00]  }
0x197: {  	v44 =	vld [tilespmem:s18+$0xB000];
	v2 =	vadd.f32 v3, v2;
	v3 =	vmul.f32 v39, v38  }
0x198: {  	v45 =	vld [tilespmem:s18+$0xF000]  }
0x199: {  	v46 =	vld [tilespmem:s18+$0xB200];
	v2 =	vadd.f32 v3, v2;
	v3 =	vmul.f32 v41, v40  }
0x19a: {  	v47 =	vld [tilespmem:s18+$0xF200]  }
0x19b: {  	v48 =	vld [tilespmem:s18+$0xB400];
	v2 =	vadd.f32 v3, v2;
	v3 =	vmul.f32 v43, v42  }
0x19c: {  	v49 =	vld [tilespmem:s18+$0xF400]  }
0x19d: {  	v50 =	vld [tilespmem:s18+$0xB600];
	v2 =	vadd.f32 v3, v2;
	v3 =	vmul.f32 v45, v44  }
0x19e: {  	v51 =	vld [tilespmem:s18+$0xF600]  }
0x19f: {  	v52 =	vld [tilespmem:s18+$0xB800];
	v2 =	vadd.f32 v3, v2;
	v3 =	vmul.f32 v47, v46  }
0x1a0: {  	v53 =	vld [tilespmem:s18+$0xF800]  }
0x1a1: {  	v54 =	vld [tilespmem:s18+$0xBA00];
	v2 =	vadd.f32 v3, v2;
	v3 =	vmul.f32 v49, v48  }
0x1a2: {  	v55 =	vld [tilespmem:s18+$0xFA00]  }
0x1a3: {  	v56 =	vld [tilespmem:s18+$0xBC00];
	v2 =	vadd.f32 v3, v2;
	v3 =	vmul.f32 v51, v50  }
0x1a4: {  	v57 =	vld [tilespmem:s18+$0xFC00]  }
0x1a5: {  	v58 =	vld [tilespmem:s18+$0xBE00];
	v2 =	vadd.f32 v3, v2;
	v3 =	vmul.f32 v53, v52  }
0x1a6: {  	v59 =	vld [tilespmem:s18+$0xFE00]  }
0x1a7: {  	v61 =	vld [tilespmem:s18+$0x10000];
	v2 =	vadd.f32 v3, v2;
	v3 =	vmul.f32 v55, v54  }
0x1a8: {  	v60 =	vld [tilespmem:s18+$0xC000]  }
0x1a9: {  	v62 =	vld [tilespmem:s18+$0xC200];
	v2 =	vadd.f32 v3, v2;
	v3 =	vmul.f32 v57, v56  }
0x1aa: {  	v63 =	vld [tilespmem:s18+$0x10200]  }
0x1ab: {  	v2 =	vadd.f32 v3, v2;
	v3 =	vmul.f32 v59, v58;
	_ =	sdelay $0x1  }
0x1ac: {  	v2 =	vadd.f32 v3, v2;
	v3 =	vmul.f32 v61, v60;
	_ =	sdelay $0x1  }
0x1ad: {  	v2 =	vadd.f32 v3, v2;
	v3 =	vmul.f32 v63, v62;
	_ =	sdelay $0x1  }
0x1ae: {  	s15 =	sadd.s32 $0x1, s15;
	v2 =	vadd.f32 v3, v2  }
0x1af: {  	p0 =	sne.s32 s15, s8  }
.Ltmp3:
0x1b0: {  	[tilespmem:s18+$0x10400] =	vst v2;
	(pc) =	sbr.rel @p0 .LBB2_1-.Ltmp3, $4  }
0x1b1: {  	[hbm4b:s7+s1] =	stream.linear.scatter [tilespmem:s14], [sflag:$0x3], $0x200, $0x38;
	[tilespmem:$0x10600] =	vst v63  }
0x1b2: {  	_ =	swait.ge [sflag:s9], $0x200  }
0x1b3: {  	[sflag:s9] =	ssyncset.done $0x0  }
0x1b4: {  	[sflag:s9] =	ssyncadd.s32 $0xFFFFFE00  }
0x1b5: {  	_ =	sfence.sel $0x180000  }
0x1b6: {  	[bflag:$0x0] =	sbarrier.arrive $0xFFFF  }
0x1b7: {  	p0 =	sne.s32 s2, $0x0;
	_ =	strace $0x9000004A  }
0x1b8: {  	s0 =	sadd.s32 @!p0 $0x100000, s0;
	[bflag:$0x2] =	sbarrier.arrive $0xFFFF  }
0x1b9: {  	[sflag:s0] =	ssyncadd.tile.s32 @!p0 $0x1;
	_ =	shalt  }
.Lfunc_end2:
_tile_overlayer_lowered:
.L_overlay_start_2:
0x1ba: {  	(tag) =	ssettag $0x2  }
0x1bb: {  	s0 =	rddreg [dreg:$0x0];
	s2 =	stileid.u32  }
0x1bc: {  	s1 =	rddreg [dreg:$0x1];
	p0 =	sne.s32 s2, $0x0  }
0x1bd: {  	s3 =	rddreg [dreg:$0x2];
	[bflag:$0x3] =	sbarrier.arrive $0xFFFF;
	s2 =	simm.s32 @!p0 $0x1C03  }
0x1be: {  	[timem:s3], [sflag:s2] =	dma.local @!p0 [hbm:s0], s1  }
0x1bf: {  	s0 =	simm.s32 @!p0 $0x3  }
0x1c0: {  	_ =	swait.ge @!p0 [sflag:s0], s1  }
0x1c1: {  	s1 =	ssub.s32 @!p0 $0x0, s1;
	[sflag:s0] =	ssyncset.done @!p0 $0x0  }
0x1c2: {  	[sflag:s0] =	ssyncadd.s32 @!p0 s1  }
0x1c3: {  	[bflag:$0x3] =	sbarrier.arrive $0xFFFF  }
0x1c4: {  	_ =	shalt  }

</sc_bundles>
